<compile_context>
chip_gen: v7x
topology: tpu7x:2x2x1
jax: 0.10.2.dev20260603
libtpu: 0.0.44.dev20260713+nightly
codegen_flags: <defaults>
</compile_context>

<pallas_src>
import functools

import jax
import jax.numpy as jnp
from jax import lax
from jax.experimental import pallas as pl
from jax.experimental.pallas import tpu as pltpu
from jax.experimental.pallas import tpu_sc as plsc

_E = 320000
_N = 10000
_D = 128
_GD = 16

_NW = 32
_CSZ = 80
_CH = 125
_SLAB = _CH * _CSZ
_NH = 16
_H = _NH * _SLAB
_N_PAD = 10240
_RPT = _N_PAD // 16


def _mesh():
    return plsc.VectorSubcoreMesh(core_axis_name="c", subcore_axis_name="s",
                                  num_cores=2, num_subcores=16)



def _gather_pair(table_a, table_b, idx_a, idx_b):

    M = 2
    G = (_CH - 1) // M

    @functools.partial(
        pl.kernel,
        out_type=(jax.ShapeDtypeStruct((_H, _D), jnp.float32),
                  jax.ShapeDtypeStruct((_H, _D), jnp.float32)),
        mesh=_mesh(),
        scratch_types=[pltpu.VMEM((_CH, _CSZ), jnp.int32),
                       pltpu.VMEM_SHARED((_N_PAD, _D), jnp.float32)]
                      + [pltpu.VMEM((_CSZ, _D), jnp.float32)] * M
                      + [pltpu.SemaphoreType.DMA] * (2 * M),
    )
    def gk(ta, tb, ia, ib, oa, ob, idx_v, tab_s, *bufs_and_sems):
        rows = bufs_and_sems[:M]
        gsem = bufs_and_sems[M:2 * M]
        wsem = bufs_and_sems[2 * M:]
        c = lax.axis_index("c")
        s = lax.axis_index("s")
        row0 = s * _RPT

        @pl.when(c == 0)
        def _():
            pltpu.sync_copy(ta.at[pl.ds(row0, _RPT)], tab_s.at[pl.ds(row0, _RPT)])

        @pl.when(c == 1)
        def _():
            pltpu.sync_copy(tb.at[pl.ds(row0, _RPT)], tab_s.at[pl.ds(row0, _RPT)])

        plsc.subcore_barrier()

        def run(idx_hbm, out):
            base = s * _SLAB
            pltpu.sync_copy(idx_hbm.at[s], idx_v)
            for b in range(M):
                pltpu.async_copy(tab_s.at[idx_v.at[b]], rows[b], gsem[b])

            def group(g, carry):
                for b in range(M):
                    j = g * M + b
                    pltpu.make_async_copy(tab_s.at[idx_v.at[0]], rows[b],
                                          gsem[b]).wait()
                    pltpu.async_copy(rows[b],
                                     out.at[pl.ds(base + j * _CSZ, _CSZ)],
                                     wsem[b])

                @pl.when(g < G - 1)
                def _():
                    for b in range(M):
                        jn = (g + 1) * M + b
                        pltpu.make_async_copy(
                            rows[b], out.at[pl.ds(0, _CSZ)], wsem[b]).wait()
                        pltpu.async_copy(tab_s.at[idx_v.at[jn]], rows[b],
                                         gsem[b])

                return carry

            lax.fori_loop(0, G, group, 0)
            for b in range(M):
                pltpu.make_async_copy(rows[b], out.at[pl.ds(0, _CSZ)],
                                      wsem[b]).wait()
            j = _CH - 1
            pltpu.async_copy(tab_s.at[idx_v.at[j]], rows[0], gsem[0])
            pltpu.make_async_copy(tab_s.at[idx_v.at[0]], rows[0], gsem[0]).wait()
            pltpu.async_copy(rows[0], out.at[pl.ds(base + j * _CSZ, _CSZ)],
                             wsem[0])
            pltpu.make_async_copy(rows[0], out.at[pl.ds(0, _CSZ)],
                                  wsem[0]).wait()

        @pl.when(c == 0)
        def _():
            run(ia, oa)

        @pl.when(c == 1)
        def _():
            run(ib, ob)

    return gk(table_a, table_b, idx_a, idx_b)


def _scatter_pair(msg_l, idx_r, msg_r, idx_l, zeros):

    M = 2
    G = (_CH - 1) // M

    @functools.partial(
        pl.kernel,
        out_type=(jax.ShapeDtypeStruct((_N_PAD, _D), jnp.float32),
                  jax.ShapeDtypeStruct((_N_PAD, _D), jnp.float32)),
        mesh=_mesh(),
        scratch_types=[pltpu.VMEM((_CH, _CSZ), jnp.int32),
                       pltpu.VMEM_SHARED((_N_PAD, _D), jnp.float32)]
                      + [pltpu.VMEM((_CSZ, _D), jnp.float32)] * M
                      + [pltpu.SemaphoreType.DMA] * (2 * M),
    )
    def sk(ml, ir, mr, il, z, ol, orr, idx_v, acc, *bufs_and_sems):
        rows = bufs_and_sems[:M]
        rsem = bufs_and_sems[M:2 * M]
        ssem = bufs_and_sems[2 * M:]
        c = lax.axis_index("c")
        s = lax.axis_index("s")
        row0 = s * _RPT
        pltpu.sync_copy(z.at[pl.ds(row0, _RPT)], acc.at[pl.ds(row0, _RPT)])
        plsc.subcore_barrier()

        def run(msg, idx_hbm):
            base = s * _SLAB
            pltpu.sync_copy(idx_hbm.at[s], idx_v)
            for b in range(M):
                pltpu.async_copy(msg.at[pl.ds(base + b * _CSZ, _CSZ)],
                                 rows[b], rsem[b])

            def group(g, carry):
                for b in range(M):
                    j = g * M + b
                    pltpu.make_async_copy(msg.at[pl.ds(0, _CSZ)], rows[b],
                                          rsem[b]).wait()
                    pltpu.async_copy(rows[b], acc.at[idx_v.at[j]], ssem[b],
                                     add=True)

                @pl.when(g < G - 1)
                def _():
                    for b in range(M):
                        jn = (g + 1) * M + b
                        pltpu.make_async_copy(
                            rows[b], acc.at[idx_v.at[0]], ssem[b]).wait()
                        pltpu.async_copy(
                            msg.at[pl.ds(base + jn * _CSZ, _CSZ)],
                            rows[b], rsem[b])

                return carry

            lax.fori_loop(0, G, group, 0)
            for b in range(M):
                pltpu.make_async_copy(rows[b], acc.at[idx_v.at[0]],
                                      ssem[b]).wait()
            j = _CH - 1
            pltpu.async_copy(msg.at[pl.ds(base + j * _CSZ, _CSZ)], rows[0],
                             rsem[0])
            pltpu.make_async_copy(msg.at[pl.ds(0, _CSZ)], rows[0],
                                  rsem[0]).wait()
            pltpu.async_copy(rows[0], acc.at[idx_v.at[j]], ssem[0], add=True)
            pltpu.make_async_copy(rows[0], acc.at[idx_v.at[0]],
                                  ssem[0]).wait()

        @pl.when(c == 0)
        def _():
            run(ml, ir)

        @pl.when(c == 1)
        def _():
            run(mr, il)

        plsc.subcore_barrier()

        @pl.when(c == 0)
        def _():
            pltpu.sync_copy(acc.at[pl.ds(row0, _RPT)], ol.at[pl.ds(row0, _RPT)])

        @pl.when(c == 1)
        def _():
            pltpu.sync_copy(acc.at[pl.ds(row0, _RPT)], orr.at[pl.ds(row0, _RPT)])

    return sk(msg_l, idx_r, msg_r, idx_l, zeros)



def _ln_k(x, g, b):
    m = jnp.mean(x, -1, keepdims=True)
    d = x - m
    v = jnp.mean(d * d, -1, keepdims=True)
    return d * lax.rsqrt(v + 1e-5) * g + b


def _side(hb, hn, ex, W):
    (bw, nw, i0b, ig, ibb, i1w, i1b,
     gwb, gwn, gwe, g0b, gg, gbb, g1w, g1b) = [w[...] for w in W]
    h = jnp.dot(hb, bw) + jnp.dot(hn, nw) + i0b
    h = jnp.maximum(_ln_k(h, ig, ibb), 0.0)
    io = jnp.dot(h, i1w) + i1b
    g = (jnp.dot(hb, gwb) + jnp.dot(hn, gwn)
         + lax.dot_general(ex, gwe, (((0,), (0,)), ((), ()))) + g0b)
    g = jnp.maximum(_ln_k(g, gg, gbb), 0.0)
    go = jnp.dot(g, g1w) + g1b
    return io * jax.nn.sigmoid(go)


def _full_spec(w):
    return pl.BlockSpec(w.shape, lambda i, n=len(w.shape): (0,) * n)


def _edge_call(hb, hl, hr, ex, ws, off):
    BE = 3200
    grid = _H // BE

    def body(hb_r, hl_r, hr_r, ex_r, *rest):
        wrefs = rest[:30]
        ml_r, mr_r = rest[30:]
        hb_v = hb_r[...]
        ex_v = ex_r[...]
        ml_r[...] = _side(hb_v, hl_r[...], ex_v, wrefs[:15])
        mr_r[...] = _side(hb_v, hr_r[...], ex_v, wrefs[15:])

    obk = lambda w: pl.BlockSpec((BE, w), lambda i: (i + off, 0))
    blk = lambda w: pl.BlockSpec((BE, w), lambda i: (i, 0))
    ebk = pl.BlockSpec((_GD, BE), lambda i: (0, i + off))
    return pl.pallas_call(
        body,
        grid=(grid,),
        in_specs=[obk(_D), blk(_D), blk(_D), ebk] + [_full_spec(w) for w in ws],
        out_specs=[blk(_D), blk(_D)],
        out_shape=[jax.ShapeDtypeStruct((_H, _D), jnp.float32),
                   jax.ShapeDtypeStruct((_H, _D), jnp.float32)],
    )(hb, hl, hr, ex, *ws)


def _table_call(accs, hn, wml, wnl, bl, wmr, wnr, br):
    def body(al0_r, al1_r, ar0_r, ar1_r, hn_r, wml_r, wnl_r, bl_r,
             wmr_r, wnr_r, br_r, a_r, b_r):
        hn_v = hn_r[...]
        al = al0_r[...] + al1_r[...]
        ar = ar0_r[...] + ar1_r[...]
        a_r[...] = jnp.dot(al, wml_r[...]) + jnp.dot(hn_v, wnl_r[...]) + bl_r[...]
        b_r[...] = jnp.dot(ar, wmr_r[...]) + jnp.dot(hn_v, wnr_r[...]) + br_r[...]

    return pl.pallas_call(
        body,
        out_shape=[jax.ShapeDtypeStruct((_N_PAD, _D), jnp.float32),
                   jax.ShapeDtypeStruct((_N_PAD, _D), jnp.float32)],
    )(*accs, hn, wml, wnl, bl, wmr, wnr, br)


def _final_half(hb, al, br, ws, off, prev):
    BE = 1280
    grid = _H // BE

    def body(hb_r, al_r, br_r, wself, bself,
             og, obb, o1w, o1b, lng, lnb, *rest):
        out_r = rest[-1]
        hb_v = hb_r[...]
        h = al_r[...] + br_r[...] + jnp.dot(hb_v, wself[...]) + bself[...]
        h = jnp.maximum(_ln_k(h, og[...], obb[...]), 0.0)
        h = jnp.dot(h, o1w[...]) + o1b[...]
        out_r[...] = _ln_k(h + hb_v, lng[...], lnb[...])

    obk = pl.BlockSpec((BE, _D), lambda i: (i + off, 0))
    blk = pl.BlockSpec((BE, _D), lambda i: (i, 0))
    in_specs = [obk, blk, blk] + [_full_spec(w) for w in ws]
    args = [hb, al, br] + list(ws)
    kwargs = {}
    if prev is not None:
        in_specs.append(pl.BlockSpec(memory_space=pltpu.MemorySpace.HBM))
        args.append(prev)
        kwargs["input_output_aliases"] = {len(args) - 1: 0}
    return pl.pallas_call(
        body,
        grid=(grid,),
        in_specs=in_specs,
        out_specs=obk,
        out_shape=jax.ShapeDtypeStruct((_E, _D), jnp.float32),
        **kwargs,
    )(*args)



def _side_weights(p):
    it = p["inter"]
    g = p["gate"]
    gw = g["l0"]["w"]
    i0w = it["l0"]["w"]
    r = lambda x: x.reshape(1, -1)
    return [
        p["bond_w"] @ i0w, p["node_w"] @ i0w,
        r(it["l0"]["b"]), r(it["ln0"]["g"]), r(it["ln0"]["b"]),
        it["l1"]["w"], r(it["l1"]["b"]),
        gw[:_D], gw[_D:2 * _D], gw[2 * _D:],
        r(g["l0"]["b"]), r(g["ln0"]["g"]), r(g["ln0"]["b"]),
        g["l1"]["w"], r(g["l1"]["b"]),
    ]


def kernel(h_bond, bond_index, h_node, bond_extra, params):
    left = bond_index[0].astype(jnp.int32)
    right = bond_index[1].astype(jnp.int32)
    idx_l = left.reshape(2, _NH, _CH, _CSZ)
    idx_r = right.reshape(2, _NH, _CH, _CSZ)

    hn_p = jnp.pad(h_node, ((0, _N_PAD - _N), (0, 0)))
    zeros = jnp.zeros((_N_PAD, _D), jnp.float32)

    ws = _side_weights(params["ffn_l"]) + _side_weights(params["ffn_r"])
    hl0, hr0 = _gather_pair(hn_p, hn_p, idx_l[0], idx_r[0])
    hl1, hr1 = _gather_pair(hn_p, hn_p, idx_l[1], idx_r[1])
    ex_t = bond_extra.T
    ml0, mr0 = _edge_call(h_bond, hl0, hr0, ex_t, ws, 0)
    ml1, mr1 = _edge_call(h_bond, hl1, hr1, ex_t, ws, _H // 3200)
    accl0, accr0 = _scatter_pair(ml0, idx_r[0], mr0, idx_l[0], zeros)
    accl1, accr1 = _scatter_pair(ml1, idx_r[1], mr1, idx_l[1], zeros)

    r = lambda x: x.reshape(1, -1)
    fo = params["out"]
    o0w = fo["l0"]["w"]
    A, B = _table_call(
        (accl0, accl1, accr0, accr1), hn_p,
        params["msg_l"]["w"] @ o0w, params["node_l"]["w"] @ o0w,
        r((params["msg_l"]["b"] + params["node_l"]["b"]) @ o0w),
        params["msg_r"]["w"] @ o0w, params["node_r"]["w"] @ o0w,
        r((params["msg_r"]["b"] + params["node_r"]["b"]) @ o0w))

    al0, br0 = _gather_pair(A, B, idx_l[0], idx_r[0])
    al1, br1 = _gather_pair(A, B, idx_l[1], idx_r[1])

    fws = [params["self"]["w"] @ o0w,
           r(params["self"]["b"] @ o0w + fo["l0"]["b"]),
           r(fo["ln0"]["g"]), r(fo["ln0"]["b"]),
           fo["l1"]["w"], r(fo["l1"]["b"]),
           r(params["ln"]["g"]), r(params["ln"]["b"])]
    out0 = _final_half(h_bond, al0, br0, fws, 0, None)
    return _final_half(h_bond, al1, br1, fws, _H // 1280, out0)

# --- scband reference (transcript-rebuilt; emitter-appended) ---
"""Pipeline reference for scband-edge-block-14035953123598 (READ-ONLY COPY).

The authoritative reference and input builder live on the scoring server;
editing this copy changes nothing except your own understanding.
"""

import jax, jax.numpy as jnp
import numpy as np

E = 320000
N = 10000
D = 128
GD = 16
INTER = 256


def _lin(key, i, o):
    return {"w": jax.random.normal(key, (i, o), jnp.float32) * 0.02,
            "b": jnp.zeros((o,), jnp.float32)}


def _ln(o):
    return {"g": jnp.ones((o,), jnp.float32), "b": jnp.zeros((o,), jnp.float32)}


def _mlp(key, i, o, h):
    k1, k2 = jax.random.split(key)
    return {"l0": _lin(k1, i, h), "ln0": _ln(h), "l1": _lin(k2, h, o)}


def _bond_ffn(key, bd, nd, inter, gd):
    ks = jax.random.split(key, 4)
    return {"bond_w": jax.random.normal(ks[0], (bd, inter), jnp.float32) * 0.02,
            "node_w": jax.random.normal(ks[1], (nd, inter), jnp.float32) * 0.02,
            "inter": _mlp(ks[2], inter, bd, inter),
            "gate": _mlp(ks[3], bd + nd + gd, bd, 32)}


def setup_inputs(seed: int = 0):
    key = jax.random.key(seed)
    ks = jax.random.split(key, 12)
    h_bond = jax.random.normal(ks[0], (E, D), jnp.float32)
    bond_index = jax.random.randint(ks[1], (2, E), 0, N)
    h_node = jax.random.normal(ks[2], (N, D), jnp.float32)
    bond_extra = jax.random.normal(ks[3], (E, GD), jnp.float32)
    params = {
        "ffn_l": _bond_ffn(ks[4], D, D, INTER, GD),
        "ffn_r": _bond_ffn(ks[5], D, D, INTER, GD),
        "msg_l": _lin(ks[6], D, D),
        "msg_r": _lin(ks[7], D, D),
        "node_l": _lin(ks[8], D, D),
        "node_r": _lin(ks[9], D, D),
        "self": _lin(ks[10], D, D),
        "ln": _ln(D),
        "out": _mlp(ks[11], D, D, D),
    }
    return {"h_bond": h_bond, "bond_index": bond_index, "h_node": h_node,
            "bond_extra": bond_extra, "params": params}


def _linear(p, x):
    return x @ p["w"] + p["b"]


def _layernorm(p, x):
    m = jnp.mean(x, -1, keepdims=True)
    v = jnp.var(x, -1, keepdims=True)
    return (x - m) / jnp.sqrt(v + 1e-5) * p["g"] + p["b"]


def _mlp_apply(p, x):
    x = _linear(p["l0"], x)
    x = _layernorm(p["ln0"], x)
    x = jax.nn.relu(x)
    return _linear(p["l1"], x)


def _bff(p, bond_in, node_in, extra):
    inter = bond_in @ p["bond_w"] + node_in @ p["node_w"]
    inter = _mlp_apply(p["inter"], inter)
    gate = _mlp_apply(p["gate"], jnp.concatenate([bond_in, node_in, extra], axis=-1))
    return inter * jax.nn.sigmoid(gate)


def reference(h_bond, bond_index, h_node, bond_extra, params):
    n = h_node.shape[0]
    left = bond_index[0]
    right = bond_index[1]
    msg_l = _bff(params["ffn_l"], h_bond, h_node[left], bond_extra)
    msg_l = jax.ops.segment_sum(msg_l, right, num_segments=n)[left]
    msg_r = _bff(params["ffn_r"], h_bond, h_node[right], bond_extra)
    msg_r = jax.ops.segment_sum(msg_r, left, num_segments=n)[right]
    upd = (_linear(params["msg_l"], msg_l)
           + _linear(params["msg_r"], msg_r)
           + _linear(params["node_l"], h_node[left])
           + _linear(params["node_r"], h_node[right])
           + _linear(params["self"], h_bond))
    upd = _mlp_apply(params["out"], upd)
    return _layernorm(params["ln"], upd + h_bond)

if __name__ == "__main__":
    import jax
    _d = setup_inputs()
    print(jax.jit(kernel)(*tuple(_d.values())))

</pallas_src>

<mosaic_0001>
#map = affine_map<(d0, d1) -> (0, 0)>
#map1 = affine_map<(d0, d1) -> (0, 0, 0)>
module attributes {stable_mosaic.version = 14 : i64} {
  func.func @gk(%arg0: i32, %arg1: i32, %arg2: memref<10240x128xf32, #tpu.memory_space<hbm>>, %arg3: memref<10240x128xf32, #tpu.memory_space<hbm>>, %arg4: memref<16x125x80xi32, #tpu.memory_space<hbm>>, %arg5: memref<16x125x80xi32, #tpu.memory_space<hbm>>, %arg6: memref<160000x128xf32, #tpu.memory_space<hbm>>, %arg7: memref<160000x128xf32, #tpu.memory_space<hbm>>, %arg8: memref<125x80xi32, #tpu.memory_space<vmem>>, %arg9: memref<10240x128xf32, #tpu.memory_space<vmem_shared>>, %arg10: memref<80x128xf32, #tpu.memory_space<vmem>>, %arg11: memref<80x128xf32, #tpu.memory_space<vmem>>, %arg12: memref<!tpu.dma_semaphore, #tpu.memory_space<semaphore_mem>>, %arg13: memref<!tpu.dma_semaphore, #tpu.memory_space<semaphore_mem>>, %arg14: memref<!tpu.dma_semaphore, #tpu.memory_space<semaphore_mem>>, %arg15: memref<!tpu.dma_semaphore, #tpu.memory_space<semaphore_mem>>) attributes {dimension_semantics = [#tpu.dimension_semantics<core_parallel>, #tpu.dimension_semantics<subcore_parallel>], iteration_bounds = array<i64: 2, 16>, scalar_prefetch = 0 : i64, scratch_operands = 8 : i64, tpu.core_type = #tpu.core_type<sc_vector_subcore>, window_params = [{transform_indices = #map}, {transform_indices = #map}, {transform_indices = #map1}, {transform_indices = #map1}, {transform_indices = #map}, {transform_indices = #map}]} {
    %mul3A = arith.constant 640 : i32
    %mul3A_0 = arith.muli %arg1, %mul3A : i32
    %eq3A = arith.constant 0 : i32
    %eq3A_1 = arith.cmpi eq, %arg0, %eq3A : i32
    %convert_element_type3A = arith.extui %eq3A_1 : i1 to i32
    %cond3A = arith.constant 0 : i32
    %cond3A_2 = arith.cmpi ne, %convert_element_type3A, %cond3A : i32
    scf.if %cond3A_2 {
      "tpu.region"() ({
        %run_scoped3A = tpu.sem_alloc : memref<!tpu.dma_semaphore, #tpu.memory_space<semaphore_mem>>
        %dma_start3A = arith.constant 0 : i32
        %dma_start3A_18 = tpu.memref_slice %arg9[%mul3A_0, %dma_start3A] : memref<10240x128xf32, #tpu.memory_space<vmem_shared>> -> memref<640x128xf32, #tpu.memory_space<vmem_shared>>
        %dma_start3A_19 = arith.constant 0 : i32
        %dma_start3A_20 = tpu.memref_slice %arg2[%mul3A_0, %dma_start3A_19] : memref<10240x128xf32, #tpu.memory_space<hbm>> -> memref<640x128xf32, #tpu.memory_space<hbm>>
        tpu.enqueue_dma source(%dma_start3A_20 : memref<640x128xf32, #tpu.memory_space<hbm>>) target(%dma_start3A_18 : memref<640x128xf32, #tpu.memory_space<vmem_shared>>) target_semaphore(%run_scoped3A : memref<!tpu.dma_semaphore, #tpu.memory_space<semaphore_mem>>)
        %dma_wait3A = arith.constant 0 : i32
        %dma_wait3A_21 = tpu.memref_slice %arg9[%mul3A_0, %dma_wait3A] : memref<10240x128xf32, #tpu.memory_space<vmem_shared>> -> memref<640x128xf32, #tpu.memory_space<vmem_shared>>
        %dma_wait3A_22 = arith.constant 0 : i32
        %dma_wait3A_23 = tpu.memref_slice %arg2[%mul3A_0, %dma_wait3A_22] : memref<10240x128xf32, #tpu.memory_space<hbm>> -> memref<640x128xf32, #tpu.memory_space<hbm>>
        tpu.wait_dma2 semaphore(%run_scoped3A : memref<!tpu.dma_semaphore, #tpu.memory_space<semaphore_mem>>) src(%dma_wait3A_23 : memref<640x128xf32, #tpu.memory_space<hbm>>) dst(%dma_wait3A_21 : memref<640x128xf32, #tpu.memory_space<vmem_shared>>)
        tpu.yield
      }) : () -> ()
    } else {
    }
    %eq3A_3 = arith.constant 1 : i32
    %eq3A_4 = arith.cmpi eq, %arg0, %eq3A_3 : i32
    %convert_element_type3A_5 = arith.extui %eq3A_4 : i1 to i32
    %cond3A_6 = arith.constant 0 : i32
    %cond3A_7 = arith.cmpi ne, %convert_element_type3A_5, %cond3A_6 : i32
    scf.if %cond3A_7 {
      "tpu.region"() ({
        %run_scoped3A = tpu.sem_alloc : memref<!tpu.dma_semaphore, #tpu.memory_space<semaphore_mem>>
        %dma_start3A = arith.constant 0 : i32
        %dma_start3A_18 = tpu.memref_slice %arg9[%mul3A_0, %dma_start3A] : memref<10240x128xf32, #tpu.memory_space<vmem_shared>> -> memref<640x128xf32, #tpu.memory_space<vmem_shared>>
        %dma_start3A_19 = arith.constant 0 : i32
        %dma_start3A_20 = tpu.memref_slice %arg3[%mul3A_0, %dma_start3A_19] : memref<10240x128xf32, #tpu.memory_space<hbm>> -> memref<640x128xf32, #tpu.memory_space<hbm>>
        tpu.enqueue_dma source(%dma_start3A_20 : memref<640x128xf32, #tpu.memory_space<hbm>>) target(%dma_start3A_18 : memref<640x128xf32, #tpu.memory_space<vmem_shared>>) target_semaphore(%run_scoped3A : memref<!tpu.dma_semaphore, #tpu.memory_space<semaphore_mem>>)
        %dma_wait3A = arith.constant 0 : i32
        %dma_wait3A_21 = tpu.memref_slice %arg9[%mul3A_0, %dma_wait3A] : memref<10240x128xf32, #tpu.memory_space<vmem_shared>> -> memref<640x128xf32, #tpu.memory_space<vmem_shared>>
        %dma_wait3A_22 = arith.constant 0 : i32
        %dma_wait3A_23 = tpu.memref_slice %arg3[%mul3A_0, %dma_wait3A_22] : memref<10240x128xf32, #tpu.memory_space<hbm>> -> memref<640x128xf32, #tpu.memory_space<hbm>>
        tpu.wait_dma2 semaphore(%run_scoped3A : memref<!tpu.dma_semaphore, #tpu.memory_space<semaphore_mem>>) src(%dma_wait3A_23 : memref<640x128xf32, #tpu.memory_space<hbm>>) dst(%dma_wait3A_21 : memref<640x128xf32, #tpu.memory_space<vmem_shared>>)
        tpu.yield
      }) : () -> ()
    } else {
    }
    %barrier3A = arith.constant 0 : index
    tpu.barrier barrier_id(%barrier3A)
    %eq3A_8 = arith.constant 0 : i32
    %eq3A_9 = arith.cmpi eq, %arg0, %eq3A_8 : i32
    %convert_element_type3A_10 = arith.extui %eq3A_9 : i1 to i32
    %cond3A_11 = arith.constant 0 : i32
    %cond3A_12 = arith.cmpi ne, %convert_element_type3A_10, %cond3A_11 : i32
    scf.if %cond3A_12 {
      %mul3A_18 = arith.constant 10000 : i32
      %mul3A_19 = arith.muli %arg1, %mul3A_18 : i32
      "tpu.region"() ({
        %run_scoped3A = tpu.sem_alloc : memref<!tpu.dma_semaphore, #tpu.memory_space<semaphore_mem>>
        %dma_start3A_74 = arith.constant 0 : i32
        %dma_start3A_75 = arith.constant 0 : i32
        %dma_start3A_76 = tpu.memref_slice %arg4[%arg1, %dma_start3A_74, %dma_start3A_75] : memref<16x125x80xi32, #tpu.memory_space<hbm>> -> memref<1x125x80xi32, #tpu.memory_space<hbm>>
        %dma_start3A_77 = tpu.memref_squeeze %dma_start3A_76 : memref<1x125x80xi32, #tpu.memory_space<hbm>> -> memref<125x80xi32, #tpu.memory_space<hbm>>
        %dma_start3A_78 = arith.constant 0 : i32
        %dma_start3A_79 = arith.constant 0 : i32
        %dma_start3A_80 = tpu.memref_slice %arg4[%arg1, %dma_start3A_78, %dma_start3A_79] : memref<16x125x80xi32, #tpu.memory_space<hbm>> -> memref<1x125x80xi32, #tpu.memory_space<hbm>>
        %dma_start3A_81 = tpu.memref_squeeze %dma_start3A_80 : memref<1x125x80xi32, #tpu.memory_space<hbm>> -> memref<125x80xi32, #tpu.memory_space<hbm>>
        tpu.enqueue_dma source(%dma_start3A_81 : memref<125x80xi32, #tpu.memory_space<hbm>>) target(%arg8 : memref<125x80xi32, #tpu.memory_space<vmem>>) target_semaphore(%run_scoped3A : memref<!tpu.dma_semaphore, #tpu.memory_space<semaphore_mem>>)
        %dma_wait3A_82 = arith.constant 0 : i32
        %dma_wait3A_83 = arith.constant 0 : i32
        %dma_wait3A_84 = tpu.memref_slice %arg4[%arg1, %dma_wait3A_82, %dma_wait3A_83] : memref<16x125x80xi32, #tpu.memory_space<hbm>> -> memref<1x125x80xi32, #tpu.memory_space<hbm>>
        %dma_wait3A_85 = tpu.memref_squeeze %dma_wait3A_84 : memref<1x125x80xi32, #tpu.memory_space<hbm>> -> memref<125x80xi32, #tpu.memory_space<hbm>>
        %dma_wait3A_86 = arith.constant 0 : i32
        %dma_wait3A_87 = arith.constant 0 : i32
        %dma_wait3A_88 = tpu.memref_slice %arg4[%arg1, %dma_wait3A_86, %dma_wait3A_87] : memref<16x125x80xi32, #tpu.memory_space<hbm>> -> memref<1x125x80xi32, #tpu.memory_space<hbm>>
        %dma_wait3A_89 = tpu.memref_squeeze %dma_wait3A_88 : memref<1x125x80xi32, #tpu.memory_space<hbm>> -> memref<125x80xi32, #tpu.memory_space<hbm>>
        tpu.wait_dma2 semaphore(%run_scoped3A : memref<!tpu.dma_semaphore, #tpu.memory_space<semaphore_mem>>) src(%dma_wait3A_89 : memref<125x80xi32, #tpu.memory_space<hbm>>) dst(%arg8 : memref<125x80xi32, #tpu.memory_space<vmem>>)
        tpu.yield
      }) : () -> ()
      %dma_start3A = arith.constant 0 : i32
      %dma_start3A_20 = arith.constant 0 : i32
      %dma_start3A_21 = tpu.memref_slice %arg8[%dma_start3A, %dma_start3A_20] : memref<125x80xi32, #tpu.memory_space<vmem>> -> memref<1x80xi32, #tpu.memory_space<vmem>>
      %dma_start3A_22 = tpu.memref_squeeze %dma_start3A_21 : memref<1x80xi32, #tpu.memory_space<vmem>> -> memref<80xi32, #tpu.memory_space<vmem>>
      %dma_start3A_23 = arith.constant 0 : i32
      %dma_start3A_24 = arith.constant 0 : i32
      %dma_start3A_25 = tpu.memref_slice %arg9[%dma_start3A_23, %dma_start3A_24] : memref<10240x128xf32, #tpu.memory_space<vmem_shared>> -> memref<10240x128xf32, #tpu.memory_space<vmem_shared>>
      tpu.enqueue_indirect_dma source(%dma_start3A_25 : memref<10240x128xf32, #tpu.memory_space<vmem_shared>>) target(%arg10 : memref<80x128xf32, #tpu.memory_space<vmem>>) offsets(%dma_start3A_22 : memref<80xi32, #tpu.memory_space<vmem>>) semaphore(%arg12 : memref<!tpu.dma_semaphore, #tpu.memory_space<semaphore_mem>>)
      %dma_start3A_26 = arith.constant 1 : i32
      %dma_start3A_27 = arith.constant 0 : i32
      %dma_start3A_28 = tpu.memref_slice %arg8[%dma_start3A_26, %dma_start3A_27] : memref<125x80xi32, #tpu.memory_space<vmem>> -> memref<1x80xi32, #tpu.memory_space<vmem>>
      %dma_start3A_29 = tpu.memref_squeeze %dma_start3A_28 : memref<1x80xi32, #tpu.memory_space<vmem>> -> memref<80xi32, #tpu.memory_space<vmem>>
      %dma_start3A_30 = arith.constant 0 : i32
      %dma_start3A_31 = arith.constant 0 : i32
      %dma_start3A_32 = tpu.memref_slice %arg9[%dma_start3A_30, %dma_start3A_31] : memref<10240x128xf32, #tpu.memory_space<vmem_shared>> -> memref<10240x128xf32, #tpu.memory_space<vmem_shared>>
      tpu.enqueue_indirect_dma source(%dma_start3A_32 : memref<10240x128xf32, #tpu.memory_space<vmem_shared>>) target(%arg11 : memref<80x128xf32, #tpu.memory_space<vmem>>) offsets(%dma_start3A_29 : memref<80xi32, #tpu.memory_space<vmem>>) semaphore(%arg13 : memref<!tpu.dma_semaphore, #tpu.memory_space<semaphore_mem>>)
      %scan3A = arith.constant 0 : i32
      %scan3A_33 = arith.constant 0 : i32
      %scan3A_34 = arith.constant 62 : i32
      %scan3A_35 = arith.addi %scan3A_33, %scan3A_34 : i32
      %scan3A_36 = arith.constant 1 : i32
      scf.for %scan3A_74 = %scan3A_33 to %scan3A_35 step %scan3A_36  : i32 {
        %mul3A_75 = arith.constant 2 : i32
        %mul3A_76 = arith.muli %scan3A_74, %mul3A_75 : i32
        %add3A_77 = arith.constant 0 : i32
        %add3A_78 = arith.addi %mul3A_76, %add3A_77 : i32
        %dma_wait3A_79 = arith.constant 0 : i32
        %dma_wait3A_80 = arith.constant 0 : i32
        %dma_wait3A_81 = tpu.memref_slice %arg8[%dma_wait3A_79, %dma_wait3A_80] : memref<125x80xi32, #tpu.memory_space<vmem>> -> memref<1x80xi32, #tpu.memory_space<vmem>>
        %dma_wait3A_82 = tpu.memref_squeeze %dma_wait3A_81 : memref<1x80xi32, #tpu.memory_space<vmem>> -> memref<80xi32, #tpu.memory_space<vmem>>
        %dma_wait3A_83 = arith.constant 0 : i32
        %dma_wait3A_84 = arith.constant 0 : i32
        %dma_wait3A_85 = tpu.memref_slice %arg9[%dma_wait3A_83, %dma_wait3A_84] : memref<10240x128xf32, #tpu.memory_space<vmem_shared>> -> memref<10240x128xf32, #tpu.memory_space<vmem_shared>>
        tpu.wait_indirect_dma semaphore(%arg12 : memref<!tpu.dma_semaphore, #tpu.memory_space<semaphore_mem>>) src(%dma_wait3A_85 : memref<10240x128xf32, #tpu.memory_space<vmem_shared>>) dst(%arg10 : memref<80x128xf32, #tpu.memory_space<vmem>>)
        %mul3A_86 = arith.constant 80 : i32
        %mul3A_87 = arith.muli %add3A_78, %mul3A_86 : i32
        %add3A_88 = arith.addi %mul3A_19, %mul3A_87 : i32
        %dma_start3A_89 = arith.constant 0 : i32
        %dma_start3A_90 = tpu.memref_slice %arg6[%add3A_88, %dma_start3A_89] : memref<160000x128xf32, #tpu.memory_space<hbm>> -> memref<80x128xf32, #tpu.memory_space<hbm>>
        %dma_start3A_91 = arith.constant 0 : i32
        %dma_start3A_92 = tpu.memref_slice %arg6[%add3A_88, %dma_start3A_91] : memref<160000x128xf32, #tpu.memory_space<hbm>> -> memref<80x128xf32, #tpu.memory_space<hbm>>
        tpu.enqueue_dma source(%arg10 : memref<80x128xf32, #tpu.memory_space<vmem>>) target(%dma_start3A_92 : memref<80x128xf32, #tpu.memory_space<hbm>>) target_semaphore(%arg14 : memref<!tpu.dma_semaphore, #tpu.memory_space<semaphore_mem>>)
        %mul3A_93 = arith.constant 2 : i32
        %mul3A_94 = arith.muli %scan3A_74, %mul3A_93 : i32
        %add3A_95 = arith.constant 1 : i32
        %add3A_96 = arith.addi %mul3A_94, %add3A_95 : i32
        %dma_wait3A_97 = arith.constant 0 : i32
        %dma_wait3A_98 = arith.constant 0 : i32
        %dma_wait3A_99 = tpu.memref_slice %arg8[%dma_wait3A_97, %dma_wait3A_98] : memref<125x80xi32, #tpu.memory_space<vmem>> -> memref<1x80xi32, #tpu.memory_space<vmem>>
        %dma_wait3A_100 = tpu.memref_squeeze %dma_wait3A_99 : memref<1x80xi32, #tpu.memory_space<vmem>> -> memref<80xi32, #tpu.memory_space<vmem>>
        %dma_wait3A_101 = arith.constant 0 : i32
        %dma_wait3A_102 = arith.constant 0 : i32
        %dma_wait3A_103 = tpu.memref_slice %arg9[%dma_wait3A_101, %dma_wait3A_102] : memref<10240x128xf32, #tpu.memory_space<vmem_shared>> -> memref<10240x128xf32, #tpu.memory_space<vmem_shared>>
        tpu.wait_indirect_dma semaphore(%arg13 : memref<!tpu.dma_semaphore, #tpu.memory_space<semaphore_mem>>) src(%dma_wait3A_103 : memref<10240x128xf32, #tpu.memory_space<vmem_shared>>) dst(%arg11 : memref<80x128xf32, #tpu.memory_space<vmem>>)
        %mul3A_104 = arith.constant 80 : i32
        %mul3A_105 = arith.muli %add3A_96, %mul3A_104 : i32
        %add3A_106 = arith.addi %mul3A_19, %mul3A_105 : i32
        %dma_start3A_107 = arith.constant 0 : i32
        %dma_start3A_108 = tpu.memref_slice %arg6[%add3A_106, %dma_start3A_107] : memref<160000x128xf32, #tpu.memory_space<hbm>> -> memref<80x128xf32, #tpu.memory_space<hbm>>
        %dma_start3A_109 = arith.constant 0 : i32
        %dma_start3A_110 = tpu.memref_slice %arg6[%add3A_106, %dma_start3A_109] : memref<160000x128xf32, #tpu.memory_space<hbm>> -> memref<80x128xf32, #tpu.memory_space<hbm>>
        tpu.enqueue_dma source(%arg11 : memref<80x128xf32, #tpu.memory_space<vmem>>) target(%dma_start3A_110 : memref<80x128xf32, #tpu.memory_space<hbm>>) target_semaphore(%arg15 : memref<!tpu.dma_semaphore, #tpu.memory_space<semaphore_mem>>)
        %lt3A = arith.constant 61 : i32
        %lt3A_111 = arith.cmpi slt, %scan3A_74, %lt3A : i32
        %convert_element_type3A_112 = arith.extui %lt3A_111 : i1 to i32
        %cond3A_113 = arith.constant 0 : i32
        %cond3A_114 = arith.cmpi ne, %convert_element_type3A_112, %cond3A_113 : i32
        scf.if %cond3A_114 {
          %add3A_115 = arith.constant 1 : i32
          %add3A_116 = arith.addi %scan3A_74, %add3A_115 : i32
          %mul3A_117 = arith.constant 2 : i32
          %mul3A_118 = arith.muli %add3A_116, %mul3A_117 : i32
          %add3A_119 = arith.constant 0 : i32
          %add3A_120 = arith.addi %mul3A_118, %add3A_119 : i32
          %dma_wait3A_121 = arith.constant 0 : i32
          %dma_wait3A_122 = arith.constant 0 : i32
          %dma_wait3A_123 = tpu.memref_slice %arg6[%dma_wait3A_121, %dma_wait3A_122] : memref<160000x128xf32, #tpu.memory_space<hbm>> -> memref<80x128xf32, #tpu.memory_space<hbm>>
          %dma_wait3A_124 = arith.constant 0 : i32
          %dma_wait3A_125 = arith.constant 0 : i32
          %dma_wait3A_126 = tpu.memref_slice %arg6[%dma_wait3A_124, %dma_wait3A_125] : memref<160000x128xf32, #tpu.memory_space<hbm>> -> memref<80x128xf32, #tpu.memory_space<hbm>>
          tpu.wait_dma2 semaphore(%arg14 : memref<!tpu.dma_semaphore, #tpu.memory_space<semaphore_mem>>) src(%arg10 : memref<80x128xf32, #tpu.memory_space<vmem>>) dst(%dma_wait3A_126 : memref<80x128xf32, #tpu.memory_space<hbm>>)
          %dma_start3A_127 = arith.constant 0 : i32
          %dma_start3A_128 = tpu.memref_slice %arg8[%add3A_120, %dma_start3A_127] : memref<125x80xi32, #tpu.memory_space<vmem>> -> memref<1x80xi32, #tpu.memory_space<vmem>>
          %dma_start3A_129 = tpu.memref_squeeze %dma_start3A_128 : memref<1x80xi32, #tpu.memory_space<vmem>> -> memref<80xi32, #tpu.memory_space<vmem>>
          %dma_start3A_130 = arith.constant 0 : i32
          %dma_start3A_131 = arith.constant 0 : i32
          %dma_start3A_132 = tpu.memref_slice %arg9[%dma_start3A_130, %dma_start3A_131] : memref<10240x128xf32, #tpu.memory_space<vmem_shared>> -> memref<10240x128xf32, #tpu.memory_space<vmem_shared>>
          tpu.enqueue_indirect_dma source(%dma_start3A_132 : memref<10240x128xf32, #tpu.memory_space<vmem_shared>>) target(%arg10 : memref<80x128xf32, #tpu.memory_space<vmem>>) offsets(%dma_start3A_129 : memref<80xi32, #tpu.memory_space<vmem>>) semaphore(%arg12 : memref<!tpu.dma_semaphore, #tpu.memory_space<semaphore_mem>>)
          %add3A_133 = arith.constant 1 : i32
          %add3A_134 = arith.addi %scan3A_74, %add3A_133 : i32
          %mul3A_135 = arith.constant 2 : i32
          %mul3A_136 = arith.muli %add3A_134, %mul3A_135 : i32
          %add3A_137 = arith.constant 1 : i32
          %add3A_138 = arith.addi %mul3A_136, %add3A_137 : i32
          %dma_wait3A_139 = arith.constant 0 : i32
          %dma_wait3A_140 = arith.constant 0 : i32
          %dma_wait3A_141 = tpu.memref_slice %arg6[%dma_wait3A_139, %dma_wait3A_140] : memref<160000x128xf32, #tpu.memory_space<hbm>> -> memref<80x128xf32, #tpu.memory_space<hbm>>
          %dma_wait3A_142 = arith.constant 0 : i32
          %dma_wait3A_143 = arith.constant 0 : i32
          %dma_wait3A_144 = tpu.memref_slice %arg6[%dma_wait3A_142, %dma_wait3A_143] : memref<160000x128xf32, #tpu.memory_space<hbm>> -> memref<80x128xf32, #tpu.memory_space<hbm>>
          tpu.wait_dma2 semaphore(%arg15 : memref<!tpu.dma_semaphore, #tpu.memory_space<semaphore_mem>>) src(%arg11 : memref<80x128xf32, #tpu.memory_space<vmem>>) dst(%dma_wait3A_144 : memref<80x128xf32, #tpu.memory_space<hbm>>)
          %dma_start3A_145 = arith.constant 0 : i32
          %dma_start3A_146 = tpu.memref_slice %arg8[%add3A_138, %dma_start3A_145] : memref<125x80xi32, #tpu.memory_space<vmem>> -> memref<1x80xi32, #tpu.memory_space<vmem>>
          %dma_start3A_147 = tpu.memref_squeeze %dma_start3A_146 : memref<1x80xi32, #tpu.memory_space<vmem>> -> memref<80xi32, #tpu.memory_space<vmem>>
          %dma_start3A_148 = arith.constant 0 : i32
          %dma_start3A_149 = arith.constant 0 : i32
          %dma_start3A_150 = tpu.memref_slice %arg9[%dma_start3A_148, %dma_start3A_149] : memref<10240x128xf32, #tpu.memory_space<vmem_shared>> -> memref<10240x128xf32, #tpu.memory_space<vmem_shared>>
          tpu.enqueue_indirect_dma source(%dma_start3A_150 : memref<10240x128xf32, #tpu.memory_space<vmem_shared>>) target(%arg11 : memref<80x128xf32, #tpu.memory_space<vmem>>) offsets(%dma_start3A_147 : memref<80xi32, #tpu.memory_space<vmem>>) semaphore(%arg13 : memref<!tpu.dma_semaphore, #tpu.memory_space<semaphore_mem>>)
        } else {
        }
      }
      %scan3A_37 = arith.constant 62 : i32
      %dma_wait3A = arith.constant 0 : i32
      %dma_wait3A_38 = arith.constant 0 : i32
      %dma_wait3A_39 = tpu.memref_slice %arg6[%dma_wait3A, %dma_wait3A_38] : memref<160000x128xf32, #tpu.memory_space<hbm>> -> memref<80x128xf32, #tpu.memory_space<hbm>>
      %dma_wait3A_40 = arith.constant 0 : i32
      %dma_wait3A_41 = arith.constant 0 : i32
      %dma_wait3A_42 = tpu.memref_slice %arg6[%dma_wait3A_40, %dma_wait3A_41] : memref<160000x128xf32, #tpu.memory_space<hbm>> -> memref<80x128xf32, #tpu.memory_space<hbm>>
      tpu.wait_dma2 semaphore(%arg14 : memref<!tpu.dma_semaphore, #tpu.memory_space<semaphore_mem>>) src(%arg10 : memref<80x128xf32, #tpu.memory_space<vmem>>) dst(%dma_wait3A_42 : memref<80x128xf32, #tpu.memory_space<hbm>>)
      %dma_wait3A_43 = arith.constant 0 : i32
      %dma_wait3A_44 = arith.constant 0 : i32
      %dma_wait3A_45 = tpu.memref_slice %arg6[%dma_wait3A_43, %dma_wait3A_44] : memref<160000x128xf32, #tpu.memory_space<hbm>> -> memref<80x128xf32, #tpu.memory_space<hbm>>
      %dma_wait3A_46 = arith.constant 0 : i32
      %dma_wait3A_47 = arith.constant 0 : i32
      %dma_wait3A_48 = tpu.memref_slice %arg6[%dma_wait3A_46, %dma_wait3A_47] : memref<160000x128xf32, #tpu.memory_space<hbm>> -> memref<80x128xf32, #tpu.memory_space<hbm>>
      tpu.wait_dma2 semaphore(%arg15 : memref<!tpu.dma_semaphore, #tpu.memory_space<semaphore_mem>>) src(%arg11 : memref<80x128xf32, #tpu.memory_space<vmem>>) dst(%dma_wait3A_48 : memref<80x128xf32, #tpu.memory_space<hbm>>)
      %dma_start3A_49 = arith.constant 124 : i32
      %dma_start3A_50 = arith.constant 0 : i32
      %dma_start3A_51 = tpu.memref_slice %arg8[%dma_start3A_49, %dma_start3A_50] : memref<125x80xi32, #tpu.memory_space<vmem>> -> memref<1x80xi32, #tpu.memory_space<vmem>>
      %dma_start3A_52 = tpu.memref_squeeze %dma_start3A_51 : memref<1x80xi32, #tpu.memory_space<vmem>> -> memref<80xi32, #tpu.memory_space<vmem>>
      %dma_start3A_53 = arith.constant 0 : i32
      %dma_start3A_54 = arith.constant 0 : i32
      %dma_start3A_55 = tpu.memref_slice %arg9[%dma_start3A_53, %dma_start3A_54] : memref<10240x128xf32, #tpu.memory_space<vmem_shared>> -> memref<10240x128xf32, #tpu.memory_space<vmem_shared>>
      tpu.enqueue_indirect_dma source(%dma_start3A_55 : memref<10240x128xf32, #tpu.memory_space<vmem_shared>>) target(%arg10 : memref<80x128xf32, #tpu.memory_space<vmem>>) offsets(%dma_start3A_52 : memref<80xi32, #tpu.memory_space<vmem>>) semaphore(%arg12 : memref<!tpu.dma_semaphore, #tpu.memory_space<semaphore_mem>>)
      %dma_wait3A_56 = arith.constant 0 : i32
      %dma_wait3A_57 = arith.constant 0 : i32
      %dma_wait3A_58 = tpu.memref_slice %arg8[%dma_wait3A_56, %dma_wait3A_57] : memref<125x80xi32, #tpu.memory_space<vmem>> -> memref<1x80xi32, #tpu.memory_space<vmem>>
      %dma_wait3A_59 = tpu.memref_squeeze %dma_wait3A_58 : memref<1x80xi32, #tpu.memory_space<vmem>> -> memref<80xi32, #tpu.memory_space<vmem>>
      %dma_wait3A_60 = arith.constant 0 : i32
      %dma_wait3A_61 = arith.constant 0 : i32
      %dma_wait3A_62 = tpu.memref_slice %arg9[%dma_wait3A_60, %dma_wait3A_61] : memref<10240x128xf32, #tpu.memory_space<vmem_shared>> -> memref<10240x128xf32, #tpu.memory_space<vmem_shared>>
      tpu.wait_indirect_dma semaphore(%arg12 : memref<!tpu.dma_semaphore, #tpu.memory_space<semaphore_mem>>) src(%dma_wait3A_62 : memref<10240x128xf32, #tpu.memory_space<vmem_shared>>) dst(%arg10 : memref<80x128xf32, #tpu.memory_space<vmem>>)
      %add3A = arith.constant 9920 : i32
      %add3A_63 = arith.addi %mul3A_19, %add3A : i32
      %dma_start3A_64 = arith.constant 0 : i32
      %dma_start3A_65 = tpu.memref_slice %arg6[%add3A_63, %dma_start3A_64] : memref<160000x128xf32, #tpu.memory_space<hbm>> -> memref<80x128xf32, #tpu.memory_space<hbm>>
      %dma_start3A_66 = arith.constant 0 : i32
      %dma_start3A_67 = tpu.memref_slice %arg6[%add3A_63, %dma_start3A_66] : memref<160000x128xf32, #tpu.memory_space<hbm>> -> memref<80x128xf32, #tpu.memory_space<hbm>>
      tpu.enqueue_dma source(%arg10 : memref<80x128xf32, #tpu.memory_space<vmem>>) target(%dma_start3A_67 : memref<80x128xf32, #tpu.memory_space<hbm>>) target_semaphore(%arg14 : memref<!tpu.dma_semaphore, #tpu.memory_space<semaphore_mem>>)
      %dma_wait3A_68 = arith.constant 0 : i32
      %dma_wait3A_69 = arith.constant 0 : i32
      %dma_wait3A_70 = tpu.memref_slice %arg6[%dma_wait3A_68, %dma_wait3A_69] : memref<160000x128xf32, #tpu.memory_space<hbm>> -> memref<80x128xf32, #tpu.memory_space<hbm>>
      %dma_wait3A_71 = arith.constant 0 : i32
      %dma_wait3A_72 = arith.constant 0 : i32
      %dma_wait3A_73 = tpu.memref_slice %arg6[%dma_wait3A_71, %dma_wait3A_72] : memref<160000x128xf32, #tpu.memory_space<hbm>> -> memref<80x128xf32, #tpu.memory_space<hbm>>
      tpu.wait_dma2 semaphore(%arg14 : memref<!tpu.dma_semaphore, #tpu.memory_space<semaphore_mem>>) src(%arg10 : memref<80x128xf32, #tpu.memory_space<vmem>>) dst(%dma_wait3A_73 : memref<80x128xf32, #tpu.memory_space<hbm>>)
    } else {
    }
    %eq3A_13 = arith.constant 1 : i32
    %eq3A_14 = arith.cmpi eq, %arg0, %eq3A_13 : i32
    %convert_element_type3A_15 = arith.extui %eq3A_14 : i1 to i32
    %cond3A_16 = arith.constant 0 : i32
    %cond3A_17 = arith.cmpi ne, %convert_element_type3A_15, %cond3A_16 : i32
    scf.if %cond3A_17 {
      %mul3A_18 = arith.constant 10000 : i32
      %mul3A_19 = arith.muli %arg1, %mul3A_18 : i32
      "tpu.region"() ({
        %run_scoped3A = tpu.sem_alloc : memref<!tpu.dma_semaphore, #tpu.memory_space<semaphore_mem>>
        %dma_start3A_74 = arith.constant 0 : i32
        %dma_start3A_75 = arith.constant 0 : i32
        %dma_start3A_76 = tpu.memref_slice %arg5[%arg1, %dma_start3A_74, %dma_start3A_75] : memref<16x125x80xi32, #tpu.memory_space<hbm>> -> memref<1x125x80xi32, #tpu.memory_space<hbm>>
        %dma_start3A_77 = tpu.memref_squeeze %dma_start3A_76 : memref<1x125x80xi32, #tpu.memory_space<hbm>> -> memref<125x80xi32, #tpu.memory_space<hbm>>
        %dma_start3A_78 = arith.constant 0 : i32
        %dma_start3A_79 = arith.constant 0 : i32
        %dma_start3A_80 = tpu.memref_slice %arg5[%arg1, %dma_start3A_78, %dma_start3A_79] : memref<16x125x80xi32, #tpu.memory_space<hbm>> -> memref<1x125x80xi32, #tpu.memory_space<hbm>>
        %dma_start3A_81 = tpu.memref_squeeze %dma_start3A_80 : memref<1x125x80xi32, #tpu.memory_space<hbm>> -> memref<125x80xi32, #tpu.memory_space<hbm>>
        tpu.enqueue_dma source(%dma_start3A_81 : memref<125x80xi32, #tpu.memory_space<hbm>>) target(%arg8 : memref<125x80xi32, #tpu.memory_space<vmem>>) target_semaphore(%run_scoped3A : memref<!tpu.dma_semaphore, #tpu.memory_space<semaphore_mem>>)
        %dma_wait3A_82 = arith.constant 0 : i32
        %dma_wait3A_83 = arith.constant 0 : i32
        %dma_wait3A_84 = tpu.memref_slice %arg5[%arg1, %dma_wait3A_82, %dma_wait3A_83] : memref<16x125x80xi32, #tpu.memory_space<hbm>> -> memref<1x125x80xi32, #tpu.memory_space<hbm>>
        %dma_wait3A_85 = tpu.memref_squeeze %dma_wait3A_84 : memref<1x125x80xi32, #tpu.memory_space<hbm>> -> memref<125x80xi32, #tpu.memory_space<hbm>>
        %dma_wait3A_86 = arith.constant 0 : i32
        %dma_wait3A_87 = arith.constant 0 : i32
        %dma_wait3A_88 = tpu.memref_slice %arg5[%arg1, %dma_wait3A_86, %dma_wait3A_87] : memref<16x125x80xi32, #tpu.memory_space<hbm>> -> memref<1x125x80xi32, #tpu.memory_space<hbm>>
        %dma_wait3A_89 = tpu.memref_squeeze %dma_wait3A_88 : memref<1x125x80xi32, #tpu.memory_space<hbm>> -> memref<125x80xi32, #tpu.memory_space<hbm>>
        tpu.wait_dma2 semaphore(%run_scoped3A : memref<!tpu.dma_semaphore, #tpu.memory_space<semaphore_mem>>) src(%dma_wait3A_89 : memref<125x80xi32, #tpu.memory_space<hbm>>) dst(%arg8 : memref<125x80xi32, #tpu.memory_space<vmem>>)
        tpu.yield
      }) : () -> ()
      %dma_start3A = arith.constant 0 : i32
      %dma_start3A_20 = arith.constant 0 : i32
      %dma_start3A_21 = tpu.memref_slice %arg8[%dma_start3A, %dma_start3A_20] : memref<125x80xi32, #tpu.memory_space<vmem>> -> memref<1x80xi32, #tpu.memory_space<vmem>>
      %dma_start3A_22 = tpu.memref_squeeze %dma_start3A_21 : memref<1x80xi32, #tpu.memory_space<vmem>> -> memref<80xi32, #tpu.memory_space<vmem>>
      %dma_start3A_23 = arith.constant 0 : i32
      %dma_start3A_24 = arith.constant 0 : i32
      %dma_start3A_25 = tpu.memref_slice %arg9[%dma_start3A_23, %dma_start3A_24] : memref<10240x128xf32, #tpu.memory_space<vmem_shared>> -> memref<10240x128xf32, #tpu.memory_space<vmem_shared>>
      tpu.enqueue_indirect_dma source(%dma_start3A_25 : memref<10240x128xf32, #tpu.memory_space<vmem_shared>>) target(%arg10 : memref<80x128xf32, #tpu.memory_space<vmem>>) offsets(%dma_start3A_22 : memref<80xi32, #tpu.memory_space<vmem>>) semaphore(%arg12 : memref<!tpu.dma_semaphore, #tpu.memory_space<semaphore_mem>>)
      %dma_start3A_26 = arith.constant 1 : i32
      %dma_start3A_27 = arith.constant 0 : i32
      %dma_start3A_28 = tpu.memref_slice %arg8[%dma_start3A_26, %dma_start3A_27] : memref<125x80xi32, #tpu.memory_space<vmem>> -> memref<1x80xi32, #tpu.memory_space<vmem>>
      %dma_start3A_29 = tpu.memref_squeeze %dma_start3A_28 : memref<1x80xi32, #tpu.memory_space<vmem>> -> memref<80xi32, #tpu.memory_space<vmem>>
      %dma_start3A_30 = arith.constant 0 : i32
      %dma_start3A_31 = arith.constant 0 : i32
      %dma_start3A_32 = tpu.memref_slice %arg9[%dma_start3A_30, %dma_start3A_31] : memref<10240x128xf32, #tpu.memory_space<vmem_shared>> -> memref<10240x128xf32, #tpu.memory_space<vmem_shared>>
      tpu.enqueue_indirect_dma source(%dma_start3A_32 : memref<10240x128xf32, #tpu.memory_space<vmem_shared>>) target(%arg11 : memref<80x128xf32, #tpu.memory_space<vmem>>) offsets(%dma_start3A_29 : memref<80xi32, #tpu.memory_space<vmem>>) semaphore(%arg13 : memref<!tpu.dma_semaphore, #tpu.memory_space<semaphore_mem>>)
      %scan3A = arith.constant 0 : i32
      %scan3A_33 = arith.constant 0 : i32
      %scan3A_34 = arith.constant 62 : i32
      %scan3A_35 = arith.addi %scan3A_33, %scan3A_34 : i32
      %scan3A_36 = arith.constant 1 : i32
      scf.for %scan3A_74 = %scan3A_33 to %scan3A_35 step %scan3A_36  : i32 {
        %mul3A_75 = arith.constant 2 : i32
        %mul3A_76 = arith.muli %scan3A_74, %mul3A_75 : i32
        %add3A_77 = arith.constant 0 : i32
        %add3A_78 = arith.addi %mul3A_76, %add3A_77 : i32
        %dma_wait3A_79 = arith.constant 0 : i32
        %dma_wait3A_80 = arith.constant 0 : i32
        %dma_wait3A_81 = tpu.memref_slice %arg8[%dma_wait3A_79, %dma_wait3A_80] : memref<125x80xi32, #tpu.memory_space<vmem>> -> memref<1x80xi32, #tpu.memory_space<vmem>>
        %dma_wait3A_82 = tpu.memref_squeeze %dma_wait3A_81 : memref<1x80xi32, #tpu.memory_space<vmem>> -> memref<80xi32, #tpu.memory_space<vmem>>
        %dma_wait3A_83 = arith.constant 0 : i32
        %dma_wait3A_84 = arith.constant 0 : i32
        %dma_wait3A_85 = tpu.memref_slice %arg9[%dma_wait3A_83, %dma_wait3A_84] : memref<10240x128xf32, #tpu.memory_space<vmem_shared>> -> memref<10240x128xf32, #tpu.memory_space<vmem_shared>>
        tpu.wait_indirect_dma semaphore(%arg12 : memref<!tpu.dma_semaphore, #tpu.memory_space<semaphore_mem>>) src(%dma_wait3A_85 : memref<10240x128xf32, #tpu.memory_space<vmem_shared>>) dst(%arg10 : memref<80x128xf32, #tpu.memory_space<vmem>>)
        %mul3A_86 = arith.constant 80 : i32
        %mul3A_87 = arith.muli %add3A_78, %mul3A_86 : i32
        %add3A_88 = arith.addi %mul3A_19, %mul3A_87 : i32
        %dma_start3A_89 = arith.constant 0 : i32
        %dma_start3A_90 = tpu.memref_slice %arg7[%add3A_88, %dma_start3A_89] : memref<160000x128xf32, #tpu.memory_space<hbm>> -> memref<80x128xf32, #tpu.memory_space<hbm>>
        %dma_start3A_91 = arith.constant 0 : i32
        %dma_start3A_92 = tpu.memref_slice %arg7[%add3A_88, %dma_start3A_91] : memref<160000x128xf32, #tpu.memory_space<hbm>> -> memref<80x128xf32, #tpu.memory_space<hbm>>
        tpu.enqueue_dma source(%arg10 : memref<80x128xf32, #tpu.memory_space<vmem>>) target(%dma_start3A_92 : memref<80x128xf32, #tpu.memory_space<hbm>>) target_semaphore(%arg14 : memref<!tpu.dma_semaphore, #tpu.memory_space<semaphore_mem>>)
        %mul3A_93 = arith.constant 2 : i32
        %mul3A_94 = arith.muli %scan3A_74, %mul3A_93 : i32
        %add3A_95 = arith.constant 1 : i32
        %add3A_96 = arith.addi %mul3A_94, %add3A_95 : i32
        %dma_wait3A_97 = arith.constant 0 : i32
        %dma_wait3A_98 = arith.constant 0 : i32
        %dma_wait3A_99 = tpu.memref_slice %arg8[%dma_wait3A_97, %dma_wait3A_98] : memref<125x80xi32, #tpu.memory_space<vmem>> -> memref<1x80xi32, #tpu.memory_space<vmem>>
        %dma_wait3A_100 = tpu.memref_squeeze %dma_wait3A_99 : memref<1x80xi32, #tpu.memory_space<vmem>> -> memref<80xi32, #tpu.memory_space<vmem>>
        %dma_wait3A_101 = arith.constant 0 : i32
        %dma_wait3A_102 = arith.constant 0 : i32
        %dma_wait3A_103 = tpu.memref_slice %arg9[%dma_wait3A_101, %dma_wait3A_102] : memref<10240x128xf32, #tpu.memory_space<vmem_shared>> -> memref<10240x128xf32, #tpu.memory_space<vmem_shared>>
        tpu.wait_indirect_dma semaphore(%arg13 : memref<!tpu.dma_semaphore, #tpu.memory_space<semaphore_mem>>) src(%dma_wait3A_103 : memref<10240x128xf32, #tpu.memory_space<vmem_shared>>) dst(%arg11 : memref<80x128xf32, #tpu.memory_space<vmem>>)
        %mul3A_104 = arith.constant 80 : i32
        %mul3A_105 = arith.muli %add3A_96, %mul3A_104 : i32
        %add3A_106 = arith.addi %mul3A_19, %mul3A_105 : i32
        %dma_start3A_107 = arith.constant 0 : i32
        %dma_start3A_108 = tpu.memref_slice %arg7[%add3A_106, %dma_start3A_107] : memref<160000x128xf32, #tpu.memory_space<hbm>> -> memref<80x128xf32, #tpu.memory_space<hbm>>
        %dma_start3A_109 = arith.constant 0 : i32
        %dma_start3A_110 = tpu.memref_slice %arg7[%add3A_106, %dma_start3A_109] : memref<160000x128xf32, #tpu.memory_space<hbm>> -> memref<80x128xf32, #tpu.memory_space<hbm>>
        tpu.enqueue_dma source(%arg11 : memref<80x128xf32, #tpu.memory_space<vmem>>) target(%dma_start3A_110 : memref<80x128xf32, #tpu.memory_space<hbm>>) target_semaphore(%arg15 : memref<!tpu.dma_semaphore, #tpu.memory_space<semaphore_mem>>)
        %lt3A = arith.constant 61 : i32
        %lt3A_111 = arith.cmpi slt, %scan3A_74, %lt3A : i32
        %convert_element_type3A_112 = arith.extui %lt3A_111 : i1 to i32
        %cond3A_113 = arith.constant 0 : i32
        %cond3A_114 = arith.cmpi ne, %convert_element_type3A_112, %cond3A_113 : i32
        scf.if %cond3A_114 {
          %add3A_115 = arith.constant 1 : i32
          %add3A_116 = arith.addi %scan3A_74, %add3A_115 : i32
          %mul3A_117 = arith.constant 2 : i32
          %mul3A_118 = arith.muli %add3A_116, %mul3A_117 : i32
          %add3A_119 = arith.constant 0 : i32
          %add3A_120 = arith.addi %mul3A_118, %add3A_119 : i32
          %dma_wait3A_121 = arith.constant 0 : i32
          %dma_wait3A_122 = arith.constant 0 : i32
          %dma_wait3A_123 = tpu.memref_slice %arg7[%dma_wait3A_121, %dma_wait3A_122] : memref<160000x128xf32, #tpu.memory_space<hbm>> -> memref<80x128xf32, #tpu.memory_space<hbm>>
          %dma_wait3A_124 = arith.constant 0 : i32
          %dma_wait3A_125 = arith.constant 0 : i32
          %dma_wait3A_126 = tpu.memref_slice %arg7[%dma_wait3A_124, %dma_wait3A_125] : memref<160000x128xf32, #tpu.memory_space<hbm>> -> memref<80x128xf32, #tpu.memory_space<hbm>>
          tpu.wait_dma2 semaphore(%arg14 : memref<!tpu.dma_semaphore, #tpu.memory_space<semaphore_mem>>) src(%arg10 : memref<80x128xf32, #tpu.memory_space<vmem>>) dst(%dma_wait3A_126 : memref<80x128xf32, #tpu.memory_space<hbm>>)
          %dma_start3A_127 = arith.constant 0 : i32
          %dma_start3A_128 = tpu.memref_slice %arg8[%add3A_120, %dma_start3A_127] : memref<125x80xi32, #tpu.memory_space<vmem>> -> memref<1x80xi32, #tpu.memory_space<vmem>>
          %dma_start3A_129 = tpu.memref_squeeze %dma_start3A_128 : memref<1x80xi32, #tpu.memory_space<vmem>> -> memref<80xi32, #tpu.memory_space<vmem>>
          %dma_start3A_130 = arith.constant 0 : i32
          %dma_start3A_131 = arith.constant 0 : i32
          %dma_start3A_132 = tpu.memref_slice %arg9[%dma_start3A_130, %dma_start3A_131] : memref<10240x128xf32, #tpu.memory_space<vmem_shared>> -> memref<10240x128xf32, #tpu.memory_space<vmem_shared>>
          tpu.enqueue_indirect_dma source(%dma_start3A_132 : memref<10240x128xf32, #tpu.memory_space<vmem_shared>>) target(%arg10 : memref<80x128xf32, #tpu.memory_space<vmem>>) offsets(%dma_start3A_129 : memref<80xi32, #tpu.memory_space<vmem>>) semaphore(%arg12 : memref<!tpu.dma_semaphore, #tpu.memory_space<semaphore_mem>>)
          %add3A_133 = arith.constant 1 : i32
          %add3A_134 = arith.addi %scan3A_74, %add3A_133 : i32
          %mul3A_135 = arith.constant 2 : i32
          %mul3A_136 = arith.muli %add3A_134, %mul3A_135 : i32
          %add3A_137 = arith.constant 1 : i32
          %add3A_138 = arith.addi %mul3A_136, %add3A_137 : i32
          %dma_wait3A_139 = arith.constant 0 : i32
          %dma_wait3A_140 = arith.constant 0 : i32
          %dma_wait3A_141 = tpu.memref_slice %arg7[%dma_wait3A_139, %dma_wait3A_140] : memref<160000x128xf32, #tpu.memory_space<hbm>> -> memref<80x128xf32, #tpu.memory_space<hbm>>
          %dma_wait3A_142 = arith.constant 0 : i32
          %dma_wait3A_143 = arith.constant 0 : i32
          %dma_wait3A_144 = tpu.memref_slice %arg7[%dma_wait3A_142, %dma_wait3A_143] : memref<160000x128xf32, #tpu.memory_space<hbm>> -> memref<80x128xf32, #tpu.memory_space<hbm>>
          tpu.wait_dma2 semaphore(%arg15 : memref<!tpu.dma_semaphore, #tpu.memory_space<semaphore_mem>>) src(%arg11 : memref<80x128xf32, #tpu.memory_space<vmem>>) dst(%dma_wait3A_144 : memref<80x128xf32, #tpu.memory_space<hbm>>)
          %dma_start3A_145 = arith.constant 0 : i32
          %dma_start3A_146 = tpu.memref_slice %arg8[%add3A_138, %dma_start3A_145] : memref<125x80xi32, #tpu.memory_space<vmem>> -> memref<1x80xi32, #tpu.memory_space<vmem>>
          %dma_start3A_147 = tpu.memref_squeeze %dma_start3A_146 : memref<1x80xi32, #tpu.memory_space<vmem>> -> memref<80xi32, #tpu.memory_space<vmem>>
          %dma_start3A_148 = arith.constant 0 : i32
          %dma_start3A_149 = arith.constant 0 : i32
          %dma_start3A_150 = tpu.memref_slice %arg9[%dma_start3A_148, %dma_start3A_149] : memref<10240x128xf32, #tpu.memory_space<vmem_shared>> -> memref<10240x128xf32, #tpu.memory_space<vmem_shared>>
          tpu.enqueue_indirect_dma source(%dma_start3A_150 : memref<10240x128xf32, #tpu.memory_space<vmem_shared>>) target(%arg11 : memref<80x128xf32, #tpu.memory_space<vmem>>) offsets(%dma_start3A_147 : memref<80xi32, #tpu.memory_space<vmem>>) semaphore(%arg13 : memref<!tpu.dma_semaphore, #tpu.memory_space<semaphore_mem>>)
        } else {
        }
      }
      %scan3A_37 = arith.constant 62 : i32
      %dma_wait3A = arith.constant 0 : i32
      %dma_wait3A_38 = arith.constant 0 : i32
      %dma_wait3A_39 = tpu.memref_slice %arg7[%dma_wait3A, %dma_wait3A_38] : memref<160000x128xf32, #tpu.memory_space<hbm>> -> memref<80x128xf32, #tpu.memory_space<hbm>>
      %dma_wait3A_40 = arith.constant 0 : i32
      %dma_wait3A_41 = arith.constant 0 : i32
      %dma_wait3A_42 = tpu.memref_slice %arg7[%dma_wait3A_40, %dma_wait3A_41] : memref<160000x128xf32, #tpu.memory_space<hbm>> -> memref<80x128xf32, #tpu.memory_space<hbm>>
      tpu.wait_dma2 semaphore(%arg14 : memref<!tpu.dma_semaphore, #tpu.memory_space<semaphore_mem>>) src(%arg10 : memref<80x128xf32, #tpu.memory_space<vmem>>) dst(%dma_wait3A_42 : memref<80x128xf32, #tpu.memory_space<hbm>>)
      %dma_wait3A_43 = arith.constant 0 : i32
      %dma_wait3A_44 = arith.constant 0 : i32
      %dma_wait3A_45 = tpu.memref_slice %arg7[%dma_wait3A_43, %dma_wait3A_44] : memref<160000x128xf32, #tpu.memory_space<hbm>> -> memref<80x128xf32, #tpu.memory_space<hbm>>
      %dma_wait3A_46 = arith.constant 0 : i32
      %dma_wait3A_47 = arith.constant 0 : i32
      %dma_wait3A_48 = tpu.memref_slice %arg7[%dma_wait3A_46, %dma_wait3A_47] : memref<160000x128xf32, #tpu.memory_space<hbm>> -> memref<80x128xf32, #tpu.memory_space<hbm>>
      tpu.wait_dma2 semaphore(%arg15 : memref<!tpu.dma_semaphore, #tpu.memory_space<semaphore_mem>>) src(%arg11 : memref<80x128xf32, #tpu.memory_space<vmem>>) dst(%dma_wait3A_48 : memref<80x128xf32, #tpu.memory_space<hbm>>)
      %dma_start3A_49 = arith.constant 124 : i32
      %dma_start3A_50 = arith.constant 0 : i32
      %dma_start3A_51 = tpu.memref_slice %arg8[%dma_start3A_49, %dma_start3A_50] : memref<125x80xi32, #tpu.memory_space<vmem>> -> memref<1x80xi32, #tpu.memory_space<vmem>>
      %dma_start3A_52 = tpu.memref_squeeze %dma_start3A_51 : memref<1x80xi32, #tpu.memory_space<vmem>> -> memref<80xi32, #tpu.memory_space<vmem>>
      %dma_start3A_53 = arith.constant 0 : i32
      %dma_start3A_54 = arith.constant 0 : i32
      %dma_start3A_55 = tpu.memref_slice %arg9[%dma_start3A_53, %dma_start3A_54] : memref<10240x128xf32, #tpu.memory_space<vmem_shared>> -> memref<10240x128xf32, #tpu.memory_space<vmem_shared>>
      tpu.enqueue_indirect_dma source(%dma_start3A_55 : memref<10240x128xf32, #tpu.memory_space<vmem_shared>>) target(%arg10 : memref<80x128xf32, #tpu.memory_space<vmem>>) offsets(%dma_start3A_52 : memref<80xi32, #tpu.memory_space<vmem>>) semaphore(%arg12 : memref<!tpu.dma_semaphore, #tpu.memory_space<semaphore_mem>>)
      %dma_wait3A_56 = arith.constant 0 : i32
      %dma_wait3A_57 = arith.constant 0 : i32
      %dma_wait3A_58 = tpu.memref_slice %arg8[%dma_wait3A_56, %dma_wait3A_57] : memref<125x80xi32, #tpu.memory_space<vmem>> -> memref<1x80xi32, #tpu.memory_space<vmem>>
      %dma_wait3A_59 = tpu.memref_squeeze %dma_wait3A_58 : memref<1x80xi32, #tpu.memory_space<vmem>> -> memref<80xi32, #tpu.memory_space<vmem>>
      %dma_wait3A_60 = arith.constant 0 : i32
      %dma_wait3A_61 = arith.constant 0 : i32
      %dma_wait3A_62 = tpu.memref_slice %arg9[%dma_wait3A_60, %dma_wait3A_61] : memref<10240x128xf32, #tpu.memory_space<vmem_shared>> -> memref<10240x128xf32, #tpu.memory_space<vmem_shared>>
      tpu.wait_indirect_dma semaphore(%arg12 : memref<!tpu.dma_semaphore, #tpu.memory_space<semaphore_mem>>) src(%dma_wait3A_62 : memref<10240x128xf32, #tpu.memory_space<vmem_shared>>) dst(%arg10 : memref<80x128xf32, #tpu.memory_space<vmem>>)
      %add3A = arith.constant 9920 : i32
      %add3A_63 = arith.addi %mul3A_19, %add3A : i32
      %dma_start3A_64 = arith.constant 0 : i32
      %dma_start3A_65 = tpu.memref_slice %arg7[%add3A_63, %dma_start3A_64] : memref<160000x128xf32, #tpu.memory_space<hbm>> -> memref<80x128xf32, #tpu.memory_space<hbm>>
      %dma_start3A_66 = arith.constant 0 : i32
      %dma_start3A_67 = tpu.memref_slice %arg7[%add3A_63, %dma_start3A_66] : memref<160000x128xf32, #tpu.memory_space<hbm>> -> memref<80x128xf32, #tpu.memory_space<hbm>>
      tpu.enqueue_dma source(%arg10 : memref<80x128xf32, #tpu.memory_space<vmem>>) target(%dma_start3A_67 : memref<80x128xf32, #tpu.memory_space<hbm>>) target_semaphore(%arg14 : memref<!tpu.dma_semaphore, #tpu.memory_space<semaphore_mem>>)
      %dma_wait3A_68 = arith.constant 0 : i32
      %dma_wait3A_69 = arith.constant 0 : i32
      %dma_wait3A_70 = tpu.memref_slice %arg7[%dma_wait3A_68, %dma_wait3A_69] : memref<160000x128xf32, #tpu.memory_space<hbm>> -> memref<80x128xf32, #tpu.memory_space<hbm>>
      %dma_wait3A_71 = arith.constant 0 : i32
      %dma_wait3A_72 = arith.constant 0 : i32
      %dma_wait3A_73 = tpu.memref_slice %arg7[%dma_wait3A_71, %dma_wait3A_72] : memref<160000x128xf32, #tpu.memory_space<hbm>> -> memref<80x128xf32, #tpu.memory_space<hbm>>
      tpu.wait_dma2 semaphore(%arg14 : memref<!tpu.dma_semaphore, #tpu.memory_space<semaphore_mem>>) src(%arg10 : memref<80x128xf32, #tpu.memory_space<vmem>>) dst(%dma_wait3A_73 : memref<80x128xf32, #tpu.memory_space<hbm>>)
    } else {
    }
    return
  }
}

#map = affine_map<(d0, d1) -> (0, 0)>
#map1 = affine_map<(d0, d1) -> (0, 0, 0)>
module attributes {stable_mosaic.version = 14 : i64} {
  func.func @sk(%arg0: i32, %arg1: i32, %arg2: memref<160000x128xf32, #tpu.memory_space<hbm>>, %arg3: memref<16x125x80xi32, #tpu.memory_space<hbm>>, %arg4: memref<160000x128xf32, #tpu.memory_space<hbm>>, %arg5: memref<16x125x80xi32, #tpu.memory_space<hbm>>, %arg6: memref<10240x128xf32, #tpu.memory_space<hbm>>, %arg7: memref<10240x128xf32, #tpu.memory_space<hbm>>, %arg8: memref<10240x128xf32, #tpu.memory_space<hbm>>, %arg9: memref<125x80xi32, #tpu.memory_space<vmem>>, %arg10: memref<10240x128xf32, #tpu.memory_space<vmem_shared>>, %arg11: memref<80x128xf32, #tpu.memory_space<vmem>>, %arg12: memref<80x128xf32, #tpu.memory_space<vmem>>, %arg13: memref<!tpu.dma_semaphore, #tpu.memory_space<semaphore_mem>>, %arg14: memref<!tpu.dma_semaphore, #tpu.memory_space<semaphore_mem>>, %arg15: memref<!tpu.dma_semaphore, #tpu.memory_space<semaphore_mem>>, %arg16: memref<!tpu.dma_semaphore, #tpu.memory_space<semaphore_mem>>) attributes {dimension_semantics = [#tpu.dimension_semantics<core_parallel>, #tpu.dimension_semantics<subcore_parallel>], iteration_bounds = array<i64: 2, 16>, scalar_prefetch = 0 : i64, scratch_operands = 8 : i64, tpu.core_type = #tpu.core_type<sc_vector_subcore>, window_params = [{transform_indices = #map}, {transform_indices = #map1}, {transform_indices = #map}, {transform_indices = #map1}, {transform_indices = #map}, {transform_indices = #map}, {transform_indices = #map}]} {
    %mul3A = arith.constant 640 : i32
    %mul3A_0 = arith.muli %arg1, %mul3A : i32
    "tpu.region"() ({
      %run_scoped3A = tpu.sem_alloc : memref<!tpu.dma_semaphore, #tpu.memory_space<semaphore_mem>>
      %dma_start3A = arith.constant 0 : i32
      %dma_start3A_19 = tpu.memref_slice %arg10[%mul3A_0, %dma_start3A] : memref<10240x128xf32, #tpu.memory_space<vmem_shared>> -> memref<640x128xf32, #tpu.memory_space<vmem_shared>>
      %dma_start3A_20 = arith.constant 0 : i32
      %dma_start3A_21 = tpu.memref_slice %arg6[%mul3A_0, %dma_start3A_20] : memref<10240x128xf32, #tpu.memory_space<hbm>> -> memref<640x128xf32, #tpu.memory_space<hbm>>
      tpu.enqueue_dma source(%dma_start3A_21 : memref<640x128xf32, #tpu.memory_space<hbm>>) target(%dma_start3A_19 : memref<640x128xf32, #tpu.memory_space<vmem_shared>>) target_semaphore(%run_scoped3A : memref<!tpu.dma_semaphore, #tpu.memory_space<semaphore_mem>>)
      %dma_wait3A = arith.constant 0 : i32
      %dma_wait3A_22 = tpu.memref_slice %arg10[%mul3A_0, %dma_wait3A] : memref<10240x128xf32, #tpu.memory_space<vmem_shared>> -> memref<640x128xf32, #tpu.memory_space<vmem_shared>>
      %dma_wait3A_23 = arith.constant 0 : i32
      %dma_wait3A_24 = tpu.memref_slice %arg6[%mul3A_0, %dma_wait3A_23] : memref<10240x128xf32, #tpu.memory_space<hbm>> -> memref<640x128xf32, #tpu.memory_space<hbm>>
      tpu.wait_dma2 semaphore(%run_scoped3A : memref<!tpu.dma_semaphore, #tpu.memory_space<semaphore_mem>>) src(%dma_wait3A_24 : memref<640x128xf32, #tpu.memory_space<hbm>>) dst(%dma_wait3A_22 : memref<640x128xf32, #tpu.memory_space<vmem_shared>>)
      tpu.yield
    }) : () -> ()
    %barrier3A = arith.constant 0 : index
    tpu.barrier barrier_id(%barrier3A)
    %eq3A = arith.constant 0 : i32
    %eq3A_1 = arith.cmpi eq, %arg0, %eq3A : i32
    %convert_element_type3A = arith.extui %eq3A_1 : i1 to i32
    %cond3A = arith.constant 0 : i32
    %cond3A_2 = arith.cmpi ne, %convert_element_type3A, %cond3A : i32
    scf.if %cond3A_2 {
      %mul3A_19 = arith.constant 10000 : i32
      %mul3A_20 = arith.muli %arg1, %mul3A_19 : i32
      "tpu.region"() ({
        %run_scoped3A = tpu.sem_alloc : memref<!tpu.dma_semaphore, #tpu.memory_space<semaphore_mem>>
        %dma_start3A_75 = arith.constant 0 : i32
        %dma_start3A_76 = arith.constant 0 : i32
        %dma_start3A_77 = tpu.memref_slice %arg3[%arg1, %dma_start3A_75, %dma_start3A_76] : memref<16x125x80xi32, #tpu.memory_space<hbm>> -> memref<1x125x80xi32, #tpu.memory_space<hbm>>
        %dma_start3A_78 = tpu.memref_squeeze %dma_start3A_77 : memref<1x125x80xi32, #tpu.memory_space<hbm>> -> memref<125x80xi32, #tpu.memory_space<hbm>>
        %dma_start3A_79 = arith.constant 0 : i32
        %dma_start3A_80 = arith.constant 0 : i32
        %dma_start3A_81 = tpu.memref_slice %arg3[%arg1, %dma_start3A_79, %dma_start3A_80] : memref<16x125x80xi32, #tpu.memory_space<hbm>> -> memref<1x125x80xi32, #tpu.memory_space<hbm>>
        %dma_start3A_82 = tpu.memref_squeeze %dma_start3A_81 : memref<1x125x80xi32, #tpu.memory_space<hbm>> -> memref<125x80xi32, #tpu.memory_space<hbm>>
        tpu.enqueue_dma source(%dma_start3A_82 : memref<125x80xi32, #tpu.memory_space<hbm>>) target(%arg9 : memref<125x80xi32, #tpu.memory_space<vmem>>) target_semaphore(%run_scoped3A : memref<!tpu.dma_semaphore, #tpu.memory_space<semaphore_mem>>)
        %dma_wait3A_83 = arith.constant 0 : i32
        %dma_wait3A_84 = arith.constant 0 : i32
        %dma_wait3A_85 = tpu.memref_slice %arg3[%arg1, %dma_wait3A_83, %dma_wait3A_84] : memref<16x125x80xi32, #tpu.memory_space<hbm>> -> memref<1x125x80xi32, #tpu.memory_space<hbm>>
        %dma_wait3A_86 = tpu.memref_squeeze %dma_wait3A_85 : memref<1x125x80xi32, #tpu.memory_space<hbm>> -> memref<125x80xi32, #tpu.memory_space<hbm>>
        %dma_wait3A_87 = arith.constant 0 : i32
        %dma_wait3A_88 = arith.constant 0 : i32
        %dma_wait3A_89 = tpu.memref_slice %arg3[%arg1, %dma_wait3A_87, %dma_wait3A_88] : memref<16x125x80xi32, #tpu.memory_space<hbm>> -> memref<1x125x80xi32, #tpu.memory_space<hbm>>
        %dma_wait3A_90 = tpu.memref_squeeze %dma_wait3A_89 : memref<1x125x80xi32, #tpu.memory_space<hbm>> -> memref<125x80xi32, #tpu.memory_space<hbm>>
        tpu.wait_dma2 semaphore(%run_scoped3A : memref<!tpu.dma_semaphore, #tpu.memory_space<semaphore_mem>>) src(%dma_wait3A_90 : memref<125x80xi32, #tpu.memory_space<hbm>>) dst(%arg9 : memref<125x80xi32, #tpu.memory_space<vmem>>)
        tpu.yield
      }) : () -> ()
      %add3A = arith.constant 0 : i32
      %add3A_21 = arith.addi %mul3A_20, %add3A : i32
      %dma_start3A = arith.constant 0 : i32
      %dma_start3A_22 = tpu.memref_slice %arg2[%add3A_21, %dma_start3A] : memref<160000x128xf32, #tpu.memory_space<hbm>> -> memref<80x128xf32, #tpu.memory_space<hbm>>
      %dma_start3A_23 = arith.constant 0 : i32
      %dma_start3A_24 = tpu.memref_slice %arg2[%add3A_21, %dma_start3A_23] : memref<160000x128xf32, #tpu.memory_space<hbm>> -> memref<80x128xf32, #tpu.memory_space<hbm>>
      tpu.enqueue_dma source(%dma_start3A_24 : memref<80x128xf32, #tpu.memory_space<hbm>>) target(%arg11 : memref<80x128xf32, #tpu.memory_space<vmem>>) target_semaphore(%arg13 : memref<!tpu.dma_semaphore, #tpu.memory_space<semaphore_mem>>)
      %add3A_25 = arith.constant 80 : i32
      %add3A_26 = arith.addi %mul3A_20, %add3A_25 : i32
      %dma_start3A_27 = arith.constant 0 : i32
      %dma_start3A_28 = tpu.memref_slice %arg2[%add3A_26, %dma_start3A_27] : memref<160000x128xf32, #tpu.memory_space<hbm>> -> memref<80x128xf32, #tpu.memory_space<hbm>>
      %dma_start3A_29 = arith.constant 0 : i32
      %dma_start3A_30 = tpu.memref_slice %arg2[%add3A_26, %dma_start3A_29] : memref<160000x128xf32, #tpu.memory_space<hbm>> -> memref<80x128xf32, #tpu.memory_space<hbm>>
      tpu.enqueue_dma source(%dma_start3A_30 : memref<80x128xf32, #tpu.memory_space<hbm>>) target(%arg12 : memref<80x128xf32, #tpu.memory_space<vmem>>) target_semaphore(%arg14 : memref<!tpu.dma_semaphore, #tpu.memory_space<semaphore_mem>>)
      %scan3A = arith.constant 0 : i32
      %scan3A_31 = arith.constant 0 : i32
      %scan3A_32 = arith.constant 62 : i32
      %scan3A_33 = arith.addi %scan3A_31, %scan3A_32 : i32
      %scan3A_34 = arith.constant 1 : i32
      scf.for %scan3A_75 = %scan3A_31 to %scan3A_33 step %scan3A_34  : i32 {
        %mul3A_76 = arith.constant 2 : i32
        %mul3A_77 = arith.muli %scan3A_75, %mul3A_76 : i32
        %add3A_78 = arith.constant 0 : i32
        %add3A_79 = arith.addi %mul3A_77, %add3A_78 : i32
        %dma_wait3A_80 = arith.constant 0 : i32
        %dma_wait3A_81 = arith.constant 0 : i32
        %dma_wait3A_82 = tpu.memref_slice %arg2[%dma_wait3A_80, %dma_wait3A_81] : memref<160000x128xf32, #tpu.memory_space<hbm>> -> memref<80x128xf32, #tpu.memory_space<hbm>>
        %dma_wait3A_83 = arith.constant 0 : i32
        %dma_wait3A_84 = arith.constant 0 : i32
        %dma_wait3A_85 = tpu.memref_slice %arg2[%dma_wait3A_83, %dma_wait3A_84] : memref<160000x128xf32, #tpu.memory_space<hbm>> -> memref<80x128xf32, #tpu.memory_space<hbm>>
        tpu.wait_dma2 semaphore(%arg13 : memref<!tpu.dma_semaphore, #tpu.memory_space<semaphore_mem>>) src(%dma_wait3A_85 : memref<80x128xf32, #tpu.memory_space<hbm>>) dst(%arg11 : memref<80x128xf32, #tpu.memory_space<vmem>>)
        %dma_start3A_86 = arith.constant 0 : i32
        %dma_start3A_87 = tpu.memref_slice %arg9[%add3A_79, %dma_start3A_86] : memref<125x80xi32, #tpu.memory_space<vmem>> -> memref<1x80xi32, #tpu.memory_space<vmem>>
        %dma_start3A_88 = tpu.memref_squeeze %dma_start3A_87 : memref<1x80xi32, #tpu.memory_space<vmem>> -> memref<80xi32, #tpu.memory_space<vmem>>
        %dma_start3A_89 = arith.constant 0 : i32
        %dma_start3A_90 = arith.constant 0 : i32
        %dma_start3A_91 = tpu.memref_slice %arg10[%dma_start3A_89, %dma_start3A_90] : memref<10240x128xf32, #tpu.memory_space<vmem_shared>> -> memref<10240x128xf32, #tpu.memory_space<vmem_shared>>
        tpu.enqueue_indirect_dma source(%arg11 : memref<80x128xf32, #tpu.memory_space<vmem>>) target(%dma_start3A_91 : memref<10240x128xf32, #tpu.memory_space<vmem_shared>>) offsets(%dma_start3A_88 : memref<80xi32, #tpu.memory_space<vmem>>) semaphore(%arg15 : memref<!tpu.dma_semaphore, #tpu.memory_space<semaphore_mem>>) {add = true}
        %mul3A_92 = arith.constant 2 : i32
        %mul3A_93 = arith.muli %scan3A_75, %mul3A_92 : i32
        %add3A_94 = arith.constant 1 : i32
        %add3A_95 = arith.addi %mul3A_93, %add3A_94 : i32
        %dma_wait3A_96 = arith.constant 0 : i32
        %dma_wait3A_97 = arith.constant 0 : i32
        %dma_wait3A_98 = tpu.memref_slice %arg2[%dma_wait3A_96, %dma_wait3A_97] : memref<160000x128xf32, #tpu.memory_space<hbm>> -> memref<80x128xf32, #tpu.memory_space<hbm>>
        %dma_wait3A_99 = arith.constant 0 : i32
        %dma_wait3A_100 = arith.constant 0 : i32
        %dma_wait3A_101 = tpu.memref_slice %arg2[%dma_wait3A_99, %dma_wait3A_100] : memref<160000x128xf32, #tpu.memory_space<hbm>> -> memref<80x128xf32, #tpu.memory_space<hbm>>
        tpu.wait_dma2 semaphore(%arg14 : memref<!tpu.dma_semaphore, #tpu.memory_space<semaphore_mem>>) src(%dma_wait3A_101 : memref<80x128xf32, #tpu.memory_space<hbm>>) dst(%arg12 : memref<80x128xf32, #tpu.memory_space<vmem>>)
        %dma_start3A_102 = arith.constant 0 : i32
        %dma_start3A_103 = tpu.memref_slice %arg9[%add3A_95, %dma_start3A_102] : memref<125x80xi32, #tpu.memory_space<vmem>> -> memref<1x80xi32, #tpu.memory_space<vmem>>
        %dma_start3A_104 = tpu.memref_squeeze %dma_start3A_103 : memref<1x80xi32, #tpu.memory_space<vmem>> -> memref<80xi32, #tpu.memory_space<vmem>>
        %dma_start3A_105 = arith.constant 0 : i32
        %dma_start3A_106 = arith.constant 0 : i32
        %dma_start3A_107 = tpu.memref_slice %arg10[%dma_start3A_105, %dma_start3A_106] : memref<10240x128xf32, #tpu.memory_space<vmem_shared>> -> memref<10240x128xf32, #tpu.memory_space<vmem_shared>>
        tpu.enqueue_indirect_dma source(%arg12 : memref<80x128xf32, #tpu.memory_space<vmem>>) target(%dma_start3A_107 : memref<10240x128xf32, #tpu.memory_space<vmem_shared>>) offsets(%dma_start3A_104 : memref<80xi32, #tpu.memory_space<vmem>>) semaphore(%arg16 : memref<!tpu.dma_semaphore, #tpu.memory_space<semaphore_mem>>) {add = true}
        %lt3A = arith.constant 61 : i32
        %lt3A_108 = arith.cmpi slt, %scan3A_75, %lt3A : i32
        %convert_element_type3A_109 = arith.extui %lt3A_108 : i1 to i32
        %cond3A_110 = arith.constant 0 : i32
        %cond3A_111 = arith.cmpi ne, %convert_element_type3A_109, %cond3A_110 : i32
        scf.if %cond3A_111 {
          %add3A_112 = arith.constant 1 : i32
          %add3A_113 = arith.addi %scan3A_75, %add3A_112 : i32
          %mul3A_114 = arith.constant 2 : i32
          %mul3A_115 = arith.muli %add3A_113, %mul3A_114 : i32
          %add3A_116 = arith.constant 0 : i32
          %add3A_117 = arith.addi %mul3A_115, %add3A_116 : i32
          %dma_wait3A_118 = arith.constant 0 : i32
          %dma_wait3A_119 = arith.constant 0 : i32
          %dma_wait3A_120 = tpu.memref_slice %arg9[%dma_wait3A_118, %dma_wait3A_119] : memref<125x80xi32, #tpu.memory_space<vmem>> -> memref<1x80xi32, #tpu.memory_space<vmem>>
          %dma_wait3A_121 = tpu.memref_squeeze %dma_wait3A_120 : memref<1x80xi32, #tpu.memory_space<vmem>> -> memref<80xi32, #tpu.memory_space<vmem>>
          %dma_wait3A_122 = arith.constant 0 : i32
          %dma_wait3A_123 = arith.constant 0 : i32
          %dma_wait3A_124 = tpu.memref_slice %arg10[%dma_wait3A_122, %dma_wait3A_123] : memref<10240x128xf32, #tpu.memory_space<vmem_shared>> -> memref<10240x128xf32, #tpu.memory_space<vmem_shared>>
          tpu.wait_indirect_dma semaphore(%arg15 : memref<!tpu.dma_semaphore, #tpu.memory_space<semaphore_mem>>) src(%arg11 : memref<80x128xf32, #tpu.memory_space<vmem>>) dst(%dma_wait3A_124 : memref<10240x128xf32, #tpu.memory_space<vmem_shared>>)
          %mul3A_125 = arith.constant 80 : i32
          %mul3A_126 = arith.muli %add3A_117, %mul3A_125 : i32
          %add3A_127 = arith.addi %mul3A_20, %mul3A_126 : i32
          %dma_start3A_128 = arith.constant 0 : i32
          %dma_start3A_129 = tpu.memref_slice %arg2[%add3A_127, %dma_start3A_128] : memref<160000x128xf32, #tpu.memory_space<hbm>> -> memref<80x128xf32, #tpu.memory_space<hbm>>
          %dma_start3A_130 = arith.constant 0 : i32
          %dma_start3A_131 = tpu.memref_slice %arg2[%add3A_127, %dma_start3A_130] : memref<160000x128xf32, #tpu.memory_space<hbm>> -> memref<80x128xf32, #tpu.memory_space<hbm>>
          tpu.enqueue_dma source(%dma_start3A_131 : memref<80x128xf32, #tpu.memory_space<hbm>>) target(%arg11 : memref<80x128xf32, #tpu.memory_space<vmem>>) target_semaphore(%arg13 : memref<!tpu.dma_semaphore, #tpu.memory_space<semaphore_mem>>)
          %add3A_132 = arith.constant 1 : i32
          %add3A_133 = arith.addi %scan3A_75, %add3A_132 : i32
          %mul3A_134 = arith.constant 2 : i32
          %mul3A_135 = arith.muli %add3A_133, %mul3A_134 : i32
          %add3A_136 = arith.constant 1 : i32
          %add3A_137 = arith.addi %mul3A_135, %add3A_136 : i32
          %dma_wait3A_138 = arith.constant 0 : i32
          %dma_wait3A_139 = arith.constant 0 : i32
          %dma_wait3A_140 = tpu.memref_slice %arg9[%dma_wait3A_138, %dma_wait3A_139] : memref<125x80xi32, #tpu.memory_space<vmem>> -> memref<1x80xi32, #tpu.memory_space<vmem>>
          %dma_wait3A_141 = tpu.memref_squeeze %dma_wait3A_140 : memref<1x80xi32, #tpu.memory_space<vmem>> -> memref<80xi32, #tpu.memory_space<vmem>>
          %dma_wait3A_142 = arith.constant 0 : i32
          %dma_wait3A_143 = arith.constant 0 : i32
          %dma_wait3A_144 = tpu.memref_slice %arg10[%dma_wait3A_142, %dma_wait3A_143] : memref<10240x128xf32, #tpu.memory_space<vmem_shared>> -> memref<10240x128xf32, #tpu.memory_space<vmem_shared>>
          tpu.wait_indirect_dma semaphore(%arg16 : memref<!tpu.dma_semaphore, #tpu.memory_space<semaphore_mem>>) src(%arg12 : memref<80x128xf32, #tpu.memory_space<vmem>>) dst(%dma_wait3A_144 : memref<10240x128xf32, #tpu.memory_space<vmem_shared>>)
          %mul3A_145 = arith.constant 80 : i32
          %mul3A_146 = arith.muli %add3A_137, %mul3A_145 : i32
          %add3A_147 = arith.addi %mul3A_20, %mul3A_146 : i32
          %dma_start3A_148 = arith.constant 0 : i32
          %dma_start3A_149 = tpu.memref_slice %arg2[%add3A_147, %dma_start3A_148] : memref<160000x128xf32, #tpu.memory_space<hbm>> -> memref<80x128xf32, #tpu.memory_space<hbm>>
          %dma_start3A_150 = arith.constant 0 : i32
          %dma_start3A_151 = tpu.memref_slice %arg2[%add3A_147, %dma_start3A_150] : memref<160000x128xf32, #tpu.memory_space<hbm>> -> memref<80x128xf32, #tpu.memory_space<hbm>>
          tpu.enqueue_dma source(%dma_start3A_151 : memref<80x128xf32, #tpu.memory_space<hbm>>) target(%arg12 : memref<80x128xf32, #tpu.memory_space<vmem>>) target_semaphore(%arg14 : memref<!tpu.dma_semaphore, #tpu.memory_space<semaphore_mem>>)
        } else {
        }
      }
      %scan3A_35 = arith.constant 62 : i32
      %dma_wait3A = arith.constant 0 : i32
      %dma_wait3A_36 = arith.constant 0 : i32
      %dma_wait3A_37 = tpu.memref_slice %arg9[%dma_wait3A, %dma_wait3A_36] : memref<125x80xi32, #tpu.memory_space<vmem>> -> memref<1x80xi32, #tpu.memory_space<vmem>>
      %dma_wait3A_38 = tpu.memref_squeeze %dma_wait3A_37 : memref<1x80xi32, #tpu.memory_space<vmem>> -> memref<80xi32, #tpu.memory_space<vmem>>
      %dma_wait3A_39 = arith.constant 0 : i32
      %dma_wait3A_40 = arith.constant 0 : i32
      %dma_wait3A_41 = tpu.memref_slice %arg10[%dma_wait3A_39, %dma_wait3A_40] : memref<10240x128xf32, #tpu.memory_space<vmem_shared>> -> memref<10240x128xf32, #tpu.memory_space<vmem_shared>>
      tpu.wait_indirect_dma semaphore(%arg15 : memref<!tpu.dma_semaphore, #tpu.memory_space<semaphore_mem>>) src(%arg11 : memref<80x128xf32, #tpu.memory_space<vmem>>) dst(%dma_wait3A_41 : memref<10240x128xf32, #tpu.memory_space<vmem_shared>>)
      %dma_wait3A_42 = arith.constant 0 : i32
      %dma_wait3A_43 = arith.constant 0 : i32
      %dma_wait3A_44 = tpu.memref_slice %arg9[%dma_wait3A_42, %dma_wait3A_43] : memref<125x80xi32, #tpu.memory_space<vmem>> -> memref<1x80xi32, #tpu.memory_space<vmem>>
      %dma_wait3A_45 = tpu.memref_squeeze %dma_wait3A_44 : memref<1x80xi32, #tpu.memory_space<vmem>> -> memref<80xi32, #tpu.memory_space<vmem>>
      %dma_wait3A_46 = arith.constant 0 : i32
      %dma_wait3A_47 = arith.constant 0 : i32
      %dma_wait3A_48 = tpu.memref_slice %arg10[%dma_wait3A_46, %dma_wait3A_47] : memref<10240x128xf32, #tpu.memory_space<vmem_shared>> -> memref<10240x128xf32, #tpu.memory_space<vmem_shared>>
      tpu.wait_indirect_dma semaphore(%arg16 : memref<!tpu.dma_semaphore, #tpu.memory_space<semaphore_mem>>) src(%arg12 : memref<80x128xf32, #tpu.memory_space<vmem>>) dst(%dma_wait3A_48 : memref<10240x128xf32, #tpu.memory_space<vmem_shared>>)
      %add3A_49 = arith.constant 9920 : i32
      %add3A_50 = arith.addi %mul3A_20, %add3A_49 : i32
      %dma_start3A_51 = arith.constant 0 : i32
      %dma_start3A_52 = tpu.memref_slice %arg2[%add3A_50, %dma_start3A_51] : memref<160000x128xf32, #tpu.memory_space<hbm>> -> memref<80x128xf32, #tpu.memory_space<hbm>>
      %dma_start3A_53 = arith.constant 0 : i32
      %dma_start3A_54 = tpu.memref_slice %arg2[%add3A_50, %dma_start3A_53] : memref<160000x128xf32, #tpu.memory_space<hbm>> -> memref<80x128xf32, #tpu.memory_space<hbm>>
      tpu.enqueue_dma source(%dma_start3A_54 : memref<80x128xf32, #tpu.memory_space<hbm>>) target(%arg11 : memref<80x128xf32, #tpu.memory_space<vmem>>) target_semaphore(%arg13 : memref<!tpu.dma_semaphore, #tpu.memory_space<semaphore_mem>>)
      %dma_wait3A_55 = arith.constant 0 : i32
      %dma_wait3A_56 = arith.constant 0 : i32
      %dma_wait3A_57 = tpu.memref_slice %arg2[%dma_wait3A_55, %dma_wait3A_56] : memref<160000x128xf32, #tpu.memory_space<hbm>> -> memref<80x128xf32, #tpu.memory_space<hbm>>
      %dma_wait3A_58 = arith.constant 0 : i32
      %dma_wait3A_59 = arith.constant 0 : i32
      %dma_wait3A_60 = tpu.memref_slice %arg2[%dma_wait3A_58, %dma_wait3A_59] : memref<160000x128xf32, #tpu.memory_space<hbm>> -> memref<80x128xf32, #tpu.memory_space<hbm>>
      tpu.wait_dma2 semaphore(%arg13 : memref<!tpu.dma_semaphore, #tpu.memory_space<semaphore_mem>>) src(%dma_wait3A_60 : memref<80x128xf32, #tpu.memory_space<hbm>>) dst(%arg11 : memref<80x128xf32, #tpu.memory_space<vmem>>)
      %dma_start3A_61 = arith.constant 124 : i32
      %dma_start3A_62 = arith.constant 0 : i32
      %dma_start3A_63 = tpu.memref_slice %arg9[%dma_start3A_61, %dma_start3A_62] : memref<125x80xi32, #tpu.memory_space<vmem>> -> memref<1x80xi32, #tpu.memory_space<vmem>>
      %dma_start3A_64 = tpu.memref_squeeze %dma_start3A_63 : memref<1x80xi32, #tpu.memory_space<vmem>> -> memref<80xi32, #tpu.memory_space<vmem>>
      %dma_start3A_65 = arith.constant 0 : i32
      %dma_start3A_66 = arith.constant 0 : i32
      %dma_start3A_67 = tpu.memref_slice %arg10[%dma_start3A_65, %dma_start3A_66] : memref<10240x128xf32, #tpu.memory_space<vmem_shared>> -> memref<10240x128xf32, #tpu.memory_space<vmem_shared>>
      tpu.enqueue_indirect_dma source(%arg11 : memref<80x128xf32, #tpu.memory_space<vmem>>) target(%dma_start3A_67 : memref<10240x128xf32, #tpu.memory_space<vmem_shared>>) offsets(%dma_start3A_64 : memref<80xi32, #tpu.memory_space<vmem>>) semaphore(%arg15 : memref<!tpu.dma_semaphore, #tpu.memory_space<semaphore_mem>>) {add = true}
      %dma_wait3A_68 = arith.constant 0 : i32
      %dma_wait3A_69 = arith.constant 0 : i32
      %dma_wait3A_70 = tpu.memref_slice %arg9[%dma_wait3A_68, %dma_wait3A_69] : memref<125x80xi32, #tpu.memory_space<vmem>> -> memref<1x80xi32, #tpu.memory_space<vmem>>
      %dma_wait3A_71 = tpu.memref_squeeze %dma_wait3A_70 : memref<1x80xi32, #tpu.memory_space<vmem>> -> memref<80xi32, #tpu.memory_space<vmem>>
      %dma_wait3A_72 = arith.constant 0 : i32
      %dma_wait3A_73 = arith.constant 0 : i32
      %dma_wait3A_74 = tpu.memref_slice %arg10[%dma_wait3A_72, %dma_wait3A_73] : memref<10240x128xf32, #tpu.memory_space<vmem_shared>> -> memref<10240x128xf32, #tpu.memory_space<vmem_shared>>
      tpu.wait_indirect_dma semaphore(%arg15 : memref<!tpu.dma_semaphore, #tpu.memory_space<semaphore_mem>>) src(%arg11 : memref<80x128xf32, #tpu.memory_space<vmem>>) dst(%dma_wait3A_74 : memref<10240x128xf32, #tpu.memory_space<vmem_shared>>)
    } else {
    }
    %eq3A_3 = arith.constant 1 : i32
    %eq3A_4 = arith.cmpi eq, %arg0, %eq3A_3 : i32
    %convert_element_type3A_5 = arith.extui %eq3A_4 : i1 to i32
    %cond3A_6 = arith.constant 0 : i32
    %cond3A_7 = arith.cmpi ne, %convert_element_type3A_5, %cond3A_6 : i32
    scf.if %cond3A_7 {
      %mul3A_19 = arith.constant 10000 : i32
      %mul3A_20 = arith.muli %arg1, %mul3A_19 : i32
      "tpu.region"() ({
        %run_scoped3A = tpu.sem_alloc : memref<!tpu.dma_semaphore, #tpu.memory_space<semaphore_mem>>
        %dma_start3A_75 = arith.constant 0 : i32
        %dma_start3A_76 = arith.constant 0 : i32
        %dma_start3A_77 = tpu.memref_slice %arg5[%arg1, %dma_start3A_75, %dma_start3A_76] : memref<16x125x80xi32, #tpu.memory_space<hbm>> -> memref<1x125x80xi32, #tpu.memory_space<hbm>>
        %dma_start3A_78 = tpu.memref_squeeze %dma_start3A_77 : memref<1x125x80xi32, #tpu.memory_space<hbm>> -> memref<125x80xi32, #tpu.memory_space<hbm>>
        %dma_start3A_79 = arith.constant 0 : i32
        %dma_start3A_80 = arith.constant 0 : i32
        %dma_start3A_81 = tpu.memref_slice %arg5[%arg1, %dma_start3A_79, %dma_start3A_80] : memref<16x125x80xi32, #tpu.memory_space<hbm>> -> memref<1x125x80xi32, #tpu.memory_space<hbm>>
        %dma_start3A_82 = tpu.memref_squeeze %dma_start3A_81 : memref<1x125x80xi32, #tpu.memory_space<hbm>> -> memref<125x80xi32, #tpu.memory_space<hbm>>
        tpu.enqueue_dma source(%dma_start3A_82 : memref<125x80xi32, #tpu.memory_space<hbm>>) target(%arg9 : memref<125x80xi32, #tpu.memory_space<vmem>>) target_semaphore(%run_scoped3A : memref<!tpu.dma_semaphore, #tpu.memory_space<semaphore_mem>>)
        %dma_wait3A_83 = arith.constant 0 : i32
        %dma_wait3A_84 = arith.constant 0 : i32
        %dma_wait3A_85 = tpu.memref_slice %arg5[%arg1, %dma_wait3A_83, %dma_wait3A_84] : memref<16x125x80xi32, #tpu.memory_space<hbm>> -> memref<1x125x80xi32, #tpu.memory_space<hbm>>
        %dma_wait3A_86 = tpu.memref_squeeze %dma_wait3A_85 : memref<1x125x80xi32, #tpu.memory_space<hbm>> -> memref<125x80xi32, #tpu.memory_space<hbm>>
        %dma_wait3A_87 = arith.constant 0 : i32
        %dma_wait3A_88 = arith.constant 0 : i32
        %dma_wait3A_89 = tpu.memref_slice %arg5[%arg1, %dma_wait3A_87, %dma_wait3A_88] : memref<16x125x80xi32, #tpu.memory_space<hbm>> -> memref<1x125x80xi32, #tpu.memory_space<hbm>>
        %dma_wait3A_90 = tpu.memref_squeeze %dma_wait3A_89 : memref<1x125x80xi32, #tpu.memory_space<hbm>> -> memref<125x80xi32, #tpu.memory_space<hbm>>
        tpu.wait_dma2 semaphore(%run_scoped3A : memref<!tpu.dma_semaphore, #tpu.memory_space<semaphore_mem>>) src(%dma_wait3A_90 : memref<125x80xi32, #tpu.memory_space<hbm>>) dst(%arg9 : memref<125x80xi32, #tpu.memory_space<vmem>>)
        tpu.yield
      }) : () -> ()
      %add3A = arith.constant 0 : i32
      %add3A_21 = arith.addi %mul3A_20, %add3A : i32
      %dma_start3A = arith.constant 0 : i32
      %dma_start3A_22 = tpu.memref_slice %arg4[%add3A_21, %dma_start3A] : memref<160000x128xf32, #tpu.memory_space<hbm>> -> memref<80x128xf32, #tpu.memory_space<hbm>>
      %dma_start3A_23 = arith.constant 0 : i32
      %dma_start3A_24 = tpu.memref_slice %arg4[%add3A_21, %dma_start3A_23] : memref<160000x128xf32, #tpu.memory_space<hbm>> -> memref<80x128xf32, #tpu.memory_space<hbm>>
      tpu.enqueue_dma source(%dma_start3A_24 : memref<80x128xf32, #tpu.memory_space<hbm>>) target(%arg11 : memref<80x128xf32, #tpu.memory_space<vmem>>) target_semaphore(%arg13 : memref<!tpu.dma_semaphore, #tpu.memory_space<semaphore_mem>>)
      %add3A_25 = arith.constant 80 : i32
      %add3A_26 = arith.addi %mul3A_20, %add3A_25 : i32
      %dma_start3A_27 = arith.constant 0 : i32
      %dma_start3A_28 = tpu.memref_slice %arg4[%add3A_26, %dma_start3A_27] : memref<160000x128xf32, #tpu.memory_space<hbm>> -> memref<80x128xf32, #tpu.memory_space<hbm>>
      %dma_start3A_29 = arith.constant 0 : i32
      %dma_start3A_30 = tpu.memref_slice %arg4[%add3A_26, %dma_start3A_29] : memref<160000x128xf32, #tpu.memory_space<hbm>> -> memref<80x128xf32, #tpu.memory_space<hbm>>
      tpu.enqueue_dma source(%dma_start3A_30 : memref<80x128xf32, #tpu.memory_space<hbm>>) target(%arg12 : memref<80x128xf32, #tpu.memory_space<vmem>>) target_semaphore(%arg14 : memref<!tpu.dma_semaphore, #tpu.memory_space<semaphore_mem>>)
      %scan3A = arith.constant 0 : i32
      %scan3A_31 = arith.constant 0 : i32
      %scan3A_32 = arith.constant 62 : i32
      %scan3A_33 = arith.addi %scan3A_31, %scan3A_32 : i32
      %scan3A_34 = arith.constant 1 : i32
      scf.for %scan3A_75 = %scan3A_31 to %scan3A_33 step %scan3A_34  : i32 {
        %mul3A_76 = arith.constant 2 : i32
        %mul3A_77 = arith.muli %scan3A_75, %mul3A_76 : i32
        %add3A_78 = arith.constant 0 : i32
        %add3A_79 = arith.addi %mul3A_77, %add3A_78 : i32
        %dma_wait3A_80 = arith.constant 0 : i32
        %dma_wait3A_81 = arith.constant 0 : i32
        %dma_wait3A_82 = tpu.memref_slice %arg4[%dma_wait3A_80, %dma_wait3A_81] : memref<160000x128xf32, #tpu.memory_space<hbm>> -> memref<80x128xf32, #tpu.memory_space<hbm>>
        %dma_wait3A_83 = arith.constant 0 : i32
        %dma_wait3A_84 = arith.constant 0 : i32
        %dma_wait3A_85 = tpu.memref_slice %arg4[%dma_wait3A_83, %dma_wait3A_84] : memref<160000x128xf32, #tpu.memory_space<hbm>> -> memref<80x128xf32, #tpu.memory_space<hbm>>
        tpu.wait_dma2 semaphore(%arg13 : memref<!tpu.dma_semaphore, #tpu.memory_space<semaphore_mem>>) src(%dma_wait3A_85 : memref<80x128xf32, #tpu.memory_space<hbm>>) dst(%arg11 : memref<80x128xf32, #tpu.memory_space<vmem>>)
        %dma_start3A_86 = arith.constant 0 : i32
        %dma_start3A_87 = tpu.memref_slice %arg9[%add3A_79, %dma_start3A_86] : memref<125x80xi32, #tpu.memory_space<vmem>> -> memref<1x80xi32, #tpu.memory_space<vmem>>
        %dma_start3A_88 = tpu.memref_squeeze %dma_start3A_87 : memref<1x80xi32, #tpu.memory_space<vmem>> -> memref<80xi32, #tpu.memory_space<vmem>>
        %dma_start3A_89 = arith.constant 0 : i32
        %dma_start3A_90 = arith.constant 0 : i32
        %dma_start3A_91 = tpu.memref_slice %arg10[%dma_start3A_89, %dma_start3A_90] : memref<10240x128xf32, #tpu.memory_space<vmem_shared>> -> memref<10240x128xf32, #tpu.memory_space<vmem_shared>>
        tpu.enqueue_indirect_dma source(%arg11 : memref<80x128xf32, #tpu.memory_space<vmem>>) target(%dma_start3A_91 : memref<10240x128xf32, #tpu.memory_space<vmem_shared>>) offsets(%dma_start3A_88 : memref<80xi32, #tpu.memory_space<vmem>>) semaphore(%arg15 : memref<!tpu.dma_semaphore, #tpu.memory_space<semaphore_mem>>) {add = true}
        %mul3A_92 = arith.constant 2 : i32
        %mul3A_93 = arith.muli %scan3A_75, %mul3A_92 : i32
        %add3A_94 = arith.constant 1 : i32
        %add3A_95 = arith.addi %mul3A_93, %add3A_94 : i32
        %dma_wait3A_96 = arith.constant 0 : i32
        %dma_wait3A_97 = arith.constant 0 : i32
        %dma_wait3A_98 = tpu.memref_slice %arg4[%dma_wait3A_96, %dma_wait3A_97] : memref<160000x128xf32, #tpu.memory_space<hbm>> -> memref<80x128xf32, #tpu.memory_space<hbm>>
        %dma_wait3A_99 = arith.constant 0 : i32
        %dma_wait3A_100 = arith.constant 0 : i32
        %dma_wait3A_101 = tpu.memref_slice %arg4[%dma_wait3A_99, %dma_wait3A_100] : memref<160000x128xf32, #tpu.memory_space<hbm>> -> memref<80x128xf32, #tpu.memory_space<hbm>>
        tpu.wait_dma2 semaphore(%arg14 : memref<!tpu.dma_semaphore, #tpu.memory_space<semaphore_mem>>) src(%dma_wait3A_101 : memref<80x128xf32, #tpu.memory_space<hbm>>) dst(%arg12 : memref<80x128xf32, #tpu.memory_space<vmem>>)
        %dma_start3A_102 = arith.constant 0 : i32
        %dma_start3A_103 = tpu.memref_slice %arg9[%add3A_95, %dma_start3A_102] : memref<125x80xi32, #tpu.memory_space<vmem>> -> memref<1x80xi32, #tpu.memory_space<vmem>>
        %dma_start3A_104 = tpu.memref_squeeze %dma_start3A_103 : memref<1x80xi32, #tpu.memory_space<vmem>> -> memref<80xi32, #tpu.memory_space<vmem>>
        %dma_start3A_105 = arith.constant 0 : i32
        %dma_start3A_106 = arith.constant 0 : i32
        %dma_start3A_107 = tpu.memref_slice %arg10[%dma_start3A_105, %dma_start3A_106] : memref<10240x128xf32, #tpu.memory_space<vmem_shared>> -> memref<10240x128xf32, #tpu.memory_space<vmem_shared>>
        tpu.enqueue_indirect_dma source(%arg12 : memref<80x128xf32, #tpu.memory_space<vmem>>) target(%dma_start3A_107 : memref<10240x128xf32, #tpu.memory_space<vmem_shared>>) offsets(%dma_start3A_104 : memref<80xi32, #tpu.memory_space<vmem>>) semaphore(%arg16 : memref<!tpu.dma_semaphore, #tpu.memory_space<semaphore_mem>>) {add = true}
        %lt3A = arith.constant 61 : i32
        %lt3A_108 = arith.cmpi slt, %scan3A_75, %lt3A : i32
        %convert_element_type3A_109 = arith.extui %lt3A_108 : i1 to i32
        %cond3A_110 = arith.constant 0 : i32
        %cond3A_111 = arith.cmpi ne, %convert_element_type3A_109, %cond3A_110 : i32
        scf.if %cond3A_111 {
          %add3A_112 = arith.constant 1 : i32
          %add3A_113 = arith.addi %scan3A_75, %add3A_112 : i32
          %mul3A_114 = arith.constant 2 : i32
          %mul3A_115 = arith.muli %add3A_113, %mul3A_114 : i32
          %add3A_116 = arith.constant 0 : i32
          %add3A_117 = arith.addi %mul3A_115, %add3A_116 : i32
          %dma_wait3A_118 = arith.constant 0 : i32
          %dma_wait3A_119 = arith.constant 0 : i32
          %dma_wait3A_120 = tpu.memref_slice %arg9[%dma_wait3A_118, %dma_wait3A_119] : memref<125x80xi32, #tpu.memory_space<vmem>> -> memref<1x80xi32, #tpu.memory_space<vmem>>
          %dma_wait3A_121 = tpu.memref_squeeze %dma_wait3A_120 : memref<1x80xi32, #tpu.memory_space<vmem>> -> memref<80xi32, #tpu.memory_space<vmem>>
          %dma_wait3A_122 = arith.constant 0 : i32
          %dma_wait3A_123 = arith.constant 0 : i32
          %dma_wait3A_124 = tpu.memref_slice %arg10[%dma_wait3A_122, %dma_wait3A_123] : memref<10240x128xf32, #tpu.memory_space<vmem_shared>> -> memref<10240x128xf32, #tpu.memory_space<vmem_shared>>
          tpu.wait_indirect_dma semaphore(%arg15 : memref<!tpu.dma_semaphore, #tpu.memory_space<semaphore_mem>>) src(%arg11 : memref<80x128xf32, #tpu.memory_space<vmem>>) dst(%dma_wait3A_124 : memref<10240x128xf32, #tpu.memory_space<vmem_shared>>)
          %mul3A_125 = arith.constant 80 : i32
          %mul3A_126 = arith.muli %add3A_117, %mul3A_125 : i32
          %add3A_127 = arith.addi %mul3A_20, %mul3A_126 : i32
          %dma_start3A_128 = arith.constant 0 : i32
          %dma_start3A_129 = tpu.memref_slice %arg4[%add3A_127, %dma_start3A_128] : memref<160000x128xf32, #tpu.memory_space<hbm>> -> memref<80x128xf32, #tpu.memory_space<hbm>>
          %dma_start3A_130 = arith.constant 0 : i32
          %dma_start3A_131 = tpu.memref_slice %arg4[%add3A_127, %dma_start3A_130] : memref<160000x128xf32, #tpu.memory_space<hbm>> -> memref<80x128xf32, #tpu.memory_space<hbm>>
          tpu.enqueue_dma source(%dma_start3A_131 : memref<80x128xf32, #tpu.memory_space<hbm>>) target(%arg11 : memref<80x128xf32, #tpu.memory_space<vmem>>) target_semaphore(%arg13 : memref<!tpu.dma_semaphore, #tpu.memory_space<semaphore_mem>>)
          %add3A_132 = arith.constant 1 : i32
          %add3A_133 = arith.addi %scan3A_75, %add3A_132 : i32
          %mul3A_134 = arith.constant 2 : i32
          %mul3A_135 = arith.muli %add3A_133, %mul3A_134 : i32
          %add3A_136 = arith.constant 1 : i32
          %add3A_137 = arith.addi %mul3A_135, %add3A_136 : i32
          %dma_wait3A_138 = arith.constant 0 : i32
          %dma_wait3A_139 = arith.constant 0 : i32
          %dma_wait3A_140 = tpu.memref_slice %arg9[%dma_wait3A_138, %dma_wait3A_139] : memref<125x80xi32, #tpu.memory_space<vmem>> -> memref<1x80xi32, #tpu.memory_space<vmem>>
          %dma_wait3A_141 = tpu.memref_squeeze %dma_wait3A_140 : memref<1x80xi32, #tpu.memory_space<vmem>> -> memref<80xi32, #tpu.memory_space<vmem>>
          %dma_wait3A_142 = arith.constant 0 : i32
          %dma_wait3A_143 = arith.constant 0 : i32
          %dma_wait3A_144 = tpu.memref_slice %arg10[%dma_wait3A_142, %dma_wait3A_143] : memref<10240x128xf32, #tpu.memory_space<vmem_shared>> -> memref<10240x128xf32, #tpu.memory_space<vmem_shared>>
          tpu.wait_indirect_dma semaphore(%arg16 : memref<!tpu.dma_semaphore, #tpu.memory_space<semaphore_mem>>) src(%arg12 : memref<80x128xf32, #tpu.memory_space<vmem>>) dst(%dma_wait3A_144 : memref<10240x128xf32, #tpu.memory_space<vmem_shared>>)
          %mul3A_145 = arith.constant 80 : i32
          %mul3A_146 = arith.muli %add3A_137, %mul3A_145 : i32
          %add3A_147 = arith.addi %mul3A_20, %mul3A_146 : i32
          %dma_start3A_148 = arith.constant 0 : i32
          %dma_start3A_149 = tpu.memref_slice %arg4[%add3A_147, %dma_start3A_148] : memref<160000x128xf32, #tpu.memory_space<hbm>> -> memref<80x128xf32, #tpu.memory_space<hbm>>
          %dma_start3A_150 = arith.constant 0 : i32
          %dma_start3A_151 = tpu.memref_slice %arg4[%add3A_147, %dma_start3A_150] : memref<160000x128xf32, #tpu.memory_space<hbm>> -> memref<80x128xf32, #tpu.memory_space<hbm>>
          tpu.enqueue_dma source(%dma_start3A_151 : memref<80x128xf32, #tpu.memory_space<hbm>>) target(%arg12 : memref<80x128xf32, #tpu.memory_space<vmem>>) target_semaphore(%arg14 : memref<!tpu.dma_semaphore, #tpu.memory_space<semaphore_mem>>)
        } else {
        }
      }
      %scan3A_35 = arith.constant 62 : i32
      %dma_wait3A = arith.constant 0 : i32
      %dma_wait3A_36 = arith.constant 0 : i32
      %dma_wait3A_37 = tpu.memref_slice %arg9[%dma_wait3A, %dma_wait3A_36] : memref<125x80xi32, #tpu.memory_space<vmem>> -> memref<1x80xi32, #tpu.memory_space<vmem>>
      %dma_wait3A_38 = tpu.memref_squeeze %dma_wait3A_37 : memref<1x80xi32, #tpu.memory_space<vmem>> -> memref<80xi32, #tpu.memory_space<vmem>>
      %dma_wait3A_39 = arith.constant 0 : i32
      %dma_wait3A_40 = arith.constant 0 : i32
      %dma_wait3A_41 = tpu.memref_slice %arg10[%dma_wait3A_39, %dma_wait3A_40] : memref<10240x128xf32, #tpu.memory_space<vmem_shared>> -> memref<10240x128xf32, #tpu.memory_space<vmem_shared>>
      tpu.wait_indirect_dma semaphore(%arg15 : memref<!tpu.dma_semaphore, #tpu.memory_space<semaphore_mem>>) src(%arg11 : memref<80x128xf32, #tpu.memory_space<vmem>>) dst(%dma_wait3A_41 : memref<10240x128xf32, #tpu.memory_space<vmem_shared>>)
      %dma_wait3A_42 = arith.constant 0 : i32
      %dma_wait3A_43 = arith.constant 0 : i32
      %dma_wait3A_44 = tpu.memref_slice %arg9[%dma_wait3A_42, %dma_wait3A_43] : memref<125x80xi32, #tpu.memory_space<vmem>> -> memref<1x80xi32, #tpu.memory_space<vmem>>
      %dma_wait3A_45 = tpu.memref_squeeze %dma_wait3A_44 : memref<1x80xi32, #tpu.memory_space<vmem>> -> memref<80xi32, #tpu.memory_space<vmem>>
      %dma_wait3A_46 = arith.constant 0 : i32
      %dma_wait3A_47 = arith.constant 0 : i32
      %dma_wait3A_48 = tpu.memref_slice %arg10[%dma_wait3A_46, %dma_wait3A_47] : memref<10240x128xf32, #tpu.memory_space<vmem_shared>> -> memref<10240x128xf32, #tpu.memory_space<vmem_shared>>
      tpu.wait_indirect_dma semaphore(%arg16 : memref<!tpu.dma_semaphore, #tpu.memory_space<semaphore_mem>>) src(%arg12 : memref<80x128xf32, #tpu.memory_space<vmem>>) dst(%dma_wait3A_48 : memref<10240x128xf32, #tpu.memory_space<vmem_shared>>)
      %add3A_49 = arith.constant 9920 : i32
      %add3A_50 = arith.addi %mul3A_20, %add3A_49 : i32
      %dma_start3A_51 = arith.constant 0 : i32
      %dma_start3A_52 = tpu.memref_slice %arg4[%add3A_50, %dma_start3A_51] : memref<160000x128xf32, #tpu.memory_space<hbm>> -> memref<80x128xf32, #tpu.memory_space<hbm>>
      %dma_start3A_53 = arith.constant 0 : i32
      %dma_start3A_54 = tpu.memref_slice %arg4[%add3A_50, %dma_start3A_53] : memref<160000x128xf32, #tpu.memory_space<hbm>> -> memref<80x128xf32, #tpu.memory_space<hbm>>
      tpu.enqueue_dma source(%dma_start3A_54 : memref<80x128xf32, #tpu.memory_space<hbm>>) target(%arg11 : memref<80x128xf32, #tpu.memory_space<vmem>>) target_semaphore(%arg13 : memref<!tpu.dma_semaphore, #tpu.memory_space<semaphore_mem>>)
      %dma_wait3A_55 = arith.constant 0 : i32
      %dma_wait3A_56 = arith.constant 0 : i32
      %dma_wait3A_57 = tpu.memref_slice %arg4[%dma_wait3A_55, %dma_wait3A_56] : memref<160000x128xf32, #tpu.memory_space<hbm>> -> memref<80x128xf32, #tpu.memory_space<hbm>>
      %dma_wait3A_58 = arith.constant 0 : i32
      %dma_wait3A_59 = arith.constant 0 : i32
      %dma_wait3A_60 = tpu.memref_slice %arg4[%dma_wait3A_58, %dma_wait3A_59] : memref<160000x128xf32, #tpu.memory_space<hbm>> -> memref<80x128xf32, #tpu.memory_space<hbm>>
      tpu.wait_dma2 semaphore(%arg13 : memref<!tpu.dma_semaphore, #tpu.memory_space<semaphore_mem>>) src(%dma_wait3A_60 : memref<80x128xf32, #tpu.memory_space<hbm>>) dst(%arg11 : memref<80x128xf32, #tpu.memory_space<vmem>>)
      %dma_start3A_61 = arith.constant 124 : i32
      %dma_start3A_62 = arith.constant 0 : i32
      %dma_start3A_63 = tpu.memref_slice %arg9[%dma_start3A_61, %dma_start3A_62] : memref<125x80xi32, #tpu.memory_space<vmem>> -> memref<1x80xi32, #tpu.memory_space<vmem>>
      %dma_start3A_64 = tpu.memref_squeeze %dma_start3A_63 : memref<1x80xi32, #tpu.memory_space<vmem>> -> memref<80xi32, #tpu.memory_space<vmem>>
      %dma_start3A_65 = arith.constant 0 : i32
      %dma_start3A_66 = arith.constant 0 : i32
      %dma_start3A_67 = tpu.memref_slice %arg10[%dma_start3A_65, %dma_start3A_66] : memref<10240x128xf32, #tpu.memory_space<vmem_shared>> -> memref<10240x128xf32, #tpu.memory_space<vmem_shared>>
      tpu.enqueue_indirect_dma source(%arg11 : memref<80x128xf32, #tpu.memory_space<vmem>>) target(%dma_start3A_67 : memref<10240x128xf32, #tpu.memory_space<vmem_shared>>) offsets(%dma_start3A_64 : memref<80xi32, #tpu.memory_space<vmem>>) semaphore(%arg15 : memref<!tpu.dma_semaphore, #tpu.memory_space<semaphore_mem>>) {add = true}
      %dma_wait3A_68 = arith.constant 0 : i32
      %dma_wait3A_69 = arith.constant 0 : i32
      %dma_wait3A_70 = tpu.memref_slice %arg9[%dma_wait3A_68, %dma_wait3A_69] : memref<125x80xi32, #tpu.memory_space<vmem>> -> memref<1x80xi32, #tpu.memory_space<vmem>>
      %dma_wait3A_71 = tpu.memref_squeeze %dma_wait3A_70 : memref<1x80xi32, #tpu.memory_space<vmem>> -> memref<80xi32, #tpu.memory_space<vmem>>
      %dma_wait3A_72 = arith.constant 0 : i32
      %dma_wait3A_73 = arith.constant 0 : i32
      %dma_wait3A_74 = tpu.memref_slice %arg10[%dma_wait3A_72, %dma_wait3A_73] : memref<10240x128xf32, #tpu.memory_space<vmem_shared>> -> memref<10240x128xf32, #tpu.memory_space<vmem_shared>>
      tpu.wait_indirect_dma semaphore(%arg15 : memref<!tpu.dma_semaphore, #tpu.memory_space<semaphore_mem>>) src(%arg11 : memref<80x128xf32, #tpu.memory_space<vmem>>) dst(%dma_wait3A_74 : memref<10240x128xf32, #tpu.memory_space<vmem_shared>>)
    } else {
    }
    %barrier3A_8 = arith.constant 0 : index
    tpu.barrier barrier_id(%barrier3A_8)
    %eq3A_9 = arith.constant 0 : i32
    %eq3A_10 = arith.cmpi eq, %arg0, %eq3A_9 : i32
    %convert_element_type3A_11 = arith.extui %eq3A_10 : i1 to i32
    %cond3A_12 = arith.constant 0 : i32
    %cond3A_13 = arith.cmpi ne, %convert_element_type3A_11, %cond3A_12 : i32
    scf.if %cond3A_13 {
      "tpu.region"() ({
        %run_scoped3A = tpu.sem_alloc : memref<!tpu.dma_semaphore, #tpu.memory_space<semaphore_mem>>
        %dma_start3A = arith.constant 0 : i32
        %dma_start3A_19 = tpu.memref_slice %arg7[%mul3A_0, %dma_start3A] : memref<10240x128xf32, #tpu.memory_space<hbm>> -> memref<640x128xf32, #tpu.memory_space<hbm>>
        %dma_start3A_20 = arith.constant 0 : i32
        %dma_start3A_21 = tpu.memref_slice %arg10[%mul3A_0, %dma_start3A_20] : memref<10240x128xf32, #tpu.memory_space<vmem_shared>> -> memref<640x128xf32, #tpu.memory_space<vmem_shared>>
        tpu.enqueue_dma source(%dma_start3A_21 : memref<640x128xf32, #tpu.memory_space<vmem_shared>>) target(%dma_start3A_19 : memref<640x128xf32, #tpu.memory_space<hbm>>) target_semaphore(%run_scoped3A : memref<!tpu.dma_semaphore, #tpu.memory_space<semaphore_mem>>)
        %dma_wait3A = arith.constant 0 : i32
        %dma_wait3A_22 = tpu.memref_slice %arg7[%mul3A_0, %dma_wait3A] : memref<10240x128xf32, #tpu.memory_space<hbm>> -> memref<640x128xf32, #tpu.memory_space<hbm>>
        %dma_wait3A_23 = arith.constant 0 : i32
        %dma_wait3A_24 = tpu.memref_slice %arg10[%mul3A_0, %dma_wait3A_23] : memref<10240x128xf32, #tpu.memory_space<vmem_shared>> -> memref<640x128xf32, #tpu.memory_space<vmem_shared>>
        tpu.wait_dma2 semaphore(%run_scoped3A : memref<!tpu.dma_semaphore, #tpu.memory_space<semaphore_mem>>) src(%dma_wait3A_24 : memref<640x128xf32, #tpu.memory_space<vmem_shared>>) dst(%dma_wait3A_22 : memref<640x128xf32, #tpu.memory_space<hbm>>)
        tpu.yield
      }) : () -> ()
    } else {
    }
    %eq3A_14 = arith.constant 1 : i32
    %eq3A_15 = arith.cmpi eq, %arg0, %eq3A_14 : i32
    %convert_element_type3A_16 = arith.extui %eq3A_15 : i1 to i32
    %cond3A_17 = arith.constant 0 : i32
    %cond3A_18 = arith.cmpi ne, %convert_element_type3A_16, %cond3A_17 : i32
    scf.if %cond3A_18 {
      "tpu.region"() ({
        %run_scoped3A = tpu.sem_alloc : memref<!tpu.dma_semaphore, #tpu.memory_space<semaphore_mem>>
        %dma_start3A = arith.constant 0 : i32
        %dma_start3A_19 = tpu.memref_slice %arg8[%mul3A_0, %dma_start3A] : memref<10240x128xf32, #tpu.memory_space<hbm>> -> memref<640x128xf32, #tpu.memory_space<hbm>>
        %dma_start3A_20 = arith.constant 0 : i32
        %dma_start3A_21 = tpu.memref_slice %arg10[%mul3A_0, %dma_start3A_20] : memref<10240x128xf32, #tpu.memory_space<vmem_shared>> -> memref<640x128xf32, #tpu.memory_space<vmem_shared>>
        tpu.enqueue_dma source(%dma_start3A_21 : memref<640x128xf32, #tpu.memory_space<vmem_shared>>) target(%dma_start3A_19 : memref<640x128xf32, #tpu.memory_space<hbm>>) target_semaphore(%run_scoped3A : memref<!tpu.dma_semaphore, #tpu.memory_space<semaphore_mem>>)
        %dma_wait3A = arith.constant 0 : i32
        %dma_wait3A_22 = tpu.memref_slice %arg8[%mul3A_0, %dma_wait3A] : memref<10240x128xf32, #tpu.memory_space<hbm>> -> memref<640x128xf32, #tpu.memory_space<hbm>>
        %dma_wait3A_23 = arith.constant 0 : i32
        %dma_wait3A_24 = tpu.memref_slice %arg10[%mul3A_0, %dma_wait3A_23] : memref<10240x128xf32, #tpu.memory_space<vmem_shared>> -> memref<640x128xf32, #tpu.memory_space<vmem_shared>>
        tpu.wait_dma2 semaphore(%run_scoped3A : memref<!tpu.dma_semaphore, #tpu.memory_space<semaphore_mem>>) src(%dma_wait3A_24 : memref<640x128xf32, #tpu.memory_space<vmem_shared>>) dst(%dma_wait3A_22 : memref<640x128xf32, #tpu.memory_space<hbm>>)
        tpu.yield
      }) : () -> ()
    } else {
    }
    return
  }
}

#map = affine_map<(d0, d1) -> (0, 0)>
#map1 = affine_map<(d0, d1) -> (0, 0, 0)>
module attributes {stable_mosaic.version = 14 : i64} {
  func.func @sk(%arg0: i32, %arg1: i32, %arg2: memref<160000x128xf32, #tpu.memory_space<hbm>>, %arg3: memref<16x125x80xi32, #tpu.memory_space<hbm>>, %arg4: memref<160000x128xf32, #tpu.memory_space<hbm>>, %arg5: memref<16x125x80xi32, #tpu.memory_space<hbm>>, %arg6: memref<10240x128xf32, #tpu.memory_space<hbm>>, %arg7: memref<10240x128xf32, #tpu.memory_space<hbm>>, %arg8: memref<10240x128xf32, #tpu.memory_space<hbm>>, %arg9: memref<125x80xi32, #tpu.memory_space<vmem>>, %arg10: memref<10240x128xf32, #tpu.memory_space<vmem_shared>>, %arg11: memref<80x128xf32, #tpu.memory_space<vmem>>, %arg12: memref<80x128xf32, #tpu.memory_space<vmem>>, %arg13: memref<!tpu.dma_semaphore, #tpu.memory_space<semaphore_mem>>, %arg14: memref<!tpu.dma_semaphore, #tpu.memory_space<semaphore_mem>>, %arg15: memref<!tpu.dma_semaphore, #tpu.memory_space<semaphore_mem>>, %arg16: memref<!tpu.dma_semaphore, #tpu.memory_space<semaphore_mem>>) attributes {dimension_semantics = [#tpu.dimension_semantics<core_parallel>, #tpu.dimension_semantics<subcore_parallel>], iteration_bounds = array<i64: 2, 16>, scalar_prefetch = 0 : i64, scratch_operands = 8 : i64, tpu.core_type = #tpu.core_type<sc_vector_subcore>, window_params = [{transform_indices = #map}, {transform_indices = #map1}, {transform_indices = #map}, {transform_indices = #map1}, {transform_indices = #map}, {transform_indices = #map}, {transform_indices = #map}]} {
    %mul3A = arith.constant 640 : i32
    %mul3A_0 = arith.muli %arg1, %mul3A : i32
    "tpu.region"() ({
      %run_scoped3A = tpu.sem_alloc : memref<!tpu.dma_semaphore, #tpu.memory_space<semaphore_mem>>
      %dma_start3A = arith.constant 0 : i32
      %dma_start3A_19 = tpu.memref_slice %arg10[%mul3A_0, %dma_start3A] : memref<10240x128xf32, #tpu.memory_space<vmem_shared>> -> memref<640x128xf32, #tpu.memory_space<vmem_shared>>
      %dma_start3A_20 = arith.constant 0 : i32
      %dma_start3A_21 = tpu.memref_slice %arg6[%mul3A_0, %dma_start3A_20] : memref<10240x128xf32, #tpu.memory_space<hbm>> -> memref<640x128xf32, #tpu.memory_space<hbm>>
      tpu.enqueue_dma source(%dma_start3A_21 : memref<640x128xf32, #tpu.memory_space<hbm>>) target(%dma_start3A_19 : memref<640x128xf32, #tpu.memory_space<vmem_shared>>) target_semaphore(%run_scoped3A : memref<!tpu.dma_semaphore, #tpu.memory_space<semaphore_mem>>)
      %dma_wait3A = arith.constant 0 : i32
      %dma_wait3A_22 = tpu.memref_slice %arg10[%mul3A_0, %dma_wait3A] : memref<10240x128xf32, #tpu.memory_space<vmem_shared>> -> memref<640x128xf32, #tpu.memory_space<vmem_shared>>
      %dma_wait3A_23 = arith.constant 0 : i32
      %dma_wait3A_24 = tpu.memref_slice %arg6[%mul3A_0, %dma_wait3A_23] : memref<10240x128xf32, #tpu.memory_space<hbm>> -> memref<640x128xf32, #tpu.memory_space<hbm>>
      tpu.wait_dma2 semaphore(%run_scoped3A : memref<!tpu.dma_semaphore, #tpu.memory_space<semaphore_mem>>) src(%dma_wait3A_24 : memref<640x128xf32, #tpu.memory_space<hbm>>) dst(%dma_wait3A_22 : memref<640x128xf32, #tpu.memory_space<vmem_shared>>)
      tpu.yield
    }) : () -> ()
    %barrier3A = arith.constant 0 : index
    tpu.barrier barrier_id(%barrier3A)
    %eq3A = arith.constant 0 : i32
    %eq3A_1 = arith.cmpi eq, %arg0, %eq3A : i32
    %convert_element_type3A = arith.extui %eq3A_1 : i1 to i32
    %cond3A = arith.constant 0 : i32
    %cond3A_2 = arith.cmpi ne, %convert_element_type3A, %cond3A : i32
    scf.if %cond3A_2 {
      %mul3A_19 = arith.constant 10000 : i32
      %mul3A_20 = arith.muli %arg1, %mul3A_19 : i32
      "tpu.region"() ({
        %run_scoped3A = tpu.sem_alloc : memref<!tpu.dma_semaphore, #tpu.memory_space<semaphore_mem>>
        %dma_start3A_75 = arith.constant 0 : i32
        %dma_start3A_76 = arith.constant 0 : i32
        %dma_start3A_77 = tpu.memref_slice %arg3[%arg1, %dma_start3A_75, %dma_start3A_76] : memref<16x125x80xi32, #tpu.memory_space<hbm>> -> memref<1x125x80xi32, #tpu.memory_space<hbm>>
        %dma_start3A_78 = tpu.memref_squeeze %dma_start3A_77 : memref<1x125x80xi32, #tpu.memory_space<hbm>> -> memref<125x80xi32, #tpu.memory_space<hbm>>
        %dma_start3A_79 = arith.constant 0 : i32
        %dma_start3A_80 = arith.constant 0 : i32
        %dma_start3A_81 = tpu.memref_slice %arg3[%arg1, %dma_start3A_79, %dma_start3A_80] : memref<16x125x80xi32, #tpu.memory_space<hbm>> -> memref<1x125x80xi32, #tpu.memory_space<hbm>>
        %dma_start3A_82 = tpu.memref_squeeze %dma_start3A_81 : memref<1x125x80xi32, #tpu.memory_space<hbm>> -> memref<125x80xi32, #tpu.memory_space<hbm>>
        tpu.enqueue_dma source(%dma_start3A_82 : memref<125x80xi32, #tpu.memory_space<hbm>>) target(%arg9 : memref<125x80xi32, #tpu.memory_space<vmem>>) target_semaphore(%run_scoped3A : memref<!tpu.dma_semaphore, #tpu.memory_space<semaphore_mem>>)
        %dma_wait3A_83 = arith.constant 0 : i32
        %dma_wait3A_84 = arith.constant 0 : i32
        %dma_wait3A_85 = tpu.memref_slice %arg3[%arg1, %dma_wait3A_83, %dma_wait3A_84] : memref<16x125x80xi32, #tpu.memory_space<hbm>> -> memref<1x125x80xi32, #tpu.memory_space<hbm>>
        %dma_wait3A_86 = tpu.memref_squeeze %dma_wait3A_85 : memref<1x125x80xi32, #tpu.memory_space<hbm>> -> memref<125x80xi32, #tpu.memory_space<hbm>>
        %dma_wait3A_87 = arith.constant 0 : i32
        %dma_wait3A_88 = arith.constant 0 : i32
        %dma_wait3A_89 = tpu.memref_slice %arg3[%arg1, %dma_wait3A_87, %dma_wait3A_88] : memref<16x125x80xi32, #tpu.memory_space<hbm>> -> memref<1x125x80xi32, #tpu.memory_space<hbm>>
        %dma_wait3A_90 = tpu.memref_squeeze %dma_wait3A_89 : memref<1x125x80xi32, #tpu.memory_space<hbm>> -> memref<125x80xi32, #tpu.memory_space<hbm>>
        tpu.wait_dma2 semaphore(%run_scoped3A : memref<!tpu.dma_semaphore, #tpu.memory_space<semaphore_mem>>) src(%dma_wait3A_90 : memref<125x80xi32, #tpu.memory_space<hbm>>) dst(%arg9 : memref<125x80xi32, #tpu.memory_space<vmem>>)
        tpu.yield
      }) : () -> ()
      %add3A = arith.constant 0 : i32
      %add3A_21 = arith.addi %mul3A_20, %add3A : i32
      %dma_start3A = arith.constant 0 : i32
      %dma_start3A_22 = tpu.memref_slice %arg2[%add3A_21, %dma_start3A] : memref<160000x128xf32, #tpu.memory_space<hbm>> -> memref<80x128xf32, #tpu.memory_space<hbm>>
      %dma_start3A_23 = arith.constant 0 : i32
      %dma_start3A_24 = tpu.memref_slice %arg2[%add3A_21, %dma_start3A_23] : memref<160000x128xf32, #tpu.memory_space<hbm>> -> memref<80x128xf32, #tpu.memory_space<hbm>>
      tpu.enqueue_dma source(%dma_start3A_24 : memref<80x128xf32, #tpu.memory_space<hbm>>) target(%arg11 : memref<80x128xf32, #tpu.memory_space<vmem>>) target_semaphore(%arg13 : memref<!tpu.dma_semaphore, #tpu.memory_space<semaphore_mem>>)
      %add3A_25 = arith.constant 80 : i32
      %add3A_26 = arith.addi %mul3A_20, %add3A_25 : i32
      %dma_start3A_27 = arith.constant 0 : i32
      %dma_start3A_28 = tpu.memref_slice %arg2[%add3A_26, %dma_start3A_27] : memref<160000x128xf32, #tpu.memory_space<hbm>> -> memref<80x128xf32, #tpu.memory_space<hbm>>
      %dma_start3A_29 = arith.constant 0 : i32
      %dma_start3A_30 = tpu.memref_slice %arg2[%add3A_26, %dma_start3A_29] : memref<160000x128xf32, #tpu.memory_space<hbm>> -> memref<80x128xf32, #tpu.memory_space<hbm>>
      tpu.enqueue_dma source(%dma_start3A_30 : memref<80x128xf32, #tpu.memory_space<hbm>>) target(%arg12 : memref<80x128xf32, #tpu.memory_space<vmem>>) target_semaphore(%arg14 : memref<!tpu.dma_semaphore, #tpu.memory_space<semaphore_mem>>)
      %scan3A = arith.constant 0 : i32
      %scan3A_31 = arith.constant 0 : i32
      %scan3A_32 = arith.constant 62 : i32
      %scan3A_33 = arith.addi %scan3A_31, %scan3A_32 : i32
      %scan3A_34 = arith.constant 1 : i32
      scf.for %scan3A_75 = %scan3A_31 to %scan3A_33 step %scan3A_34  : i32 {
        %mul3A_76 = arith.constant 2 : i32
        %mul3A_77 = arith.muli %scan3A_75, %mul3A_76 : i32
        %add3A_78 = arith.constant 0 : i32
        %add3A_79 = arith.addi %mul3A_77, %add3A_78 : i32
        %dma_wait3A_80 = arith.constant 0 : i32
        %dma_wait3A_81 = arith.constant 0 : i32
        %dma_wait3A_82 = tpu.memref_slice %arg2[%dma_wait3A_80, %dma_wait3A_81] : memref<160000x128xf32, #tpu.memory_space<hbm>> -> memref<80x128xf32, #tpu.memory_space<hbm>>
        %dma_wait3A_83 = arith.constant 0 : i32
        %dma_wait3A_84 = arith.constant 0 : i32
        %dma_wait3A_85 = tpu.memref_slice %arg2[%dma_wait3A_83, %dma_wait3A_84] : memref<160000x128xf32, #tpu.memory_space<hbm>> -> memref<80x128xf32, #tpu.memory_space<hbm>>
        tpu.wait_dma2 semaphore(%arg13 : memref<!tpu.dma_semaphore, #tpu.memory_space<semaphore_mem>>) src(%dma_wait3A_85 : memref<80x128xf32, #tpu.memory_space<hbm>>) dst(%arg11 : memref<80x128xf32, #tpu.memory_space<vmem>>)
        %dma_start3A_86 = arith.constant 0 : i32
        %dma_start3A_87 = tpu.memref_slice %arg9[%add3A_79, %dma_start3A_86] : memref<125x80xi32, #tpu.memory_space<vmem>> -> memref<1x80xi32, #tpu.memory_space<vmem>>
        %dma_start3A_88 = tpu.memref_squeeze %dma_start3A_87 : memref<1x80xi32, #tpu.memory_space<vmem>> -> memref<80xi32, #tpu.memory_space<vmem>>
        %dma_start3A_89 = arith.constant 0 : i32
        %dma_start3A_90 = arith.constant 0 : i32
        %dma_start3A_91 = tpu.memref_slice %arg10[%dma_start3A_89, %dma_start3A_90] : memref<10240x128xf32, #tpu.memory_space<vmem_shared>> -> memref<10240x128xf32, #tpu.memory_space<vmem_shared>>
        tpu.enqueue_indirect_dma source(%arg11 : memref<80x128xf32, #tpu.memory_space<vmem>>) target(%dma_start3A_91 : memref<10240x128xf32, #tpu.memory_space<vmem_shared>>) offsets(%dma_start3A_88 : memref<80xi32, #tpu.memory_space<vmem>>) semaphore(%arg15 : memref<!tpu.dma_semaphore, #tpu.memory_space<semaphore_mem>>) {add = true}
        %mul3A_92 = arith.constant 2 : i32
        %mul3A_93 = arith.muli %scan3A_75, %mul3A_92 : i32
        %add3A_94 = arith.constant 1 : i32
        %add3A_95 = arith.addi %mul3A_93, %add3A_94 : i32
        %dma_wait3A_96 = arith.constant 0 : i32
        %dma_wait3A_97 = arith.constant 0 : i32
        %dma_wait3A_98 = tpu.memref_slice %arg2[%dma_wait3A_96, %dma_wait3A_97] : memref<160000x128xf32, #tpu.memory_space<hbm>> -> memref<80x128xf32, #tpu.memory_space<hbm>>
        %dma_wait3A_99 = arith.constant 0 : i32
        %dma_wait3A_100 = arith.constant 0 : i32
        %dma_wait3A_101 = tpu.memref_slice %arg2[%dma_wait3A_99, %dma_wait3A_100] : memref<160000x128xf32, #tpu.memory_space<hbm>> -> memref<80x128xf32, #tpu.memory_space<hbm>>
        tpu.wait_dma2 semaphore(%arg14 : memref<!tpu.dma_semaphore, #tpu.memory_space<semaphore_mem>>) src(%dma_wait3A_101 : memref<80x128xf32, #tpu.memory_space<hbm>>) dst(%arg12 : memref<80x128xf32, #tpu.memory_space<vmem>>)
        %dma_start3A_102 = arith.constant 0 : i32
        %dma_start3A_103 = tpu.memref_slice %arg9[%add3A_95, %dma_start3A_102] : memref<125x80xi32, #tpu.memory_space<vmem>> -> memref<1x80xi32, #tpu.memory_space<vmem>>
        %dma_start3A_104 = tpu.memref_squeeze %dma_start3A_103 : memref<1x80xi32, #tpu.memory_space<vmem>> -> memref<80xi32, #tpu.memory_space<vmem>>
        %dma_start3A_105 = arith.constant 0 : i32
        %dma_start3A_106 = arith.constant 0 : i32
        %dma_start3A_107 = tpu.memref_slice %arg10[%dma_start3A_105, %dma_start3A_106] : memref<10240x128xf32, #tpu.memory_space<vmem_shared>> -> memref<10240x128xf32, #tpu.memory_space<vmem_shared>>
        tpu.enqueue_indirect_dma source(%arg12 : memref<80x128xf32, #tpu.memory_space<vmem>>) target(%dma_start3A_107 : memref<10240x128xf32, #tpu.memory_space<vmem_shared>>) offsets(%dma_start3A_104 : memref<80xi32, #tpu.memory_space<vmem>>) semaphore(%arg16 : memref<!tpu.dma_semaphore, #tpu.memory_space<semaphore_mem>>) {add = true}
        %lt3A = arith.constant 61 : i32
        %lt3A_108 = arith.cmpi slt, %scan3A_75, %lt3A : i32
        %convert_element_type3A_109 = arith.extui %lt3A_108 : i1 to i32
        %cond3A_110 = arith.constant 0 : i32
        %cond3A_111 = arith.cmpi ne, %convert_element_type3A_109, %cond3A_110 : i32
        scf.if %cond3A_111 {
          %add3A_112 = arith.constant 1 : i32
          %add3A_113 = arith.addi %scan3A_75, %add3A_112 : i32
          %mul3A_114 = arith.constant 2 : i32
          %mul3A_115 = arith.muli %add3A_113, %mul3A_114 : i32
          %add3A_116 = arith.constant 0 : i32
          %add3A_117 = arith.addi %mul3A_115, %add3A_116 : i32
          %dma_wait3A_118 = arith.constant 0 : i32
          %dma_wait3A_119 = arith.constant 0 : i32
          %dma_wait3A_120 = tpu.memref_slice %arg9[%dma_wait3A_118, %dma_wait3A_119] : memref<125x80xi32, #tpu.memory_space<vmem>> -> memref<1x80xi32, #tpu.memory_space<vmem>>
          %dma_wait3A_121 = tpu.memref_squeeze %dma_wait3A_120 : memref<1x80xi32, #tpu.memory_space<vmem>> -> memref<80xi32, #tpu.memory_space<vmem>>
          %dma_wait3A_122 = arith.constant 0 : i32
          %dma_wait3A_123 = arith.constant 0 : i32
          %dma_wait3A_124 = tpu.memref_slice %arg10[%dma_wait3A_122, %dma_wait3A_123] : memref<10240x128xf32, #tpu.memory_space<vmem_shared>> -> memref<10240x128xf32, #tpu.memory_space<vmem_shared>>
          tpu.wait_indirect_dma semaphore(%arg15 : memref<!tpu.dma_semaphore, #tpu.memory_space<semaphore_mem>>) src(%arg11 : memref<80x128xf32, #tpu.memory_space<vmem>>) dst(%dma_wait3A_124 : memref<10240x128xf32, #tpu.memory_space<vmem_shared>>)
          %mul3A_125 = arith.constant 80 : i32
          %mul3A_126 = arith.muli %add3A_117, %mul3A_125 : i32
          %add3A_127 = arith.addi %mul3A_20, %mul3A_126 : i32
          %dma_start3A_128 = arith.constant 0 : i32
          %dma_start3A_129 = tpu.memref_slice %arg2[%add3A_127, %dma_start3A_128] : memref<160000x128xf32, #tpu.memory_space<hbm>> -> memref<80x128xf32, #tpu.memory_space<hbm>>
          %dma_start3A_130 = arith.constant 0 : i32
          %dma_start3A_131 = tpu.memref_slice %arg2[%add3A_127, %dma_start3A_130] : memref<160000x128xf32, #tpu.memory_space<hbm>> -> memref<80x128xf32, #tpu.memory_space<hbm>>
          tpu.enqueue_dma source(%dma_start3A_131 : memref<80x128xf32, #tpu.memory_space<hbm>>) target(%arg11 : memref<80x128xf32, #tpu.memory_space<vmem>>) target_semaphore(%arg13 : memref<!tpu.dma_semaphore, #tpu.memory_space<semaphore_mem>>)
          %add3A_132 = arith.constant 1 : i32
          %add3A_133 = arith.addi %scan3A_75, %add3A_132 : i32
          %mul3A_134 = arith.constant 2 : i32
          %mul3A_135 = arith.muli %add3A_133, %mul3A_134 : i32
          %add3A_136 = arith.constant 1 : i32
          %add3A_137 = arith.addi %mul3A_135, %add3A_136 : i32
          %dma_wait3A_138 = arith.constant 0 : i32
          %dma_wait3A_139 = arith.constant 0 : i32
          %dma_wait3A_140 = tpu.memref_slice %arg9[%dma_wait3A_138, %dma_wait3A_139] : memref<125x80xi32, #tpu.memory_space<vmem>> -> memref<1x80xi32, #tpu.memory_space<vmem>>
          %dma_wait3A_141 = tpu.memref_squeeze %dma_wait3A_140 : memref<1x80xi32, #tpu.memory_space<vmem>> -> memref<80xi32, #tpu.memory_space<vmem>>
          %dma_wait3A_142 = arith.constant 0 : i32
          %dma_wait3A_143 = arith.constant 0 : i32
          %dma_wait3A_144 = tpu.memref_slice %arg10[%dma_wait3A_142, %dma_wait3A_143] : memref<10240x128xf32, #tpu.memory_space<vmem_shared>> -> memref<10240x128xf32, #tpu.memory_space<vmem_shared>>
          tpu.wait_indirect_dma semaphore(%arg16 : memref<!tpu.dma_semaphore, #tpu.memory_space<semaphore_mem>>) src(%arg12 : memref<80x128xf32, #tpu.memory_space<vmem>>) dst(%dma_wait3A_144 : memref<10240x128xf32, #tpu.memory_space<vmem_shared>>)
          %mul3A_145 = arith.constant 80 : i32
          %mul3A_146 = arith.muli %add3A_137, %mul3A_145 : i32
          %add3A_147 = arith.addi %mul3A_20, %mul3A_146 : i32
          %dma_start3A_148 = arith.constant 0 : i32
          %dma_start3A_149 = tpu.memref_slice %arg2[%add3A_147, %dma_start3A_148] : memref<160000x128xf32, #tpu.memory_space<hbm>> -> memref<80x128xf32, #tpu.memory_space<hbm>>
          %dma_start3A_150 = arith.constant 0 : i32
          %dma_start3A_151 = tpu.memref_slice %arg2[%add3A_147, %dma_start3A_150] : memref<160000x128xf32, #tpu.memory_space<hbm>> -> memref<80x128xf32, #tpu.memory_space<hbm>>
          tpu.enqueue_dma source(%dma_start3A_151 : memref<80x128xf32, #tpu.memory_space<hbm>>) target(%arg12 : memref<80x128xf32, #tpu.memory_space<vmem>>) target_semaphore(%arg14 : memref<!tpu.dma_semaphore, #tpu.memory_space<semaphore_mem>>)
        } else {
        }
      }
      %scan3A_35 = arith.constant 62 : i32
      %dma_wait3A = arith.constant 0 : i32
      %dma_wait3A_36 = arith.constant 0 : i32
      %dma_wait3A_37 = tpu.memref_slice %arg9[%dma_wait3A, %dma_wait3A_36] : memref<125x80xi32, #tpu.memory_space<vmem>> -> memref<1x80xi32, #tpu.memory_space<vmem>>
      %dma_wait3A_38 = tpu.memref_squeeze %dma_wait3A_37 : memref<1x80xi32, #tpu.memory_space<vmem>> -> memref<80xi32, #tpu.memory_space<vmem>>
      %dma_wait3A_39 = arith.constant 0 : i32
      %dma_wait3A_40 = arith.constant 0 : i32
      %dma_wait3A_41 = tpu.memref_slice %arg10[%dma_wait3A_39, %dma_wait3A_40] : memref<10240x128xf32, #tpu.memory_space<vmem_shared>> -> memref<10240x128xf32, #tpu.memory_space<vmem_shared>>
      tpu.wait_indirect_dma semaphore(%arg15 : memref<!tpu.dma_semaphore, #tpu.memory_space<semaphore_mem>>) src(%arg11 : memref<80x128xf32, #tpu.memory_space<vmem>>) dst(%dma_wait3A_41 : memref<10240x128xf32, #tpu.memory_space<vmem_shared>>)
      %dma_wait3A_42 = arith.constant 0 : i32
      %dma_wait3A_43 = arith.constant 0 : i32
      %dma_wait3A_44 = tpu.memref_slice %arg9[%dma_wait3A_42, %dma_wait3A_43] : memref<125x80xi32, #tpu.memory_space<vmem>> -> memref<1x80xi32, #tpu.memory_space<vmem>>
      %dma_wait3A_45 = tpu.memref_squeeze %dma_wait3A_44 : memref<1x80xi32, #tpu.memory_space<vmem>> -> memref<80xi32, #tpu.memory_space<vmem>>
      %dma_wait3A_46 = arith.constant 0 : i32
      %dma_wait3A_47 = arith.constant 0 : i32
      %dma_wait3A_48 = tpu.memref_slice %arg10[%dma_wait3A_46, %dma_wait3A_47] : memref<10240x128xf32, #tpu.memory_space<vmem_shared>> -> memref<10240x128xf32, #tpu.memory_space<vmem_shared>>
      tpu.wait_indirect_dma semaphore(%arg16 : memref<!tpu.dma_semaphore, #tpu.memory_space<semaphore_mem>>) src(%arg12 : memref<80x128xf32, #tpu.memory_space<vmem>>) dst(%dma_wait3A_48 : memref<10240x128xf32, #tpu.memory_space<vmem_shared>>)
      %add3A_49 = arith.constant 9920 : i32
      %add3A_50 = arith.addi %mul3A_20, %add3A_49 : i32
      %dma_start3A_51 = arith.constant 0 : i32
      %dma_start3A_52 = tpu.memref_slice %arg2[%add3A_50, %dma_start3A_51] : memref<160000x128xf32, #tpu.memory_space<hbm>> -> memref<80x128xf32, #tpu.memory_space<hbm>>
      %dma_start3A_53 = arith.constant 0 : i32
      %dma_start3A_54 = tpu.memref_slice %arg2[%add3A_50, %dma_start3A_53] : memref<160000x128xf32, #tpu.memory_space<hbm>> -> memref<80x128xf32, #tpu.memory_space<hbm>>
      tpu.enqueue_dma source(%dma_start3A_54 : memref<80x128xf32, #tpu.memory_space<hbm>>) target(%arg11 : memref<80x128xf32, #tpu.memory_space<vmem>>) target_semaphore(%arg13 : memref<!tpu.dma_semaphore, #tpu.memory_space<semaphore_mem>>)
      %dma_wait3A_55 = arith.constant 0 : i32
      %dma_wait3A_56 = arith.constant 0 : i32
      %dma_wait3A_57 = tpu.memref_slice %arg2[%dma_wait3A_55, %dma_wait3A_56] : memref<160000x128xf32, #tpu.memory_space<hbm>> -> memref<80x128xf32, #tpu.memory_space<hbm>>
      %dma_wait3A_58 = arith.constant 0 : i32
      %dma_wait3A_59 = arith.constant 0 : i32
      %dma_wait3A_60 = tpu.memref_slice %arg2[%dma_wait3A_58, %dma_wait3A_59] : memref<160000x128xf32, #tpu.memory_space<hbm>> -> memref<80x128xf32, #tpu.memory_space<hbm>>
      tpu.wait_dma2 semaphore(%arg13 : memref<!tpu.dma_semaphore, #tpu.memory_space<semaphore_mem>>) src(%dma_wait3A_60 : memref<80x128xf32, #tpu.memory_space<hbm>>) dst(%arg11 : memref<80x128xf32, #tpu.memory_space<vmem>>)
      %dma_start3A_61 = arith.constant 124 : i32
      %dma_start3A_62 = arith.constant 0 : i32
      %dma_start3A_63 = tpu.memref_slice %arg9[%dma_start3A_61, %dma_start3A_62] : memref<125x80xi32, #tpu.memory_space<vmem>> -> memref<1x80xi32, #tpu.memory_space<vmem>>
      %dma_start3A_64 = tpu.memref_squeeze %dma_start3A_63 : memref<1x80xi32, #tpu.memory_space<vmem>> -> memref<80xi32, #tpu.memory_space<vmem>>
      %dma_start3A_65 = arith.constant 0 : i32
      %dma_start3A_66 = arith.constant 0 : i32
      %dma_start3A_67 = tpu.memref_slice %arg10[%dma_start3A_65, %dma_start3A_66] : memref<10240x128xf32, #tpu.memory_space<vmem_shared>> -> memref<10240x128xf32, #tpu.memory_space<vmem_shared>>
      tpu.enqueue_indirect_dma source(%arg11 : memref<80x128xf32, #tpu.memory_space<vmem>>) target(%dma_start3A_67 : memref<10240x128xf32, #tpu.memory_space<vmem_shared>>) offsets(%dma_start3A_64 : memref<80xi32, #tpu.memory_space<vmem>>) semaphore(%arg15 : memref<!tpu.dma_semaphore, #tpu.memory_space<semaphore_mem>>) {add = true}
      %dma_wait3A_68 = arith.constant 0 : i32
      %dma_wait3A_69 = arith.constant 0 : i32
      %dma_wait3A_70 = tpu.memref_slice %arg9[%dma_wait3A_68, %dma_wait3A_69] : memref<125x80xi32, #tpu.memory_space<vmem>> -> memref<1x80xi32, #tpu.memory_space<vmem>>
      %dma_wait3A_71 = tpu.memref_squeeze %dma_wait3A_70 : memref<1x80xi32, #tpu.memory_space<vmem>> -> memref<80xi32, #tpu.memory_space<vmem>>
      %dma_wait3A_72 = arith.constant 0 : i32
      %dma_wait3A_73 = arith.constant 0 : i32
      %dma_wait3A_74 = tpu.memref_slice %arg10[%dma_wait3A_72, %dma_wait3A_73] : memref<10240x128xf32, #tpu.memory_space<vmem_shared>> -> memref<10240x128xf32, #tpu.memory_space<vmem_shared>>
      tpu.wait_indirect_dma semaphore(%arg15 : memref<!tpu.dma_semaphore, #tpu.memory_space<semaphore_mem>>) src(%arg11 : memref<80x128xf32, #tpu.memory_space<vmem>>) dst(%dma_wait3A_74 : memref<10240x128xf32, #tpu.memory_space<vmem_shared>>)
    } else {
    }
    %eq3A_3 = arith.constant 1 : i32
    %eq3A_4 = arith.cmpi eq, %arg0, %eq3A_3 : i32
    %convert_element_type3A_5 = arith.extui %eq3A_4 : i1 to i32
    %cond3A_6 = arith.constant 0 : i32
    %cond3A_7 = arith.cmpi ne, %convert_element_type3A_5, %cond3A_6 : i32
    scf.if %cond3A_7 {
      %mul3A_19 = arith.constant 10000 : i32
      %mul3A_20 = arith.muli %arg1, %mul3A_19 : i32
      "tpu.region"() ({
        %run_scoped3A = tpu.sem_alloc : memref<!tpu.dma_semaphore, #tpu.memory_space<semaphore_mem>>
        %dma_start3A_75 = arith.constant 0 : i32
        %dma_start3A_76 = arith.constant 0 : i32
        %dma_start3A_77 = tpu.memref_slice %arg5[%arg1, %dma_start3A_75, %dma_start3A_76] : memref<16x125x80xi32, #tpu.memory_space<hbm>> -> memref<1x125x80xi32, #tpu.memory_space<hbm>>
        %dma_start3A_78 = tpu.memref_squeeze %dma_start3A_77 : memref<1x125x80xi32, #tpu.memory_space<hbm>> -> memref<125x80xi32, #tpu.memory_space<hbm>>
        %dma_start3A_79 = arith.constant 0 : i32
        %dma_start3A_80 = arith.constant 0 : i32
        %dma_start3A_81 = tpu.memref_slice %arg5[%arg1, %dma_start3A_79, %dma_start3A_80] : memref<16x125x80xi32, #tpu.memory_space<hbm>> -> memref<1x125x80xi32, #tpu.memory_space<hbm>>
        %dma_start3A_82 = tpu.memref_squeeze %dma_start3A_81 : memref<1x125x80xi32, #tpu.memory_space<hbm>> -> memref<125x80xi32, #tpu.memory_space<hbm>>
        tpu.enqueue_dma source(%dma_start3A_82 : memref<125x80xi32, #tpu.memory_space<hbm>>) target(%arg9 : memref<125x80xi32, #tpu.memory_space<vmem>>) target_semaphore(%run_scoped3A : memref<!tpu.dma_semaphore, #tpu.memory_space<semaphore_mem>>)
        %dma_wait3A_83 = arith.constant 0 : i32
        %dma_wait3A_84 = arith.constant 0 : i32
        %dma_wait3A_85 = tpu.memref_slice %arg5[%arg1, %dma_wait3A_83, %dma_wait3A_84] : memref<16x125x80xi32, #tpu.memory_space<hbm>> -> memref<1x125x80xi32, #tpu.memory_space<hbm>>
        %dma_wait3A_86 = tpu.memref_squeeze %dma_wait3A_85 : memref<1x125x80xi32, #tpu.memory_space<hbm>> -> memref<125x80xi32, #tpu.memory_space<hbm>>
        %dma_wait3A_87 = arith.constant 0 : i32
        %dma_wait3A_88 = arith.constant 0 : i32
        %dma_wait3A_89 = tpu.memref_slice %arg5[%arg1, %dma_wait3A_87, %dma_wait3A_88] : memref<16x125x80xi32, #tpu.memory_space<hbm>> -> memref<1x125x80xi32, #tpu.memory_space<hbm>>
        %dma_wait3A_90 = tpu.memref_squeeze %dma_wait3A_89 : memref<1x125x80xi32, #tpu.memory_space<hbm>> -> memref<125x80xi32, #tpu.memory_space<hbm>>
        tpu.wait_dma2 semaphore(%run_scoped3A : memref<!tpu.dma_semaphore, #tpu.memory_space<semaphore_mem>>) src(%dma_wait3A_90 : memref<125x80xi32, #tpu.memory_space<hbm>>) dst(%arg9 : memref<125x80xi32, #tpu.memory_space<vmem>>)
        tpu.yield
      }) : () -> ()
      %add3A = arith.constant 0 : i32
      %add3A_21 = arith.addi %mul3A_20, %add3A : i32
      %dma_start3A = arith.constant 0 : i32
      %dma_start3A_22 = tpu.memref_slice %arg4[%add3A_21, %dma_start3A] : memref<160000x128xf32, #tpu.memory_space<hbm>> -> memref<80x128xf32, #tpu.memory_space<hbm>>
      %dma_start3A_23 = arith.constant 0 : i32
      %dma_start3A_24 = tpu.memref_slice %arg4[%add3A_21, %dma_start3A_23] : memref<160000x128xf32, #tpu.memory_space<hbm>> -> memref<80x128xf32, #tpu.memory_space<hbm>>
      tpu.enqueue_dma source(%dma_start3A_24 : memref<80x128xf32, #tpu.memory_space<hbm>>) target(%arg11 : memref<80x128xf32, #tpu.memory_space<vmem>>) target_semaphore(%arg13 : memref<!tpu.dma_semaphore, #tpu.memory_space<semaphore_mem>>)
      %add3A_25 = arith.constant 80 : i32
      %add3A_26 = arith.addi %mul3A_20, %add3A_25 : i32
      %dma_start3A_27 = arith.constant 0 : i32
      %dma_start3A_28 = tpu.memref_slice %arg4[%add3A_26, %dma_start3A_27] : memref<160000x128xf32, #tpu.memory_space<hbm>> -> memref<80x128xf32, #tpu.memory_space<hbm>>
      %dma_start3A_29 = arith.constant 0 : i32
      %dma_start3A_30 = tpu.memref_slice %arg4[%add3A_26, %dma_start3A_29] : memref<160000x128xf32, #tpu.memory_space<hbm>> -> memref<80x128xf32, #tpu.memory_space<hbm>>
      tpu.enqueue_dma source(%dma_start3A_30 : memref<80x128xf32, #tpu.memory_space<hbm>>) target(%arg12 : memref<80x128xf32, #tpu.memory_space<vmem>>) target_semaphore(%arg14 : memref<!tpu.dma_semaphore, #tpu.memory_space<semaphore_mem>>)
      %scan3A = arith.constant 0 : i32
      %scan3A_31 = arith.constant 0 : i32
      %scan3A_32 = arith.constant 62 : i32
      %scan3A_33 = arith.addi %scan3A_31, %scan3A_32 : i32
      %scan3A_34 = arith.constant 1 : i32
      scf.for %scan3A_75 = %scan3A_31 to %scan3A_33 step %scan3A_34  : i32 {
        %mul3A_76 = arith.constant 2 : i32
        %mul3A_77 = arith.muli %scan3A_75, %mul3A_76 : i32
        %add3A_78 = arith.constant 0 : i32
        %add3A_79 = arith.addi %mul3A_77, %add3A_78 : i32
        %dma_wait3A_80 = arith.constant 0 : i32
        %dma_wait3A_81 = arith.constant 0 : i32
        %dma_wait3A_82 = tpu.memref_slice %arg4[%dma_wait3A_80, %dma_wait3A_81] : memref<160000x128xf32, #tpu.memory_space<hbm>> -> memref<80x128xf32, #tpu.memory_space<hbm>>
        %dma_wait3A_83 = arith.constant 0 : i32
        %dma_wait3A_84 = arith.constant 0 : i32
        %dma_wait3A_85 = tpu.memref_slice %arg4[%dma_wait3A_83, %dma_wait3A_84] : memref<160000x128xf32, #tpu.memory_space<hbm>> -> memref<80x128xf32, #tpu.memory_space<hbm>>
        tpu.wait_dma2 semaphore(%arg13 : memref<!tpu.dma_semaphore, #tpu.memory_space<semaphore_mem>>) src(%dma_wait3A_85 : memref<80x128xf32, #tpu.memory_space<hbm>>) dst(%arg11 : memref<80x128xf32, #tpu.memory_space<vmem>>)
        %dma_start3A_86 = arith.constant 0 : i32
        %dma_start3A_87 = tpu.memref_slice %arg9[%add3A_79, %dma_start3A_86] : memref<125x80xi32, #tpu.memory_space<vmem>> -> memref<1x80xi32, #tpu.memory_space<vmem>>
        %dma_start3A_88 = tpu.memref_squeeze %dma_start3A_87 : memref<1x80xi32, #tpu.memory_space<vmem>> -> memref<80xi32, #tpu.memory_space<vmem>>
        %dma_start3A_89 = arith.constant 0 : i32
        %dma_start3A_90 = arith.constant 0 : i32
        %dma_start3A_91 = tpu.memref_slice %arg10[%dma_start3A_89, %dma_start3A_90] : memref<10240x128xf32, #tpu.memory_space<vmem_shared>> -> memref<10240x128xf32, #tpu.memory_space<vmem_shared>>
        tpu.enqueue_indirect_dma source(%arg11 : memref<80x128xf32, #tpu.memory_space<vmem>>) target(%dma_start3A_91 : memref<10240x128xf32, #tpu.memory_space<vmem_shared>>) offsets(%dma_start3A_88 : memref<80xi32, #tpu.memory_space<vmem>>) semaphore(%arg15 : memref<!tpu.dma_semaphore, #tpu.memory_space<semaphore_mem>>) {add = true}
        %mul3A_92 = arith.constant 2 : i32
        %mul3A_93 = arith.muli %scan3A_75, %mul3A_92 : i32
        %add3A_94 = arith.constant 1 : i32
        %add3A_95 = arith.addi %mul3A_93, %add3A_94 : i32
        %dma_wait3A_96 = arith.constant 0 : i32
        %dma_wait3A_97 = arith.constant 0 : i32
        %dma_wait3A_98 = tpu.memref_slice %arg4[%dma_wait3A_96, %dma_wait3A_97] : memref<160000x128xf32, #tpu.memory_space<hbm>> -> memref<80x128xf32, #tpu.memory_space<hbm>>
        %dma_wait3A_99 = arith.constant 0 : i32
        %dma_wait3A_100 = arith.constant 0 : i32
        %dma_wait3A_101 = tpu.memref_slice %arg4[%dma_wait3A_99, %dma_wait3A_100] : memref<160000x128xf32, #tpu.memory_space<hbm>> -> memref<80x128xf32, #tpu.memory_space<hbm>>
        tpu.wait_dma2 semaphore(%arg14 : memref<!tpu.dma_semaphore, #tpu.memory_space<semaphore_mem>>) src(%dma_wait3A_101 : memref<80x128xf32, #tpu.memory_space<hbm>>) dst(%arg12 : memref<80x128xf32, #tpu.memory_space<vmem>>)
        %dma_start3A_102 = arith.constant 0 : i32
        %dma_start3A_103 = tpu.memref_slice %arg9[%add3A_95, %dma_start3A_102] : memref<125x80xi32, #tpu.memory_space<vmem>> -> memref<1x80xi32, #tpu.memory_space<vmem>>
        %dma_start3A_104 = tpu.memref_squeeze %dma_start3A_103 : memref<1x80xi32, #tpu.memory_space<vmem>> -> memref<80xi32, #tpu.memory_space<vmem>>
        %dma_start3A_105 = arith.constant 0 : i32
        %dma_start3A_106 = arith.constant 0 : i32
        %dma_start3A_107 = tpu.memref_slice %arg10[%dma_start3A_105, %dma_start3A_106] : memref<10240x128xf32, #tpu.memory_space<vmem_shared>> -> memref<10240x128xf32, #tpu.memory_space<vmem_shared>>
        tpu.enqueue_indirect_dma source(%arg12 : memref<80x128xf32, #tpu.memory_space<vmem>>) target(%dma_start3A_107 : memref<10240x128xf32, #tpu.memory_space<vmem_shared>>) offsets(%dma_start3A_104 : memref<80xi32, #tpu.memory_space<vmem>>) semaphore(%arg16 : memref<!tpu.dma_semaphore, #tpu.memory_space<semaphore_mem>>) {add = true}
        %lt3A = arith.constant 61 : i32
        %lt3A_108 = arith.cmpi slt, %scan3A_75, %lt3A : i32
        %convert_element_type3A_109 = arith.extui %lt3A_108 : i1 to i32
        %cond3A_110 = arith.constant 0 : i32
        %cond3A_111 = arith.cmpi ne, %convert_element_type3A_109, %cond3A_110 : i32
        scf.if %cond3A_111 {
          %add3A_112 = arith.constant 1 : i32
          %add3A_113 = arith.addi %scan3A_75, %add3A_112 : i32
          %mul3A_114 = arith.constant 2 : i32
          %mul3A_115 = arith.muli %add3A_113, %mul3A_114 : i32
          %add3A_116 = arith.constant 0 : i32
          %add3A_117 = arith.addi %mul3A_115, %add3A_116 : i32
          %dma_wait3A_118 = arith.constant 0 : i32
          %dma_wait3A_119 = arith.constant 0 : i32
          %dma_wait3A_120 = tpu.memref_slice %arg9[%dma_wait3A_118, %dma_wait3A_119] : memref<125x80xi32, #tpu.memory_space<vmem>> -> memref<1x80xi32, #tpu.memory_space<vmem>>
          %dma_wait3A_121 = tpu.memref_squeeze %dma_wait3A_120 : memref<1x80xi32, #tpu.memory_space<vmem>> -> memref<80xi32, #tpu.memory_space<vmem>>
          %dma_wait3A_122 = arith.constant 0 : i32
          %dma_wait3A_123 = arith.constant 0 : i32
          %dma_wait3A_124 = tpu.memref_slice %arg10[%dma_wait3A_122, %dma_wait3A_123] : memref<10240x128xf32, #tpu.memory_space<vmem_shared>> -> memref<10240x128xf32, #tpu.memory_space<vmem_shared>>
          tpu.wait_indirect_dma semaphore(%arg15 : memref<!tpu.dma_semaphore, #tpu.memory_space<semaphore_mem>>) src(%arg11 : memref<80x128xf32, #tpu.memory_space<vmem>>) dst(%dma_wait3A_124 : memref<10240x128xf32, #tpu.memory_space<vmem_shared>>)
          %mul3A_125 = arith.constant 80 : i32
          %mul3A_126 = arith.muli %add3A_117, %mul3A_125 : i32
          %add3A_127 = arith.addi %mul3A_20, %mul3A_126 : i32
          %dma_start3A_128 = arith.constant 0 : i32
          %dma_start3A_129 = tpu.memref_slice %arg4[%add3A_127, %dma_start3A_128] : memref<160000x128xf32, #tpu.memory_space<hbm>> -> memref<80x128xf32, #tpu.memory_space<hbm>>
          %dma_start3A_130 = arith.constant 0 : i32
          %dma_start3A_131 = tpu.memref_slice %arg4[%add3A_127, %dma_start3A_130] : memref<160000x128xf32, #tpu.memory_space<hbm>> -> memref<80x128xf32, #tpu.memory_space<hbm>>
          tpu.enqueue_dma source(%dma_start3A_131 : memref<80x128xf32, #tpu.memory_space<hbm>>) target(%arg11 : memref<80x128xf32, #tpu.memory_space<vmem>>) target_semaphore(%arg13 : memref<!tpu.dma_semaphore, #tpu.memory_space<semaphore_mem>>)
          %add3A_132 = arith.constant 1 : i32
          %add3A_133 = arith.addi %scan3A_75, %add3A_132 : i32
          %mul3A_134 = arith.constant 2 : i32
          %mul3A_135 = arith.muli %add3A_133, %mul3A_134 : i32
          %add3A_136 = arith.constant 1 : i32
          %add3A_137 = arith.addi %mul3A_135, %add3A_136 : i32
          %dma_wait3A_138 = arith.constant 0 : i32
          %dma_wait3A_139 = arith.constant 0 : i32
          %dma_wait3A_140 = tpu.memref_slice %arg9[%dma_wait3A_138, %dma_wait3A_139] : memref<125x80xi32, #tpu.memory_space<vmem>> -> memref<1x80xi32, #tpu.memory_space<vmem>>
          %dma_wait3A_141 = tpu.memref_squeeze %dma_wait3A_140 : memref<1x80xi32, #tpu.memory_space<vmem>> -> memref<80xi32, #tpu.memory_space<vmem>>
          %dma_wait3A_142 = arith.constant 0 : i32
          %dma_wait3A_143 = arith.constant 0 : i32
          %dma_wait3A_144 = tpu.memref_slice %arg10[%dma_wait3A_142, %dma_wait3A_143] : memref<10240x128xf32, #tpu.memory_space<vmem_shared>> -> memref<10240x128xf32, #tpu.memory_space<vmem_shared>>
          tpu.wait_indirect_dma semaphore(%arg16 : memref<!tpu.dma_semaphore, #tpu.memory_space<semaphore_mem>>) src(%arg12 : memref<80x128xf32, #tpu.memory_space<vmem>>) dst(%dma_wait3A_144 : memref<10240x128xf32, #tpu.memory_space<vmem_shared>>)
          %mul3A_145 = arith.constant 80 : i32
          %mul3A_146 = arith.muli %add3A_137, %mul3A_145 : i32
          %add3A_147 = arith.addi %mul3A_20, %mul3A_146 : i32
          %dma_start3A_148 = arith.constant 0 : i32
          %dma_start3A_149 = tpu.memref_slice %arg4[%add3A_147, %dma_start3A_148] : memref<160000x128xf32, #tpu.memory_space<hbm>> -> memref<80x128xf32, #tpu.memory_space<hbm>>
          %dma_start3A_150 = arith.constant 0 : i32
          %dma_start3A_151 = tpu.memref_slice %arg4[%add3A_147, %dma_start3A_150] : memref<160000x128xf32, #tpu.memory_space<hbm>> -> memref<80x128xf32, #tpu.memory_space<hbm>>
          tpu.enqueue_dma source(%dma_start3A_151 : memref<80x128xf32, #tpu.memory_space<hbm>>) target(%arg12 : memref<80x128xf32, #tpu.memory_space<vmem>>) target_semaphore(%arg14 : memref<!tpu.dma_semaphore, #tpu.memory_space<semaphore_mem>>)
        } else {
        }
      }
      %scan3A_35 = arith.constant 62 : i32
      %dma_wait3A = arith.constant 0 : i32
      %dma_wait3A_36 = arith.constant 0 : i32
      %dma_wait3A_37 = tpu.memref_slice %arg9[%dma_wait3A, %dma_wait3A_36] : memref<125x80xi32, #tpu.memory_space<vmem>> -> memref<1x80xi32, #tpu.memory_space<vmem>>
      %dma_wait3A_38 = tpu.memref_squeeze %dma_wait3A_37 : memref<1x80xi32, #tpu.memory_space<vmem>> -> memref<80xi32, #tpu.memory_space<vmem>>
      %dma_wait3A_39 = arith.constant 0 : i32
      %dma_wait3A_40 = arith.constant 0 : i32
      %dma_wait3A_41 = tpu.memref_slice %arg10[%dma_wait3A_39, %dma_wait3A_40] : memref<10240x128xf32, #tpu.memory_space<vmem_shared>> -> memref<10240x128xf32, #tpu.memory_space<vmem_shared>>
      tpu.wait_indirect_dma semaphore(%arg15 : memref<!tpu.dma_semaphore, #tpu.memory_space<semaphore_mem>>) src(%arg11 : memref<80x128xf32, #tpu.memory_space<vmem>>) dst(%dma_wait3A_41 : memref<10240x128xf32, #tpu.memory_space<vmem_shared>>)
      %dma_wait3A_42 = arith.constant 0 : i32
      %dma_wait3A_43 = arith.constant 0 : i32
      %dma_wait3A_44 = tpu.memref_slice %arg9[%dma_wait3A_42, %dma_wait3A_43] : memref<125x80xi32, #tpu.memory_space<vmem>> -> memref<1x80xi32, #tpu.memory_space<vmem>>
      %dma_wait3A_45 = tpu.memref_squeeze %dma_wait3A_44 : memref<1x80xi32, #tpu.memory_space<vmem>> -> memref<80xi32, #tpu.memory_space<vmem>>
      %dma_wait3A_46 = arith.constant 0 : i32
      %dma_wait3A_47 = arith.constant 0 : i32
      %dma_wait3A_48 = tpu.memref_slice %arg10[%dma_wait3A_46, %dma_wait3A_47] : memref<10240x128xf32, #tpu.memory_space<vmem_shared>> -> memref<10240x128xf32, #tpu.memory_space<vmem_shared>>
      tpu.wait_indirect_dma semaphore(%arg16 : memref<!tpu.dma_semaphore, #tpu.memory_space<semaphore_mem>>) src(%arg12 : memref<80x128xf32, #tpu.memory_space<vmem>>) dst(%dma_wait3A_48 : memref<10240x128xf32, #tpu.memory_space<vmem_shared>>)
      %add3A_49 = arith.constant 9920 : i32
      %add3A_50 = arith.addi %mul3A_20, %add3A_49 : i32
      %dma_start3A_51 = arith.constant 0 : i32
      %dma_start3A_52 = tpu.memref_slice %arg4[%add3A_50, %dma_start3A_51] : memref<160000x128xf32, #tpu.memory_space<hbm>> -> memref<80x128xf32, #tpu.memory_space<hbm>>
      %dma_start3A_53 = arith.constant 0 : i32
      %dma_start3A_54 = tpu.memref_slice %arg4[%add3A_50, %dma_start3A_53] : memref<160000x128xf32, #tpu.memory_space<hbm>> -> memref<80x128xf32, #tpu.memory_space<hbm>>
      tpu.enqueue_dma source(%dma_start3A_54 : memref<80x128xf32, #tpu.memory_space<hbm>>) target(%arg11 : memref<80x128xf32, #tpu.memory_space<vmem>>) target_semaphore(%arg13 : memref<!tpu.dma_semaphore, #tpu.memory_space<semaphore_mem>>)
      %dma_wait3A_55 = arith.constant 0 : i32
      %dma_wait3A_56 = arith.constant 0 : i32
      %dma_wait3A_57 = tpu.memref_slice %arg4[%dma_wait3A_55, %dma_wait3A_56] : memref<160000x128xf32, #tpu.memory_space<hbm>> -> memref<80x128xf32, #tpu.memory_space<hbm>>
      %dma_wait3A_58 = arith.constant 0 : i32
      %dma_wait3A_59 = arith.constant 0 : i32
      %dma_wait3A_60 = tpu.memref_slice %arg4[%dma_wait3A_58, %dma_wait3A_59] : memref<160000x128xf32, #tpu.memory_space<hbm>> -> memref<80x128xf32, #tpu.memory_space<hbm>>
      tpu.wait_dma2 semaphore(%arg13 : memref<!tpu.dma_semaphore, #tpu.memory_space<semaphore_mem>>) src(%dma_wait3A_60 : memref<80x128xf32, #tpu.memory_space<hbm>>) dst(%arg11 : memref<80x128xf32, #tpu.memory_space<vmem>>)
      %dma_start3A_61 = arith.constant 124 : i32
      %dma_start3A_62 = arith.constant 0 : i32
      %dma_start3A_63 = tpu.memref_slice %arg9[%dma_start3A_61, %dma_start3A_62] : memref<125x80xi32, #tpu.memory_space<vmem>> -> memref<1x80xi32, #tpu.memory_space<vmem>>
      %dma_start3A_64 = tpu.memref_squeeze %dma_start3A_63 : memref<1x80xi32, #tpu.memory_space<vmem>> -> memref<80xi32, #tpu.memory_space<vmem>>
      %dma_start3A_65 = arith.constant 0 : i32
      %dma_start3A_66 = arith.constant 0 : i32
      %dma_start3A_67 = tpu.memref_slice %arg10[%dma_start3A_65, %dma_start3A_66] : memref<10240x128xf32, #tpu.memory_space<vmem_shared>> -> memref<10240x128xf32, #tpu.memory_space<vmem_shared>>
      tpu.enqueue_indirect_dma source(%arg11 : memref<80x128xf32, #tpu.memory_space<vmem>>) target(%dma_start3A_67 : memref<10240x128xf32, #tpu.memory_space<vmem_shared>>) offsets(%dma_start3A_64 : memref<80xi32, #tpu.memory_space<vmem>>) semaphore(%arg15 : memref<!tpu.dma_semaphore, #tpu.memory_space<semaphore_mem>>) {add = true}
      %dma_wait3A_68 = arith.constant 0 : i32
      %dma_wait3A_69 = arith.constant 0 : i32
      %dma_wait3A_70 = tpu.memref_slice %arg9[%dma_wait3A_68, %dma_wait3A_69] : memref<125x80xi32, #tpu.memory_space<vmem>> -> memref<1x80xi32, #tpu.memory_space<vmem>>
      %dma_wait3A_71 = tpu.memref_squeeze %dma_wait3A_70 : memref<1x80xi32, #tpu.memory_space<vmem>> -> memref<80xi32, #tpu.memory_space<vmem>>
      %dma_wait3A_72 = arith.constant 0 : i32
      %dma_wait3A_73 = arith.constant 0 : i32
      %dma_wait3A_74 = tpu.memref_slice %arg10[%dma_wait3A_72, %dma_wait3A_73] : memref<10240x128xf32, #tpu.memory_space<vmem_shared>> -> memref<10240x128xf32, #tpu.memory_space<vmem_shared>>
      tpu.wait_indirect_dma semaphore(%arg15 : memref<!tpu.dma_semaphore, #tpu.memory_space<semaphore_mem>>) src(%arg11 : memref<80x128xf32, #tpu.memory_space<vmem>>) dst(%dma_wait3A_74 : memref<10240x128xf32, #tpu.memory_space<vmem_shared>>)
    } else {
    }
    %barrier3A_8 = arith.constant 0 : index
    tpu.barrier barrier_id(%barrier3A_8)
    %eq3A_9 = arith.constant 0 : i32
    %eq3A_10 = arith.cmpi eq, %arg0, %eq3A_9 : i32
    %convert_element_type3A_11 = arith.extui %eq3A_10 : i1 to i32
    %cond3A_12 = arith.constant 0 : i32
    %cond3A_13 = arith.cmpi ne, %convert_element_type3A_11, %cond3A_12 : i32
    scf.if %cond3A_13 {
      "tpu.region"() ({
        %run_scoped3A = tpu.sem_alloc : memref<!tpu.dma_semaphore, #tpu.memory_space<semaphore_mem>>
        %dma_start3A = arith.constant 0 : i32
        %dma_start3A_19 = tpu.memref_slice %arg7[%mul3A_0, %dma_start3A] : memref<10240x128xf32, #tpu.memory_space<hbm>> -> memref<640x128xf32, #tpu.memory_space<hbm>>
        %dma_start3A_20 = arith.constant 0 : i32
        %dma_start3A_21 = tpu.memref_slice %arg10[%mul3A_0, %dma_start3A_20] : memref<10240x128xf32, #tpu.memory_space<vmem_shared>> -> memref<640x128xf32, #tpu.memory_space<vmem_shared>>
        tpu.enqueue_dma source(%dma_start3A_21 : memref<640x128xf32, #tpu.memory_space<vmem_shared>>) target(%dma_start3A_19 : memref<640x128xf32, #tpu.memory_space<hbm>>) target_semaphore(%run_scoped3A : memref<!tpu.dma_semaphore, #tpu.memory_space<semaphore_mem>>)
        %dma_wait3A = arith.constant 0 : i32
        %dma_wait3A_22 = tpu.memref_slice %arg7[%mul3A_0, %dma_wait3A] : memref<10240x128xf32, #tpu.memory_space<hbm>> -> memref<640x128xf32, #tpu.memory_space<hbm>>
        %dma_wait3A_23 = arith.constant 0 : i32
        %dma_wait3A_24 = tpu.memref_slice %arg10[%mul3A_0, %dma_wait3A_23] : memref<10240x128xf32, #tpu.memory_space<vmem_shared>> -> memref<640x128xf32, #tpu.memory_space<vmem_shared>>
        tpu.wait_dma2 semaphore(%run_scoped3A : memref<!tpu.dma_semaphore, #tpu.memory_space<semaphore_mem>>) src(%dma_wait3A_24 : memref<640x128xf32, #tpu.memory_space<vmem_shared>>) dst(%dma_wait3A_22 : memref<640x128xf32, #tpu.memory_space<hbm>>)
        tpu.yield
      }) : () -> ()
    } else {
    }
    %eq3A_14 = arith.constant 1 : i32
    %eq3A_15 = arith.cmpi eq, %arg0, %eq3A_14 : i32
    %convert_element_type3A_16 = arith.extui %eq3A_15 : i1 to i32
    %cond3A_17 = arith.constant 0 : i32
    %cond3A_18 = arith.cmpi ne, %convert_element_type3A_16, %cond3A_17 : i32
    scf.if %cond3A_18 {
      "tpu.region"() ({
        %run_scoped3A = tpu.sem_alloc : memref<!tpu.dma_semaphore, #tpu.memory_space<semaphore_mem>>
        %dma_start3A = arith.constant 0 : i32
        %dma_start3A_19 = tpu.memref_slice %arg8[%mul3A_0, %dma_start3A] : memref<10240x128xf32, #tpu.memory_space<hbm>> -> memref<640x128xf32, #tpu.memory_space<hbm>>
        %dma_start3A_20 = arith.constant 0 : i32
        %dma_start3A_21 = tpu.memref_slice %arg10[%mul3A_0, %dma_start3A_20] : memref<10240x128xf32, #tpu.memory_space<vmem_shared>> -> memref<640x128xf32, #tpu.memory_space<vmem_shared>>
        tpu.enqueue_dma source(%dma_start3A_21 : memref<640x128xf32, #tpu.memory_space<vmem_shared>>) target(%dma_start3A_19 : memref<640x128xf32, #tpu.memory_space<hbm>>) target_semaphore(%run_scoped3A : memref<!tpu.dma_semaphore, #tpu.memory_space<semaphore_mem>>)
        %dma_wait3A = arith.constant 0 : i32
        %dma_wait3A_22 = tpu.memref_slice %arg8[%mul3A_0, %dma_wait3A] : memref<10240x128xf32, #tpu.memory_space<hbm>> -> memref<640x128xf32, #tpu.memory_space<hbm>>
        %dma_wait3A_23 = arith.constant 0 : i32
        %dma_wait3A_24 = tpu.memref_slice %arg10[%mul3A_0, %dma_wait3A_23] : memref<10240x128xf32, #tpu.memory_space<vmem_shared>> -> memref<640x128xf32, #tpu.memory_space<vmem_shared>>
        tpu.wait_dma2 semaphore(%run_scoped3A : memref<!tpu.dma_semaphore, #tpu.memory_space<semaphore_mem>>) src(%dma_wait3A_24 : memref<640x128xf32, #tpu.memory_space<vmem_shared>>) dst(%dma_wait3A_22 : memref<640x128xf32, #tpu.memory_space<hbm>>)
        tpu.yield
      }) : () -> ()
    } else {
    }
    return
  }
}

#map = affine_map<(d0, d1) -> (0, 0)>
#map1 = affine_map<(d0, d1) -> (0, 0, 0)>
module attributes {stable_mosaic.version = 14 : i64} {
  func.func @gk(%arg0: i32, %arg1: i32, %arg2: memref<10240x128xf32, #tpu.memory_space<hbm>>, %arg3: memref<10240x128xf32, #tpu.memory_space<hbm>>, %arg4: memref<16x125x80xi32, #tpu.memory_space<hbm>>, %arg5: memref<16x125x80xi32, #tpu.memory_space<hbm>>, %arg6: memref<160000x128xf32, #tpu.memory_space<hbm>>, %arg7: memref<160000x128xf32, #tpu.memory_space<hbm>>, %arg8: memref<125x80xi32, #tpu.memory_space<vmem>>, %arg9: memref<10240x128xf32, #tpu.memory_space<vmem_shared>>, %arg10: memref<80x128xf32, #tpu.memory_space<vmem>>, %arg11: memref<80x128xf32, #tpu.memory_space<vmem>>, %arg12: memref<!tpu.dma_semaphore, #tpu.memory_space<semaphore_mem>>, %arg13: memref<!tpu.dma_semaphore, #tpu.memory_space<semaphore_mem>>, %arg14: memref<!tpu.dma_semaphore, #tpu.memory_space<semaphore_mem>>, %arg15: memref<!tpu.dma_semaphore, #tpu.memory_space<semaphore_mem>>) attributes {dimension_semantics = [#tpu.dimension_semantics<core_parallel>, #tpu.dimension_semantics<subcore_parallel>], iteration_bounds = array<i64: 2, 16>, scalar_prefetch = 0 : i64, scratch_operands = 8 : i64, tpu.core_type = #tpu.core_type<sc_vector_subcore>, window_params = [{transform_indices = #map}, {transform_indices = #map}, {transform_indices = #map1}, {transform_indices = #map1}, {transform_indices = #map}, {transform_indices = #map}]} {
    %mul3A = arith.constant 640 : i32
    %mul3A_0 = arith.muli %arg1, %mul3A : i32
    %eq3A = arith.constant 0 : i32
    %eq3A_1 = arith.cmpi eq, %arg0, %eq3A : i32
    %convert_element_type3A = arith.extui %eq3A_1 : i1 to i32
    %cond3A = arith.constant 0 : i32
    %cond3A_2 = arith.cmpi ne, %convert_element_type3A, %cond3A : i32
    scf.if %cond3A_2 {
      "tpu.region"() ({
        %run_scoped3A = tpu.sem_alloc : memref<!tpu.dma_semaphore, #tpu.memory_space<semaphore_mem>>
        %dma_start3A = arith.constant 0 : i32
        %dma_start3A_18 = tpu.memref_slice %arg9[%mul3A_0, %dma_start3A] : memref<10240x128xf32, #tpu.memory_space<vmem_shared>> -> memref<640x128xf32, #tpu.memory_space<vmem_shared>>
        %dma_start3A_19 = arith.constant 0 : i32
        %dma_start3A_20 = tpu.memref_slice %arg2[%mul3A_0, %dma_start3A_19] : memref<10240x128xf32, #tpu.memory_space<hbm>> -> memref<640x128xf32, #tpu.memory_space<hbm>>
        tpu.enqueue_dma source(%dma_start3A_20 : memref<640x128xf32, #tpu.memory_space<hbm>>) target(%dma_start3A_18 : memref<640x128xf32, #tpu.memory_space<vmem_shared>>) target_semaphore(%run_scoped3A : memref<!tpu.dma_semaphore, #tpu.memory_space<semaphore_mem>>)
        %dma_wait3A = arith.constant 0 : i32
        %dma_wait3A_21 = tpu.memref_slice %arg9[%mul3A_0, %dma_wait3A] : memref<10240x128xf32, #tpu.memory_space<vmem_shared>> -> memref<640x128xf32, #tpu.memory_space<vmem_shared>>
        %dma_wait3A_22 = arith.constant 0 : i32
        %dma_wait3A_23 = tpu.memref_slice %arg2[%mul3A_0, %dma_wait3A_22] : memref<10240x128xf32, #tpu.memory_space<hbm>> -> memref<640x128xf32, #tpu.memory_space<hbm>>
        tpu.wait_dma2 semaphore(%run_scoped3A : memref<!tpu.dma_semaphore, #tpu.memory_space<semaphore_mem>>) src(%dma_wait3A_23 : memref<640x128xf32, #tpu.memory_space<hbm>>) dst(%dma_wait3A_21 : memref<640x128xf32, #tpu.memory_space<vmem_shared>>)
        tpu.yield
      }) : () -> ()
    } else {
    }
    %eq3A_3 = arith.constant 1 : i32
    %eq3A_4 = arith.cmpi eq, %arg0, %eq3A_3 : i32
    %convert_element_type3A_5 = arith.extui %eq3A_4 : i1 to i32
    %cond3A_6 = arith.constant 0 : i32
    %cond3A_7 = arith.cmpi ne, %convert_element_type3A_5, %cond3A_6 : i32
    scf.if %cond3A_7 {
      "tpu.region"() ({
        %run_scoped3A = tpu.sem_alloc : memref<!tpu.dma_semaphore, #tpu.memory_space<semaphore_mem>>
        %dma_start3A = arith.constant 0 : i32
        %dma_start3A_18 = tpu.memref_slice %arg9[%mul3A_0, %dma_start3A] : memref<10240x128xf32, #tpu.memory_space<vmem_shared>> -> memref<640x128xf32, #tpu.memory_space<vmem_shared>>
        %dma_start3A_19 = arith.constant 0 : i32
        %dma_start3A_20 = tpu.memref_slice %arg3[%mul3A_0, %dma_start3A_19] : memref<10240x128xf32, #tpu.memory_space<hbm>> -> memref<640x128xf32, #tpu.memory_space<hbm>>
        tpu.enqueue_dma source(%dma_start3A_20 : memref<640x128xf32, #tpu.memory_space<hbm>>) target(%dma_start3A_18 : memref<640x128xf32, #tpu.memory_space<vmem_shared>>) target_semaphore(%run_scoped3A : memref<!tpu.dma_semaphore, #tpu.memory_space<semaphore_mem>>)
        %dma_wait3A = arith.constant 0 : i32
        %dma_wait3A_21 = tpu.memref_slice %arg9[%mul3A_0, %dma_wait3A] : memref<10240x128xf32, #tpu.memory_space<vmem_shared>> -> memref<640x128xf32, #tpu.memory_space<vmem_shared>>
        %dma_wait3A_22 = arith.constant 0 : i32
        %dma_wait3A_23 = tpu.memref_slice %arg3[%mul3A_0, %dma_wait3A_22] : memref<10240x128xf32, #tpu.memory_space<hbm>> -> memref<640x128xf32, #tpu.memory_space<hbm>>
        tpu.wait_dma2 semaphore(%run_scoped3A : memref<!tpu.dma_semaphore, #tpu.memory_space<semaphore_mem>>) src(%dma_wait3A_23 : memref<640x128xf32, #tpu.memory_space<hbm>>) dst(%dma_wait3A_21 : memref<640x128xf32, #tpu.memory_space<vmem_shared>>)
        tpu.yield
      }) : () -> ()
    } else {
    }
    %barrier3A = arith.constant 0 : index
    tpu.barrier barrier_id(%barrier3A)
    %eq3A_8 = arith.constant 0 : i32
    %eq3A_9 = arith.cmpi eq, %arg0, %eq3A_8 : i32
    %convert_element_type3A_10 = arith.extui %eq3A_9 : i1 to i32
    %cond3A_11 = arith.constant 0 : i32
    %cond3A_12 = arith.cmpi ne, %convert_element_type3A_10, %cond3A_11 : i32
    scf.if %cond3A_12 {
      %mul3A_18 = arith.constant 10000 : i32
      %mul3A_19 = arith.muli %arg1, %mul3A_18 : i32
      "tpu.region"() ({
        %run_scoped3A = tpu.sem_alloc : memref<!tpu.dma_semaphore, #tpu.memory_space<semaphore_mem>>
        %dma_start3A_74 = arith.constant 0 : i32
        %dma_start3A_75 = arith.constant 0 : i32
        %dma_start3A_76 = tpu.memref_slice %arg4[%arg1, %dma_start3A_74, %dma_start3A_75] : memref<16x125x80xi32, #tpu.memory_space<hbm>> -> memref<1x125x80xi32, #tpu.memory_space<hbm>>
        %dma_start3A_77 = tpu.memref_squeeze %dma_start3A_76 : memref<1x125x80xi32, #tpu.memory_space<hbm>> -> memref<125x80xi32, #tpu.memory_space<hbm>>
        %dma_start3A_78 = arith.constant 0 : i32
        %dma_start3A_79 = arith.constant 0 : i32
        %dma_start3A_80 = tpu.memref_slice %arg4[%arg1, %dma_start3A_78, %dma_start3A_79] : memref<16x125x80xi32, #tpu.memory_space<hbm>> -> memref<1x125x80xi32, #tpu.memory_space<hbm>>
        %dma_start3A_81 = tpu.memref_squeeze %dma_start3A_80 : memref<1x125x80xi32, #tpu.memory_space<hbm>> -> memref<125x80xi32, #tpu.memory_space<hbm>>
        tpu.enqueue_dma source(%dma_start3A_81 : memref<125x80xi32, #tpu.memory_space<hbm>>) target(%arg8 : memref<125x80xi32, #tpu.memory_space<vmem>>) target_semaphore(%run_scoped3A : memref<!tpu.dma_semaphore, #tpu.memory_space<semaphore_mem>>)
        %dma_wait3A_82 = arith.constant 0 : i32
        %dma_wait3A_83 = arith.constant 0 : i32
        %dma_wait3A_84 = tpu.memref_slice %arg4[%arg1, %dma_wait3A_82, %dma_wait3A_83] : memref<16x125x80xi32, #tpu.memory_space<hbm>> -> memref<1x125x80xi32, #tpu.memory_space<hbm>>
        %dma_wait3A_85 = tpu.memref_squeeze %dma_wait3A_84 : memref<1x125x80xi32, #tpu.memory_space<hbm>> -> memref<125x80xi32, #tpu.memory_space<hbm>>
        %dma_wait3A_86 = arith.constant 0 : i32
        %dma_wait3A_87 = arith.constant 0 : i32
        %dma_wait3A_88 = tpu.memref_slice %arg4[%arg1, %dma_wait3A_86, %dma_wait3A_87] : memref<16x125x80xi32, #tpu.memory_space<hbm>> -> memref<1x125x80xi32, #tpu.memory_space<hbm>>
        %dma_wait3A_89 = tpu.memref_squeeze %dma_wait3A_88 : memref<1x125x80xi32, #tpu.memory_space<hbm>> -> memref<125x80xi32, #tpu.memory_space<hbm>>
        tpu.wait_dma2 semaphore(%run_scoped3A : memref<!tpu.dma_semaphore, #tpu.memory_space<semaphore_mem>>) src(%dma_wait3A_89 : memref<125x80xi32, #tpu.memory_space<hbm>>) dst(%arg8 : memref<125x80xi32, #tpu.memory_space<vmem>>)
        tpu.yield
      }) : () -> ()
      %dma_start3A = arith.constant 0 : i32
      %dma_start3A_20 = arith.constant 0 : i32
      %dma_start3A_21 = tpu.memref_slice %arg8[%dma_start3A, %dma_start3A_20] : memref<125x80xi32, #tpu.memory_space<vmem>> -> memref<1x80xi32, #tpu.memory_space<vmem>>
      %dma_start3A_22 = tpu.memref_squeeze %dma_start3A_21 : memref<1x80xi32, #tpu.memory_space<vmem>> -> memref<80xi32, #tpu.memory_space<vmem>>
      %dma_start3A_23 = arith.constant 0 : i32
      %dma_start3A_24 = arith.constant 0 : i32
      %dma_start3A_25 = tpu.memref_slice %arg9[%dma_start3A_23, %dma_start3A_24] : memref<10240x128xf32, #tpu.memory_space<vmem_shared>> -> memref<10240x128xf32, #tpu.memory_space<vmem_shared>>
      tpu.enqueue_indirect_dma source(%dma_start3A_25 : memref<10240x128xf32, #tpu.memory_space<vmem_shared>>) target(%arg10 : memref<80x128xf32, #tpu.memory_space<vmem>>) offsets(%dma_start3A_22 : memref<80xi32, #tpu.memory_space<vmem>>) semaphore(%arg12 : memref<!tpu.dma_semaphore, #tpu.memory_space<semaphore_mem>>)
      %dma_start3A_26 = arith.constant 1 : i32
      %dma_start3A_27 = arith.constant 0 : i32
      %dma_start3A_28 = tpu.memref_slice %arg8[%dma_start3A_26, %dma_start3A_27] : memref<125x80xi32, #tpu.memory_space<vmem>> -> memref<1x80xi32, #tpu.memory_space<vmem>>
      %dma_start3A_29 = tpu.memref_squeeze %dma_start3A_28 : memref<1x80xi32, #tpu.memory_space<vmem>> -> memref<80xi32, #tpu.memory_space<vmem>>
      %dma_start3A_30 = arith.constant 0 : i32
      %dma_start3A_31 = arith.constant 0 : i32
      %dma_start3A_32 = tpu.memref_slice %arg9[%dma_start3A_30, %dma_start3A_31] : memref<10240x128xf32, #tpu.memory_space<vmem_shared>> -> memref<10240x128xf32, #tpu.memory_space<vmem_shared>>
      tpu.enqueue_indirect_dma source(%dma_start3A_32 : memref<10240x128xf32, #tpu.memory_space<vmem_shared>>) target(%arg11 : memref<80x128xf32, #tpu.memory_space<vmem>>) offsets(%dma_start3A_29 : memref<80xi32, #tpu.memory_space<vmem>>) semaphore(%arg13 : memref<!tpu.dma_semaphore, #tpu.memory_space<semaphore_mem>>)
      %scan3A = arith.constant 0 : i32
      %scan3A_33 = arith.constant 0 : i32
      %scan3A_34 = arith.constant 62 : i32
      %scan3A_35 = arith.addi %scan3A_33, %scan3A_34 : i32
      %scan3A_36 = arith.constant 1 : i32
      scf.for %scan3A_74 = %scan3A_33 to %scan3A_35 step %scan3A_36  : i32 {
        %mul3A_75 = arith.constant 2 : i32
        %mul3A_76 = arith.muli %scan3A_74, %mul3A_75 : i32
        %add3A_77 = arith.constant 0 : i32
        %add3A_78 = arith.addi %mul3A_76, %add3A_77 : i32
        %dma_wait3A_79 = arith.constant 0 : i32
        %dma_wait3A_80 = arith.constant 0 : i32
        %dma_wait3A_81 = tpu.memref_slice %arg8[%dma_wait3A_79, %dma_wait3A_80] : memref<125x80xi32, #tpu.memory_space<vmem>> -> memref<1x80xi32, #tpu.memory_space<vmem>>
        %dma_wait3A_82 = tpu.memref_squeeze %dma_wait3A_81 : memref<1x80xi32, #tpu.memory_space<vmem>> -> memref<80xi32, #tpu.memory_space<vmem>>
        %dma_wait3A_83 = arith.constant 0 : i32
        %dma_wait3A_84 = arith.constant 0 : i32
        %dma_wait3A_85 = tpu.memref_slice %arg9[%dma_wait3A_83, %dma_wait3A_84] : memref<10240x128xf32, #tpu.memory_space<vmem_shared>> -> memref<10240x128xf32, #tpu.memory_space<vmem_shared>>
        tpu.wait_indirect_dma semaphore(%arg12 : memref<!tpu.dma_semaphore, #tpu.memory_space<semaphore_mem>>) src(%dma_wait3A_85 : memref<10240x128xf32, #tpu.memory_space<vmem_shared>>) dst(%arg10 : memref<80x128xf32, #tpu.memory_space<vmem>>)
        %mul3A_86 = arith.constant 80 : i32
        %mul3A_87 = arith.muli %add3A_78, %mul3A_86 : i32
        %add3A_88 = arith.addi %mul3A_19, %mul3A_87 : i32
        %dma_start3A_89 = arith.constant 0 : i32
        %dma_start3A_90 = tpu.memref_slice %arg6[%add3A_88, %dma_start3A_89] : memref<160000x128xf32, #tpu.memory_space<hbm>> -> memref<80x128xf32, #tpu.memory_space<hbm>>
        %dma_start3A_91 = arith.constant 0 : i32
        %dma_start3A_92 = tpu.memref_slice %arg6[%add3A_88, %dma_start3A_91] : memref<160000x128xf32, #tpu.memory_space<hbm>> -> memref<80x128xf32, #tpu.memory_space<hbm>>
        tpu.enqueue_dma source(%arg10 : memref<80x128xf32, #tpu.memory_space<vmem>>) target(%dma_start3A_92 : memref<80x128xf32, #tpu.memory_space<hbm>>) target_semaphore(%arg14 : memref<!tpu.dma_semaphore, #tpu.memory_space<semaphore_mem>>)
        %mul3A_93 = arith.constant 2 : i32
        %mul3A_94 = arith.muli %scan3A_74, %mul3A_93 : i32
        %add3A_95 = arith.constant 1 : i32
        %add3A_96 = arith.addi %mul3A_94, %add3A_95 : i32
        %dma_wait3A_97 = arith.constant 0 : i32
        %dma_wait3A_98 = arith.constant 0 : i32
        %dma_wait3A_99 = tpu.memref_slice %arg8[%dma_wait3A_97, %dma_wait3A_98] : memref<125x80xi32, #tpu.memory_space<vmem>> -> memref<1x80xi32, #tpu.memory_space<vmem>>
        %dma_wait3A_100 = tpu.memref_squeeze %dma_wait3A_99 : memref<1x80xi32, #tpu.memory_space<vmem>> -> memref<80xi32, #tpu.memory_space<vmem>>
        %dma_wait3A_101 = arith.constant 0 : i32
        %dma_wait3A_102 = arith.constant 0 : i32
        %dma_wait3A_103 = tpu.memref_slice %arg9[%dma_wait3A_101, %dma_wait3A_102] : memref<10240x128xf32, #tpu.memory_space<vmem_shared>> -> memref<10240x128xf32, #tpu.memory_space<vmem_shared>>
        tpu.wait_indirect_dma semaphore(%arg13 : memref<!tpu.dma_semaphore, #tpu.memory_space<semaphore_mem>>) src(%dma_wait3A_103 : memref<10240x128xf32, #tpu.memory_space<vmem_shared>>) dst(%arg11 : memref<80x128xf32, #tpu.memory_space<vmem>>)
        %mul3A_104 = arith.constant 80 : i32
        %mul3A_105 = arith.muli %add3A_96, %mul3A_104 : i32
        %add3A_106 = arith.addi %mul3A_19, %mul3A_105 : i32
        %dma_start3A_107 = arith.constant 0 : i32
        %dma_start3A_108 = tpu.memref_slice %arg6[%add3A_106, %dma_start3A_107] : memref<160000x128xf32, #tpu.memory_space<hbm>> -> memref<80x128xf32, #tpu.memory_space<hbm>>
        %dma_start3A_109 = arith.constant 0 : i32
        %dma_start3A_110 = tpu.memref_slice %arg6[%add3A_106, %dma_start3A_109] : memref<160000x128xf32, #tpu.memory_space<hbm>> -> memref<80x128xf32, #tpu.memory_space<hbm>>
        tpu.enqueue_dma source(%arg11 : memref<80x128xf32, #tpu.memory_space<vmem>>) target(%dma_start3A_110 : memref<80x128xf32, #tpu.memory_space<hbm>>) target_semaphore(%arg15 : memref<!tpu.dma_semaphore, #tpu.memory_space<semaphore_mem>>)
        %lt3A = arith.constant 61 : i32
        %lt3A_111 = arith.cmpi slt, %scan3A_74, %lt3A : i32
        %convert_element_type3A_112 = arith.extui %lt3A_111 : i1 to i32
        %cond3A_113 = arith.constant 0 : i32
        %cond3A_114 = arith.cmpi ne, %convert_element_type3A_112, %cond3A_113 : i32
        scf.if %cond3A_114 {
          %add3A_115 = arith.constant 1 : i32
          %add3A_116 = arith.addi %scan3A_74, %add3A_115 : i32
          %mul3A_117 = arith.constant 2 : i32
          %mul3A_118 = arith.muli %add3A_116, %mul3A_117 : i32
          %add3A_119 = arith.constant 0 : i32
          %add3A_120 = arith.addi %mul3A_118, %add3A_119 : i32
          %dma_wait3A_121 = arith.constant 0 : i32
          %dma_wait3A_122 = arith.constant 0 : i32
          %dma_wait3A_123 = tpu.memref_slice %arg6[%dma_wait3A_121, %dma_wait3A_122] : memref<160000x128xf32, #tpu.memory_space<hbm>> -> memref<80x128xf32, #tpu.memory_space<hbm>>
          %dma_wait3A_124 = arith.constant 0 : i32
          %dma_wait3A_125 = arith.constant 0 : i32
          %dma_wait3A_126 = tpu.memref_slice %arg6[%dma_wait3A_124, %dma_wait3A_125] : memref<160000x128xf32, #tpu.memory_space<hbm>> -> memref<80x128xf32, #tpu.memory_space<hbm>>
          tpu.wait_dma2 semaphore(%arg14 : memref<!tpu.dma_semaphore, #tpu.memory_space<semaphore_mem>>) src(%arg10 : memref<80x128xf32, #tpu.memory_space<vmem>>) dst(%dma_wait3A_126 : memref<80x128xf32, #tpu.memory_space<hbm>>)
          %dma_start3A_127 = arith.constant 0 : i32
          %dma_start3A_128 = tpu.memref_slice %arg8[%add3A_120, %dma_start3A_127] : memref<125x80xi32, #tpu.memory_space<vmem>> -> memref<1x80xi32, #tpu.memory_space<vmem>>
          %dma_start3A_129 = tpu.memref_squeeze %dma_start3A_128 : memref<1x80xi32, #tpu.memory_space<vmem>> -> memref<80xi32, #tpu.memory_space<vmem>>
          %dma_start3A_130 = arith.constant 0 : i32
          %dma_start3A_131 = arith.constant 0 : i32
          %dma_start3A_132 = tpu.memref_slice %arg9[%dma_start3A_130, %dma_start3A_131] : memref<10240x128xf32, #tpu.memory_space<vmem_shared>> -> memref<10240x128xf32, #tpu.memory_space<vmem_shared>>
          tpu.enqueue_indirect_dma source(%dma_start3A_132 : memref<10240x128xf32, #tpu.memory_space<vmem_shared>>) target(%arg10 : memref<80x128xf32, #tpu.memory_space<vmem>>) offsets(%dma_start3A_129 : memref<80xi32, #tpu.memory_space<vmem>>) semaphore(%arg12 : memref<!tpu.dma_semaphore, #tpu.memory_space<semaphore_mem>>)
          %add3A_133 = arith.constant 1 : i32
          %add3A_134 = arith.addi %scan3A_74, %add3A_133 : i32
          %mul3A_135 = arith.constant 2 : i32
          %mul3A_136 = arith.muli %add3A_134, %mul3A_135 : i32
          %add3A_137 = arith.constant 1 : i32
          %add3A_138 = arith.addi %mul3A_136, %add3A_137 : i32
          %dma_wait3A_139 = arith.constant 0 : i32
          %dma_wait3A_140 = arith.constant 0 : i32
          %dma_wait3A_141 = tpu.memref_slice %arg6[%dma_wait3A_139, %dma_wait3A_140] : memref<160000x128xf32, #tpu.memory_space<hbm>> -> memref<80x128xf32, #tpu.memory_space<hbm>>
          %dma_wait3A_142 = arith.constant 0 : i32
          %dma_wait3A_143 = arith.constant 0 : i32
          %dma_wait3A_144 = tpu.memref_slice %arg6[%dma_wait3A_142, %dma_wait3A_143] : memref<160000x128xf32, #tpu.memory_space<hbm>> -> memref<80x128xf32, #tpu.memory_space<hbm>>
          tpu.wait_dma2 semaphore(%arg15 : memref<!tpu.dma_semaphore, #tpu.memory_space<semaphore_mem>>) src(%arg11 : memref<80x128xf32, #tpu.memory_space<vmem>>) dst(%dma_wait3A_144 : memref<80x128xf32, #tpu.memory_space<hbm>>)
          %dma_start3A_145 = arith.constant 0 : i32
          %dma_start3A_146 = tpu.memref_slice %arg8[%add3A_138, %dma_start3A_145] : memref<125x80xi32, #tpu.memory_space<vmem>> -> memref<1x80xi32, #tpu.memory_space<vmem>>
          %dma_start3A_147 = tpu.memref_squeeze %dma_start3A_146 : memref<1x80xi32, #tpu.memory_space<vmem>> -> memref<80xi32, #tpu.memory_space<vmem>>
          %dma_start3A_148 = arith.constant 0 : i32
          %dma_start3A_149 = arith.constant 0 : i32
          %dma_start3A_150 = tpu.memref_slice %arg9[%dma_start3A_148, %dma_start3A_149] : memref<10240x128xf32, #tpu.memory_space<vmem_shared>> -> memref<10240x128xf32, #tpu.memory_space<vmem_shared>>
          tpu.enqueue_indirect_dma source(%dma_start3A_150 : memref<10240x128xf32, #tpu.memory_space<vmem_shared>>) target(%arg11 : memref<80x128xf32, #tpu.memory_space<vmem>>) offsets(%dma_start3A_147 : memref<80xi32, #tpu.memory_space<vmem>>) semaphore(%arg13 : memref<!tpu.dma_semaphore, #tpu.memory_space<semaphore_mem>>)
        } else {
        }
      }
      %scan3A_37 = arith.constant 62 : i32
      %dma_wait3A = arith.constant 0 : i32
      %dma_wait3A_38 = arith.constant 0 : i32
      %dma_wait3A_39 = tpu.memref_slice %arg6[%dma_wait3A, %dma_wait3A_38] : memref<160000x128xf32, #tpu.memory_space<hbm>> -> memref<80x128xf32, #tpu.memory_space<hbm>>
      %dma_wait3A_40 = arith.constant 0 : i32
      %dma_wait3A_41 = arith.constant 0 : i32
      %dma_wait3A_42 = tpu.memref_slice %arg6[%dma_wait3A_40, %dma_wait3A_41] : memref<160000x128xf32, #tpu.memory_space<hbm>> -> memref<80x128xf32, #tpu.memory_space<hbm>>
      tpu.wait_dma2 semaphore(%arg14 : memref<!tpu.dma_semaphore, #tpu.memory_space<semaphore_mem>>) src(%arg10 : memref<80x128xf32, #tpu.memory_space<vmem>>) dst(%dma_wait3A_42 : memref<80x128xf32, #tpu.memory_space<hbm>>)
      %dma_wait3A_43 = arith.constant 0 : i32
      %dma_wait3A_44 = arith.constant 0 : i32
      %dma_wait3A_45 = tpu.memref_slice %arg6[%dma_wait3A_43, %dma_wait3A_44] : memref<160000x128xf32, #tpu.memory_space<hbm>> -> memref<80x128xf32, #tpu.memory_space<hbm>>
      %dma_wait3A_46 = arith.constant 0 : i32
      %dma_wait3A_47 = arith.constant 0 : i32
      %dma_wait3A_48 = tpu.memref_slice %arg6[%dma_wait3A_46, %dma_wait3A_47] : memref<160000x128xf32, #tpu.memory_space<hbm>> -> memref<80x128xf32, #tpu.memory_space<hbm>>
      tpu.wait_dma2 semaphore(%arg15 : memref<!tpu.dma_semaphore, #tpu.memory_space<semaphore_mem>>) src(%arg11 : memref<80x128xf32, #tpu.memory_space<vmem>>) dst(%dma_wait3A_48 : memref<80x128xf32, #tpu.memory_space<hbm>>)
      %dma_start3A_49 = arith.constant 124 : i32
      %dma_start3A_50 = arith.constant 0 : i32
      %dma_start3A_51 = tpu.memref_slice %arg8[%dma_start3A_49, %dma_start3A_50] : memref<125x80xi32, #tpu.memory_space<vmem>> -> memref<1x80xi32, #tpu.memory_space<vmem>>
      %dma_start3A_52 = tpu.memref_squeeze %dma_start3A_51 : memref<1x80xi32, #tpu.memory_space<vmem>> -> memref<80xi32, #tpu.memory_space<vmem>>
      %dma_start3A_53 = arith.constant 0 : i32
      %dma_start3A_54 = arith.constant 0 : i32
      %dma_start3A_55 = tpu.memref_slice %arg9[%dma_start3A_53, %dma_start3A_54] : memref<10240x128xf32, #tpu.memory_space<vmem_shared>> -> memref<10240x128xf32, #tpu.memory_space<vmem_shared>>
      tpu.enqueue_indirect_dma source(%dma_start3A_55 : memref<10240x128xf32, #tpu.memory_space<vmem_shared>>) target(%arg10 : memref<80x128xf32, #tpu.memory_space<vmem>>) offsets(%dma_start3A_52 : memref<80xi32, #tpu.memory_space<vmem>>) semaphore(%arg12 : memref<!tpu.dma_semaphore, #tpu.memory_space<semaphore_mem>>)
      %dma_wait3A_56 = arith.constant 0 : i32
      %dma_wait3A_57 = arith.constant 0 : i32
      %dma_wait3A_58 = tpu.memref_slice %arg8[%dma_wait3A_56, %dma_wait3A_57] : memref<125x80xi32, #tpu.memory_space<vmem>> -> memref<1x80xi32, #tpu.memory_space<vmem>>
      %dma_wait3A_59 = tpu.memref_squeeze %dma_wait3A_58 : memref<1x80xi32, #tpu.memory_space<vmem>> -> memref<80xi32, #tpu.memory_space<vmem>>
      %dma_wait3A_60 = arith.constant 0 : i32
      %dma_wait3A_61 = arith.constant 0 : i32
      %dma_wait3A_62 = tpu.memref_slice %arg9[%dma_wait3A_60, %dma_wait3A_61] : memref<10240x128xf32, #tpu.memory_space<vmem_shared>> -> memref<10240x128xf32, #tpu.memory_space<vmem_shared>>
      tpu.wait_indirect_dma semaphore(%arg12 : memref<!tpu.dma_semaphore, #tpu.memory_space<semaphore_mem>>) src(%dma_wait3A_62 : memref<10240x128xf32, #tpu.memory_space<vmem_shared>>) dst(%arg10 : memref<80x128xf32, #tpu.memory_space<vmem>>)
      %add3A = arith.constant 9920 : i32
      %add3A_63 = arith.addi %mul3A_19, %add3A : i32
      %dma_start3A_64 = arith.constant 0 : i32
      %dma_start3A_65 = tpu.memref_slice %arg6[%add3A_63, %dma_start3A_64] : memref<160000x128xf32, #tpu.memory_space<hbm>> -> memref<80x128xf32, #tpu.memory_space<hbm>>
      %dma_start3A_66 = arith.constant 0 : i32
      %dma_start3A_67 = tpu.memref_slice %arg6[%add3A_63, %dma_start3A_66] : memref<160000x128xf32, #tpu.memory_space<hbm>> -> memref<80x128xf32, #tpu.memory_space<hbm>>
      tpu.enqueue_dma source(%arg10 : memref<80x128xf32, #tpu.memory_space<vmem>>) target(%dma_start3A_67 : memref<80x128xf32, #tpu.memory_space<hbm>>) target_semaphore(%arg14 : memref<!tpu.dma_semaphore, #tpu.memory_space<semaphore_mem>>)
      %dma_wait3A_68 = arith.constant 0 : i32
      %dma_wait3A_69 = arith.constant 0 : i32
      %dma_wait3A_70 = tpu.memref_slice %arg6[%dma_wait3A_68, %dma_wait3A_69] : memref<160000x128xf32, #tpu.memory_space<hbm>> -> memref<80x128xf32, #tpu.memory_space<hbm>>
      %dma_wait3A_71 = arith.constant 0 : i32
      %dma_wait3A_72 = arith.constant 0 : i32
      %dma_wait3A_73 = tpu.memref_slice %arg6[%dma_wait3A_71, %dma_wait3A_72] : memref<160000x128xf32, #tpu.memory_space<hbm>> -> memref<80x128xf32, #tpu.memory_space<hbm>>
      tpu.wait_dma2 semaphore(%arg14 : memref<!tpu.dma_semaphore, #tpu.memory_space<semaphore_mem>>) src(%arg10 : memref<80x128xf32, #tpu.memory_space<vmem>>) dst(%dma_wait3A_73 : memref<80x128xf32, #tpu.memory_space<hbm>>)
    } else {
    }
    %eq3A_13 = arith.constant 1 : i32
    %eq3A_14 = arith.cmpi eq, %arg0, %eq3A_13 : i32
    %convert_element_type3A_15 = arith.extui %eq3A_14 : i1 to i32
    %cond3A_16 = arith.constant 0 : i32
    %cond3A_17 = arith.cmpi ne, %convert_element_type3A_15, %cond3A_16 : i32
    scf.if %cond3A_17 {
      %mul3A_18 = arith.constant 10000 : i32
      %mul3A_19 = arith.muli %arg1, %mul3A_18 : i32
      "tpu.region"() ({
        %run_scoped3A = tpu.sem_alloc : memref<!tpu.dma_semaphore, #tpu.memory_space<semaphore_mem>>
        %dma_start3A_74 = arith.constant 0 : i32
        %dma_start3A_75 = arith.constant 0 : i32
        %dma_start3A_76 = tpu.memref_slice %arg5[%arg1, %dma_start3A_74, %dma_start3A_75] : memref<16x125x80xi32, #tpu.memory_space<hbm>> -> memref<1x125x80xi32, #tpu.memory_space<hbm>>
        %dma_start3A_77 = tpu.memref_squeeze %dma_start3A_76 : memref<1x125x80xi32, #tpu.memory_space<hbm>> -> memref<125x80xi32, #tpu.memory_space<hbm>>
        %dma_start3A_78 = arith.constant 0 : i32
        %dma_start3A_79 = arith.constant 0 : i32
        %dma_start3A_80 = tpu.memref_slice %arg5[%arg1, %dma_start3A_78, %dma_start3A_79] : memref<16x125x80xi32, #tpu.memory_space<hbm>> -> memref<1x125x80xi32, #tpu.memory_space<hbm>>
        %dma_start3A_81 = tpu.memref_squeeze %dma_start3A_80 : memref<1x125x80xi32, #tpu.memory_space<hbm>> -> memref<125x80xi32, #tpu.memory_space<hbm>>
        tpu.enqueue_dma source(%dma_start3A_81 : memref<125x80xi32, #tpu.memory_space<hbm>>) target(%arg8 : memref<125x80xi32, #tpu.memory_space<vmem>>) target_semaphore(%run_scoped3A : memref<!tpu.dma_semaphore, #tpu.memory_space<semaphore_mem>>)
        %dma_wait3A_82 = arith.constant 0 : i32
        %dma_wait3A_83 = arith.constant 0 : i32
        %dma_wait3A_84 = tpu.memref_slice %arg5[%arg1, %dma_wait3A_82, %dma_wait3A_83] : memref<16x125x80xi32, #tpu.memory_space<hbm>> -> memref<1x125x80xi32, #tpu.memory_space<hbm>>
        %dma_wait3A_85 = tpu.memref_squeeze %dma_wait3A_84 : memref<1x125x80xi32, #tpu.memory_space<hbm>> -> memref<125x80xi32, #tpu.memory_space<hbm>>
        %dma_wait3A_86 = arith.constant 0 : i32
        %dma_wait3A_87 = arith.constant 0 : i32
        %dma_wait3A_88 = tpu.memref_slice %arg5[%arg1, %dma_wait3A_86, %dma_wait3A_87] : memref<16x125x80xi32, #tpu.memory_space<hbm>> -> memref<1x125x80xi32, #tpu.memory_space<hbm>>
        %dma_wait3A_89 = tpu.memref_squeeze %dma_wait3A_88 : memref<1x125x80xi32, #tpu.memory_space<hbm>> -> memref<125x80xi32, #tpu.memory_space<hbm>>
        tpu.wait_dma2 semaphore(%run_scoped3A : memref<!tpu.dma_semaphore, #tpu.memory_space<semaphore_mem>>) src(%dma_wait3A_89 : memref<125x80xi32, #tpu.memory_space<hbm>>) dst(%arg8 : memref<125x80xi32, #tpu.memory_space<vmem>>)
        tpu.yield
      }) : () -> ()
      %dma_start3A = arith.constant 0 : i32
      %dma_start3A_20 = arith.constant 0 : i32
      %dma_start3A_21 = tpu.memref_slice %arg8[%dma_start3A, %dma_start3A_20] : memref<125x80xi32, #tpu.memory_space<vmem>> -> memref<1x80xi32, #tpu.memory_space<vmem>>
      %dma_start3A_22 = tpu.memref_squeeze %dma_start3A_21 : memref<1x80xi32, #tpu.memory_space<vmem>> -> memref<80xi32, #tpu.memory_space<vmem>>
      %dma_start3A_23 = arith.constant 0 : i32
      %dma_start3A_24 = arith.constant 0 : i32
      %dma_start3A_25 = tpu.memref_slice %arg9[%dma_start3A_23, %dma_start3A_24] : memref<10240x128xf32, #tpu.memory_space<vmem_shared>> -> memref<10240x128xf32, #tpu.memory_space<vmem_shared>>
      tpu.enqueue_indirect_dma source(%dma_start3A_25 : memref<10240x128xf32, #tpu.memory_space<vmem_shared>>) target(%arg10 : memref<80x128xf32, #tpu.memory_space<vmem>>) offsets(%dma_start3A_22 : memref<80xi32, #tpu.memory_space<vmem>>) semaphore(%arg12 : memref<!tpu.dma_semaphore, #tpu.memory_space<semaphore_mem>>)
      %dma_start3A_26 = arith.constant 1 : i32
      %dma_start3A_27 = arith.constant 0 : i32
      %dma_start3A_28 = tpu.memref_slice %arg8[%dma_start3A_26, %dma_start3A_27] : memref<125x80xi32, #tpu.memory_space<vmem>> -> memref<1x80xi32, #tpu.memory_space<vmem>>
      %dma_start3A_29 = tpu.memref_squeeze %dma_start3A_28 : memref<1x80xi32, #tpu.memory_space<vmem>> -> memref<80xi32, #tpu.memory_space<vmem>>
      %dma_start3A_30 = arith.constant 0 : i32
      %dma_start3A_31 = arith.constant 0 : i32
      %dma_start3A_32 = tpu.memref_slice %arg9[%dma_start3A_30, %dma_start3A_31] : memref<10240x128xf32, #tpu.memory_space<vmem_shared>> -> memref<10240x128xf32, #tpu.memory_space<vmem_shared>>
      tpu.enqueue_indirect_dma source(%dma_start3A_32 : memref<10240x128xf32, #tpu.memory_space<vmem_shared>>) target(%arg11 : memref<80x128xf32, #tpu.memory_space<vmem>>) offsets(%dma_start3A_29 : memref<80xi32, #tpu.memory_space<vmem>>) semaphore(%arg13 : memref<!tpu.dma_semaphore, #tpu.memory_space<semaphore_mem>>)
      %scan3A = arith.constant 0 : i32
      %scan3A_33 = arith.constant 0 : i32
      %scan3A_34 = arith.constant 62 : i32
      %scan3A_35 = arith.addi %scan3A_33, %scan3A_34 : i32
      %scan3A_36 = arith.constant 1 : i32
      scf.for %scan3A_74 = %scan3A_33 to %scan3A_35 step %scan3A_36  : i32 {
        %mul3A_75 = arith.constant 2 : i32
        %mul3A_76 = arith.muli %scan3A_74, %mul3A_75 : i32
        %add3A_77 = arith.constant 0 : i32
        %add3A_78 = arith.addi %mul3A_76, %add3A_77 : i32
        %dma_wait3A_79 = arith.constant 0 : i32
        %dma_wait3A_80 = arith.constant 0 : i32
        %dma_wait3A_81 = tpu.memref_slice %arg8[%dma_wait3A_79, %dma_wait3A_80] : memref<125x80xi32, #tpu.memory_space<vmem>> -> memref<1x80xi32, #tpu.memory_space<vmem>>
        %dma_wait3A_82 = tpu.memref_squeeze %dma_wait3A_81 : memref<1x80xi32, #tpu.memory_space<vmem>> -> memref<80xi32, #tpu.memory_space<vmem>>
        %dma_wait3A_83 = arith.constant 0 : i32
        %dma_wait3A_84 = arith.constant 0 : i32
        %dma_wait3A_85 = tpu.memref_slice %arg9[%dma_wait3A_83, %dma_wait3A_84] : memref<10240x128xf32, #tpu.memory_space<vmem_shared>> -> memref<10240x128xf32, #tpu.memory_space<vmem_shared>>
        tpu.wait_indirect_dma semaphore(%arg12 : memref<!tpu.dma_semaphore, #tpu.memory_space<semaphore_mem>>) src(%dma_wait3A_85 : memref<10240x128xf32, #tpu.memory_space<vmem_shared>>) dst(%arg10 : memref<80x128xf32, #tpu.memory_space<vmem>>)
        %mul3A_86 = arith.constant 80 : i32
        %mul3A_87 = arith.muli %add3A_78, %mul3A_86 : i32
        %add3A_88 = arith.addi %mul3A_19, %mul3A_87 : i32
        %dma_start3A_89 = arith.constant 0 : i32
        %dma_start3A_90 = tpu.memref_slice %arg7[%add3A_88, %dma_start3A_89] : memref<160000x128xf32, #tpu.memory_space<hbm>> -> memref<80x128xf32, #tpu.memory_space<hbm>>
        %dma_start3A_91 = arith.constant 0 : i32
        %dma_start3A_92 = tpu.memref_slice %arg7[%add3A_88, %dma_start3A_91] : memref<160000x128xf32, #tpu.memory_space<hbm>> -> memref<80x128xf32, #tpu.memory_space<hbm>>
        tpu.enqueue_dma source(%arg10 : memref<80x128xf32, #tpu.memory_space<vmem>>) target(%dma_start3A_92 : memref<80x128xf32, #tpu.memory_space<hbm>>) target_semaphore(%arg14 : memref<!tpu.dma_semaphore, #tpu.memory_space<semaphore_mem>>)
        %mul3A_93 = arith.constant 2 : i32
        %mul3A_94 = arith.muli %scan3A_74, %mul3A_93 : i32
        %add3A_95 = arith.constant 1 : i32
        %add3A_96 = arith.addi %mul3A_94, %add3A_95 : i32
        %dma_wait3A_97 = arith.constant 0 : i32
        %dma_wait3A_98 = arith.constant 0 : i32
        %dma_wait3A_99 = tpu.memref_slice %arg8[%dma_wait3A_97, %dma_wait3A_98] : memref<125x80xi32, #tpu.memory_space<vmem>> -> memref<1x80xi32, #tpu.memory_space<vmem>>
        %dma_wait3A_100 = tpu.memref_squeeze %dma_wait3A_99 : memref<1x80xi32, #tpu.memory_space<vmem>> -> memref<80xi32, #tpu.memory_space<vmem>>
        %dma_wait3A_101 = arith.constant 0 : i32
        %dma_wait3A_102 = arith.constant 0 : i32
        %dma_wait3A_103 = tpu.memref_slice %arg9[%dma_wait3A_101, %dma_wait3A_102] : memref<10240x128xf32, #tpu.memory_space<vmem_shared>> -> memref<10240x128xf32, #tpu.memory_space<vmem_shared>>
        tpu.wait_indirect_dma semaphore(%arg13 : memref<!tpu.dma_semaphore, #tpu.memory_space<semaphore_mem>>) src(%dma_wait3A_103 : memref<10240x128xf32, #tpu.memory_space<vmem_shared>>) dst(%arg11 : memref<80x128xf32, #tpu.memory_space<vmem>>)
        %mul3A_104 = arith.constant 80 : i32
        %mul3A_105 = arith.muli %add3A_96, %mul3A_104 : i32
        %add3A_106 = arith.addi %mul3A_19, %mul3A_105 : i32
        %dma_start3A_107 = arith.constant 0 : i32
        %dma_start3A_108 = tpu.memref_slice %arg7[%add3A_106, %dma_start3A_107] : memref<160000x128xf32, #tpu.memory_space<hbm>> -> memref<80x128xf32, #tpu.memory_space<hbm>>
        %dma_start3A_109 = arith.constant 0 : i32
        %dma_start3A_110 = tpu.memref_slice %arg7[%add3A_106, %dma_start3A_109] : memref<160000x128xf32, #tpu.memory_space<hbm>> -> memref<80x128xf32, #tpu.memory_space<hbm>>
        tpu.enqueue_dma source(%arg11 : memref<80x128xf32, #tpu.memory_space<vmem>>) target(%dma_start3A_110 : memref<80x128xf32, #tpu.memory_space<hbm>>) target_semaphore(%arg15 : memref<!tpu.dma_semaphore, #tpu.memory_space<semaphore_mem>>)
        %lt3A = arith.constant 61 : i32
        %lt3A_111 = arith.cmpi slt, %scan3A_74, %lt3A : i32
        %convert_element_type3A_112 = arith.extui %lt3A_111 : i1 to i32
        %cond3A_113 = arith.constant 0 : i32
        %cond3A_114 = arith.cmpi ne, %convert_element_type3A_112, %cond3A_113 : i32
        scf.if %cond3A_114 {
          %add3A_115 = arith.constant 1 : i32
          %add3A_116 = arith.addi %scan3A_74, %add3A_115 : i32
          %mul3A_117 = arith.constant 2 : i32
          %mul3A_118 = arith.muli %add3A_116, %mul3A_117 : i32
          %add3A_119 = arith.constant 0 : i32
          %add3A_120 = arith.addi %mul3A_118, %add3A_119 : i32
          %dma_wait3A_121 = arith.constant 0 : i32
          %dma_wait3A_122 = arith.constant 0 : i32
          %dma_wait3A_123 = tpu.memref_slice %arg7[%dma_wait3A_121, %dma_wait3A_122] : memref<160000x128xf32, #tpu.memory_space<hbm>> -> memref<80x128xf32, #tpu.memory_space<hbm>>
          %dma_wait3A_124 = arith.constant 0 : i32
          %dma_wait3A_125 = arith.constant 0 : i32
          %dma_wait3A_126 = tpu.memref_slice %arg7[%dma_wait3A_124, %dma_wait3A_125] : memref<160000x128xf32, #tpu.memory_space<hbm>> -> memref<80x128xf32, #tpu.memory_space<hbm>>
          tpu.wait_dma2 semaphore(%arg14 : memref<!tpu.dma_semaphore, #tpu.memory_space<semaphore_mem>>) src(%arg10 : memref<80x128xf32, #tpu.memory_space<vmem>>) dst(%dma_wait3A_126 : memref<80x128xf32, #tpu.memory_space<hbm>>)
          %dma_start3A_127 = arith.constant 0 : i32
          %dma_start3A_128 = tpu.memref_slice %arg8[%add3A_120, %dma_start3A_127] : memref<125x80xi32, #tpu.memory_space<vmem>> -> memref<1x80xi32, #tpu.memory_space<vmem>>
          %dma_start3A_129 = tpu.memref_squeeze %dma_start3A_128 : memref<1x80xi32, #tpu.memory_space<vmem>> -> memref<80xi32, #tpu.memory_space<vmem>>
          %dma_start3A_130 = arith.constant 0 : i32
          %dma_start3A_131 = arith.constant 0 : i32
          %dma_start3A_132 = tpu.memref_slice %arg9[%dma_start3A_130, %dma_start3A_131] : memref<10240x128xf32, #tpu.memory_space<vmem_shared>> -> memref<10240x128xf32, #tpu.memory_space<vmem_shared>>
          tpu.enqueue_indirect_dma source(%dma_start3A_132 : memref<10240x128xf32, #tpu.memory_space<vmem_shared>>) target(%arg10 : memref<80x128xf32, #tpu.memory_space<vmem>>) offsets(%dma_start3A_129 : memref<80xi32, #tpu.memory_space<vmem>>) semaphore(%arg12 : memref<!tpu.dma_semaphore, #tpu.memory_space<semaphore_mem>>)
          %add3A_133 = arith.constant 1 : i32
          %add3A_134 = arith.addi %scan3A_74, %add3A_133 : i32
          %mul3A_135 = arith.constant 2 : i32
          %mul3A_136 = arith.muli %add3A_134, %mul3A_135 : i32
          %add3A_137 = arith.constant 1 : i32
          %add3A_138 = arith.addi %mul3A_136, %add3A_137 : i32
          %dma_wait3A_139 = arith.constant 0 : i32
          %dma_wait3A_140 = arith.constant 0 : i32
          %dma_wait3A_141 = tpu.memref_slice %arg7[%dma_wait3A_139, %dma_wait3A_140] : memref<160000x128xf32, #tpu.memory_space<hbm>> -> memref<80x128xf32, #tpu.memory_space<hbm>>
          %dma_wait3A_142 = arith.constant 0 : i32
          %dma_wait3A_143 = arith.constant 0 : i32
          %dma_wait3A_144 = tpu.memref_slice %arg7[%dma_wait3A_142, %dma_wait3A_143] : memref<160000x128xf32, #tpu.memory_space<hbm>> -> memref<80x128xf32, #tpu.memory_space<hbm>>
          tpu.wait_dma2 semaphore(%arg15 : memref<!tpu.dma_semaphore, #tpu.memory_space<semaphore_mem>>) src(%arg11 : memref<80x128xf32, #tpu.memory_space<vmem>>) dst(%dma_wait3A_144 : memref<80x128xf32, #tpu.memory_space<hbm>>)
          %dma_start3A_145 = arith.constant 0 : i32
          %dma_start3A_146 = tpu.memref_slice %arg8[%add3A_138, %dma_start3A_145] : memref<125x80xi32, #tpu.memory_space<vmem>> -> memref<1x80xi32, #tpu.memory_space<vmem>>
          %dma_start3A_147 = tpu.memref_squeeze %dma_start3A_146 : memref<1x80xi32, #tpu.memory_space<vmem>> -> memref<80xi32, #tpu.memory_space<vmem>>
          %dma_start3A_148 = arith.constant 0 : i32
          %dma_start3A_149 = arith.constant 0 : i32
          %dma_start3A_150 = tpu.memref_slice %arg9[%dma_start3A_148, %dma_start3A_149] : memref<10240x128xf32, #tpu.memory_space<vmem_shared>> -> memref<10240x128xf32, #tpu.memory_space<vmem_shared>>
          tpu.enqueue_indirect_dma source(%dma_start3A_150 : memref<10240x128xf32, #tpu.memory_space<vmem_shared>>) target(%arg11 : memref<80x128xf32, #tpu.memory_space<vmem>>) offsets(%dma_start3A_147 : memref<80xi32, #tpu.memory_space<vmem>>) semaphore(%arg13 : memref<!tpu.dma_semaphore, #tpu.memory_space<semaphore_mem>>)
        } else {
        }
      }
      %scan3A_37 = arith.constant 62 : i32
      %dma_wait3A = arith.constant 0 : i32
      %dma_wait3A_38 = arith.constant 0 : i32
      %dma_wait3A_39 = tpu.memref_slice %arg7[%dma_wait3A, %dma_wait3A_38] : memref<160000x128xf32, #tpu.memory_space<hbm>> -> memref<80x128xf32, #tpu.memory_space<hbm>>
      %dma_wait3A_40 = arith.constant 0 : i32
      %dma_wait3A_41 = arith.constant 0 : i32
      %dma_wait3A_42 = tpu.memref_slice %arg7[%dma_wait3A_40, %dma_wait3A_41] : memref<160000x128xf32, #tpu.memory_space<hbm>> -> memref<80x128xf32, #tpu.memory_space<hbm>>
      tpu.wait_dma2 semaphore(%arg14 : memref<!tpu.dma_semaphore, #tpu.memory_space<semaphore_mem>>) src(%arg10 : memref<80x128xf32, #tpu.memory_space<vmem>>) dst(%dma_wait3A_42 : memref<80x128xf32, #tpu.memory_space<hbm>>)
      %dma_wait3A_43 = arith.constant 0 : i32
      %dma_wait3A_44 = arith.constant 0 : i32
      %dma_wait3A_45 = tpu.memref_slice %arg7[%dma_wait3A_43, %dma_wait3A_44] : memref<160000x128xf32, #tpu.memory_space<hbm>> -> memref<80x128xf32, #tpu.memory_space<hbm>>
      %dma_wait3A_46 = arith.constant 0 : i32
      %dma_wait3A_47 = arith.constant 0 : i32
      %dma_wait3A_48 = tpu.memref_slice %arg7[%dma_wait3A_46, %dma_wait3A_47] : memref<160000x128xf32, #tpu.memory_space<hbm>> -> memref<80x128xf32, #tpu.memory_space<hbm>>
      tpu.wait_dma2 semaphore(%arg15 : memref<!tpu.dma_semaphore, #tpu.memory_space<semaphore_mem>>) src(%arg11 : memref<80x128xf32, #tpu.memory_space<vmem>>) dst(%dma_wait3A_48 : memref<80x128xf32, #tpu.memory_space<hbm>>)
      %dma_start3A_49 = arith.constant 124 : i32
      %dma_start3A_50 = arith.constant 0 : i32
      %dma_start3A_51 = tpu.memref_slice %arg8[%dma_start3A_49, %dma_start3A_50] : memref<125x80xi32, #tpu.memory_space<vmem>> -> memref<1x80xi32, #tpu.memory_space<vmem>>
      %dma_start3A_52 = tpu.memref_squeeze %dma_start3A_51 : memref<1x80xi32, #tpu.memory_space<vmem>> -> memref<80xi32, #tpu.memory_space<vmem>>
      %dma_start3A_53 = arith.constant 0 : i32
      %dma_start3A_54 = arith.constant 0 : i32
      %dma_start3A_55 = tpu.memref_slice %arg9[%dma_start3A_53, %dma_start3A_54] : memref<10240x128xf32, #tpu.memory_space<vmem_shared>> -> memref<10240x128xf32, #tpu.memory_space<vmem_shared>>
      tpu.enqueue_indirect_dma source(%dma_start3A_55 : memref<10240x128xf32, #tpu.memory_space<vmem_shared>>) target(%arg10 : memref<80x128xf32, #tpu.memory_space<vmem>>) offsets(%dma_start3A_52 : memref<80xi32, #tpu.memory_space<vmem>>) semaphore(%arg12 : memref<!tpu.dma_semaphore, #tpu.memory_space<semaphore_mem>>)
      %dma_wait3A_56 = arith.constant 0 : i32
      %dma_wait3A_57 = arith.constant 0 : i32
      %dma_wait3A_58 = tpu.memref_slice %arg8[%dma_wait3A_56, %dma_wait3A_57] : memref<125x80xi32, #tpu.memory_space<vmem>> -> memref<1x80xi32, #tpu.memory_space<vmem>>
      %dma_wait3A_59 = tpu.memref_squeeze %dma_wait3A_58 : memref<1x80xi32, #tpu.memory_space<vmem>> -> memref<80xi32, #tpu.memory_space<vmem>>
      %dma_wait3A_60 = arith.constant 0 : i32
      %dma_wait3A_61 = arith.constant 0 : i32
      %dma_wait3A_62 = tpu.memref_slice %arg9[%dma_wait3A_60, %dma_wait3A_61] : memref<10240x128xf32, #tpu.memory_space<vmem_shared>> -> memref<10240x128xf32, #tpu.memory_space<vmem_shared>>
      tpu.wait_indirect_dma semaphore(%arg12 : memref<!tpu.dma_semaphore, #tpu.memory_space<semaphore_mem>>) src(%dma_wait3A_62 : memref<10240x128xf32, #tpu.memory_space<vmem_shared>>) dst(%arg10 : memref<80x128xf32, #tpu.memory_space<vmem>>)
      %add3A = arith.constant 9920 : i32
      %add3A_63 = arith.addi %mul3A_19, %add3A : i32
      %dma_start3A_64 = arith.constant 0 : i32
      %dma_start3A_65 = tpu.memref_slice %arg7[%add3A_63, %dma_start3A_64] : memref<160000x128xf32, #tpu.memory_space<hbm>> -> memref<80x128xf32, #tpu.memory_space<hbm>>
      %dma_start3A_66 = arith.constant 0 : i32
      %dma_start3A_67 = tpu.memref_slice %arg7[%add3A_63, %dma_start3A_66] : memref<160000x128xf32, #tpu.memory_space<hbm>> -> memref<80x128xf32, #tpu.memory_space<hbm>>
      tpu.enqueue_dma source(%arg10 : memref<80x128xf32, #tpu.memory_space<vmem>>) target(%dma_start3A_67 : memref<80x128xf32, #tpu.memory_space<hbm>>) target_semaphore(%arg14 : memref<!tpu.dma_semaphore, #tpu.memory_space<semaphore_mem>>)
      %dma_wait3A_68 = arith.constant 0 : i32
      %dma_wait3A_69 = arith.constant 0 : i32
      %dma_wait3A_70 = tpu.memref_slice %arg7[%dma_wait3A_68, %dma_wait3A_69] : memref<160000x128xf32, #tpu.memory_space<hbm>> -> memref<80x128xf32, #tpu.memory_space<hbm>>
      %dma_wait3A_71 = arith.constant 0 : i32
      %dma_wait3A_72 = arith.constant 0 : i32
      %dma_wait3A_73 = tpu.memref_slice %arg7[%dma_wait3A_71, %dma_wait3A_72] : memref<160000x128xf32, #tpu.memory_space<hbm>> -> memref<80x128xf32, #tpu.memory_space<hbm>>
      tpu.wait_dma2 semaphore(%arg14 : memref<!tpu.dma_semaphore, #tpu.memory_space<semaphore_mem>>) src(%arg10 : memref<80x128xf32, #tpu.memory_space<vmem>>) dst(%dma_wait3A_73 : memref<80x128xf32, #tpu.memory_space<hbm>>)
    } else {
    }
    return
  }
}

#map = affine_map<(d0, d1) -> (0, 0)>
#map1 = affine_map<(d0, d1) -> (0, 0, 0)>
module attributes {stable_mosaic.version = 14 : i64} {
  func.func @gk(%arg0: i32, %arg1: i32, %arg2: memref<10240x128xf32, #tpu.memory_space<hbm>>, %arg3: memref<10240x128xf32, #tpu.memory_space<hbm>>, %arg4: memref<16x125x80xi32, #tpu.memory_space<hbm>>, %arg5: memref<16x125x80xi32, #tpu.memory_space<hbm>>, %arg6: memref<160000x128xf32, #tpu.memory_space<hbm>>, %arg7: memref<160000x128xf32, #tpu.memory_space<hbm>>, %arg8: memref<125x80xi32, #tpu.memory_space<vmem>>, %arg9: memref<10240x128xf32, #tpu.memory_space<vmem_shared>>, %arg10: memref<80x128xf32, #tpu.memory_space<vmem>>, %arg11: memref<80x128xf32, #tpu.memory_space<vmem>>, %arg12: memref<!tpu.dma_semaphore, #tpu.memory_space<semaphore_mem>>, %arg13: memref<!tpu.dma_semaphore, #tpu.memory_space<semaphore_mem>>, %arg14: memref<!tpu.dma_semaphore, #tpu.memory_space<semaphore_mem>>, %arg15: memref<!tpu.dma_semaphore, #tpu.memory_space<semaphore_mem>>) attributes {dimension_semantics = [#tpu.dimension_semantics<core_parallel>, #tpu.dimension_semantics<subcore_parallel>], iteration_bounds = array<i64: 2, 16>, scalar_prefetch = 0 : i64, scratch_operands = 8 : i64, tpu.core_type = #tpu.core_type<sc_vector_subcore>, window_params = [{transform_indices = #map}, {transform_indices = #map}, {transform_indices = #map1}, {transform_indices = #map1}, {transform_indices = #map}, {transform_indices = #map}]} {
    %mul3A = arith.constant 640 : i32
    %mul3A_0 = arith.muli %arg1, %mul3A : i32
    %eq3A = arith.constant 0 : i32
    %eq3A_1 = arith.cmpi eq, %arg0, %eq3A : i32
    %convert_element_type3A = arith.extui %eq3A_1 : i1 to i32
    %cond3A = arith.constant 0 : i32
    %cond3A_2 = arith.cmpi ne, %convert_element_type3A, %cond3A : i32
    scf.if %cond3A_2 {
      "tpu.region"() ({
        %run_scoped3A = tpu.sem_alloc : memref<!tpu.dma_semaphore, #tpu.memory_space<semaphore_mem>>
        %dma_start3A = arith.constant 0 : i32
        %dma_start3A_18 = tpu.memref_slice %arg9[%mul3A_0, %dma_start3A] : memref<10240x128xf32, #tpu.memory_space<vmem_shared>> -> memref<640x128xf32, #tpu.memory_space<vmem_shared>>
        %dma_start3A_19 = arith.constant 0 : i32
        %dma_start3A_20 = tpu.memref_slice %arg2[%mul3A_0, %dma_start3A_19] : memref<10240x128xf32, #tpu.memory_space<hbm>> -> memref<640x128xf32, #tpu.memory_space<hbm>>
        tpu.enqueue_dma source(%dma_start3A_20 : memref<640x128xf32, #tpu.memory_space<hbm>>) target(%dma_start3A_18 : memref<640x128xf32, #tpu.memory_space<vmem_shared>>) target_semaphore(%run_scoped3A : memref<!tpu.dma_semaphore, #tpu.memory_space<semaphore_mem>>)
        %dma_wait3A = arith.constant 0 : i32
        %dma_wait3A_21 = tpu.memref_slice %arg9[%mul3A_0, %dma_wait3A] : memref<10240x128xf32, #tpu.memory_space<vmem_shared>> -> memref<640x128xf32, #tpu.memory_space<vmem_shared>>
        %dma_wait3A_22 = arith.constant 0 : i32
        %dma_wait3A_23 = tpu.memref_slice %arg2[%mul3A_0, %dma_wait3A_22] : memref<10240x128xf32, #tpu.memory_space<hbm>> -> memref<640x128xf32, #tpu.memory_space<hbm>>
        tpu.wait_dma2 semaphore(%run_scoped3A : memref<!tpu.dma_semaphore, #tpu.memory_space<semaphore_mem>>) src(%dma_wait3A_23 : memref<640x128xf32, #tpu.memory_space<hbm>>) dst(%dma_wait3A_21 : memref<640x128xf32, #tpu.memory_space<vmem_shared>>)
        tpu.yield
      }) : () -> ()
    } else {
    }
    %eq3A_3 = arith.constant 1 : i32
    %eq3A_4 = arith.cmpi eq, %arg0, %eq3A_3 : i32
    %convert_element_type3A_5 = arith.extui %eq3A_4 : i1 to i32
    %cond3A_6 = arith.constant 0 : i32
    %cond3A_7 = arith.cmpi ne, %convert_element_type3A_5, %cond3A_6 : i32
    scf.if %cond3A_7 {
      "tpu.region"() ({
        %run_scoped3A = tpu.sem_alloc : memref<!tpu.dma_semaphore, #tpu.memory_space<semaphore_mem>>
        %dma_start3A = arith.constant 0 : i32
        %dma_start3A_18 = tpu.memref_slice %arg9[%mul3A_0, %dma_start3A] : memref<10240x128xf32, #tpu.memory_space<vmem_shared>> -> memref<640x128xf32, #tpu.memory_space<vmem_shared>>
        %dma_start3A_19 = arith.constant 0 : i32
        %dma_start3A_20 = tpu.memref_slice %arg3[%mul3A_0, %dma_start3A_19] : memref<10240x128xf32, #tpu.memory_space<hbm>> -> memref<640x128xf32, #tpu.memory_space<hbm>>
        tpu.enqueue_dma source(%dma_start3A_20 : memref<640x128xf32, #tpu.memory_space<hbm>>) target(%dma_start3A_18 : memref<640x128xf32, #tpu.memory_space<vmem_shared>>) target_semaphore(%run_scoped3A : memref<!tpu.dma_semaphore, #tpu.memory_space<semaphore_mem>>)
        %dma_wait3A = arith.constant 0 : i32
        %dma_wait3A_21 = tpu.memref_slice %arg9[%mul3A_0, %dma_wait3A] : memref<10240x128xf32, #tpu.memory_space<vmem_shared>> -> memref<640x128xf32, #tpu.memory_space<vmem_shared>>
        %dma_wait3A_22 = arith.constant 0 : i32
        %dma_wait3A_23 = tpu.memref_slice %arg3[%mul3A_0, %dma_wait3A_22] : memref<10240x128xf32, #tpu.memory_space<hbm>> -> memref<640x128xf32, #tpu.memory_space<hbm>>
        tpu.wait_dma2 semaphore(%run_scoped3A : memref<!tpu.dma_semaphore, #tpu.memory_space<semaphore_mem>>) src(%dma_wait3A_23 : memref<640x128xf32, #tpu.memory_space<hbm>>) dst(%dma_wait3A_21 : memref<640x128xf32, #tpu.memory_space<vmem_shared>>)
        tpu.yield
      }) : () -> ()
    } else {
    }
    %barrier3A = arith.constant 0 : index
    tpu.barrier barrier_id(%barrier3A)
    %eq3A_8 = arith.constant 0 : i32
    %eq3A_9 = arith.cmpi eq, %arg0, %eq3A_8 : i32
    %convert_element_type3A_10 = arith.extui %eq3A_9 : i1 to i32
    %cond3A_11 = arith.constant 0 : i32
    %cond3A_12 = arith.cmpi ne, %convert_element_type3A_10, %cond3A_11 : i32
    scf.if %cond3A_12 {
      %mul3A_18 = arith.constant 10000 : i32
      %mul3A_19 = arith.muli %arg1, %mul3A_18 : i32
      "tpu.region"() ({
        %run_scoped3A = tpu.sem_alloc : memref<!tpu.dma_semaphore, #tpu.memory_space<semaphore_mem>>
        %dma_start3A_74 = arith.constant 0 : i32
        %dma_start3A_75 = arith.constant 0 : i32
        %dma_start3A_76 = tpu.memref_slice %arg4[%arg1, %dma_start3A_74, %dma_start3A_75] : memref<16x125x80xi32, #tpu.memory_space<hbm>> -> memref<1x125x80xi32, #tpu.memory_space<hbm>>
        %dma_start3A_77 = tpu.memref_squeeze %dma_start3A_76 : memref<1x125x80xi32, #tpu.memory_space<hbm>> -> memref<125x80xi32, #tpu.memory_space<hbm>>
        %dma_start3A_78 = arith.constant 0 : i32
        %dma_start3A_79 = arith.constant 0 : i32
        %dma_start3A_80 = tpu.memref_slice %arg4[%arg1, %dma_start3A_78, %dma_start3A_79] : memref<16x125x80xi32, #tpu.memory_space<hbm>> -> memref<1x125x80xi32, #tpu.memory_space<hbm>>
        %dma_start3A_81 = tpu.memref_squeeze %dma_start3A_80 : memref<1x125x80xi32, #tpu.memory_space<hbm>> -> memref<125x80xi32, #tpu.memory_space<hbm>>
        tpu.enqueue_dma source(%dma_start3A_81 : memref<125x80xi32, #tpu.memory_space<hbm>>) target(%arg8 : memref<125x80xi32, #tpu.memory_space<vmem>>) target_semaphore(%run_scoped3A : memref<!tpu.dma_semaphore, #tpu.memory_space<semaphore_mem>>)
        %dma_wait3A_82 = arith.constant 0 : i32
        %dma_wait3A_83 = arith.constant 0 : i32
        %dma_wait3A_84 = tpu.memref_slice %arg4[%arg1, %dma_wait3A_82, %dma_wait3A_83] : memref<16x125x80xi32, #tpu.memory_space<hbm>> -> memref<1x125x80xi32, #tpu.memory_space<hbm>>
        %dma_wait3A_85 = tpu.memref_squeeze %dma_wait3A_84 : memref<1x125x80xi32, #tpu.memory_space<hbm>> -> memref<125x80xi32, #tpu.memory_space<hbm>>
        %dma_wait3A_86 = arith.constant 0 : i32
        %dma_wait3A_87 = arith.constant 0 : i32
        %dma_wait3A_88 = tpu.memref_slice %arg4[%arg1, %dma_wait3A_86, %dma_wait3A_87] : memref<16x125x80xi32, #tpu.memory_space<hbm>> -> memref<1x125x80xi32, #tpu.memory_space<hbm>>
        %dma_wait3A_89 = tpu.memref_squeeze %dma_wait3A_88 : memref<1x125x80xi32, #tpu.memory_space<hbm>> -> memref<125x80xi32, #tpu.memory_space<hbm>>
        tpu.wait_dma2 semaphore(%run_scoped3A : memref<!tpu.dma_semaphore, #tpu.memory_space<semaphore_mem>>) src(%dma_wait3A_89 : memref<125x80xi32, #tpu.memory_space<hbm>>) dst(%arg8 : memref<125x80xi32, #tpu.memory_space<vmem>>)
        tpu.yield
      }) : () -> ()
      %dma_start3A = arith.constant 0 : i32
      %dma_start3A_20 = arith.constant 0 : i32
      %dma_start3A_21 = tpu.memref_slice %arg8[%dma_start3A, %dma_start3A_20] : memref<125x80xi32, #tpu.memory_space<vmem>> -> memref<1x80xi32, #tpu.memory_space<vmem>>
      %dma_start3A_22 = tpu.memref_squeeze %dma_start3A_21 : memref<1x80xi32, #tpu.memory_space<vmem>> -> memref<80xi32, #tpu.memory_space<vmem>>
      %dma_start3A_23 = arith.constant 0 : i32
      %dma_start3A_24 = arith.constant 0 : i32
      %dma_start3A_25 = tpu.memref_slice %arg9[%dma_start3A_23, %dma_start3A_24] : memref<10240x128xf32, #tpu.memory_space<vmem_shared>> -> memref<10240x128xf32, #tpu.memory_space<vmem_shared>>
      tpu.enqueue_indirect_dma source(%dma_start3A_25 : memref<10240x128xf32, #tpu.memory_space<vmem_shared>>) target(%arg10 : memref<80x128xf32, #tpu.memory_space<vmem>>) offsets(%dma_start3A_22 : memref<80xi32, #tpu.memory_space<vmem>>) semaphore(%arg12 : memref<!tpu.dma_semaphore, #tpu.memory_space<semaphore_mem>>)
      %dma_start3A_26 = arith.constant 1 : i32
      %dma_start3A_27 = arith.constant 0 : i32
      %dma_start3A_28 = tpu.memref_slice %arg8[%dma_start3A_26, %dma_start3A_27] : memref<125x80xi32, #tpu.memory_space<vmem>> -> memref<1x80xi32, #tpu.memory_space<vmem>>
      %dma_start3A_29 = tpu.memref_squeeze %dma_start3A_28 : memref<1x80xi32, #tpu.memory_space<vmem>> -> memref<80xi32, #tpu.memory_space<vmem>>
      %dma_start3A_30 = arith.constant 0 : i32
      %dma_start3A_31 = arith.constant 0 : i32
      %dma_start3A_32 = tpu.memref_slice %arg9[%dma_start3A_30, %dma_start3A_31] : memref<10240x128xf32, #tpu.memory_space<vmem_shared>> -> memref<10240x128xf32, #tpu.memory_space<vmem_shared>>
      tpu.enqueue_indirect_dma source(%dma_start3A_32 : memref<10240x128xf32, #tpu.memory_space<vmem_shared>>) target(%arg11 : memref<80x128xf32, #tpu.memory_space<vmem>>) offsets(%dma_start3A_29 : memref<80xi32, #tpu.memory_space<vmem>>) semaphore(%arg13 : memref<!tpu.dma_semaphore, #tpu.memory_space<semaphore_mem>>)
      %scan3A = arith.constant 0 : i32
      %scan3A_33 = arith.constant 0 : i32
      %scan3A_34 = arith.constant 62 : i32
      %scan3A_35 = arith.addi %scan3A_33, %scan3A_34 : i32
      %scan3A_36 = arith.constant 1 : i32
      scf.for %scan3A_74 = %scan3A_33 to %scan3A_35 step %scan3A_36  : i32 {
        %mul3A_75 = arith.constant 2 : i32
        %mul3A_76 = arith.muli %scan3A_74, %mul3A_75 : i32
        %add3A_77 = arith.constant 0 : i32
        %add3A_78 = arith.addi %mul3A_76, %add3A_77 : i32
        %dma_wait3A_79 = arith.constant 0 : i32
        %dma_wait3A_80 = arith.constant 0 : i32
        %dma_wait3A_81 = tpu.memref_slice %arg8[%dma_wait3A_79, %dma_wait3A_80] : memref<125x80xi32, #tpu.memory_space<vmem>> -> memref<1x80xi32, #tpu.memory_space<vmem>>
        %dma_wait3A_82 = tpu.memref_squeeze %dma_wait3A_81 : memref<1x80xi32, #tpu.memory_space<vmem>> -> memref<80xi32, #tpu.memory_space<vmem>>
        %dma_wait3A_83 = arith.constant 0 : i32
        %dma_wait3A_84 = arith.constant 0 : i32
        %dma_wait3A_85 = tpu.memref_slice %arg9[%dma_wait3A_83, %dma_wait3A_84] : memref<10240x128xf32, #tpu.memory_space<vmem_shared>> -> memref<10240x128xf32, #tpu.memory_space<vmem_shared>>
        tpu.wait_indirect_dma semaphore(%arg12 : memref<!tpu.dma_semaphore, #tpu.memory_space<semaphore_mem>>) src(%dma_wait3A_85 : memref<10240x128xf32, #tpu.memory_space<vmem_shared>>) dst(%arg10 : memref<80x128xf32, #tpu.memory_space<vmem>>)
        %mul3A_86 = arith.constant 80 : i32
        %mul3A_87 = arith.muli %add3A_78, %mul3A_86 : i32
        %add3A_88 = arith.addi %mul3A_19, %mul3A_87 : i32
        %dma_start3A_89 = arith.constant 0 : i32
        %dma_start3A_90 = tpu.memref_slice %arg6[%add3A_88, %dma_start3A_89] : memref<160000x128xf32, #tpu.memory_space<hbm>> -> memref<80x128xf32, #tpu.memory_space<hbm>>
        %dma_start3A_91 = arith.constant 0 : i32
        %dma_start3A_92 = tpu.memref_slice %arg6[%add3A_88, %dma_start3A_91] : memref<160000x128xf32, #tpu.memory_space<hbm>> -> memref<80x128xf32, #tpu.memory_space<hbm>>
        tpu.enqueue_dma source(%arg10 : memref<80x128xf32, #tpu.memory_space<vmem>>) target(%dma_start3A_92 : memref<80x128xf32, #tpu.memory_space<hbm>>) target_semaphore(%arg14 : memref<!tpu.dma_semaphore, #tpu.memory_space<semaphore_mem>>)
        %mul3A_93 = arith.constant 2 : i32
        %mul3A_94 = arith.muli %scan3A_74, %mul3A_93 : i32
        %add3A_95 = arith.constant 1 : i32
        %add3A_96 = arith.addi %mul3A_94, %add3A_95 : i32
        %dma_wait3A_97 = arith.constant 0 : i32
        %dma_wait3A_98 = arith.constant 0 : i32
        %dma_wait3A_99 = tpu.memref_slice %arg8[%dma_wait3A_97, %dma_wait3A_98] : memref<125x80xi32, #tpu.memory_space<vmem>> -> memref<1x80xi32, #tpu.memory_space<vmem>>
        %dma_wait3A_100 = tpu.memref_squeeze %dma_wait3A_99 : memref<1x80xi32, #tpu.memory_space<vmem>> -> memref<80xi32, #tpu.memory_space<vmem>>
        %dma_wait3A_101 = arith.constant 0 : i32
        %dma_wait3A_102 = arith.constant 0 : i32
        %dma_wait3A_103 = tpu.memref_slice %arg9[%dma_wait3A_101, %dma_wait3A_102] : memref<10240x128xf32, #tpu.memory_space<vmem_shared>> -> memref<10240x128xf32, #tpu.memory_space<vmem_shared>>
        tpu.wait_indirect_dma semaphore(%arg13 : memref<!tpu.dma_semaphore, #tpu.memory_space<semaphore_mem>>) src(%dma_wait3A_103 : memref<10240x128xf32, #tpu.memory_space<vmem_shared>>) dst(%arg11 : memref<80x128xf32, #tpu.memory_space<vmem>>)
        %mul3A_104 = arith.constant 80 : i32
        %mul3A_105 = arith.muli %add3A_96, %mul3A_104 : i32
        %add3A_106 = arith.addi %mul3A_19, %mul3A_105 : i32
        %dma_start3A_107 = arith.constant 0 : i32
        %dma_start3A_108 = tpu.memref_slice %arg6[%add3A_106, %dma_start3A_107] : memref<160000x128xf32, #tpu.memory_space<hbm>> -> memref<80x128xf32, #tpu.memory_space<hbm>>
        %dma_start3A_109 = arith.constant 0 : i32
        %dma_start3A_110 = tpu.memref_slice %arg6[%add3A_106, %dma_start3A_109] : memref<160000x128xf32, #tpu.memory_space<hbm>> -> memref<80x128xf32, #tpu.memory_space<hbm>>
        tpu.enqueue_dma source(%arg11 : memref<80x128xf32, #tpu.memory_space<vmem>>) target(%dma_start3A_110 : memref<80x128xf32, #tpu.memory_space<hbm>>) target_semaphore(%arg15 : memref<!tpu.dma_semaphore, #tpu.memory_space<semaphore_mem>>)
        %lt3A = arith.constant 61 : i32
        %lt3A_111 = arith.cmpi slt, %scan3A_74, %lt3A : i32
        %convert_element_type3A_112 = arith.extui %lt3A_111 : i1 to i32
        %cond3A_113 = arith.constant 0 : i32
        %cond3A_114 = arith.cmpi ne, %convert_element_type3A_112, %cond3A_113 : i32
        scf.if %cond3A_114 {
          %add3A_115 = arith.constant 1 : i32
          %add3A_116 = arith.addi %scan3A_74, %add3A_115 : i32
          %mul3A_117 = arith.constant 2 : i32
          %mul3A_118 = arith.muli %add3A_116, %mul3A_117 : i32
          %add3A_119 = arith.constant 0 : i32
          %add3A_120 = arith.addi %mul3A_118, %add3A_119 : i32
          %dma_wait3A_121 = arith.constant 0 : i32
          %dma_wait3A_122 = arith.constant 0 : i32
          %dma_wait3A_123 = tpu.memref_slice %arg6[%dma_wait3A_121, %dma_wait3A_122] : memref<160000x128xf32, #tpu.memory_space<hbm>> -> memref<80x128xf32, #tpu.memory_space<hbm>>
          %dma_wait3A_124 = arith.constant 0 : i32
          %dma_wait3A_125 = arith.constant 0 : i32
          %dma_wait3A_126 = tpu.memref_slice %arg6[%dma_wait3A_124, %dma_wait3A_125] : memref<160000x128xf32, #tpu.memory_space<hbm>> -> memref<80x128xf32, #tpu.memory_space<hbm>>
          tpu.wait_dma2 semaphore(%arg14 : memref<!tpu.dma_semaphore, #tpu.memory_space<semaphore_mem>>) src(%arg10 : memref<80x128xf32, #tpu.memory_space<vmem>>) dst(%dma_wait3A_126 : memref<80x128xf32, #tpu.memory_space<hbm>>)
          %dma_start3A_127 = arith.constant 0 : i32
          %dma_start3A_128 = tpu.memref_slice %arg8[%add3A_120, %dma_start3A_127] : memref<125x80xi32, #tpu.memory_space<vmem>> -> memref<1x80xi32, #tpu.memory_space<vmem>>
          %dma_start3A_129 = tpu.memref_squeeze %dma_start3A_128 : memref<1x80xi32, #tpu.memory_space<vmem>> -> memref<80xi32, #tpu.memory_space<vmem>>
          %dma_start3A_130 = arith.constant 0 : i32
          %dma_start3A_131 = arith.constant 0 : i32
          %dma_start3A_132 = tpu.memref_slice %arg9[%dma_start3A_130, %dma_start3A_131] : memref<10240x128xf32, #tpu.memory_space<vmem_shared>> -> memref<10240x128xf32, #tpu.memory_space<vmem_shared>>
          tpu.enqueue_indirect_dma source(%dma_start3A_132 : memref<10240x128xf32, #tpu.memory_space<vmem_shared>>) target(%arg10 : memref<80x128xf32, #tpu.memory_space<vmem>>) offsets(%dma_start3A_129 : memref<80xi32, #tpu.memory_space<vmem>>) semaphore(%arg12 : memref<!tpu.dma_semaphore, #tpu.memory_space<semaphore_mem>>)
          %add3A_133 = arith.constant 1 : i32
          %add3A_134 = arith.addi %scan3A_74, %add3A_133 : i32
          %mul3A_135 = arith.constant 2 : i32
          %mul3A_136 = arith.muli %add3A_134, %mul3A_135 : i32
          %add3A_137 = arith.constant 1 : i32
          %add3A_138 = arith.addi %mul3A_136, %add3A_137 : i32
          %dma_wait3A_139 = arith.constant 0 : i32
          %dma_wait3A_140 = arith.constant 0 : i32
          %dma_wait3A_141 = tpu.memref_slice %arg6[%dma_wait3A_139, %dma_wait3A_140] : memref<160000x128xf32, #tpu.memory_space<hbm>> -> memref<80x128xf32, #tpu.memory_space<hbm>>
          %dma_wait3A_142 = arith.constant 0 : i32
          %dma_wait3A_143 = arith.constant 0 : i32
          %dma_wait3A_144 = tpu.memref_slice %arg6[%dma_wait3A_142, %dma_wait3A_143] : memref<160000x128xf32, #tpu.memory_space<hbm>> -> memref<80x128xf32, #tpu.memory_space<hbm>>
          tpu.wait_dma2 semaphore(%arg15 : memref<!tpu.dma_semaphore, #tpu.memory_space<semaphore_mem>>) src(%arg11 : memref<80x128xf32, #tpu.memory_space<vmem>>) dst(%dma_wait3A_144 : memref<80x128xf32, #tpu.memory_space<hbm>>)
          %dma_start3A_145 = arith.constant 0 : i32
          %dma_start3A_146 = tpu.memref_slice %arg8[%add3A_138, %dma_start3A_145] : memref<125x80xi32, #tpu.memory_space<vmem>> -> memref<1x80xi32, #tpu.memory_space<vmem>>
          %dma_start3A_147 = tpu.memref_squeeze %dma_start3A_146 : memref<1x80xi32, #tpu.memory_space<vmem>> -> memref<80xi32, #tpu.memory_space<vmem>>
          %dma_start3A_148 = arith.constant 0 : i32
          %dma_start3A_149 = arith.constant 0 : i32
          %dma_start3A_150 = tpu.memref_slice %arg9[%dma_start3A_148, %dma_start3A_149] : memref<10240x128xf32, #tpu.memory_space<vmem_shared>> -> memref<10240x128xf32, #tpu.memory_space<vmem_shared>>
          tpu.enqueue_indirect_dma source(%dma_start3A_150 : memref<10240x128xf32, #tpu.memory_space<vmem_shared>>) target(%arg11 : memref<80x128xf32, #tpu.memory_space<vmem>>) offsets(%dma_start3A_147 : memref<80xi32, #tpu.memory_space<vmem>>) semaphore(%arg13 : memref<!tpu.dma_semaphore, #tpu.memory_space<semaphore_mem>>)
        } else {
        }
      }
      %scan3A_37 = arith.constant 62 : i32
      %dma_wait3A = arith.constant 0 : i32
      %dma_wait3A_38 = arith.constant 0 : i32
      %dma_wait3A_39 = tpu.memref_slice %arg6[%dma_wait3A, %dma_wait3A_38] : memref<160000x128xf32, #tpu.memory_space<hbm>> -> memref<80x128xf32, #tpu.memory_space<hbm>>
      %dma_wait3A_40 = arith.constant 0 : i32
      %dma_wait3A_41 = arith.constant 0 : i32
      %dma_wait3A_42 = tpu.memref_slice %arg6[%dma_wait3A_40, %dma_wait3A_41] : memref<160000x128xf32, #tpu.memory_space<hbm>> -> memref<80x128xf32, #tpu.memory_space<hbm>>
      tpu.wait_dma2 semaphore(%arg14 : memref<!tpu.dma_semaphore, #tpu.memory_space<semaphore_mem>>) src(%arg10 : memref<80x128xf32, #tpu.memory_space<vmem>>) dst(%dma_wait3A_42 : memref<80x128xf32, #tpu.memory_space<hbm>>)
      %dma_wait3A_43 = arith.constant 0 : i32
      %dma_wait3A_44 = arith.constant 0 : i32
      %dma_wait3A_45 = tpu.memref_slice %arg6[%dma_wait3A_43, %dma_wait3A_44] : memref<160000x128xf32, #tpu.memory_space<hbm>> -> memref<80x128xf32, #tpu.memory_space<hbm>>
      %dma_wait3A_46 = arith.constant 0 : i32
      %dma_wait3A_47 = arith.constant 0 : i32
      %dma_wait3A_48 = tpu.memref_slice %arg6[%dma_wait3A_46, %dma_wait3A_47] : memref<160000x128xf32, #tpu.memory_space<hbm>> -> memref<80x128xf32, #tpu.memory_space<hbm>>
      tpu.wait_dma2 semaphore(%arg15 : memref<!tpu.dma_semaphore, #tpu.memory_space<semaphore_mem>>) src(%arg11 : memref<80x128xf32, #tpu.memory_space<vmem>>) dst(%dma_wait3A_48 : memref<80x128xf32, #tpu.memory_space<hbm>>)
      %dma_start3A_49 = arith.constant 124 : i32
      %dma_start3A_50 = arith.constant 0 : i32
      %dma_start3A_51 = tpu.memref_slice %arg8[%dma_start3A_49, %dma_start3A_50] : memref<125x80xi32, #tpu.memory_space<vmem>> -> memref<1x80xi32, #tpu.memory_space<vmem>>
      %dma_start3A_52 = tpu.memref_squeeze %dma_start3A_51 : memref<1x80xi32, #tpu.memory_space<vmem>> -> memref<80xi32, #tpu.memory_space<vmem>>
      %dma_start3A_53 = arith.constant 0 : i32
      %dma_start3A_54 = arith.constant 0 : i32
      %dma_start3A_55 = tpu.memref_slice %arg9[%dma_start3A_53, %dma_start3A_54] : memref<10240x128xf32, #tpu.memory_space<vmem_shared>> -> memref<10240x128xf32, #tpu.memory_space<vmem_shared>>
      tpu.enqueue_indirect_dma source(%dma_start3A_55 : memref<10240x128xf32, #tpu.memory_space<vmem_shared>>) target(%arg10 : memref<80x128xf32, #tpu.memory_space<vmem>>) offsets(%dma_start3A_52 : memref<80xi32, #tpu.memory_space<vmem>>) semaphore(%arg12 : memref<!tpu.dma_semaphore, #tpu.memory_space<semaphore_mem>>)
      %dma_wait3A_56 = arith.constant 0 : i32
      %dma_wait3A_57 = arith.constant 0 : i32
      %dma_wait3A_58 = tpu.memref_slice %arg8[%dma_wait3A_56, %dma_wait3A_57] : memref<125x80xi32, #tpu.memory_space<vmem>> -> memref<1x80xi32, #tpu.memory_space<vmem>>
      %dma_wait3A_59 = tpu.memref_squeeze %dma_wait3A_58 : memref<1x80xi32, #tpu.memory_space<vmem>> -> memref<80xi32, #tpu.memory_space<vmem>>
      %dma_wait3A_60 = arith.constant 0 : i32
      %dma_wait3A_61 = arith.constant 0 : i32
      %dma_wait3A_62 = tpu.memref_slice %arg9[%dma_wait3A_60, %dma_wait3A_61] : memref<10240x128xf32, #tpu.memory_space<vmem_shared>> -> memref<10240x128xf32, #tpu.memory_space<vmem_shared>>
      tpu.wait_indirect_dma semaphore(%arg12 : memref<!tpu.dma_semaphore, #tpu.memory_space<semaphore_mem>>) src(%dma_wait3A_62 : memref<10240x128xf32, #tpu.memory_space<vmem_shared>>) dst(%arg10 : memref<80x128xf32, #tpu.memory_space<vmem>>)
      %add3A = arith.constant 9920 : i32
      %add3A_63 = arith.addi %mul3A_19, %add3A : i32
      %dma_start3A_64 = arith.constant 0 : i32
      %dma_start3A_65 = tpu.memref_slice %arg6[%add3A_63, %dma_start3A_64] : memref<160000x128xf32, #tpu.memory_space<hbm>> -> memref<80x128xf32, #tpu.memory_space<hbm>>
      %dma_start3A_66 = arith.constant 0 : i32
      %dma_start3A_67 = tpu.memref_slice %arg6[%add3A_63, %dma_start3A_66] : memref<160000x128xf32, #tpu.memory_space<hbm>> -> memref<80x128xf32, #tpu.memory_space<hbm>>
      tpu.enqueue_dma source(%arg10 : memref<80x128xf32, #tpu.memory_space<vmem>>) target(%dma_start3A_67 : memref<80x128xf32, #tpu.memory_space<hbm>>) target_semaphore(%arg14 : memref<!tpu.dma_semaphore, #tpu.memory_space<semaphore_mem>>)
      %dma_wait3A_68 = arith.constant 0 : i32
      %dma_wait3A_69 = arith.constant 0 : i32
      %dma_wait3A_70 = tpu.memref_slice %arg6[%dma_wait3A_68, %dma_wait3A_69] : memref<160000x128xf32, #tpu.memory_space<hbm>> -> memref<80x128xf32, #tpu.memory_space<hbm>>
      %dma_wait3A_71 = arith.constant 0 : i32
      %dma_wait3A_72 = arith.constant 0 : i32
      %dma_wait3A_73 = tpu.memref_slice %arg6[%dma_wait3A_71, %dma_wait3A_72] : memref<160000x128xf32, #tpu.memory_space<hbm>> -> memref<80x128xf32, #tpu.memory_space<hbm>>
      tpu.wait_dma2 semaphore(%arg14 : memref<!tpu.dma_semaphore, #tpu.memory_space<semaphore_mem>>) src(%arg10 : memref<80x128xf32, #tpu.memory_space<vmem>>) dst(%dma_wait3A_73 : memref<80x128xf32, #tpu.memory_space<hbm>>)
    } else {
    }
    %eq3A_13 = arith.constant 1 : i32
    %eq3A_14 = arith.cmpi eq, %arg0, %eq3A_13 : i32
    %convert_element_type3A_15 = arith.extui %eq3A_14 : i1 to i32
    %cond3A_16 = arith.constant 0 : i32
    %cond3A_17 = arith.cmpi ne, %convert_element_type3A_15, %cond3A_16 : i32
    scf.if %cond3A_17 {
      %mul3A_18 = arith.constant 10000 : i32
      %mul3A_19 = arith.muli %arg1, %mul3A_18 : i32
      "tpu.region"() ({
        %run_scoped3A = tpu.sem_alloc : memref<!tpu.dma_semaphore, #tpu.memory_space<semaphore_mem>>
        %dma_start3A_74 = arith.constant 0 : i32
        %dma_start3A_75 = arith.constant 0 : i32
        %dma_start3A_76 = tpu.memref_slice %arg5[%arg1, %dma_start3A_74, %dma_start3A_75] : memref<16x125x80xi32, #tpu.memory_space<hbm>> -> memref<1x125x80xi32, #tpu.memory_space<hbm>>
        %dma_start3A_77 = tpu.memref_squeeze %dma_start3A_76 : memref<1x125x80xi32, #tpu.memory_space<hbm>> -> memref<125x80xi32, #tpu.memory_space<hbm>>
        %dma_start3A_78 = arith.constant 0 : i32
        %dma_start3A_79 = arith.constant 0 : i32
        %dma_start3A_80 = tpu.memref_slice %arg5[%arg1, %dma_start3A_78, %dma_start3A_79] : memref<16x125x80xi32, #tpu.memory_space<hbm>> -> memref<1x125x80xi32, #tpu.memory_space<hbm>>
        %dma_start3A_81 = tpu.memref_squeeze %dma_start3A_80 : memref<1x125x80xi32, #tpu.memory_space<hbm>> -> memref<125x80xi32, #tpu.memory_space<hbm>>
        tpu.enqueue_dma source(%dma_start3A_81 : memref<125x80xi32, #tpu.memory_space<hbm>>) target(%arg8 : memref<125x80xi32, #tpu.memory_space<vmem>>) target_semaphore(%run_scoped3A : memref<!tpu.dma_semaphore, #tpu.memory_space<semaphore_mem>>)
        %dma_wait3A_82 = arith.constant 0 : i32
        %dma_wait3A_83 = arith.constant 0 : i32
        %dma_wait3A_84 = tpu.memref_slice %arg5[%arg1, %dma_wait3A_82, %dma_wait3A_83] : memref<16x125x80xi32, #tpu.memory_space<hbm>> -> memref<1x125x80xi32, #tpu.memory_space<hbm>>
        %dma_wait3A_85 = tpu.memref_squeeze %dma_wait3A_84 : memref<1x125x80xi32, #tpu.memory_space<hbm>> -> memref<125x80xi32, #tpu.memory_space<hbm>>
        %dma_wait3A_86 = arith.constant 0 : i32
        %dma_wait3A_87 = arith.constant 0 : i32
        %dma_wait3A_88 = tpu.memref_slice %arg5[%arg1, %dma_wait3A_86, %dma_wait3A_87] : memref<16x125x80xi32, #tpu.memory_space<hbm>> -> memref<1x125x80xi32, #tpu.memory_space<hbm>>
        %dma_wait3A_89 = tpu.memref_squeeze %dma_wait3A_88 : memref<1x125x80xi32, #tpu.memory_space<hbm>> -> memref<125x80xi32, #tpu.memory_space<hbm>>
        tpu.wait_dma2 semaphore(%run_scoped3A : memref<!tpu.dma_semaphore, #tpu.memory_space<semaphore_mem>>) src(%dma_wait3A_89 : memref<125x80xi32, #tpu.memory_space<hbm>>) dst(%arg8 : memref<125x80xi32, #tpu.memory_space<vmem>>)
        tpu.yield
      }) : () -> ()
      %dma_start3A = arith.constant 0 : i32
      %dma_start3A_20 = arith.constant 0 : i32
      %dma_start3A_21 = tpu.memref_slice %arg8[%dma_start3A, %dma_start3A_20] : memref<125x80xi32, #tpu.memory_space<vmem>> -> memref<1x80xi32, #tpu.memory_space<vmem>>
      %dma_start3A_22 = tpu.memref_squeeze %dma_start3A_21 : memref<1x80xi32, #tpu.memory_space<vmem>> -> memref<80xi32, #tpu.memory_space<vmem>>
      %dma_start3A_23 = arith.constant 0 : i32
      %dma_start3A_24 = arith.constant 0 : i32
      %dma_start3A_25 = tpu.memref_slice %arg9[%dma_start3A_23, %dma_start3A_24] : memref<10240x128xf32, #tpu.memory_space<vmem_shared>> -> memref<10240x128xf32, #tpu.memory_space<vmem_shared>>
      tpu.enqueue_indirect_dma source(%dma_start3A_25 : memref<10240x128xf32, #tpu.memory_space<vmem_shared>>) target(%arg10 : memref<80x128xf32, #tpu.memory_space<vmem>>) offsets(%dma_start3A_22 : memref<80xi32, #tpu.memory_space<vmem>>) semaphore(%arg12 : memref<!tpu.dma_semaphore, #tpu.memory_space<semaphore_mem>>)
      %dma_start3A_26 = arith.constant 1 : i32
      %dma_start3A_27 = arith.constant 0 : i32
      %dma_start3A_28 = tpu.memref_slice %arg8[%dma_start3A_26, %dma_start3A_27] : memref<125x80xi32, #tpu.memory_space<vmem>> -> memref<1x80xi32, #tpu.memory_space<vmem>>
      %dma_start3A_29 = tpu.memref_squeeze %dma_start3A_28 : memref<1x80xi32, #tpu.memory_space<vmem>> -> memref<80xi32, #tpu.memory_space<vmem>>
      %dma_start3A_30 = arith.constant 0 : i32
      %dma_start3A_31 = arith.constant 0 : i32
      %dma_start3A_32 = tpu.memref_slice %arg9[%dma_start3A_30, %dma_start3A_31] : memref<10240x128xf32, #tpu.memory_space<vmem_shared>> -> memref<10240x128xf32, #tpu.memory_space<vmem_shared>>
      tpu.enqueue_indirect_dma source(%dma_start3A_32 : memref<10240x128xf32, #tpu.memory_space<vmem_shared>>) target(%arg11 : memref<80x128xf32, #tpu.memory_space<vmem>>) offsets(%dma_start3A_29 : memref<80xi32, #tpu.memory_space<vmem>>) semaphore(%arg13 : memref<!tpu.dma_semaphore, #tpu.memory_space<semaphore_mem>>)
      %scan3A = arith.constant 0 : i32
      %scan3A_33 = arith.constant 0 : i32
      %scan3A_34 = arith.constant 62 : i32
      %scan3A_35 = arith.addi %scan3A_33, %scan3A_34 : i32
      %scan3A_36 = arith.constant 1 : i32
      scf.for %scan3A_74 = %scan3A_33 to %scan3A_35 step %scan3A_36  : i32 {
        %mul3A_75 = arith.constant 2 : i32
        %mul3A_76 = arith.muli %scan3A_74, %mul3A_75 : i32
        %add3A_77 = arith.constant 0 : i32
        %add3A_78 = arith.addi %mul3A_76, %add3A_77 : i32
        %dma_wait3A_79 = arith.constant 0 : i32
        %dma_wait3A_80 = arith.constant 0 : i32
        %dma_wait3A_81 = tpu.memref_slice %arg8[%dma_wait3A_79, %dma_wait3A_80] : memref<125x80xi32, #tpu.memory_space<vmem>> -> memref<1x80xi32, #tpu.memory_space<vmem>>
        %dma_wait3A_82 = tpu.memref_squeeze %dma_wait3A_81 : memref<1x80xi32, #tpu.memory_space<vmem>> -> memref<80xi32, #tpu.memory_space<vmem>>
        %dma_wait3A_83 = arith.constant 0 : i32
        %dma_wait3A_84 = arith.constant 0 : i32
        %dma_wait3A_85 = tpu.memref_slice %arg9[%dma_wait3A_83, %dma_wait3A_84] : memref<10240x128xf32, #tpu.memory_space<vmem_shared>> -> memref<10240x128xf32, #tpu.memory_space<vmem_shared>>
        tpu.wait_indirect_dma semaphore(%arg12 : memref<!tpu.dma_semaphore, #tpu.memory_space<semaphore_mem>>) src(%dma_wait3A_85 : memref<10240x128xf32, #tpu.memory_space<vmem_shared>>) dst(%arg10 : memref<80x128xf32, #tpu.memory_space<vmem>>)
        %mul3A_86 = arith.constant 80 : i32
        %mul3A_87 = arith.muli %add3A_78, %mul3A_86 : i32
        %add3A_88 = arith.addi %mul3A_19, %mul3A_87 : i32
        %dma_start3A_89 = arith.constant 0 : i32
        %dma_start3A_90 = tpu.memref_slice %arg7[%add3A_88, %dma_start3A_89] : memref<160000x128xf32, #tpu.memory_space<hbm>> -> memref<80x128xf32, #tpu.memory_space<hbm>>
        %dma_start3A_91 = arith.constant 0 : i32
        %dma_start3A_92 = tpu.memref_slice %arg7[%add3A_88, %dma_start3A_91] : memref<160000x128xf32, #tpu.memory_space<hbm>> -> memref<80x128xf32, #tpu.memory_space<hbm>>
        tpu.enqueue_dma source(%arg10 : memref<80x128xf32, #tpu.memory_space<vmem>>) target(%dma_start3A_92 : memref<80x128xf32, #tpu.memory_space<hbm>>) target_semaphore(%arg14 : memref<!tpu.dma_semaphore, #tpu.memory_space<semaphore_mem>>)
        %mul3A_93 = arith.constant 2 : i32
        %mul3A_94 = arith.muli %scan3A_74, %mul3A_93 : i32
        %add3A_95 = arith.constant 1 : i32
        %add3A_96 = arith.addi %mul3A_94, %add3A_95 : i32
        %dma_wait3A_97 = arith.constant 0 : i32
        %dma_wait3A_98 = arith.constant 0 : i32
        %dma_wait3A_99 = tpu.memref_slice %arg8[%dma_wait3A_97, %dma_wait3A_98] : memref<125x80xi32, #tpu.memory_space<vmem>> -> memref<1x80xi32, #tpu.memory_space<vmem>>
        %dma_wait3A_100 = tpu.memref_squeeze %dma_wait3A_99 : memref<1x80xi32, #tpu.memory_space<vmem>> -> memref<80xi32, #tpu.memory_space<vmem>>
        %dma_wait3A_101 = arith.constant 0 : i32
        %dma_wait3A_102 = arith.constant 0 : i32
        %dma_wait3A_103 = tpu.memref_slice %arg9[%dma_wait3A_101, %dma_wait3A_102] : memref<10240x128xf32, #tpu.memory_space<vmem_shared>> -> memref<10240x128xf32, #tpu.memory_space<vmem_shared>>
        tpu.wait_indirect_dma semaphore(%arg13 : memref<!tpu.dma_semaphore, #tpu.memory_space<semaphore_mem>>) src(%dma_wait3A_103 : memref<10240x128xf32, #tpu.memory_space<vmem_shared>>) dst(%arg11 : memref<80x128xf32, #tpu.memory_space<vmem>>)
        %mul3A_104 = arith.constant 80 : i32
        %mul3A_105 = arith.muli %add3A_96, %mul3A_104 : i32
        %add3A_106 = arith.addi %mul3A_19, %mul3A_105 : i32
        %dma_start3A_107 = arith.constant 0 : i32
        %dma_start3A_108 = tpu.memref_slice %arg7[%add3A_106, %dma_start3A_107] : memref<160000x128xf32, #tpu.memory_space<hbm>> -> memref<80x128xf32, #tpu.memory_space<hbm>>
        %dma_start3A_109 = arith.constant 0 : i32
        %dma_start3A_110 = tpu.memref_slice %arg7[%add3A_106, %dma_start3A_109] : memref<160000x128xf32, #tpu.memory_space<hbm>> -> memref<80x128xf32, #tpu.memory_space<hbm>>
        tpu.enqueue_dma source(%arg11 : memref<80x128xf32, #tpu.memory_space<vmem>>) target(%dma_start3A_110 : memref<80x128xf32, #tpu.memory_space<hbm>>) target_semaphore(%arg15 : memref<!tpu.dma_semaphore, #tpu.memory_space<semaphore_mem>>)
        %lt3A = arith.constant 61 : i32
        %lt3A_111 = arith.cmpi slt, %scan3A_74, %lt3A : i32
        %convert_element_type3A_112 = arith.extui %lt3A_111 : i1 to i32
        %cond3A_113 = arith.constant 0 : i32
        %cond3A_114 = arith.cmpi ne, %convert_element_type3A_112, %cond3A_113 : i32
        scf.if %cond3A_114 {
          %add3A_115 = arith.constant 1 : i32
          %add3A_116 = arith.addi %scan3A_74, %add3A_115 : i32
          %mul3A_117 = arith.constant 2 : i32
          %mul3A_118 = arith.muli %add3A_116, %mul3A_117 : i32
          %add3A_119 = arith.constant 0 : i32
          %add3A_120 = arith.addi %mul3A_118, %add3A_119 : i32
          %dma_wait3A_121 = arith.constant 0 : i32
          %dma_wait3A_122 = arith.constant 0 : i32
          %dma_wait3A_123 = tpu.memref_slice %arg7[%dma_wait3A_121, %dma_wait3A_122] : memref<160000x128xf32, #tpu.memory_space<hbm>> -> memref<80x128xf32, #tpu.memory_space<hbm>>
          %dma_wait3A_124 = arith.constant 0 : i32
          %dma_wait3A_125 = arith.constant 0 : i32
          %dma_wait3A_126 = tpu.memref_slice %arg7[%dma_wait3A_124, %dma_wait3A_125] : memref<160000x128xf32, #tpu.memory_space<hbm>> -> memref<80x128xf32, #tpu.memory_space<hbm>>
          tpu.wait_dma2 semaphore(%arg14 : memref<!tpu.dma_semaphore, #tpu.memory_space<semaphore_mem>>) src(%arg10 : memref<80x128xf32, #tpu.memory_space<vmem>>) dst(%dma_wait3A_126 : memref<80x128xf32, #tpu.memory_space<hbm>>)
          %dma_start3A_127 = arith.constant 0 : i32
          %dma_start3A_128 = tpu.memref_slice %arg8[%add3A_120, %dma_start3A_127] : memref<125x80xi32, #tpu.memory_space<vmem>> -> memref<1x80xi32, #tpu.memory_space<vmem>>
          %dma_start3A_129 = tpu.memref_squeeze %dma_start3A_128 : memref<1x80xi32, #tpu.memory_space<vmem>> -> memref<80xi32, #tpu.memory_space<vmem>>
          %dma_start3A_130 = arith.constant 0 : i32
          %dma_start3A_131 = arith.constant 0 : i32
          %dma_start3A_132 = tpu.memref_slice %arg9[%dma_start3A_130, %dma_start3A_131] : memref<10240x128xf32, #tpu.memory_space<vmem_shared>> -> memref<10240x128xf32, #tpu.memory_space<vmem_shared>>
          tpu.enqueue_indirect_dma source(%dma_start3A_132 : memref<10240x128xf32, #tpu.memory_space<vmem_shared>>) target(%arg10 : memref<80x128xf32, #tpu.memory_space<vmem>>) offsets(%dma_start3A_129 : memref<80xi32, #tpu.memory_space<vmem>>) semaphore(%arg12 : memref<!tpu.dma_semaphore, #tpu.memory_space<semaphore_mem>>)
          %add3A_133 = arith.constant 1 : i32
          %add3A_134 = arith.addi %scan3A_74, %add3A_133 : i32
          %mul3A_135 = arith.constant 2 : i32
          %mul3A_136 = arith.muli %add3A_134, %mul3A_135 : i32
          %add3A_137 = arith.constant 1 : i32
          %add3A_138 = arith.addi %mul3A_136, %add3A_137 : i32
          %dma_wait3A_139 = arith.constant 0 : i32
          %dma_wait3A_140 = arith.constant 0 : i32
          %dma_wait3A_141 = tpu.memref_slice %arg7[%dma_wait3A_139, %dma_wait3A_140] : memref<160000x128xf32, #tpu.memory_space<hbm>> -> memref<80x128xf32, #tpu.memory_space<hbm>>
          %dma_wait3A_142 = arith.constant 0 : i32
          %dma_wait3A_143 = arith.constant 0 : i32
          %dma_wait3A_144 = tpu.memref_slice %arg7[%dma_wait3A_142, %dma_wait3A_143] : memref<160000x128xf32, #tpu.memory_space<hbm>> -> memref<80x128xf32, #tpu.memory_space<hbm>>
          tpu.wait_dma2 semaphore(%arg15 : memref<!tpu.dma_semaphore, #tpu.memory_space<semaphore_mem>>) src(%arg11 : memref<80x128xf32, #tpu.memory_space<vmem>>) dst(%dma_wait3A_144 : memref<80x128xf32, #tpu.memory_space<hbm>>)
          %dma_start3A_145 = arith.constant 0 : i32
          %dma_start3A_146 = tpu.memref_slice %arg8[%add3A_138, %dma_start3A_145] : memref<125x80xi32, #tpu.memory_space<vmem>> -> memref<1x80xi32, #tpu.memory_space<vmem>>
          %dma_start3A_147 = tpu.memref_squeeze %dma_start3A_146 : memref<1x80xi32, #tpu.memory_space<vmem>> -> memref<80xi32, #tpu.memory_space<vmem>>
          %dma_start3A_148 = arith.constant 0 : i32
          %dma_start3A_149 = arith.constant 0 : i32
          %dma_start3A_150 = tpu.memref_slice %arg9[%dma_start3A_148, %dma_start3A_149] : memref<10240x128xf32, #tpu.memory_space<vmem_shared>> -> memref<10240x128xf32, #tpu.memory_space<vmem_shared>>
          tpu.enqueue_indirect_dma source(%dma_start3A_150 : memref<10240x128xf32, #tpu.memory_space<vmem_shared>>) target(%arg11 : memref<80x128xf32, #tpu.memory_space<vmem>>) offsets(%dma_start3A_147 : memref<80xi32, #tpu.memory_space<vmem>>) semaphore(%arg13 : memref<!tpu.dma_semaphore, #tpu.memory_space<semaphore_mem>>)
        } else {
        }
      }
      %scan3A_37 = arith.constant 62 : i32
      %dma_wait3A = arith.constant 0 : i32
      %dma_wait3A_38 = arith.constant 0 : i32
      %dma_wait3A_39 = tpu.memref_slice %arg7[%dma_wait3A, %dma_wait3A_38] : memref<160000x128xf32, #tpu.memory_space<hbm>> -> memref<80x128xf32, #tpu.memory_space<hbm>>
      %dma_wait3A_40 = arith.constant 0 : i32
      %dma_wait3A_41 = arith.constant 0 : i32
      %dma_wait3A_42 = tpu.memref_slice %arg7[%dma_wait3A_40, %dma_wait3A_41] : memref<160000x128xf32, #tpu.memory_space<hbm>> -> memref<80x128xf32, #tpu.memory_space<hbm>>
      tpu.wait_dma2 semaphore(%arg14 : memref<!tpu.dma_semaphore, #tpu.memory_space<semaphore_mem>>) src(%arg10 : memref<80x128xf32, #tpu.memory_space<vmem>>) dst(%dma_wait3A_42 : memref<80x128xf32, #tpu.memory_space<hbm>>)
      %dma_wait3A_43 = arith.constant 0 : i32
      %dma_wait3A_44 = arith.constant 0 : i32
      %dma_wait3A_45 = tpu.memref_slice %arg7[%dma_wait3A_43, %dma_wait3A_44] : memref<160000x128xf32, #tpu.memory_space<hbm>> -> memref<80x128xf32, #tpu.memory_space<hbm>>
      %dma_wait3A_46 = arith.constant 0 : i32
      %dma_wait3A_47 = arith.constant 0 : i32
      %dma_wait3A_48 = tpu.memref_slice %arg7[%dma_wait3A_46, %dma_wait3A_47] : memref<160000x128xf32, #tpu.memory_space<hbm>> -> memref<80x128xf32, #tpu.memory_space<hbm>>
      tpu.wait_dma2 semaphore(%arg15 : memref<!tpu.dma_semaphore, #tpu.memory_space<semaphore_mem>>) src(%arg11 : memref<80x128xf32, #tpu.memory_space<vmem>>) dst(%dma_wait3A_48 : memref<80x128xf32, #tpu.memory_space<hbm>>)
      %dma_start3A_49 = arith.constant 124 : i32
      %dma_start3A_50 = arith.constant 0 : i32
      %dma_start3A_51 = tpu.memref_slice %arg8[%dma_start3A_49, %dma_start3A_50] : memref<125x80xi32, #tpu.memory_space<vmem>> -> memref<1x80xi32, #tpu.memory_space<vmem>>
      %dma_start3A_52 = tpu.memref_squeeze %dma_start3A_51 : memref<1x80xi32, #tpu.memory_space<vmem>> -> memref<80xi32, #tpu.memory_space<vmem>>
      %dma_start3A_53 = arith.constant 0 : i32
      %dma_start3A_54 = arith.constant 0 : i32
      %dma_start3A_55 = tpu.memref_slice %arg9[%dma_start3A_53, %dma_start3A_54] : memref<10240x128xf32, #tpu.memory_space<vmem_shared>> -> memref<10240x128xf32, #tpu.memory_space<vmem_shared>>
      tpu.enqueue_indirect_dma source(%dma_start3A_55 : memref<10240x128xf32, #tpu.memory_space<vmem_shared>>) target(%arg10 : memref<80x128xf32, #tpu.memory_space<vmem>>) offsets(%dma_start3A_52 : memref<80xi32, #tpu.memory_space<vmem>>) semaphore(%arg12 : memref<!tpu.dma_semaphore, #tpu.memory_space<semaphore_mem>>)
      %dma_wait3A_56 = arith.constant 0 : i32
      %dma_wait3A_57 = arith.constant 0 : i32
      %dma_wait3A_58 = tpu.memref_slice %arg8[%dma_wait3A_56, %dma_wait3A_57] : memref<125x80xi32, #tpu.memory_space<vmem>> -> memref<1x80xi32, #tpu.memory_space<vmem>>
      %dma_wait3A_59 = tpu.memref_squeeze %dma_wait3A_58 : memref<1x80xi32, #tpu.memory_space<vmem>> -> memref<80xi32, #tpu.memory_space<vmem>>
      %dma_wait3A_60 = arith.constant 0 : i32
      %dma_wait3A_61 = arith.constant 0 : i32
      %dma_wait3A_62 = tpu.memref_slice %arg9[%dma_wait3A_60, %dma_wait3A_61] : memref<10240x128xf32, #tpu.memory_space<vmem_shared>> -> memref<10240x128xf32, #tpu.memory_space<vmem_shared>>
      tpu.wait_indirect_dma semaphore(%arg12 : memref<!tpu.dma_semaphore, #tpu.memory_space<semaphore_mem>>) src(%dma_wait3A_62 : memref<10240x128xf32, #tpu.memory_space<vmem_shared>>) dst(%arg10 : memref<80x128xf32, #tpu.memory_space<vmem>>)
      %add3A = arith.constant 9920 : i32
      %add3A_63 = arith.addi %mul3A_19, %add3A : i32
      %dma_start3A_64 = arith.constant 0 : i32
      %dma_start3A_65 = tpu.memref_slice %arg7[%add3A_63, %dma_start3A_64] : memref<160000x128xf32, #tpu.memory_space<hbm>> -> memref<80x128xf32, #tpu.memory_space<hbm>>
      %dma_start3A_66 = arith.constant 0 : i32
      %dma_start3A_67 = tpu.memref_slice %arg7[%add3A_63, %dma_start3A_66] : memref<160000x128xf32, #tpu.memory_space<hbm>> -> memref<80x128xf32, #tpu.memory_space<hbm>>
      tpu.enqueue_dma source(%arg10 : memref<80x128xf32, #tpu.memory_space<vmem>>) target(%dma_start3A_67 : memref<80x128xf32, #tpu.memory_space<hbm>>) target_semaphore(%arg14 : memref<!tpu.dma_semaphore, #tpu.memory_space<semaphore_mem>>)
      %dma_wait3A_68 = arith.constant 0 : i32
      %dma_wait3A_69 = arith.constant 0 : i32
      %dma_wait3A_70 = tpu.memref_slice %arg7[%dma_wait3A_68, %dma_wait3A_69] : memref<160000x128xf32, #tpu.memory_space<hbm>> -> memref<80x128xf32, #tpu.memory_space<hbm>>
      %dma_wait3A_71 = arith.constant 0 : i32
      %dma_wait3A_72 = arith.constant 0 : i32
      %dma_wait3A_73 = tpu.memref_slice %arg7[%dma_wait3A_71, %dma_wait3A_72] : memref<160000x128xf32, #tpu.memory_space<hbm>> -> memref<80x128xf32, #tpu.memory_space<hbm>>
      tpu.wait_dma2 semaphore(%arg14 : memref<!tpu.dma_semaphore, #tpu.memory_space<semaphore_mem>>) src(%arg10 : memref<80x128xf32, #tpu.memory_space<vmem>>) dst(%dma_wait3A_73 : memref<80x128xf32, #tpu.memory_space<hbm>>)
    } else {
    }
    return
  }
}

#map = affine_map<(d0, d1) -> (0, 0)>
#map1 = affine_map<(d0, d1) -> (0, 0, 0)>
module attributes {stable_mosaic.version = 14 : i64} {
  func.func @gk(%arg0: i32, %arg1: i32, %arg2: memref<10240x128xf32, #tpu.memory_space<hbm>>, %arg3: memref<10240x128xf32, #tpu.memory_space<hbm>>, %arg4: memref<16x125x80xi32, #tpu.memory_space<hbm>>, %arg5: memref<16x125x80xi32, #tpu.memory_space<hbm>>, %arg6: memref<160000x128xf32, #tpu.memory_space<hbm>>, %arg7: memref<160000x128xf32, #tpu.memory_space<hbm>>, %arg8: memref<125x80xi32, #tpu.memory_space<vmem>>, %arg9: memref<10240x128xf32, #tpu.memory_space<vmem_shared>>, %arg10: memref<80x128xf32, #tpu.memory_space<vmem>>, %arg11: memref<80x128xf32, #tpu.memory_space<vmem>>, %arg12: memref<!tpu.dma_semaphore, #tpu.memory_space<semaphore_mem>>, %arg13: memref<!tpu.dma_semaphore, #tpu.memory_space<semaphore_mem>>, %arg14: memref<!tpu.dma_semaphore, #tpu.memory_space<semaphore_mem>>, %arg15: memref<!tpu.dma_semaphore, #tpu.memory_space<semaphore_mem>>) attributes {dimension_semantics = [#tpu.dimension_semantics<core_parallel>, #tpu.dimension_semantics<subcore_parallel>], iteration_bounds = array<i64: 2, 16>, scalar_prefetch = 0 : i64, scratch_operands = 8 : i64, tpu.core_type = #tpu.core_type<sc_vector_subcore>, window_params = [{transform_indices = #map}, {transform_indices = #map}, {transform_indices = #map1}, {transform_indices = #map1}, {transform_indices = #map}, {transform_indices = #map}]} {
    %mul3A = arith.constant 640 : i32
    %mul3A_0 = arith.muli %arg1, %mul3A : i32
    %eq3A = arith.constant 0 : i32
    %eq3A_1 = arith.cmpi eq, %arg0, %eq3A : i32
    %convert_element_type3A = arith.extui %eq3A_1 : i1 to i32
    %cond3A = arith.constant 0 : i32
    %cond3A_2 = arith.cmpi ne, %convert_element_type3A, %cond3A : i32
    scf.if %cond3A_2 {
      "tpu.region"() ({
        %run_scoped3A = tpu.sem_alloc : memref<!tpu.dma_semaphore, #tpu.memory_space<semaphore_mem>>
        %dma_start3A = arith.constant 0 : i32
        %dma_start3A_18 = tpu.memref_slice %arg9[%mul3A_0, %dma_start3A] : memref<10240x128xf32, #tpu.memory_space<vmem_shared>> -> memref<640x128xf32, #tpu.memory_space<vmem_shared>>
        %dma_start3A_19 = arith.constant 0 : i32
        %dma_start3A_20 = tpu.memref_slice %arg2[%mul3A_0, %dma_start3A_19] : memref<10240x128xf32, #tpu.memory_space<hbm>> -> memref<640x128xf32, #tpu.memory_space<hbm>>
        tpu.enqueue_dma source(%dma_start3A_20 : memref<640x128xf32, #tpu.memory_space<hbm>>) target(%dma_start3A_18 : memref<640x128xf32, #tpu.memory_space<vmem_shared>>) target_semaphore(%run_scoped3A : memref<!tpu.dma_semaphore, #tpu.memory_space<semaphore_mem>>)
        %dma_wait3A = arith.constant 0 : i32
        %dma_wait3A_21 = tpu.memref_slice %arg9[%mul3A_0, %dma_wait3A] : memref<10240x128xf32, #tpu.memory_space<vmem_shared>> -> memref<640x128xf32, #tpu.memory_space<vmem_shared>>
        %dma_wait3A_22 = arith.constant 0 : i32
        %dma_wait3A_23 = tpu.memref_slice %arg2[%mul3A_0, %dma_wait3A_22] : memref<10240x128xf32, #tpu.memory_space<hbm>> -> memref<640x128xf32, #tpu.memory_space<hbm>>
        tpu.wait_dma2 semaphore(%run_scoped3A : memref<!tpu.dma_semaphore, #tpu.memory_space<semaphore_mem>>) src(%dma_wait3A_23 : memref<640x128xf32, #tpu.memory_space<hbm>>) dst(%dma_wait3A_21 : memref<640x128xf32, #tpu.memory_space<vmem_shared>>)
        tpu.yield
      }) : () -> ()
    } else {
    }
    %eq3A_3 = arith.constant 1 : i32
    %eq3A_4 = arith.cmpi eq, %arg0, %eq3A_3 : i32
    %convert_element_type3A_5 = arith.extui %eq3A_4 : i1 to i32
    %cond3A_6 = arith.constant 0 : i32
    %cond3A_7 = arith.cmpi ne, %convert_element_type3A_5, %cond3A_6 : i32
    scf.if %cond3A_7 {
      "tpu.region"() ({
        %run_scoped3A = tpu.sem_alloc : memref<!tpu.dma_semaphore, #tpu.memory_space<semaphore_mem>>
        %dma_start3A = arith.constant 0 : i32
        %dma_start3A_18 = tpu.memref_slice %arg9[%mul3A_0, %dma_start3A] : memref<10240x128xf32, #tpu.memory_space<vmem_shared>> -> memref<640x128xf32, #tpu.memory_space<vmem_shared>>
        %dma_start3A_19 = arith.constant 0 : i32
        %dma_start3A_20 = tpu.memref_slice %arg3[%mul3A_0, %dma_start3A_19] : memref<10240x128xf32, #tpu.memory_space<hbm>> -> memref<640x128xf32, #tpu.memory_space<hbm>>
        tpu.enqueue_dma source(%dma_start3A_20 : memref<640x128xf32, #tpu.memory_space<hbm>>) target(%dma_start3A_18 : memref<640x128xf32, #tpu.memory_space<vmem_shared>>) target_semaphore(%run_scoped3A : memref<!tpu.dma_semaphore, #tpu.memory_space<semaphore_mem>>)
        %dma_wait3A = arith.constant 0 : i32
        %dma_wait3A_21 = tpu.memref_slice %arg9[%mul3A_0, %dma_wait3A] : memref<10240x128xf32, #tpu.memory_space<vmem_shared>> -> memref<640x128xf32, #tpu.memory_space<vmem_shared>>
        %dma_wait3A_22 = arith.constant 0 : i32
        %dma_wait3A_23 = tpu.memref_slice %arg3[%mul3A_0, %dma_wait3A_22] : memref<10240x128xf32, #tpu.memory_space<hbm>> -> memref<640x128xf32, #tpu.memory_space<hbm>>
        tpu.wait_dma2 semaphore(%run_scoped3A : memref<!tpu.dma_semaphore, #tpu.memory_space<semaphore_mem>>) src(%dma_wait3A_23 : memref<640x128xf32, #tpu.memory_space<hbm>>) dst(%dma_wait3A_21 : memref<640x128xf32, #tpu.memory_space<vmem_shared>>)
        tpu.yield
      }) : () -> ()
    } else {
    }
    %barrier3A = arith.constant 0 : index
    tpu.barrier barrier_id(%barrier3A)
    %eq3A_8 = arith.constant 0 : i32
    %eq3A_9 = arith.cmpi eq, %arg0, %eq3A_8 : i32
    %convert_element_type3A_10 = arith.extui %eq3A_9 : i1 to i32
    %cond3A_11 = arith.constant 0 : i32
    %cond3A_12 = arith.cmpi ne, %convert_element_type3A_10, %cond3A_11 : i32
    scf.if %cond3A_12 {
      %mul3A_18 = arith.constant 10000 : i32
      %mul3A_19 = arith.muli %arg1, %mul3A_18 : i32
      "tpu.region"() ({
        %run_scoped3A = tpu.sem_alloc : memref<!tpu.dma_semaphore, #tpu.memory_space<semaphore_mem>>
        %dma_start3A_74 = arith.constant 0 : i32
        %dma_start3A_75 = arith.constant 0 : i32
        %dma_start3A_76 = tpu.memref_slice %arg4[%arg1, %dma_start3A_74, %dma_start3A_75] : memref<16x125x80xi32, #tpu.memory_space<hbm>> -> memref<1x125x80xi32, #tpu.memory_space<hbm>>
        %dma_start3A_77 = tpu.memref_squeeze %dma_start3A_76 : memref<1x125x80xi32, #tpu.memory_space<hbm>> -> memref<125x80xi32, #tpu.memory_space<hbm>>
        %dma_start3A_78 = arith.constant 0 : i32
        %dma_start3A_79 = arith.constant 0 : i32
        %dma_start3A_80 = tpu.memref_slice %arg4[%arg1, %dma_start3A_78, %dma_start3A_79] : memref<16x125x80xi32, #tpu.memory_space<hbm>> -> memref<1x125x80xi32, #tpu.memory_space<hbm>>
        %dma_start3A_81 = tpu.memref_squeeze %dma_start3A_80 : memref<1x125x80xi32, #tpu.memory_space<hbm>> -> memref<125x80xi32, #tpu.memory_space<hbm>>
        tpu.enqueue_dma source(%dma_start3A_81 : memref<125x80xi32, #tpu.memory_space<hbm>>) target(%arg8 : memref<125x80xi32, #tpu.memory_space<vmem>>) target_semaphore(%run_scoped3A : memref<!tpu.dma_semaphore, #tpu.memory_space<semaphore_mem>>)
        %dma_wait3A_82 = arith.constant 0 : i32
        %dma_wait3A_83 = arith.constant 0 : i32
        %dma_wait3A_84 = tpu.memref_slice %arg4[%arg1, %dma_wait3A_82, %dma_wait3A_83] : memref<16x125x80xi32, #tpu.memory_space<hbm>> -> memref<1x125x80xi32, #tpu.memory_space<hbm>>
        %dma_wait3A_85 = tpu.memref_squeeze %dma_wait3A_84 : memref<1x125x80xi32, #tpu.memory_space<hbm>> -> memref<125x80xi32, #tpu.memory_space<hbm>>
        %dma_wait3A_86 = arith.constant 0 : i32
        %dma_wait3A_87 = arith.constant 0 : i32
        %dma_wait3A_88 = tpu.memref_slice %arg4[%arg1, %dma_wait3A_86, %dma_wait3A_87] : memref<16x125x80xi32, #tpu.memory_space<hbm>> -> memref<1x125x80xi32, #tpu.memory_space<hbm>>
        %dma_wait3A_89 = tpu.memref_squeeze %dma_wait3A_88 : memref<1x125x80xi32, #tpu.memory_space<hbm>> -> memref<125x80xi32, #tpu.memory_space<hbm>>
        tpu.wait_dma2 semaphore(%run_scoped3A : memref<!tpu.dma_semaphore, #tpu.memory_space<semaphore_mem>>) src(%dma_wait3A_89 : memref<125x80xi32, #tpu.memory_space<hbm>>) dst(%arg8 : memref<125x80xi32, #tpu.memory_space<vmem>>)
        tpu.yield
      }) : () -> ()
      %dma_start3A = arith.constant 0 : i32
      %dma_start3A_20 = arith.constant 0 : i32
      %dma_start3A_21 = tpu.memref_slice %arg8[%dma_start3A, %dma_start3A_20] : memref<125x80xi32, #tpu.memory_space<vmem>> -> memref<1x80xi32, #tpu.memory_space<vmem>>
      %dma_start3A_22 = tpu.memref_squeeze %dma_start3A_21 : memref<1x80xi32, #tpu.memory_space<vmem>> -> memref<80xi32, #tpu.memory_space<vmem>>
      %dma_start3A_23 = arith.constant 0 : i32
      %dma_start3A_24 = arith.constant 0 : i32
      %dma_start3A_25 = tpu.memref_slice %arg9[%dma_start3A_23, %dma_start3A_24] : memref<10240x128xf32, #tpu.memory_space<vmem_shared>> -> memref<10240x128xf32, #tpu.memory_space<vmem_shared>>
      tpu.enqueue_indirect_dma source(%dma_start3A_25 : memref<10240x128xf32, #tpu.memory_space<vmem_shared>>) target(%arg10 : memref<80x128xf32, #tpu.memory_space<vmem>>) offsets(%dma_start3A_22 : memref<80xi32, #tpu.memory_space<vmem>>) semaphore(%arg12 : memref<!tpu.dma_semaphore, #tpu.memory_space<semaphore_mem>>)
      %dma_start3A_26 = arith.constant 1 : i32
      %dma_start3A_27 = arith.constant 0 : i32
      %dma_start3A_28 = tpu.memref_slice %arg8[%dma_start3A_26, %dma_start3A_27] : memref<125x80xi32, #tpu.memory_space<vmem>> -> memref<1x80xi32, #tpu.memory_space<vmem>>
      %dma_start3A_29 = tpu.memref_squeeze %dma_start3A_28 : memref<1x80xi32, #tpu.memory_space<vmem>> -> memref<80xi32, #tpu.memory_space<vmem>>
      %dma_start3A_30 = arith.constant 0 : i32
      %dma_start3A_31 = arith.constant 0 : i32
      %dma_start3A_32 = tpu.memref_slice %arg9[%dma_start3A_30, %dma_start3A_31] : memref<10240x128xf32, #tpu.memory_space<vmem_shared>> -> memref<10240x128xf32, #tpu.memory_space<vmem_shared>>
      tpu.enqueue_indirect_dma source(%dma_start3A_32 : memref<10240x128xf32, #tpu.memory_space<vmem_shared>>) target(%arg11 : memref<80x128xf32, #tpu.memory_space<vmem>>) offsets(%dma_start3A_29 : memref<80xi32, #tpu.memory_space<vmem>>) semaphore(%arg13 : memref<!tpu.dma_semaphore, #tpu.memory_space<semaphore_mem>>)
      %scan3A = arith.constant 0 : i32
      %scan3A_33 = arith.constant 0 : i32
      %scan3A_34 = arith.constant 62 : i32
      %scan3A_35 = arith.addi %scan3A_33, %scan3A_34 : i32
      %scan3A_36 = arith.constant 1 : i32
      scf.for %scan3A_74 = %scan3A_33 to %scan3A_35 step %scan3A_36  : i32 {
        %mul3A_75 = arith.constant 2 : i32
        %mul3A_76 = arith.muli %scan3A_74, %mul3A_75 : i32
        %add3A_77 = arith.constant 0 : i32
        %add3A_78 = arith.addi %mul3A_76, %add3A_77 : i32
        %dma_wait3A_79 = arith.constant 0 : i32
        %dma_wait3A_80 = arith.constant 0 : i32
        %dma_wait3A_81 = tpu.memref_slice %arg8[%dma_wait3A_79, %dma_wait3A_80] : memref<125x80xi32, #tpu.memory_space<vmem>> -> memref<1x80xi32, #tpu.memory_space<vmem>>
        %dma_wait3A_82 = tpu.memref_squeeze %dma_wait3A_81 : memref<1x80xi32, #tpu.memory_space<vmem>> -> memref<80xi32, #tpu.memory_space<vmem>>
        %dma_wait3A_83 = arith.constant 0 : i32
        %dma_wait3A_84 = arith.constant 0 : i32
        %dma_wait3A_85 = tpu.memref_slice %arg9[%dma_wait3A_83, %dma_wait3A_84] : memref<10240x128xf32, #tpu.memory_space<vmem_shared>> -> memref<10240x128xf32, #tpu.memory_space<vmem_shared>>
        tpu.wait_indirect_dma semaphore(%arg12 : memref<!tpu.dma_semaphore, #tpu.memory_space<semaphore_mem>>) src(%dma_wait3A_85 : memref<10240x128xf32, #tpu.memory_space<vmem_shared>>) dst(%arg10 : memref<80x128xf32, #tpu.memory_space<vmem>>)
        %mul3A_86 = arith.constant 80 : i32
        %mul3A_87 = arith.muli %add3A_78, %mul3A_86 : i32
        %add3A_88 = arith.addi %mul3A_19, %mul3A_87 : i32
        %dma_start3A_89 = arith.constant 0 : i32
        %dma_start3A_90 = tpu.memref_slice %arg6[%add3A_88, %dma_start3A_89] : memref<160000x128xf32, #tpu.memory_space<hbm>> -> memref<80x128xf32, #tpu.memory_space<hbm>>
        %dma_start3A_91 = arith.constant 0 : i32
        %dma_start3A_92 = tpu.memref_slice %arg6[%add3A_88, %dma_start3A_91] : memref<160000x128xf32, #tpu.memory_space<hbm>> -> memref<80x128xf32, #tpu.memory_space<hbm>>
        tpu.enqueue_dma source(%arg10 : memref<80x128xf32, #tpu.memory_space<vmem>>) target(%dma_start3A_92 : memref<80x128xf32, #tpu.memory_space<hbm>>) target_semaphore(%arg14 : memref<!tpu.dma_semaphore, #tpu.memory_space<semaphore_mem>>)
        %mul3A_93 = arith.constant 2 : i32
        %mul3A_94 = arith.muli %scan3A_74, %mul3A_93 : i32
        %add3A_95 = arith.constant 1 : i32
        %add3A_96 = arith.addi %mul3A_94, %add3A_95 : i32
        %dma_wait3A_97 = arith.constant 0 : i32
        %dma_wait3A_98 = arith.constant 0 : i32
        %dma_wait3A_99 = tpu.memref_slice %arg8[%dma_wait3A_97, %dma_wait3A_98] : memref<125x80xi32, #tpu.memory_space<vmem>> -> memref<1x80xi32, #tpu.memory_space<vmem>>
        %dma_wait3A_100 = tpu.memref_squeeze %dma_wait3A_99 : memref<1x80xi32, #tpu.memory_space<vmem>> -> memref<80xi32, #tpu.memory_space<vmem>>
        %dma_wait3A_101 = arith.constant 0 : i32
        %dma_wait3A_102 = arith.constant 0 : i32
        %dma_wait3A_103 = tpu.memref_slice %arg9[%dma_wait3A_101, %dma_wait3A_102] : memref<10240x128xf32, #tpu.memory_space<vmem_shared>> -> memref<10240x128xf32, #tpu.memory_space<vmem_shared>>
        tpu.wait_indirect_dma semaphore(%arg13 : memref<!tpu.dma_semaphore, #tpu.memory_space<semaphore_mem>>) src(%dma_wait3A_103 : memref<10240x128xf32, #tpu.memory_space<vmem_shared>>) dst(%arg11 : memref<80x128xf32, #tpu.memory_space<vmem>>)
        %mul3A_104 = arith.constant 80 : i32
        %mul3A_105 = arith.muli %add3A_96, %mul3A_104 : i32
        %add3A_106 = arith.addi %mul3A_19, %mul3A_105 : i32
        %dma_start3A_107 = arith.constant 0 : i32
        %dma_start3A_108 = tpu.memref_slice %arg6[%add3A_106, %dma_start3A_107] : memref<160000x128xf32, #tpu.memory_space<hbm>> -> memref<80x128xf32, #tpu.memory_space<hbm>>
        %dma_start3A_109 = arith.constant 0 : i32
        %dma_start3A_110 = tpu.memref_slice %arg6[%add3A_106, %dma_start3A_109] : memref<160000x128xf32, #tpu.memory_space<hbm>> -> memref<80x128xf32, #tpu.memory_space<hbm>>
        tpu.enqueue_dma source(%arg11 : memref<80x128xf32, #tpu.memory_space<vmem>>) target(%dma_start3A_110 : memref<80x128xf32, #tpu.memory_space<hbm>>) target_semaphore(%arg15 : memref<!tpu.dma_semaphore, #tpu.memory_space<semaphore_mem>>)
        %lt3A = arith.constant 61 : i32
        %lt3A_111 = arith.cmpi slt, %scan3A_74, %lt3A : i32
        %convert_element_type3A_112 = arith.extui %lt3A_111 : i1 to i32
        %cond3A_113 = arith.constant 0 : i32
        %cond3A_114 = arith.cmpi ne, %convert_element_type3A_112, %cond3A_113 : i32
        scf.if %cond3A_114 {
          %add3A_115 = arith.constant 1 : i32
          %add3A_116 = arith.addi %scan3A_74, %add3A_115 : i32
          %mul3A_117 = arith.constant 2 : i32
          %mul3A_118 = arith.muli %add3A_116, %mul3A_117 : i32
          %add3A_119 = arith.constant 0 : i32
          %add3A_120 = arith.addi %mul3A_118, %add3A_119 : i32
          %dma_wait3A_121 = arith.constant 0 : i32
          %dma_wait3A_122 = arith.constant 0 : i32
          %dma_wait3A_123 = tpu.memref_slice %arg6[%dma_wait3A_121, %dma_wait3A_122] : memref<160000x128xf32, #tpu.memory_space<hbm>> -> memref<80x128xf32, #tpu.memory_space<hbm>>
          %dma_wait3A_124 = arith.constant 0 : i32
          %dma_wait3A_125 = arith.constant 0 : i32
          %dma_wait3A_126 = tpu.memref_slice %arg6[%dma_wait3A_124, %dma_wait3A_125] : memref<160000x128xf32, #tpu.memory_space<hbm>> -> memref<80x128xf32, #tpu.memory_space<hbm>>
          tpu.wait_dma2 semaphore(%arg14 : memref<!tpu.dma_semaphore, #tpu.memory_space<semaphore_mem>>) src(%arg10 : memref<80x128xf32, #tpu.memory_space<vmem>>) dst(%dma_wait3A_126 : memref<80x128xf32, #tpu.memory_space<hbm>>)
          %dma_start3A_127 = arith.constant 0 : i32
          %dma_start3A_128 = tpu.memref_slice %arg8[%add3A_120, %dma_start3A_127] : memref<125x80xi32, #tpu.memory_space<vmem>> -> memref<1x80xi32, #tpu.memory_space<vmem>>
          %dma_start3A_129 = tpu.memref_squeeze %dma_start3A_128 : memref<1x80xi32, #tpu.memory_space<vmem>> -> memref<80xi32, #tpu.memory_space<vmem>>
          %dma_start3A_130 = arith.constant 0 : i32
          %dma_start3A_131 = arith.constant 0 : i32
          %dma_start3A_132 = tpu.memref_slice %arg9[%dma_start3A_130, %dma_start3A_131] : memref<10240x128xf32, #tpu.memory_space<vmem_shared>> -> memref<10240x128xf32, #tpu.memory_space<vmem_shared>>
          tpu.enqueue_indirect_dma source(%dma_start3A_132 : memref<10240x128xf32, #tpu.memory_space<vmem_shared>>) target(%arg10 : memref<80x128xf32, #tpu.memory_space<vmem>>) offsets(%dma_start3A_129 : memref<80xi32, #tpu.memory_space<vmem>>) semaphore(%arg12 : memref<!tpu.dma_semaphore, #tpu.memory_space<semaphore_mem>>)
          %add3A_133 = arith.constant 1 : i32
          %add3A_134 = arith.addi %scan3A_74, %add3A_133 : i32
          %mul3A_135 = arith.constant 2 : i32
          %mul3A_136 = arith.muli %add3A_134, %mul3A_135 : i32
          %add3A_137 = arith.constant 1 : i32
          %add3A_138 = arith.addi %mul3A_136, %add3A_137 : i32
          %dma_wait3A_139 = arith.constant 0 : i32
          %dma_wait3A_140 = arith.constant 0 : i32
          %dma_wait3A_141 = tpu.memref_slice %arg6[%dma_wait3A_139, %dma_wait3A_140] : memref<160000x128xf32, #tpu.memory_space<hbm>> -> memref<80x128xf32, #tpu.memory_space<hbm>>
          %dma_wait3A_142 = arith.constant 0 : i32
          %dma_wait3A_143 = arith.constant 0 : i32
          %dma_wait3A_144 = tpu.memref_slice %arg6[%dma_wait3A_142, %dma_wait3A_143] : memref<160000x128xf32, #tpu.memory_space<hbm>> -> memref<80x128xf32, #tpu.memory_space<hbm>>
          tpu.wait_dma2 semaphore(%arg15 : memref<!tpu.dma_semaphore, #tpu.memory_space<semaphore_mem>>) src(%arg11 : memref<80x128xf32, #tpu.memory_space<vmem>>) dst(%dma_wait3A_144 : memref<80x128xf32, #tpu.memory_space<hbm>>)
          %dma_start3A_145 = arith.constant 0 : i32
          %dma_start3A_146 = tpu.memref_slice %arg8[%add3A_138, %dma_start3A_145] : memref<125x80xi32, #tpu.memory_space<vmem>> -> memref<1x80xi32, #tpu.memory_space<vmem>>
          %dma_start3A_147 = tpu.memref_squeeze %dma_start3A_146 : memref<1x80xi32, #tpu.memory_space<vmem>> -> memref<80xi32, #tpu.memory_space<vmem>>
          %dma_start3A_148 = arith.constant 0 : i32
          %dma_start3A_149 = arith.constant 0 : i32
          %dma_start3A_150 = tpu.memref_slice %arg9[%dma_start3A_148, %dma_start3A_149] : memref<10240x128xf32, #tpu.memory_space<vmem_shared>> -> memref<10240x128xf32, #tpu.memory_space<vmem_shared>>
          tpu.enqueue_indirect_dma source(%dma_start3A_150 : memref<10240x128xf32, #tpu.memory_space<vmem_shared>>) target(%arg11 : memref<80x128xf32, #tpu.memory_space<vmem>>) offsets(%dma_start3A_147 : memref<80xi32, #tpu.memory_space<vmem>>) semaphore(%arg13 : memref<!tpu.dma_semaphore, #tpu.memory_space<semaphore_mem>>)
        } else {
        }
      }
      %scan3A_37 = arith.constant 62 : i32
      %dma_wait3A = arith.constant 0 : i32
      %dma_wait3A_38 = arith.constant 0 : i32
      %dma_wait3A_39 = tpu.memref_slice %arg6[%dma_wait3A, %dma_wait3A_38] : memref<160000x128xf32, #tpu.memory_space<hbm>> -> memref<80x128xf32, #tpu.memory_space<hbm>>
      %dma_wait3A_40 = arith.constant 0 : i32
      %dma_wait3A_41 = arith.constant 0 : i32
      %dma_wait3A_42 = tpu.memref_slice %arg6[%dma_wait3A_40, %dma_wait3A_41] : memref<160000x128xf32, #tpu.memory_space<hbm>> -> memref<80x128xf32, #tpu.memory_space<hbm>>
      tpu.wait_dma2 semaphore(%arg14 : memref<!tpu.dma_semaphore, #tpu.memory_space<semaphore_mem>>) src(%arg10 : memref<80x128xf32, #tpu.memory_space<vmem>>) dst(%dma_wait3A_42 : memref<80x128xf32, #tpu.memory_space<hbm>>)
      %dma_wait3A_43 = arith.constant 0 : i32
      %dma_wait3A_44 = arith.constant 0 : i32
      %dma_wait3A_45 = tpu.memref_slice %arg6[%dma_wait3A_43, %dma_wait3A_44] : memref<160000x128xf32, #tpu.memory_space<hbm>> -> memref<80x128xf32, #tpu.memory_space<hbm>>
      %dma_wait3A_46 = arith.constant 0 : i32
      %dma_wait3A_47 = arith.constant 0 : i32
      %dma_wait3A_48 = tpu.memref_slice %arg6[%dma_wait3A_46, %dma_wait3A_47] : memref<160000x128xf32, #tpu.memory_space<hbm>> -> memref<80x128xf32, #tpu.memory_space<hbm>>
      tpu.wait_dma2 semaphore(%arg15 : memref<!tpu.dma_semaphore, #tpu.memory_space<semaphore_mem>>) src(%arg11 : memref<80x128xf32, #tpu.memory_space<vmem>>) dst(%dma_wait3A_48 : memref<80x128xf32, #tpu.memory_space<hbm>>)
      %dma_start3A_49 = arith.constant 124 : i32
      %dma_start3A_50 = arith.constant 0 : i32
      %dma_start3A_51 = tpu.memref_slice %arg8[%dma_start3A_49, %dma_start3A_50] : memref<125x80xi32, #tpu.memory_space<vmem>> -> memref<1x80xi32, #tpu.memory_space<vmem>>
      %dma_start3A_52 = tpu.memref_squeeze %dma_start3A_51 : memref<1x80xi32, #tpu.memory_space<vmem>> -> memref<80xi32, #tpu.memory_space<vmem>>
      %dma_start3A_53 = arith.constant 0 : i32
      %dma_start3A_54 = arith.constant 0 : i32
      %dma_start3A_55 = tpu.memref_slice %arg9[%dma_start3A_53, %dma_start3A_54] : memref<10240x128xf32, #tpu.memory_space<vmem_shared>> -> memref<10240x128xf32, #tpu.memory_space<vmem_shared>>
      tpu.enqueue_indirect_dma source(%dma_start3A_55 : memref<10240x128xf32, #tpu.memory_space<vmem_shared>>) target(%arg10 : memref<80x128xf32, #tpu.memory_space<vmem>>) offsets(%dma_start3A_52 : memref<80xi32, #tpu.memory_space<vmem>>) semaphore(%arg12 : memref<!tpu.dma_semaphore, #tpu.memory_space<semaphore_mem>>)
      %dma_wait3A_56 = arith.constant 0 : i32
      %dma_wait3A_57 = arith.constant 0 : i32
      %dma_wait3A_58 = tpu.memref_slice %arg8[%dma_wait3A_56, %dma_wait3A_57] : memref<125x80xi32, #tpu.memory_space<vmem>> -> memref<1x80xi32, #tpu.memory_space<vmem>>
      %dma_wait3A_59 = tpu.memref_squeeze %dma_wait3A_58 : memref<1x80xi32, #tpu.memory_space<vmem>> -> memref<80xi32, #tpu.memory_space<vmem>>
      %dma_wait3A_60 = arith.constant 0 : i32
      %dma_wait3A_61 = arith.constant 0 : i32
      %dma_wait3A_62 = tpu.memref_slice %arg9[%dma_wait3A_60, %dma_wait3A_61] : memref<10240x128xf32, #tpu.memory_space<vmem_shared>> -> memref<10240x128xf32, #tpu.memory_space<vmem_shared>>
      tpu.wait_indirect_dma semaphore(%arg12 : memref<!tpu.dma_semaphore, #tpu.memory_space<semaphore_mem>>) src(%dma_wait3A_62 : memref<10240x128xf32, #tpu.memory_space<vmem_shared>>) dst(%arg10 : memref<80x128xf32, #tpu.memory_space<vmem>>)
      %add3A = arith.constant 9920 : i32
      %add3A_63 = arith.addi %mul3A_19, %add3A : i32
      %dma_start3A_64 = arith.constant 0 : i32
      %dma_start3A_65 = tpu.memref_slice %arg6[%add3A_63, %dma_start3A_64] : memref<160000x128xf32, #tpu.memory_space<hbm>> -> memref<80x128xf32, #tpu.memory_space<hbm>>
      %dma_start3A_66 = arith.constant 0 : i32
      %dma_start3A_67 = tpu.memref_slice %arg6[%add3A_63, %dma_start3A_66] : memref<160000x128xf32, #tpu.memory_space<hbm>> -> memref<80x128xf32, #tpu.memory_space<hbm>>
      tpu.enqueue_dma source(%arg10 : memref<80x128xf32, #tpu.memory_space<vmem>>) target(%dma_start3A_67 : memref<80x128xf32, #tpu.memory_space<hbm>>) target_semaphore(%arg14 : memref<!tpu.dma_semaphore, #tpu.memory_space<semaphore_mem>>)
      %dma_wait3A_68 = arith.constant 0 : i32
      %dma_wait3A_69 = arith.constant 0 : i32
      %dma_wait3A_70 = tpu.memref_slice %arg6[%dma_wait3A_68, %dma_wait3A_69] : memref<160000x128xf32, #tpu.memory_space<hbm>> -> memref<80x128xf32, #tpu.memory_space<hbm>>
      %dma_wait3A_71 = arith.constant 0 : i32
      %dma_wait3A_72 = arith.constant 0 : i32
      %dma_wait3A_73 = tpu.memref_slice %arg6[%dma_wait3A_71, %dma_wait3A_72] : memref<160000x128xf32, #tpu.memory_space<hbm>> -> memref<80x128xf32, #tpu.memory_space<hbm>>
      tpu.wait_dma2 semaphore(%arg14 : memref<!tpu.dma_semaphore, #tpu.memory_space<semaphore_mem>>) src(%arg10 : memref<80x128xf32, #tpu.memory_space<vmem>>) dst(%dma_wait3A_73 : memref<80x128xf32, #tpu.memory_space<hbm>>)
    } else {
    }
    %eq3A_13 = arith.constant 1 : i32
    %eq3A_14 = arith.cmpi eq, %arg0, %eq3A_13 : i32
    %convert_element_type3A_15 = arith.extui %eq3A_14 : i1 to i32
    %cond3A_16 = arith.constant 0 : i32
    %cond3A_17 = arith.cmpi ne, %convert_element_type3A_15, %cond3A_16 : i32
    scf.if %cond3A_17 {
      %mul3A_18 = arith.constant 10000 : i32
      %mul3A_19 = arith.muli %arg1, %mul3A_18 : i32
      "tpu.region"() ({
        %run_scoped3A = tpu.sem_alloc : memref<!tpu.dma_semaphore, #tpu.memory_space<semaphore_mem>>
        %dma_start3A_74 = arith.constant 0 : i32
        %dma_start3A_75 = arith.constant 0 : i32
        %dma_start3A_76 = tpu.memref_slice %arg5[%arg1, %dma_start3A_74, %dma_start3A_75] : memref<16x125x80xi32, #tpu.memory_space<hbm>> -> memref<1x125x80xi32, #tpu.memory_space<hbm>>
        %dma_start3A_77 = tpu.memref_squeeze %dma_start3A_76 : memref<1x125x80xi32, #tpu.memory_space<hbm>> -> memref<125x80xi32, #tpu.memory_space<hbm>>
        %dma_start3A_78 = arith.constant 0 : i32
        %dma_start3A_79 = arith.constant 0 : i32
        %dma_start3A_80 = tpu.memref_slice %arg5[%arg1, %dma_start3A_78, %dma_start3A_79] : memref<16x125x80xi32, #tpu.memory_space<hbm>> -> memref<1x125x80xi32, #tpu.memory_space<hbm>>
        %dma_start3A_81 = tpu.memref_squeeze %dma_start3A_80 : memref<1x125x80xi32, #tpu.memory_space<hbm>> -> memref<125x80xi32, #tpu.memory_space<hbm>>
        tpu.enqueue_dma source(%dma_start3A_81 : memref<125x80xi32, #tpu.memory_space<hbm>>) target(%arg8 : memref<125x80xi32, #tpu.memory_space<vmem>>) target_semaphore(%run_scoped3A : memref<!tpu.dma_semaphore, #tpu.memory_space<semaphore_mem>>)
        %dma_wait3A_82 = arith.constant 0 : i32
        %dma_wait3A_83 = arith.constant 0 : i32
        %dma_wait3A_84 = tpu.memref_slice %arg5[%arg1, %dma_wait3A_82, %dma_wait3A_83] : memref<16x125x80xi32, #tpu.memory_space<hbm>> -> memref<1x125x80xi32, #tpu.memory_space<hbm>>
        %dma_wait3A_85 = tpu.memref_squeeze %dma_wait3A_84 : memref<1x125x80xi32, #tpu.memory_space<hbm>> -> memref<125x80xi32, #tpu.memory_space<hbm>>
        %dma_wait3A_86 = arith.constant 0 : i32
        %dma_wait3A_87 = arith.constant 0 : i32
        %dma_wait3A_88 = tpu.memref_slice %arg5[%arg1, %dma_wait3A_86, %dma_wait3A_87] : memref<16x125x80xi32, #tpu.memory_space<hbm>> -> memref<1x125x80xi32, #tpu.memory_space<hbm>>
        %dma_wait3A_89 = tpu.memref_squeeze %dma_wait3A_88 : memref<1x125x80xi32, #tpu.memory_space<hbm>> -> memref<125x80xi32, #tpu.memory_space<hbm>>
        tpu.wait_dma2 semaphore(%run_scoped3A : memref<!tpu.dma_semaphore, #tpu.memory_space<semaphore_mem>>) src(%dma_wait3A_89 : memref<125x80xi32, #tpu.memory_space<hbm>>) dst(%arg8 : memref<125x80xi32, #tpu.memory_space<vmem>>)
        tpu.yield
      }) : () -> ()
      %dma_start3A = arith.constant 0 : i32
      %dma_start3A_20 = arith.constant 0 : i32
      %dma_start3A_21 = tpu.memref_slice %arg8[%dma_start3A, %dma_start3A_20] : memref<125x80xi32, #tpu.memory_space<vmem>> -> memref<1x80xi32, #tpu.memory_space<vmem>>
      %dma_start3A_22 = tpu.memref_squeeze %dma_start3A_21 : memref<1x80xi32, #tpu.memory_space<vmem>> -> memref<80xi32, #tpu.memory_space<vmem>>
      %dma_start3A_23 = arith.constant 0 : i32
      %dma_start3A_24 = arith.constant 0 : i32
      %dma_start3A_25 = tpu.memref_slice %arg9[%dma_start3A_23, %dma_start3A_24] : memref<10240x128xf32, #tpu.memory_space<vmem_shared>> -> memref<10240x128xf32, #tpu.memory_space<vmem_shared>>
      tpu.enqueue_indirect_dma source(%dma_start3A_25 : memref<10240x128xf32, #tpu.memory_space<vmem_shared>>) target(%arg10 : memref<80x128xf32, #tpu.memory_space<vmem>>) offsets(%dma_start3A_22 : memref<80xi32, #tpu.memory_space<vmem>>) semaphore(%arg12 : memref<!tpu.dma_semaphore, #tpu.memory_space<semaphore_mem>>)
      %dma_start3A_26 = arith.constant 1 : i32
      %dma_start3A_27 = arith.constant 0 : i32
      %dma_start3A_28 = tpu.memref_slice %arg8[%dma_start3A_26, %dma_start3A_27] : memref<125x80xi32, #tpu.memory_space<vmem>> -> memref<1x80xi32, #tpu.memory_space<vmem>>
      %dma_start3A_29 = tpu.memref_squeeze %dma_start3A_28 : memref<1x80xi32, #tpu.memory_space<vmem>> -> memref<80xi32, #tpu.memory_space<vmem>>
      %dma_start3A_30 = arith.constant 0 : i32
      %dma_start3A_31 = arith.constant 0 : i32
      %dma_start3A_32 = tpu.memref_slice %arg9[%dma_start3A_30, %dma_start3A_31] : memref<10240x128xf32, #tpu.memory_space<vmem_shared>> -> memref<10240x128xf32, #tpu.memory_space<vmem_shared>>
      tpu.enqueue_indirect_dma source(%dma_start3A_32 : memref<10240x128xf32, #tpu.memory_space<vmem_shared>>) target(%arg11 : memref<80x128xf32, #tpu.memory_space<vmem>>) offsets(%dma_start3A_29 : memref<80xi32, #tpu.memory_space<vmem>>) semaphore(%arg13 : memref<!tpu.dma_semaphore, #tpu.memory_space<semaphore_mem>>)
      %scan3A = arith.constant 0 : i32
      %scan3A_33 = arith.constant 0 : i32
      %scan3A_34 = arith.constant 62 : i32
      %scan3A_35 = arith.addi %scan3A_33, %scan3A_34 : i32
      %scan3A_36 = arith.constant 1 : i32
      scf.for %scan3A_74 = %scan3A_33 to %scan3A_35 step %scan3A_36  : i32 {
        %mul3A_75 = arith.constant 2 : i32
        %mul3A_76 = arith.muli %scan3A_74, %mul3A_75 : i32
        %add3A_77 = arith.constant 0 : i32
        %add3A_78 = arith.addi %mul3A_76, %add3A_77 : i32
        %dma_wait3A_79 = arith.constant 0 : i32
        %dma_wait3A_80 = arith.constant 0 : i32
        %dma_wait3A_81 = tpu.memref_slice %arg8[%dma_wait3A_79, %dma_wait3A_80] : memref<125x80xi32, #tpu.memory_space<vmem>> -> memref<1x80xi32, #tpu.memory_space<vmem>>
        %dma_wait3A_82 = tpu.memref_squeeze %dma_wait3A_81 : memref<1x80xi32, #tpu.memory_space<vmem>> -> memref<80xi32, #tpu.memory_space<vmem>>
        %dma_wait3A_83 = arith.constant 0 : i32
        %dma_wait3A_84 = arith.constant 0 : i32
        %dma_wait3A_85 = tpu.memref_slice %arg9[%dma_wait3A_83, %dma_wait3A_84] : memref<10240x128xf32, #tpu.memory_space<vmem_shared>> -> memref<10240x128xf32, #tpu.memory_space<vmem_shared>>
        tpu.wait_indirect_dma semaphore(%arg12 : memref<!tpu.dma_semaphore, #tpu.memory_space<semaphore_mem>>) src(%dma_wait3A_85 : memref<10240x128xf32, #tpu.memory_space<vmem_shared>>) dst(%arg10 : memref<80x128xf32, #tpu.memory_space<vmem>>)
        %mul3A_86 = arith.constant 80 : i32
        %mul3A_87 = arith.muli %add3A_78, %mul3A_86 : i32
        %add3A_88 = arith.addi %mul3A_19, %mul3A_87 : i32
        %dma_start3A_89 = arith.constant 0 : i32
        %dma_start3A_90 = tpu.memref_slice %arg7[%add3A_88, %dma_start3A_89] : memref<160000x128xf32, #tpu.memory_space<hbm>> -> memref<80x128xf32, #tpu.memory_space<hbm>>
        %dma_start3A_91 = arith.constant 0 : i32
        %dma_start3A_92 = tpu.memref_slice %arg7[%add3A_88, %dma_start3A_91] : memref<160000x128xf32, #tpu.memory_space<hbm>> -> memref<80x128xf32, #tpu.memory_space<hbm>>
        tpu.enqueue_dma source(%arg10 : memref<80x128xf32, #tpu.memory_space<vmem>>) target(%dma_start3A_92 : memref<80x128xf32, #tpu.memory_space<hbm>>) target_semaphore(%arg14 : memref<!tpu.dma_semaphore, #tpu.memory_space<semaphore_mem>>)
        %mul3A_93 = arith.constant 2 : i32
        %mul3A_94 = arith.muli %scan3A_74, %mul3A_93 : i32
        %add3A_95 = arith.constant 1 : i32
        %add3A_96 = arith.addi %mul3A_94, %add3A_95 : i32
        %dma_wait3A_97 = arith.constant 0 : i32
        %dma_wait3A_98 = arith.constant 0 : i32
        %dma_wait3A_99 = tpu.memref_slice %arg8[%dma_wait3A_97, %dma_wait3A_98] : memref<125x80xi32, #tpu.memory_space<vmem>> -> memref<1x80xi32, #tpu.memory_space<vmem>>
        %dma_wait3A_100 = tpu.memref_squeeze %dma_wait3A_99 : memref<1x80xi32, #tpu.memory_space<vmem>> -> memref<80xi32, #tpu.memory_space<vmem>>
        %dma_wait3A_101 = arith.constant 0 : i32
        %dma_wait3A_102 = arith.constant 0 : i32
        %dma_wait3A_103 = tpu.memref_slice %arg9[%dma_wait3A_101, %dma_wait3A_102] : memref<10240x128xf32, #tpu.memory_space<vmem_shared>> -> memref<10240x128xf32, #tpu.memory_space<vmem_shared>>
        tpu.wait_indirect_dma semaphore(%arg13 : memref<!tpu.dma_semaphore, #tpu.memory_space<semaphore_mem>>) src(%dma_wait3A_103 : memref<10240x128xf32, #tpu.memory_space<vmem_shared>>) dst(%arg11 : memref<80x128xf32, #tpu.memory_space<vmem>>)
        %mul3A_104 = arith.constant 80 : i32
        %mul3A_105 = arith.muli %add3A_96, %mul3A_104 : i32
        %add3A_106 = arith.addi %mul3A_19, %mul3A_105 : i32
        %dma_start3A_107 = arith.constant 0 : i32
        %dma_start3A_108 = tpu.memref_slice %arg7[%add3A_106, %dma_start3A_107] : memref<160000x128xf32, #tpu.memory_space<hbm>> -> memref<80x128xf32, #tpu.memory_space<hbm>>
        %dma_start3A_109 = arith.constant 0 : i32
        %dma_start3A_110 = tpu.memref_slice %arg7[%add3A_106, %dma_start3A_109] : memref<160000x128xf32, #tpu.memory_space<hbm>> -> memref<80x128xf32, #tpu.memory_space<hbm>>
        tpu.enqueue_dma source(%arg11 : memref<80x128xf32, #tpu.memory_space<vmem>>) target(%dma_start3A_110 : memref<80x128xf32, #tpu.memory_space<hbm>>) target_semaphore(%arg15 : memref<!tpu.dma_semaphore, #tpu.memory_space<semaphore_mem>>)
        %lt3A = arith.constant 61 : i32
        %lt3A_111 = arith.cmpi slt, %scan3A_74, %lt3A : i32
        %convert_element_type3A_112 = arith.extui %lt3A_111 : i1 to i32
        %cond3A_113 = arith.constant 0 : i32
        %cond3A_114 = arith.cmpi ne, %convert_element_type3A_112, %cond3A_113 : i32
        scf.if %cond3A_114 {
          %add3A_115 = arith.constant 1 : i32
          %add3A_116 = arith.addi %scan3A_74, %add3A_115 : i32
          %mul3A_117 = arith.constant 2 : i32
          %mul3A_118 = arith.muli %add3A_116, %mul3A_117 : i32
          %add3A_119 = arith.constant 0 : i32
          %add3A_120 = arith.addi %mul3A_118, %add3A_119 : i32
          %dma_wait3A_121 = arith.constant 0 : i32
          %dma_wait3A_122 = arith.constant 0 : i32
          %dma_wait3A_123 = tpu.memref_slice %arg7[%dma_wait3A_121, %dma_wait3A_122] : memref<160000x128xf32, #tpu.memory_space<hbm>> -> memref<80x128xf32, #tpu.memory_space<hbm>>
          %dma_wait3A_124 = arith.constant 0 : i32
          %dma_wait3A_125 = arith.constant 0 : i32
          %dma_wait3A_126 = tpu.memref_slice %arg7[%dma_wait3A_124, %dma_wait3A_125] : memref<160000x128xf32, #tpu.memory_space<hbm>> -> memref<80x128xf32, #tpu.memory_space<hbm>>
          tpu.wait_dma2 semaphore(%arg14 : memref<!tpu.dma_semaphore, #tpu.memory_space<semaphore_mem>>) src(%arg10 : memref<80x128xf32, #tpu.memory_space<vmem>>) dst(%dma_wait3A_126 : memref<80x128xf32, #tpu.memory_space<hbm>>)
          %dma_start3A_127 = arith.constant 0 : i32
          %dma_start3A_128 = tpu.memref_slice %arg8[%add3A_120, %dma_start3A_127] : memref<125x80xi32, #tpu.memory_space<vmem>> -> memref<1x80xi32, #tpu.memory_space<vmem>>
          %dma_start3A_129 = tpu.memref_squeeze %dma_start3A_128 : memref<1x80xi32, #tpu.memory_space<vmem>> -> memref<80xi32, #tpu.memory_space<vmem>>
          %dma_start3A_130 = arith.constant 0 : i32
          %dma_start3A_131 = arith.constant 0 : i32
          %dma_start3A_132 = tpu.memref_slice %arg9[%dma_start3A_130, %dma_start3A_131] : memref<10240x128xf32, #tpu.memory_space<vmem_shared>> -> memref<10240x128xf32, #tpu.memory_space<vmem_shared>>
          tpu.enqueue_indirect_dma source(%dma_start3A_132 : memref<10240x128xf32, #tpu.memory_space<vmem_shared>>) target(%arg10 : memref<80x128xf32, #tpu.memory_space<vmem>>) offsets(%dma_start3A_129 : memref<80xi32, #tpu.memory_space<vmem>>) semaphore(%arg12 : memref<!tpu.dma_semaphore, #tpu.memory_space<semaphore_mem>>)
          %add3A_133 = arith.constant 1 : i32
          %add3A_134 = arith.addi %scan3A_74, %add3A_133 : i32
          %mul3A_135 = arith.constant 2 : i32
          %mul3A_136 = arith.muli %add3A_134, %mul3A_135 : i32
          %add3A_137 = arith.constant 1 : i32
          %add3A_138 = arith.addi %mul3A_136, %add3A_137 : i32
          %dma_wait3A_139 = arith.constant 0 : i32
          %dma_wait3A_140 = arith.constant 0 : i32
          %dma_wait3A_141 = tpu.memref_slice %arg7[%dma_wait3A_139, %dma_wait3A_140] : memref<160000x128xf32, #tpu.memory_space<hbm>> -> memref<80x128xf32, #tpu.memory_space<hbm>>
          %dma_wait3A_142 = arith.constant 0 : i32
          %dma_wait3A_143 = arith.constant 0 : i32
          %dma_wait3A_144 = tpu.memref_slice %arg7[%dma_wait3A_142, %dma_wait3A_143] : memref<160000x128xf32, #tpu.memory_space<hbm>> -> memref<80x128xf32, #tpu.memory_space<hbm>>
          tpu.wait_dma2 semaphore(%arg15 : memref<!tpu.dma_semaphore, #tpu.memory_space<semaphore_mem>>) src(%arg11 : memref<80x128xf32, #tpu.memory_space<vmem>>) dst(%dma_wait3A_144 : memref<80x128xf32, #tpu.memory_space<hbm>>)
          %dma_start3A_145 = arith.constant 0 : i32
          %dma_start3A_146 = tpu.memref_slice %arg8[%add3A_138, %dma_start3A_145] : memref<125x80xi32, #tpu.memory_space<vmem>> -> memref<1x80xi32, #tpu.memory_space<vmem>>
          %dma_start3A_147 = tpu.memref_squeeze %dma_start3A_146 : memref<1x80xi32, #tpu.memory_space<vmem>> -> memref<80xi32, #tpu.memory_space<vmem>>
          %dma_start3A_148 = arith.constant 0 : i32
          %dma_start3A_149 = arith.constant 0 : i32
          %dma_start3A_150 = tpu.memref_slice %arg9[%dma_start3A_148, %dma_start3A_149] : memref<10240x128xf32, #tpu.memory_space<vmem_shared>> -> memref<10240x128xf32, #tpu.memory_space<vmem_shared>>
          tpu.enqueue_indirect_dma source(%dma_start3A_150 : memref<10240x128xf32, #tpu.memory_space<vmem_shared>>) target(%arg11 : memref<80x128xf32, #tpu.memory_space<vmem>>) offsets(%dma_start3A_147 : memref<80xi32, #tpu.memory_space<vmem>>) semaphore(%arg13 : memref<!tpu.dma_semaphore, #tpu.memory_space<semaphore_mem>>)
        } else {
        }
      }
      %scan3A_37 = arith.constant 62 : i32
      %dma_wait3A = arith.constant 0 : i32
      %dma_wait3A_38 = arith.constant 0 : i32
      %dma_wait3A_39 = tpu.memref_slice %arg7[%dma_wait3A, %dma_wait3A_38] : memref<160000x128xf32, #tpu.memory_space<hbm>> -> memref<80x128xf32, #tpu.memory_space<hbm>>
      %dma_wait3A_40 = arith.constant 0 : i32
      %dma_wait3A_41 = arith.constant 0 : i32
      %dma_wait3A_42 = tpu.memref_slice %arg7[%dma_wait3A_40, %dma_wait3A_41] : memref<160000x128xf32, #tpu.memory_space<hbm>> -> memref<80x128xf32, #tpu.memory_space<hbm>>
      tpu.wait_dma2 semaphore(%arg14 : memref<!tpu.dma_semaphore, #tpu.memory_space<semaphore_mem>>) src(%arg10 : memref<80x128xf32, #tpu.memory_space<vmem>>) dst(%dma_wait3A_42 : memref<80x128xf32, #tpu.memory_space<hbm>>)
      %dma_wait3A_43 = arith.constant 0 : i32
      %dma_wait3A_44 = arith.constant 0 : i32
      %dma_wait3A_45 = tpu.memref_slice %arg7[%dma_wait3A_43, %dma_wait3A_44] : memref<160000x128xf32, #tpu.memory_space<hbm>> -> memref<80x128xf32, #tpu.memory_space<hbm>>
      %dma_wait3A_46 = arith.constant 0 : i32
      %dma_wait3A_47 = arith.constant 0 : i32
      %dma_wait3A_48 = tpu.memref_slice %arg7[%dma_wait3A_46, %dma_wait3A_47] : memref<160000x128xf32, #tpu.memory_space<hbm>> -> memref<80x128xf32, #tpu.memory_space<hbm>>
      tpu.wait_dma2 semaphore(%arg15 : memref<!tpu.dma_semaphore, #tpu.memory_space<semaphore_mem>>) src(%arg11 : memref<80x128xf32, #tpu.memory_space<vmem>>) dst(%dma_wait3A_48 : memref<80x128xf32, #tpu.memory_space<hbm>>)
      %dma_start3A_49 = arith.constant 124 : i32
      %dma_start3A_50 = arith.constant 0 : i32
      %dma_start3A_51 = tpu.memref_slice %arg8[%dma_start3A_49, %dma_start3A_50] : memref<125x80xi32, #tpu.memory_space<vmem>> -> memref<1x80xi32, #tpu.memory_space<vmem>>
      %dma_start3A_52 = tpu.memref_squeeze %dma_start3A_51 : memref<1x80xi32, #tpu.memory_space<vmem>> -> memref<80xi32, #tpu.memory_space<vmem>>
      %dma_start3A_53 = arith.constant 0 : i32
      %dma_start3A_54 = arith.constant 0 : i32
      %dma_start3A_55 = tpu.memref_slice %arg9[%dma_start3A_53, %dma_start3A_54] : memref<10240x128xf32, #tpu.memory_space<vmem_shared>> -> memref<10240x128xf32, #tpu.memory_space<vmem_shared>>
      tpu.enqueue_indirect_dma source(%dma_start3A_55 : memref<10240x128xf32, #tpu.memory_space<vmem_shared>>) target(%arg10 : memref<80x128xf32, #tpu.memory_space<vmem>>) offsets(%dma_start3A_52 : memref<80xi32, #tpu.memory_space<vmem>>) semaphore(%arg12 : memref<!tpu.dma_semaphore, #tpu.memory_space<semaphore_mem>>)
      %dma_wait3A_56 = arith.constant 0 : i32
      %dma_wait3A_57 = arith.constant 0 : i32
      %dma_wait3A_58 = tpu.memref_slice %arg8[%dma_wait3A_56, %dma_wait3A_57] : memref<125x80xi32, #tpu.memory_space<vmem>> -> memref<1x80xi32, #tpu.memory_space<vmem>>
      %dma_wait3A_59 = tpu.memref_squeeze %dma_wait3A_58 : memref<1x80xi32, #tpu.memory_space<vmem>> -> memref<80xi32, #tpu.memory_space<vmem>>
      %dma_wait3A_60 = arith.constant 0 : i32
      %dma_wait3A_61 = arith.constant 0 : i32
      %dma_wait3A_62 = tpu.memref_slice %arg9[%dma_wait3A_60, %dma_wait3A_61] : memref<10240x128xf32, #tpu.memory_space<vmem_shared>> -> memref<10240x128xf32, #tpu.memory_space<vmem_shared>>
      tpu.wait_indirect_dma semaphore(%arg12 : memref<!tpu.dma_semaphore, #tpu.memory_space<semaphore_mem>>) src(%dma_wait3A_62 : memref<10240x128xf32, #tpu.memory_space<vmem_shared>>) dst(%arg10 : memref<80x128xf32, #tpu.memory_space<vmem>>)
      %add3A = arith.constant 9920 : i32
      %add3A_63 = arith.addi %mul3A_19, %add3A : i32
      %dma_start3A_64 = arith.constant 0 : i32
      %dma_start3A_65 = tpu.memref_slice %arg7[%add3A_63, %dma_start3A_64] : memref<160000x128xf32, #tpu.memory_space<hbm>> -> memref<80x128xf32, #tpu.memory_space<hbm>>
      %dma_start3A_66 = arith.constant 0 : i32
      %dma_start3A_67 = tpu.memref_slice %arg7[%add3A_63, %dma_start3A_66] : memref<160000x128xf32, #tpu.memory_space<hbm>> -> memref<80x128xf32, #tpu.memory_space<hbm>>
      tpu.enqueue_dma source(%arg10 : memref<80x128xf32, #tpu.memory_space<vmem>>) target(%dma_start3A_67 : memref<80x128xf32, #tpu.memory_space<hbm>>) target_semaphore(%arg14 : memref<!tpu.dma_semaphore, #tpu.memory_space<semaphore_mem>>)
      %dma_wait3A_68 = arith.constant 0 : i32
      %dma_wait3A_69 = arith.constant 0 : i32
      %dma_wait3A_70 = tpu.memref_slice %arg7[%dma_wait3A_68, %dma_wait3A_69] : memref<160000x128xf32, #tpu.memory_space<hbm>> -> memref<80x128xf32, #tpu.memory_space<hbm>>
      %dma_wait3A_71 = arith.constant 0 : i32
      %dma_wait3A_72 = arith.constant 0 : i32
      %dma_wait3A_73 = tpu.memref_slice %arg7[%dma_wait3A_71, %dma_wait3A_72] : memref<160000x128xf32, #tpu.memory_space<hbm>> -> memref<80x128xf32, #tpu.memory_space<hbm>>
      tpu.wait_dma2 semaphore(%arg14 : memref<!tpu.dma_semaphore, #tpu.memory_space<semaphore_mem>>) src(%arg10 : memref<80x128xf32, #tpu.memory_space<vmem>>) dst(%dma_wait3A_73 : memref<80x128xf32, #tpu.memory_space<hbm>>)
    } else {
    }
    return
  }
}

module attributes {stable_mosaic.version = 14 : i64} {
  func.func @body(%arg0: i32, %arg1: memref<3200x128xf32, #tpu.memory_space<vmem>>, %arg2: memref<3200x128xf32, #tpu.memory_space<vmem>>, %arg3: memref<3200x128xf32, #tpu.memory_space<vmem>>, %arg4: memref<16x3200xf32, #tpu.memory_space<vmem>>, %arg5: memref<128x256xf32, #tpu.memory_space<vmem>>, %arg6: memref<128x256xf32, #tpu.memory_space<vmem>>, %arg7: memref<1x256xf32, #tpu.memory_space<vmem>>, %arg8: memref<1x256xf32, #tpu.memory_space<vmem>>, %arg9: memref<1x256xf32, #tpu.memory_space<vmem>>, %arg10: memref<256x128xf32, #tpu.memory_space<vmem>>, %arg11: memref<1x128xf32, #tpu.memory_space<vmem>>, %arg12: memref<128x32xf32, #tpu.memory_space<vmem>>, %arg13: memref<128x32xf32, #tpu.memory_space<vmem>>, %arg14: memref<16x32xf32, #tpu.memory_space<vmem>>, %arg15: memref<1x32xf32, #tpu.memory_space<vmem>>, %arg16: memref<1x32xf32, #tpu.memory_space<vmem>>, %arg17: memref<1x32xf32, #tpu.memory_space<vmem>>, %arg18: memref<32x128xf32, #tpu.memory_space<vmem>>, %arg19: memref<1x128xf32, #tpu.memory_space<vmem>>, %arg20: memref<128x256xf32, #tpu.memory_space<vmem>>, %arg21: memref<128x256xf32, #tpu.memory_space<vmem>>, %arg22: memref<1x256xf32, #tpu.memory_space<vmem>>, %arg23: memref<1x256xf32, #tpu.memory_space<vmem>>, %arg24: memref<1x256xf32, #tpu.memory_space<vmem>>, %arg25: memref<256x128xf32, #tpu.memory_space<vmem>>, %arg26: memref<1x128xf32, #tpu.memory_space<vmem>>, %arg27: memref<128x32xf32, #tpu.memory_space<vmem>>, %arg28: memref<128x32xf32, #tpu.memory_space<vmem>>, %arg29: memref<16x32xf32, #tpu.memory_space<vmem>>, %arg30: memref<1x32xf32, #tpu.memory_space<vmem>>, %arg31: memref<1x32xf32, #tpu.memory_space<vmem>>, %arg32: memref<1x32xf32, #tpu.memory_space<vmem>>, %arg33: memref<32x128xf32, #tpu.memory_space<vmem>>, %arg34: memref<1x128xf32, #tpu.memory_space<vmem>>, %arg35: memref<3200x128xf32, #tpu.memory_space<vmem>>, %arg36: memref<3200x128xf32, #tpu.memory_space<vmem>>) attributes {dimension_semantics = [#tpu.dimension_semantics<arbitrary>], iteration_bounds = array<i64: 50>, scalar_prefetch = 0 : i64, scratch_operands = 0 : i64, tpu.core_type = #tpu.core_type<tc>, window_params = [{transform_indices = @transform_0, window_bounds = array<i64: 3200, 128>}, {transform_indices = @transform_1, window_bounds = array<i64: 3200, 128>}, {transform_indices = @transform_2, window_bounds = array<i64: 3200, 128>}, {transform_indices = @transform_3, window_bounds = array<i64: 16, 3200>}, {pipeline_mode = #tpu.pipeline_mode<synchronous>, transform_indices = @transform_4, window_bounds = array<i64: 128, 256>}, {pipeline_mode = #tpu.pipeline_mode<synchronous>, transform_indices = @transform_5, window_bounds = array<i64: 128, 256>}, {pipeline_mode = #tpu.pipeline_mode<synchronous>, transform_indices = @transform_6, window_bounds = array<i64: 1, 256>}, {pipeline_mode = #tpu.pipeline_mode<synchronous>, transform_indices = @transform_7, window_bounds = array<i64: 1, 256>}, {pipeline_mode = #tpu.pipeline_mode<synchronous>, transform_indices = @transform_8, window_bounds = array<i64: 1, 256>}, {pipeline_mode = #tpu.pipeline_mode<synchronous>, transform_indices = @transform_9, window_bounds = array<i64: 256, 128>}, {pipeline_mode = #tpu.pipeline_mode<synchronous>, transform_indices = @transform_10, window_bounds = array<i64: 1, 128>}, {pipeline_mode = #tpu.pipeline_mode<synchronous>, transform_indices = @transform_11, window_bounds = array<i64: 128, 32>}, {pipeline_mode = #tpu.pipeline_mode<synchronous>, transform_indices = @transform_12, window_bounds = array<i64: 128, 32>}, {pipeline_mode = #tpu.pipeline_mode<synchronous>, transform_indices = @transform_13, window_bounds = array<i64: 16, 32>}, {pipeline_mode = #tpu.pipeline_mode<synchronous>, transform_indices = @transform_14, window_bounds = array<i64: 1, 32>}, {pipeline_mode = #tpu.pipeline_mode<synchronous>, transform_indices = @transform_15, window_bounds = array<i64: 1, 32>}, {pipeline_mode = #tpu.pipeline_mode<synchronous>, transform_indices = @transform_16, window_bounds = array<i64: 1, 32>}, {pipeline_mode = #tpu.pipeline_mode<synchronous>, transform_indices = @transform_17, window_bounds = array<i64: 32, 128>}, {pipeline_mode = #tpu.pipeline_mode<synchronous>, transform_indices = @transform_18, window_bounds = array<i64: 1, 128>}, {pipeline_mode = #tpu.pipeline_mode<synchronous>, transform_indices = @transform_19, window_bounds = array<i64: 128, 256>}, {pipeline_mode = #tpu.pipeline_mode<synchronous>, transform_indices = @transform_20, window_bounds = array<i64: 128, 256>}, {pipeline_mode = #tpu.pipeline_mode<synchronous>, transform_indices = @transform_21, window_bounds = array<i64: 1, 256>}, {pipeline_mode = #tpu.pipeline_mode<synchronous>, transform_indices = @transform_22, window_bounds = array<i64: 1, 256>}, {pipeline_mode = #tpu.pipeline_mode<synchronous>, transform_indices = @transform_23, window_bounds = array<i64: 1, 256>}, {pipeline_mode = #tpu.pipeline_mode<synchronous>, transform_indices = @transform_24, window_bounds = array<i64: 256, 128>}, {pipeline_mode = #tpu.pipeline_mode<synchronous>, transform_indices = @transform_25, window_bounds = array<i64: 1, 128>}, {pipeline_mode = #tpu.pipeline_mode<synchronous>, transform_indices = @transform_26, window_bounds = array<i64: 128, 32>}, {pipeline_mode = #tpu.pipeline_mode<synchronous>, transform_indices = @transform_27, window_bounds = array<i64: 128, 32>}, {pipeline_mode = #tpu.pipeline_mode<synchronous>, transform_indices = @transform_28, window_bounds = array<i64: 16, 32>}, {pipeline_mode = #tpu.pipeline_mode<synchronous>, transform_indices = @transform_29, window_bounds = array<i64: 1, 32>}, {pipeline_mode = #tpu.pipeline_mode<synchronous>, transform_indices = @transform_30, window_bounds = array<i64: 1, 32>}, {pipeline_mode = #tpu.pipeline_mode<synchronous>, transform_indices = @transform_31, window_bounds = array<i64: 1, 32>}, {pipeline_mode = #tpu.pipeline_mode<synchronous>, transform_indices = @transform_32, window_bounds = array<i64: 32, 128>}, {pipeline_mode = #tpu.pipeline_mode<synchronous>, transform_indices = @transform_33, window_bounds = array<i64: 1, 128>}, {transform_indices = @transform_34, window_bounds = array<i64: 3200, 128>}, {transform_indices = @transform_35, window_bounds = array<i64: 3200, 128>}]} {
    %get3A = arith.constant 0 : index
    %get3A_0 = arith.constant 0 : index
    %get3A_1 = vector.load %arg1[%get3A, %get3A_0] : memref<3200x128xf32, #tpu.memory_space<vmem>>, vector<3200x128xf32>
    %get3A_2 = arith.constant 0 : index
    %get3A_3 = arith.constant 0 : index
    %get3A_4 = vector.load %arg4[%get3A_2, %get3A_3] : memref<16x3200xf32, #tpu.memory_space<vmem>>, vector<16x3200xf32>
    %get3A_5 = arith.constant 0 : index
    %get3A_6 = arith.constant 0 : index
    %get3A_7 = vector.load %arg2[%get3A_5, %get3A_6] : memref<3200x128xf32, #tpu.memory_space<vmem>>, vector<3200x128xf32>
    %get3A_8 = arith.constant 0 : index
    %get3A_9 = arith.constant 0 : index
    %get3A_10 = vector.load %arg5[%get3A_8, %get3A_9] : memref<128x256xf32, #tpu.memory_space<vmem>>, vector<128x256xf32>
    %get3A_11 = arith.constant 0 : index
    %get3A_12 = arith.constant 0 : index
    %get3A_13 = vector.load %arg6[%get3A_11, %get3A_12] : memref<128x256xf32, #tpu.memory_space<vmem>>, vector<128x256xf32>
    %get3A_14 = arith.constant 0 : index
    %get3A_15 = arith.constant 0 : index
    %get3A_16 = vector.load %arg7[%get3A_14, %get3A_15] : memref<1x256xf32, #tpu.memory_space<vmem>>, vector<1x256xf32>
    %get3A_17 = arith.constant 0 : index
    %get3A_18 = arith.constant 0 : index
    %get3A_19 = vector.load %arg8[%get3A_17, %get3A_18] : memref<1x256xf32, #tpu.memory_space<vmem>>, vector<1x256xf32>
    %get3A_20 = arith.constant 0 : index
    %get3A_21 = arith.constant 0 : index
    %get3A_22 = vector.load %arg9[%get3A_20, %get3A_21] : memref<1x256xf32, #tpu.memory_space<vmem>>, vector<1x256xf32>
    %get3A_23 = arith.constant 0 : index
    %get3A_24 = arith.constant 0 : index
    %get3A_25 = vector.load %arg10[%get3A_23, %get3A_24] : memref<256x128xf32, #tpu.memory_space<vmem>>, vector<256x128xf32>
    %get3A_26 = arith.constant 0 : index
    %get3A_27 = arith.constant 0 : index
    %get3A_28 = vector.load %arg11[%get3A_26, %get3A_27] : memref<1x128xf32, #tpu.memory_space<vmem>>, vector<1x128xf32>
    %get3A_29 = arith.constant 0 : index
    %get3A_30 = arith.constant 0 : index
    %get3A_31 = vector.load %arg12[%get3A_29, %get3A_30] : memref<128x32xf32, #tpu.memory_space<vmem>>, vector<128x32xf32>
    %get3A_32 = arith.constant 0 : index
    %get3A_33 = arith.constant 0 : index
    %get3A_34 = vector.load %arg13[%get3A_32, %get3A_33] : memref<128x32xf32, #tpu.memory_space<vmem>>, vector<128x32xf32>
    %get3A_35 = arith.constant 0 : index
    %get3A_36 = arith.constant 0 : index
    %get3A_37 = vector.load %arg14[%get3A_35, %get3A_36] : memref<16x32xf32, #tpu.memory_space<vmem>>, vector<16x32xf32>
    %get3A_38 = arith.constant 0 : index
    %get3A_39 = arith.constant 0 : index
    %get3A_40 = vector.load %arg15[%get3A_38, %get3A_39] : memref<1x32xf32, #tpu.memory_space<vmem>>, vector<1x32xf32>
    %get3A_41 = arith.constant 0 : index
    %get3A_42 = arith.constant 0 : index
    %get3A_43 = vector.load %arg16[%get3A_41, %get3A_42] : memref<1x32xf32, #tpu.memory_space<vmem>>, vector<1x32xf32>
    %get3A_44 = arith.constant 0 : index
    %get3A_45 = arith.constant 0 : index
    %get3A_46 = vector.load %arg17[%get3A_44, %get3A_45] : memref<1x32xf32, #tpu.memory_space<vmem>>, vector<1x32xf32>
    %get3A_47 = arith.constant 0 : index
    %get3A_48 = arith.constant 0 : index
    %get3A_49 = vector.load %arg18[%get3A_47, %get3A_48] : memref<32x128xf32, #tpu.memory_space<vmem>>, vector<32x128xf32>
    %get3A_50 = arith.constant 0 : index
    %get3A_51 = arith.constant 0 : index
    %get3A_52 = vector.load %arg19[%get3A_50, %get3A_51] : memref<1x128xf32, #tpu.memory_space<vmem>>, vector<1x128xf32>
    %dot_general3A = arith.constant dense<0.000000e+00> : vector<3200x256xf32>
    %dot_general3A_53 = tpu.matmul %get3A_1, %get3A_10, %dot_general3A {dimension_numbers = #tpu.dot_dimension_numbers<[1], [0], [0], [1], [0, 0, 1, 1], [], []>, transpose_lhs_hint = false} : vector<3200x128xf32>, vector<128x256xf32>, vector<3200x256xf32> -> vector<3200x256xf32>
    %dot_general3A_54 = arith.constant dense<0.000000e+00> : vector<3200x256xf32>
    %dot_general3A_55 = tpu.matmul %get3A_7, %get3A_13, %dot_general3A_54 {dimension_numbers = #tpu.dot_dimension_numbers<[1], [0], [0], [1], [0, 0, 1, 1], [], []>, transpose_lhs_hint = false} : vector<3200x128xf32>, vector<128x256xf32>, vector<3200x256xf32> -> vector<3200x256xf32>
    %add3A = arith.addf %dot_general3A_53, %dot_general3A_55 : vector<3200x256xf32>
    %add3A_56 = vector.broadcast %get3A_16 : vector<1x256xf32> to vector<3200x256xf32>
    %add3A_57 = arith.addf %add3A, %add3A_56 : vector<3200x256xf32>
    %reduce_sum3A = arith.constant dense<0.000000e+00> : vector<3200xf32>
    %reduce_sum3A_58 = vector.multi_reduction <add>, %add3A_57, %reduce_sum3A [1] : vector<3200x256xf32> to vector<3200xf32>
    %broadcast_in_dim3A = vector.shape_cast %reduce_sum3A_58 : vector<3200xf32> to vector<3200x1xf32>
    %div3A = arith.constant 2.560000e+02 : f32
    %div3A_59 = vector.broadcast %div3A : f32 to vector<3200x1xf32>
    %div3A_60 = arith.divf %broadcast_in_dim3A, %div3A_59 : vector<3200x1xf32>
    %sub3A = vector.broadcast %div3A_60 : vector<3200x1xf32> to vector<3200x256xf32>
    %sub3A_61 = arith.subf %add3A_57, %sub3A : vector<3200x256xf32>
    %mul3A = arith.mulf %sub3A_61, %sub3A_61 : vector<3200x256xf32>
    %reduce_sum3A_62 = arith.constant dense<0.000000e+00> : vector<3200xf32>
    %reduce_sum3A_63 = vector.multi_reduction <add>, %mul3A, %reduce_sum3A_62 [1] : vector<3200x256xf32> to vector<3200xf32>
    %broadcast_in_dim3A_64 = vector.shape_cast %reduce_sum3A_63 : vector<3200xf32> to vector<3200x1xf32>
    %div3A_65 = arith.constant 2.560000e+02 : f32
    %div3A_66 = vector.broadcast %div3A_65 : f32 to vector<3200x1xf32>
    %div3A_67 = arith.divf %broadcast_in_dim3A_64, %div3A_66 : vector<3200x1xf32>
    %add3A_68 = arith.constant 9.99999974E-6 : f32
    %add3A_69 = vector.broadcast %add3A_68 : f32 to vector<3200x1xf32>
    %add3A_70 = arith.addf %div3A_67, %add3A_69 : vector<3200x1xf32>
    %rsqrt3A = math.rsqrt %add3A_70 : vector<3200x1xf32>
    %mul3A_71 = vector.broadcast %rsqrt3A : vector<3200x1xf32> to vector<3200x256xf32>
    %mul3A_72 = arith.mulf %sub3A_61, %mul3A_71 : vector<3200x256xf32>
    %mul3A_73 = vector.broadcast %get3A_19 : vector<1x256xf32> to vector<3200x256xf32>
    %mul3A_74 = arith.mulf %mul3A_72, %mul3A_73 : vector<3200x256xf32>
    %add3A_75 = vector.broadcast %get3A_22 : vector<1x256xf32> to vector<3200x256xf32>
    %add3A_76 = arith.addf %mul3A_74, %add3A_75 : vector<3200x256xf32>
    %max3A = arith.constant 0.000000e+00 : f32
    %max3A_77 = vector.broadcast %max3A : f32 to vector<3200x256xf32>
    %max3A_78 = arith.maximumf %add3A_76, %max3A_77 : vector<3200x256xf32>
    %dot_general3A_79 = arith.constant dense<0.000000e+00> : vector<3200x128xf32>
    %dot_general3A_80 = tpu.matmul %max3A_78, %get3A_25, %dot_general3A_79 {dimension_numbers = #tpu.dot_dimension_numbers<[1], [0], [0], [1], [0, 0, 1, 1], [], []>, transpose_lhs_hint = false} : vector<3200x256xf32>, vector<256x128xf32>, vector<3200x128xf32> -> vector<3200x128xf32>
    %add3A_81 = vector.broadcast %get3A_28 : vector<1x128xf32> to vector<3200x128xf32>
    %add3A_82 = arith.addf %dot_general3A_80, %add3A_81 : vector<3200x128xf32>
    %dot_general3A_83 = arith.constant dense<0.000000e+00> : vector<3200x32xf32>
    %dot_general3A_84 = tpu.matmul %get3A_1, %get3A_31, %dot_general3A_83 {dimension_numbers = #tpu.dot_dimension_numbers<[1], [0], [0], [1], [0, 0, 1, 1], [], []>, transpose_lhs_hint = false} : vector<3200x128xf32>, vector<128x32xf32>, vector<3200x32xf32> -> vector<3200x32xf32>
    %dot_general3A_85 = arith.constant dense<0.000000e+00> : vector<3200x32xf32>
    %dot_general3A_86 = tpu.matmul %get3A_7, %get3A_34, %dot_general3A_85 {dimension_numbers = #tpu.dot_dimension_numbers<[1], [0], [0], [1], [0, 0, 1, 1], [], []>, transpose_lhs_hint = false} : vector<3200x128xf32>, vector<128x32xf32>, vector<3200x32xf32> -> vector<3200x32xf32>
    %add3A_87 = arith.addf %dot_general3A_84, %dot_general3A_86 : vector<3200x32xf32>
    %dot_general3A_88 = arith.constant dense<0.000000e+00> : vector<3200x32xf32>
    %dot_general3A_89 = tpu.matmul %get3A_4, %get3A_37, %dot_general3A_88 {dimension_numbers = #tpu.dot_dimension_numbers<[0], [0], [1], [1], [0, 1, 1, 1], [], []>, transpose_lhs_hint = false} : vector<16x3200xf32>, vector<16x32xf32>, vector<3200x32xf32> -> vector<3200x32xf32>
    %add3A_90 = arith.addf %add3A_87, %dot_general3A_89 : vector<3200x32xf32>
    %add3A_91 = vector.broadcast %get3A_40 : vector<1x32xf32> to vector<3200x32xf32>
    %add3A_92 = arith.addf %add3A_90, %add3A_91 : vector<3200x32xf32>
    %reduce_sum3A_93 = arith.constant dense<0.000000e+00> : vector<3200xf32>
    %reduce_sum3A_94 = vector.multi_reduction <add>, %add3A_92, %reduce_sum3A_93 [1] : vector<3200x32xf32> to vector<3200xf32>
    %broadcast_in_dim3A_95 = vector.shape_cast %reduce_sum3A_94 : vector<3200xf32> to vector<3200x1xf32>
    %div3A_96 = arith.constant 3.200000e+01 : f32
    %div3A_97 = vector.broadcast %div3A_96 : f32 to vector<3200x1xf32>
    %div3A_98 = arith.divf %broadcast_in_dim3A_95, %div3A_97 : vector<3200x1xf32>
    %sub3A_99 = vector.broadcast %div3A_98 : vector<3200x1xf32> to vector<3200x32xf32>
    %sub3A_100 = arith.subf %add3A_92, %sub3A_99 : vector<3200x32xf32>
    %mul3A_101 = arith.mulf %sub3A_100, %sub3A_100 : vector<3200x32xf32>
    %reduce_sum3A_102 = arith.constant dense<0.000000e+00> : vector<3200xf32>
    %reduce_sum3A_103 = vector.multi_reduction <add>, %mul3A_101, %reduce_sum3A_102 [1] : vector<3200x32xf32> to vector<3200xf32>
    %broadcast_in_dim3A_104 = vector.shape_cast %reduce_sum3A_103 : vector<3200xf32> to vector<3200x1xf32>
    %div3A_105 = arith.constant 3.200000e+01 : f32
    %div3A_106 = vector.broadcast %div3A_105 : f32 to vector<3200x1xf32>
    %div3A_107 = arith.divf %broadcast_in_dim3A_104, %div3A_106 : vector<3200x1xf32>
    %add3A_108 = arith.constant 9.99999974E-6 : f32
    %add3A_109 = vector.broadcast %add3A_108 : f32 to vector<3200x1xf32>
    %add3A_110 = arith.addf %div3A_107, %add3A_109 : vector<3200x1xf32>
    %rsqrt3A_111 = math.rsqrt %add3A_110 : vector<3200x1xf32>
    %mul3A_112 = vector.broadcast %rsqrt3A_111 : vector<3200x1xf32> to vector<3200x32xf32>
    %mul3A_113 = arith.mulf %sub3A_100, %mul3A_112 : vector<3200x32xf32>
    %mul3A_114 = vector.broadcast %get3A_43 : vector<1x32xf32> to vector<3200x32xf32>
    %mul3A_115 = arith.mulf %mul3A_113, %mul3A_114 : vector<3200x32xf32>
    %add3A_116 = vector.broadcast %get3A_46 : vector<1x32xf32> to vector<3200x32xf32>
    %add3A_117 = arith.addf %mul3A_115, %add3A_116 : vector<3200x32xf32>
    %max3A_118 = arith.constant 0.000000e+00 : f32
    %max3A_119 = vector.broadcast %max3A_118 : f32 to vector<3200x32xf32>
    %max3A_120 = arith.maximumf %add3A_117, %max3A_119 : vector<3200x32xf32>
    %dot_general3A_121 = arith.constant dense<0.000000e+00> : vector<3200x128xf32>
    %dot_general3A_122 = tpu.matmul %max3A_120, %get3A_49, %dot_general3A_121 {dimension_numbers = #tpu.dot_dimension_numbers<[1], [0], [0], [1], [0, 0, 1, 1], [], []>, transpose_lhs_hint = false} : vector<3200x32xf32>, vector<32x128xf32>, vector<3200x128xf32> -> vector<3200x128xf32>
    %add3A_123 = vector.broadcast %get3A_52 : vector<1x128xf32> to vector<3200x128xf32>
    %add3A_124 = arith.addf %dot_general3A_122, %add3A_123 : vector<3200x128xf32>
    %logistic3A = arith.negf %add3A_124 : vector<3200x128xf32>
    %logistic3A_125 = math.exp %logistic3A : vector<3200x128xf32>
    %logistic3A_126 = arith.constant 1.000000e+00 : f32
    %logistic3A_127 = vector.broadcast %logistic3A_126 : f32 to vector<3200x128xf32>
    %logistic3A_128 = arith.addf %logistic3A_127, %logistic3A_125 : vector<3200x128xf32>
    %logistic3A_129 = arith.divf %logistic3A_127, %logistic3A_128 : vector<3200x128xf32>
    %mul3A_130 = arith.mulf %add3A_82, %logistic3A_129 : vector<3200x128xf32>
    %swap3A = arith.constant 0 : index
    %swap3A_131 = arith.constant 0 : index
    %swap3A_132 = vector.load %arg35[%swap3A, %swap3A_131] : memref<3200x128xf32, #tpu.memory_space<vmem>>, vector<3200x128xf32>
    tpu.vector_store %arg35[%swap3A, %swap3A_131], %mul3A_130 {strides = array<i32>} : memref<3200x128xf32, #tpu.memory_space<vmem>>, vector<3200x128xf32>,
    %get3A_133 = arith.constant 0 : index
    %get3A_134 = arith.constant 0 : index
    %get3A_135 = vector.load %arg3[%get3A_133, %get3A_134] : memref<3200x128xf32, #tpu.memory_space<vmem>>, vector<3200x128xf32>
    %get3A_136 = arith.constant 0 : index
    %get3A_137 = arith.constant 0 : index
    %get3A_138 = vector.load %arg20[%get3A_136, %get3A_137] : memref<128x256xf32, #tpu.memory_space<vmem>>, vector<128x256xf32>
    %get3A_139 = arith.constant 0 : index
    %get3A_140 = arith.constant 0 : index
    %get3A_141 = vector.load %arg21[%get3A_139, %get3A_140] : memref<128x256xf32, #tpu.memory_space<vmem>>, vector<128x256xf32>
    %get3A_142 = arith.constant 0 : index
    %get3A_143 = arith.constant 0 : index
    %get3A_144 = vector.load %arg22[%get3A_142, %get3A_143] : memref<1x256xf32, #tpu.memory_space<vmem>>, vector<1x256xf32>
    %get3A_145 = arith.constant 0 : index
    %get3A_146 = arith.constant 0 : index
    %get3A_147 = vector.load %arg23[%get3A_145, %get3A_146] : memref<1x256xf32, #tpu.memory_space<vmem>>, vector<1x256xf32>
    %get3A_148 = arith.constant 0 : index
    %get3A_149 = arith.constant 0 : index
    %get3A_150 = vector.load %arg24[%get3A_148, %get3A_149] : memref<1x256xf32, #tpu.memory_space<vmem>>, vector<1x256xf32>
    %get3A_151 = arith.constant 0 : index
    %get3A_152 = arith.constant 0 : index
    %get3A_153 = vector.load %arg25[%get3A_151, %get3A_152] : memref<256x128xf32, #tpu.memory_space<vmem>>, vector<256x128xf32>
    %get3A_154 = arith.constant 0 : index
    %get3A_155 = arith.constant 0 : index
    %get3A_156 = vector.load %arg26[%get3A_154, %get3A_155] : memref<1x128xf32, #tpu.memory_space<vmem>>, vector<1x128xf32>
    %get3A_157 = arith.constant 0 : index
    %get3A_158 = arith.constant 0 : index
    %get3A_159 = vector.load %arg27[%get3A_157, %get3A_158] : memref<128x32xf32, #tpu.memory_space<vmem>>, vector<128x32xf32>
    %get3A_160 = arith.constant 0 : index
    %get3A_161 = arith.constant 0 : index
    %get3A_162 = vector.load %arg28[%get3A_160, %get3A_161] : memref<128x32xf32, #tpu.memory_space<vmem>>, vector<128x32xf32>
    %get3A_163 = arith.constant 0 : index
    %get3A_164 = arith.constant 0 : index
    %get3A_165 = vector.load %arg29[%get3A_163, %get3A_164] : memref<16x32xf32, #tpu.memory_space<vmem>>, vector<16x32xf32>
    %get3A_166 = arith.constant 0 : index
    %get3A_167 = arith.constant 0 : index
    %get3A_168 = vector.load %arg30[%get3A_166, %get3A_167] : memref<1x32xf32, #tpu.memory_space<vmem>>, vector<1x32xf32>
    %get3A_169 = arith.constant 0 : index
    %get3A_170 = arith.constant 0 : index
    %get3A_171 = vector.load %arg31[%get3A_169, %get3A_170] : memref<1x32xf32, #tpu.memory_space<vmem>>, vector<1x32xf32>
    %get3A_172 = arith.constant 0 : index
    %get3A_173 = arith.constant 0 : index
    %get3A_174 = vector.load %arg32[%get3A_172, %get3A_173] : memref<1x32xf32, #tpu.memory_space<vmem>>, vector<1x32xf32>
    %get3A_175 = arith.constant 0 : index
    %get3A_176 = arith.constant 0 : index
    %get3A_177 = vector.load %arg33[%get3A_175, %get3A_176] : memref<32x128xf32, #tpu.memory_space<vmem>>, vector<32x128xf32>
    %get3A_178 = arith.constant 0 : index
    %get3A_179 = arith.constant 0 : index
    %get3A_180 = vector.load %arg34[%get3A_178, %get3A_179] : memref<1x128xf32, #tpu.memory_space<vmem>>, vector<1x128xf32>
    %dot_general3A_181 = arith.constant dense<0.000000e+00> : vector<3200x256xf32>
    %dot_general3A_182 = tpu.matmul %get3A_1, %get3A_138, %dot_general3A_181 {dimension_numbers = #tpu.dot_dimension_numbers<[1], [0], [0], [1], [0, 0, 1, 1], [], []>, transpose_lhs_hint = false} : vector<3200x128xf32>, vector<128x256xf32>, vector<3200x256xf32> -> vector<3200x256xf32>
    %dot_general3A_183 = arith.constant dense<0.000000e+00> : vector<3200x256xf32>
    %dot_general3A_184 = tpu.matmul %get3A_135, %get3A_141, %dot_general3A_183 {dimension_numbers = #tpu.dot_dimension_numbers<[1], [0], [0], [1], [0, 0, 1, 1], [], []>, transpose_lhs_hint = false} : vector<3200x128xf32>, vector<128x256xf32>, vector<3200x256xf32> -> vector<3200x256xf32>
    %add3A_185 = arith.addf %dot_general3A_182, %dot_general3A_184 : vector<3200x256xf32>
    %add3A_186 = vector.broadcast %get3A_144 : vector<1x256xf32> to vector<3200x256xf32>
    %add3A_187 = arith.addf %add3A_185, %add3A_186 : vector<3200x256xf32>
    %reduce_sum3A_188 = arith.constant dense<0.000000e+00> : vector<3200xf32>
    %reduce_sum3A_189 = vector.multi_reduction <add>, %add3A_187, %reduce_sum3A_188 [1] : vector<3200x256xf32> to vector<3200xf32>
    %broadcast_in_dim3A_190 = vector.shape_cast %reduce_sum3A_189 : vector<3200xf32> to vector<3200x1xf32>
    %div3A_191 = arith.constant 2.560000e+02 : f32
    %div3A_192 = vector.broadcast %div3A_191 : f32 to vector<3200x1xf32>
    %div3A_193 = arith.divf %broadcast_in_dim3A_190, %div3A_192 : vector<3200x1xf32>
    %sub3A_194 = vector.broadcast %div3A_193 : vector<3200x1xf32> to vector<3200x256xf32>
    %sub3A_195 = arith.subf %add3A_187, %sub3A_194 : vector<3200x256xf32>
    %mul3A_196 = arith.mulf %sub3A_195, %sub3A_195 : vector<3200x256xf32>
    %reduce_sum3A_197 = arith.constant dense<0.000000e+00> : vector<3200xf32>
    %reduce_sum3A_198 = vector.multi_reduction <add>, %mul3A_196, %reduce_sum3A_197 [1] : vector<3200x256xf32> to vector<3200xf32>
    %broadcast_in_dim3A_199 = vector.shape_cast %reduce_sum3A_198 : vector<3200xf32> to vector<3200x1xf32>
    %div3A_200 = arith.constant 2.560000e+02 : f32
    %div3A_201 = vector.broadcast %div3A_200 : f32 to vector<3200x1xf32>
    %div3A_202 = arith.divf %broadcast_in_dim3A_199, %div3A_201 : vector<3200x1xf32>
    %add3A_203 = arith.constant 9.99999974E-6 : f32
    %add3A_204 = vector.broadcast %add3A_203 : f32 to vector<3200x1xf32>
    %add3A_205 = arith.addf %div3A_202, %add3A_204 : vector<3200x1xf32>
    %rsqrt3A_206 = math.rsqrt %add3A_205 : vector<3200x1xf32>
    %mul3A_207 = vector.broadcast %rsqrt3A_206 : vector<3200x1xf32> to vector<3200x256xf32>
    %mul3A_208 = arith.mulf %sub3A_195, %mul3A_207 : vector<3200x256xf32>
    %mul3A_209 = vector.broadcast %get3A_147 : vector<1x256xf32> to vector<3200x256xf32>
    %mul3A_210 = arith.mulf %mul3A_208, %mul3A_209 : vector<3200x256xf32>
    %add3A_211 = vector.broadcast %get3A_150 : vector<1x256xf32> to vector<3200x256xf32>
    %add3A_212 = arith.addf %mul3A_210, %add3A_211 : vector<3200x256xf32>
    %max3A_213 = arith.constant 0.000000e+00 : f32
    %max3A_214 = vector.broadcast %max3A_213 : f32 to vector<3200x256xf32>
    %max3A_215 = arith.maximumf %add3A_212, %max3A_214 : vector<3200x256xf32>
    %dot_general3A_216 = arith.constant dense<0.000000e+00> : vector<3200x128xf32>
    %dot_general3A_217 = tpu.matmul %max3A_215, %get3A_153, %dot_general3A_216 {dimension_numbers = #tpu.dot_dimension_numbers<[1], [0], [0], [1], [0, 0, 1, 1], [], []>, transpose_lhs_hint = false} : vector<3200x256xf32>, vector<256x128xf32>, vector<3200x128xf32> -> vector<3200x128xf32>
    %add3A_218 = vector.broadcast %get3A_156 : vector<1x128xf32> to vector<3200x128xf32>
    %add3A_219 = arith.addf %dot_general3A_217, %add3A_218 : vector<3200x128xf32>
    %dot_general3A_220 = arith.constant dense<0.000000e+00> : vector<3200x32xf32>
    %dot_general3A_221 = tpu.matmul %get3A_1, %get3A_159, %dot_general3A_220 {dimension_numbers = #tpu.dot_dimension_numbers<[1], [0], [0], [1], [0, 0, 1, 1], [], []>, transpose_lhs_hint = false} : vector<3200x128xf32>, vector<128x32xf32>, vector<3200x32xf32> -> vector<3200x32xf32>
    %dot_general3A_222 = arith.constant dense<0.000000e+00> : vector<3200x32xf32>
    %dot_general3A_223 = tpu.matmul %get3A_135, %get3A_162, %dot_general3A_222 {dimension_numbers = #tpu.dot_dimension_numbers<[1], [0], [0], [1], [0, 0, 1, 1], [], []>, transpose_lhs_hint = false} : vector<3200x128xf32>, vector<128x32xf32>, vector<3200x32xf32> -> vector<3200x32xf32>
    %add3A_224 = arith.addf %dot_general3A_221, %dot_general3A_223 : vector<3200x32xf32>
    %dot_general3A_225 = arith.constant dense<0.000000e+00> : vector<3200x32xf32>
    %dot_general3A_226 = tpu.matmul %get3A_4, %get3A_165, %dot_general3A_225 {dimension_numbers = #tpu.dot_dimension_numbers<[0], [0], [1], [1], [0, 1, 1, 1], [], []>, transpose_lhs_hint = false} : vector<16x3200xf32>, vector<16x32xf32>, vector<3200x32xf32> -> vector<3200x32xf32>
    %add3A_227 = arith.addf %add3A_224, %dot_general3A_226 : vector<3200x32xf32>
    %add3A_228 = vector.broadcast %get3A_168 : vector<1x32xf32> to vector<3200x32xf32>
    %add3A_229 = arith.addf %add3A_227, %add3A_228 : vector<3200x32xf32>
    %reduce_sum3A_230 = arith.constant dense<0.000000e+00> : vector<3200xf32>
    %reduce_sum3A_231 = vector.multi_reduction <add>, %add3A_229, %reduce_sum3A_230 [1] : vector<3200x32xf32> to vector<3200xf32>
    %broadcast_in_dim3A_232 = vector.shape_cast %reduce_sum3A_231 : vector<3200xf32> to vector<3200x1xf32>
    %div3A_233 = arith.constant 3.200000e+01 : f32
    %div3A_234 = vector.broadcast %div3A_233 : f32 to vector<3200x1xf32>
    %div3A_235 = arith.divf %broadcast_in_dim3A_232, %div3A_234 : vector<3200x1xf32>
    %sub3A_236 = vector.broadcast %div3A_235 : vector<3200x1xf32> to vector<3200x32xf32>
    %sub3A_237 = arith.subf %add3A_229, %sub3A_236 : vector<3200x32xf32>
    %mul3A_238 = arith.mulf %sub3A_237, %sub3A_237 : vector<3200x32xf32>
    %reduce_sum3A_239 = arith.constant dense<0.000000e+00> : vector<3200xf32>
    %reduce_sum3A_240 = vector.multi_reduction <add>, %mul3A_238, %reduce_sum3A_239 [1] : vector<3200x32xf32> to vector<3200xf32>
    %broadcast_in_dim3A_241 = vector.shape_cast %reduce_sum3A_240 : vector<3200xf32> to vector<3200x1xf32>
    %div3A_242 = arith.constant 3.200000e+01 : f32
    %div3A_243 = vector.broadcast %div3A_242 : f32 to vector<3200x1xf32>
    %div3A_244 = arith.divf %broadcast_in_dim3A_241, %div3A_243 : vector<3200x1xf32>
    %add3A_245 = arith.constant 9.99999974E-6 : f32
    %add3A_246 = vector.broadcast %add3A_245 : f32 to vector<3200x1xf32>
    %add3A_247 = arith.addf %div3A_244, %add3A_246 : vector<3200x1xf32>
    %rsqrt3A_248 = math.rsqrt %add3A_247 : vector<3200x1xf32>
    %mul3A_249 = vector.broadcast %rsqrt3A_248 : vector<3200x1xf32> to vector<3200x32xf32>
    %mul3A_250 = arith.mulf %sub3A_237, %mul3A_249 : vector<3200x32xf32>
    %mul3A_251 = vector.broadcast %get3A_171 : vector<1x32xf32> to vector<3200x32xf32>
    %mul3A_252 = arith.mulf %mul3A_250, %mul3A_251 : vector<3200x32xf32>
    %add3A_253 = vector.broadcast %get3A_174 : vector<1x32xf32> to vector<3200x32xf32>
    %add3A_254 = arith.addf %mul3A_252, %add3A_253 : vector<3200x32xf32>
    %max3A_255 = arith.constant 0.000000e+00 : f32
    %max3A_256 = vector.broadcast %max3A_255 : f32 to vector<3200x32xf32>
    %max3A_257 = arith.maximumf %add3A_254, %max3A_256 : vector<3200x32xf32>
    %dot_general3A_258 = arith.constant dense<0.000000e+00> : vector<3200x128xf32>
    %dot_general3A_259 = tpu.matmul %max3A_257, %get3A_177, %dot_general3A_258 {dimension_numbers = #tpu.dot_dimension_numbers<[1], [0], [0], [1], [0, 0, 1, 1], [], []>, transpose_lhs_hint = false} : vector<3200x32xf32>, vector<32x128xf32>, vector<3200x128xf32> -> vector<3200x128xf32>
    %add3A_260 = vector.broadcast %get3A_180 : vector<1x128xf32> to vector<3200x128xf32>
    %add3A_261 = arith.addf %dot_general3A_259, %add3A_260 : vector<3200x128xf32>
    %logistic3A_262 = arith.negf %add3A_261 : vector<3200x128xf32>
    %logistic3A_263 = math.exp %logistic3A_262 : vector<3200x128xf32>
    %logistic3A_264 = arith.constant 1.000000e+00 : f32
    %logistic3A_265 = vector.broadcast %logistic3A_264 : f32 to vector<3200x128xf32>
    %logistic3A_266 = arith.addf %logistic3A_265, %logistic3A_263 : vector<3200x128xf32>
    %logistic3A_267 = arith.divf %logistic3A_265, %logistic3A_266 : vector<3200x128xf32>
    %mul3A_268 = arith.mulf %add3A_219, %logistic3A_267 : vector<3200x128xf32>
    %swap3A_269 = arith.constant 0 : index
    %swap3A_270 = arith.constant 0 : index
    %swap3A_271 = vector.load %arg36[%swap3A_269, %swap3A_270] : memref<3200x128xf32, #tpu.memory_space<vmem>>, vector<3200x128xf32>
    tpu.vector_store %arg36[%swap3A_269, %swap3A_270], %mul3A_268 {strides = array<i32>} : memref<3200x128xf32, #tpu.memory_space<vmem>>, vector<3200x128xf32>,
    return
  }
  func.func @transform_0(%arg0: i32) -> (i32, i32) {
    %add3A = arith.constant 50 : i32
    %add3A_0 = arith.addi %arg0, %add3A : i32
    %c0_i32 = arith.constant 0 : i32
    %c0_i32_1 = arith.constant 0 : i32
    return %add3A_0, %c0_i32 : i32, i32
  }
  func.func @transform_1(%arg0: i32) -> (i32, i32) {
    %c0_i32 = arith.constant 0 : i32
    %c0_i32_0 = arith.constant 0 : i32
    return %arg0, %c0_i32 : i32, i32
  }
  func.func @transform_2(%arg0: i32) -> (i32, i32) {
    %c0_i32 = arith.constant 0 : i32
    %c0_i32_0 = arith.constant 0 : i32
    return %arg0, %c0_i32 : i32, i32
  }
  func.func @transform_3(%arg0: i32) -> (i32, i32) {
    %add3A = arith.constant 50 : i32
    %add3A_0 = arith.addi %arg0, %add3A : i32
    %c0_i32 = arith.constant 0 : i32
    %c0_i32_1 = arith.constant 0 : i32
    return %c0_i32, %add3A_0 : i32, i32
  }
  func.func @transform_4(%arg0: i32) -> (i32, i32) {
    %c0_i32 = arith.constant 0 : i32
    %c0_i32_0 = arith.constant 0 : i32
    %c0_i32_1 = arith.constant 0 : i32
    return %c0_i32, %c0_i32_0 : i32, i32
  }
  func.func @transform_5(%arg0: i32) -> (i32, i32) {
    %c0_i32 = arith.constant 0 : i32
    %c0_i32_0 = arith.constant 0 : i32
    %c0_i32_1 = arith.constant 0 : i32
    return %c0_i32, %c0_i32_0 : i32, i32
  }
  func.func @transform_6(%arg0: i32) -> (i32, i32) {
    %c0_i32 = arith.constant 0 : i32
    %c0_i32_0 = arith.constant 0 : i32
    %c0_i32_1 = arith.constant 0 : i32
    return %c0_i32, %c0_i32_0 : i32, i32
  }
  func.func @transform_7(%arg0: i32) -> (i32, i32) {
    %c0_i32 = arith.constant 0 : i32
    %c0_i32_0 = arith.constant 0 : i32
    %c0_i32_1 = arith.constant 0 : i32
    return %c0_i32, %c0_i32_0 : i32, i32
  }
  func.func @transform_8(%arg0: i32) -> (i32, i32) {
    %c0_i32 = arith.constant 0 : i32
    %c0_i32_0 = arith.constant 0 : i32
    %c0_i32_1 = arith.constant 0 : i32
    return %c0_i32, %c0_i32_0 : i32, i32
  }
  func.func @transform_9(%arg0: i32) -> (i32, i32) {
    %c0_i32 = arith.constant 0 : i32
    %c0_i32_0 = arith.constant 0 : i32
    %c0_i32_1 = arith.constant 0 : i32
    return %c0_i32, %c0_i32_0 : i32, i32
  }
  func.func @transform_10(%arg0: i32) -> (i32, i32) {
    %c0_i32 = arith.constant 0 : i32
    %c0_i32_0 = arith.constant 0 : i32
    %c0_i32_1 = arith.constant 0 : i32
    return %c0_i32, %c0_i32_0 : i32, i32
  }
  func.func @transform_11(%arg0: i32) -> (i32, i32) {
    %c0_i32 = arith.constant 0 : i32
    %c0_i32_0 = arith.constant 0 : i32
    %c0_i32_1 = arith.constant 0 : i32
    return %c0_i32, %c0_i32_0 : i32, i32
  }
  func.func @transform_12(%arg0: i32) -> (i32, i32) {
    %c0_i32 = arith.constant 0 : i32
    %c0_i32_0 = arith.constant 0 : i32
    %c0_i32_1 = arith.constant 0 : i32
    return %c0_i32, %c0_i32_0 : i32, i32
  }
  func.func @transform_13(%arg0: i32) -> (i32, i32) {
    %c0_i32 = arith.constant 0 : i32
    %c0_i32_0 = arith.constant 0 : i32
    %c0_i32_1 = arith.constant 0 : i32
    return %c0_i32, %c0_i32_0 : i32, i32
  }
  func.func @transform_14(%arg0: i32) -> (i32, i32) {
    %c0_i32 = arith.constant 0 : i32
    %c0_i32_0 = arith.constant 0 : i32
    %c0_i32_1 = arith.constant 0 : i32
    return %c0_i32, %c0_i32_0 : i32, i32
  }
  func.func @transform_15(%arg0: i32) -> (i32, i32) {
    %c0_i32 = arith.constant 0 : i32
    %c0_i32_0 = arith.constant 0 : i32
    %c0_i32_1 = arith.constant 0 : i32
    return %c0_i32, %c0_i32_0 : i32, i32
  }
  func.func @transform_16(%arg0: i32) -> (i32, i32) {
    %c0_i32 = arith.constant 0 : i32
    %c0_i32_0 = arith.constant 0 : i32
    %c0_i32_1 = arith.constant 0 : i32
    return %c0_i32, %c0_i32_0 : i32, i32
  }
  func.func @transform_17(%arg0: i32) -> (i32, i32) {
    %c0_i32 = arith.constant 0 : i32
    %c0_i32_0 = arith.constant 0 : i32
    %c0_i32_1 = arith.constant 0 : i32
    return %c0_i32, %c0_i32_0 : i32, i32
  }
  func.func @transform_18(%arg0: i32) -> (i32, i32) {
    %c0_i32 = arith.constant 0 : i32
    %c0_i32_0 = arith.constant 0 : i32
    %c0_i32_1 = arith.constant 0 : i32
    return %c0_i32, %c0_i32_0 : i32, i32
  }
  func.func @transform_19(%arg0: i32) -> (i32, i32) {
    %c0_i32 = arith.constant 0 : i32
    %c0_i32_0 = arith.constant 0 : i32
    %c0_i32_1 = arith.constant 0 : i32
    return %c0_i32, %c0_i32_0 : i32, i32
  }
  func.func @transform_20(%arg0: i32) -> (i32, i32) {
    %c0_i32 = arith.constant 0 : i32
    %c0_i32_0 = arith.constant 0 : i32
    %c0_i32_1 = arith.constant 0 : i32
    return %c0_i32, %c0_i32_0 : i32, i32
  }
  func.func @transform_21(%arg0: i32) -> (i32, i32) {
    %c0_i32 = arith.constant 0 : i32
    %c0_i32_0 = arith.constant 0 : i32
    %c0_i32_1 = arith.constant 0 : i32
    return %c0_i32, %c0_i32_0 : i32, i32
  }
  func.func @transform_22(%arg0: i32) -> (i32, i32) {
    %c0_i32 = arith.constant 0 : i32
    %c0_i32_0 = arith.constant 0 : i32
    %c0_i32_1 = arith.constant 0 : i32
    return %c0_i32, %c0_i32_0 : i32, i32
  }
  func.func @transform_23(%arg0: i32) -> (i32, i32) {
    %c0_i32 = arith.constant 0 : i32
    %c0_i32_0 = arith.constant 0 : i32
    %c0_i32_1 = arith.constant 0 : i32
    return %c0_i32, %c0_i32_0 : i32, i32
  }
  func.func @transform_24(%arg0: i32) -> (i32, i32) {
    %c0_i32 = arith.constant 0 : i32
    %c0_i32_0 = arith.constant 0 : i32
    %c0_i32_1 = arith.constant 0 : i32
    return %c0_i32, %c0_i32_0 : i32, i32
  }
  func.func @transform_25(%arg0: i32) -> (i32, i32) {
    %c0_i32 = arith.constant 0 : i32
    %c0_i32_0 = arith.constant 0 : i32
    %c0_i32_1 = arith.constant 0 : i32
    return %c0_i32, %c0_i32_0 : i32, i32
  }
  func.func @transform_26(%arg0: i32) -> (i32, i32) {
    %c0_i32 = arith.constant 0 : i32
    %c0_i32_0 = arith.constant 0 : i32
    %c0_i32_1 = arith.constant 0 : i32
    return %c0_i32, %c0_i32_0 : i32, i32
  }
  func.func @transform_27(%arg0: i32) -> (i32, i32) {
    %c0_i32 = arith.constant 0 : i32
    %c0_i32_0 = arith.constant 0 : i32
    %c0_i32_1 = arith.constant 0 : i32
    return %c0_i32, %c0_i32_0 : i32, i32
  }
  func.func @transform_28(%arg0: i32) -> (i32, i32) {
    %c0_i32 = arith.constant 0 : i32
    %c0_i32_0 = arith.constant 0 : i32
    %c0_i32_1 = arith.constant 0 : i32
    return %c0_i32, %c0_i32_0 : i32, i32
  }
  func.func @transform_29(%arg0: i32) -> (i32, i32) {
    %c0_i32 = arith.constant 0 : i32
    %c0_i32_0 = arith.constant 0 : i32
    %c0_i32_1 = arith.constant 0 : i32
    return %c0_i32, %c0_i32_0 : i32, i32
  }
  func.func @transform_30(%arg0: i32) -> (i32, i32) {
    %c0_i32 = arith.constant 0 : i32
    %c0_i32_0 = arith.constant 0 : i32
    %c0_i32_1 = arith.constant 0 : i32
    return %c0_i32, %c0_i32_0 : i32, i32
  }
  func.func @transform_31(%arg0: i32) -> (i32, i32) {
    %c0_i32 = arith.constant 0 : i32
    %c0_i32_0 = arith.constant 0 : i32
    %c0_i32_1 = arith.constant 0 : i32
    return %c0_i32, %c0_i32_0 : i32, i32
  }
  func.func @transform_32(%arg0: i32) -> (i32, i32) {
    %c0_i32 = arith.constant 0 : i32
    %c0_i32_0 = arith.constant 0 : i32
    %c0_i32_1 = arith.constant 0 : i32
    return %c0_i32, %c0_i32_0 : i32, i32
  }
  func.func @transform_33(%arg0: i32) -> (i32, i32) {
    %c0_i32 = arith.constant 0 : i32
    %c0_i32_0 = arith.constant 0 : i32
    %c0_i32_1 = arith.constant 0 : i32
    return %c0_i32, %c0_i32_0 : i32, i32
  }
  func.func @transform_34(%arg0: i32) -> (i32, i32) {
    %c0_i32 = arith.constant 0 : i32
    %c0_i32_0 = arith.constant 0 : i32
    return %arg0, %c0_i32 : i32, i32
  }
  func.func @transform_35(%arg0: i32) -> (i32, i32) {
    %c0_i32 = arith.constant 0 : i32
    %c0_i32_0 = arith.constant 0 : i32
    return %arg0, %c0_i32 : i32, i32
  }
}

module attributes {stable_mosaic.version = 14 : i64} {
  func.func @body(%arg0: i32, %arg1: memref<3200x128xf32, #tpu.memory_space<vmem>>, %arg2: memref<3200x128xf32, #tpu.memory_space<vmem>>, %arg3: memref<3200x128xf32, #tpu.memory_space<vmem>>, %arg4: memref<16x3200xf32, #tpu.memory_space<vmem>>, %arg5: memref<128x256xf32, #tpu.memory_space<vmem>>, %arg6: memref<128x256xf32, #tpu.memory_space<vmem>>, %arg7: memref<1x256xf32, #tpu.memory_space<vmem>>, %arg8: memref<1x256xf32, #tpu.memory_space<vmem>>, %arg9: memref<1x256xf32, #tpu.memory_space<vmem>>, %arg10: memref<256x128xf32, #tpu.memory_space<vmem>>, %arg11: memref<1x128xf32, #tpu.memory_space<vmem>>, %arg12: memref<128x32xf32, #tpu.memory_space<vmem>>, %arg13: memref<128x32xf32, #tpu.memory_space<vmem>>, %arg14: memref<16x32xf32, #tpu.memory_space<vmem>>, %arg15: memref<1x32xf32, #tpu.memory_space<vmem>>, %arg16: memref<1x32xf32, #tpu.memory_space<vmem>>, %arg17: memref<1x32xf32, #tpu.memory_space<vmem>>, %arg18: memref<32x128xf32, #tpu.memory_space<vmem>>, %arg19: memref<1x128xf32, #tpu.memory_space<vmem>>, %arg20: memref<128x256xf32, #tpu.memory_space<vmem>>, %arg21: memref<128x256xf32, #tpu.memory_space<vmem>>, %arg22: memref<1x256xf32, #tpu.memory_space<vmem>>, %arg23: memref<1x256xf32, #tpu.memory_space<vmem>>, %arg24: memref<1x256xf32, #tpu.memory_space<vmem>>, %arg25: memref<256x128xf32, #tpu.memory_space<vmem>>, %arg26: memref<1x128xf32, #tpu.memory_space<vmem>>, %arg27: memref<128x32xf32, #tpu.memory_space<vmem>>, %arg28: memref<128x32xf32, #tpu.memory_space<vmem>>, %arg29: memref<16x32xf32, #tpu.memory_space<vmem>>, %arg30: memref<1x32xf32, #tpu.memory_space<vmem>>, %arg31: memref<1x32xf32, #tpu.memory_space<vmem>>, %arg32: memref<1x32xf32, #tpu.memory_space<vmem>>, %arg33: memref<32x128xf32, #tpu.memory_space<vmem>>, %arg34: memref<1x128xf32, #tpu.memory_space<vmem>>, %arg35: memref<3200x128xf32, #tpu.memory_space<vmem>>, %arg36: memref<3200x128xf32, #tpu.memory_space<vmem>>) attributes {dimension_semantics = [#tpu.dimension_semantics<arbitrary>], iteration_bounds = array<i64: 50>, scalar_prefetch = 0 : i64, scratch_operands = 0 : i64, tpu.core_type = #tpu.core_type<tc>, window_params = [{transform_indices = @transform_0, window_bounds = array<i64: 3200, 128>}, {transform_indices = @transform_1, window_bounds = array<i64: 3200, 128>}, {transform_indices = @transform_2, window_bounds = array<i64: 3200, 128>}, {transform_indices = @transform_3, window_bounds = array<i64: 16, 3200>}, {pipeline_mode = #tpu.pipeline_mode<synchronous>, transform_indices = @transform_4, window_bounds = array<i64: 128, 256>}, {pipeline_mode = #tpu.pipeline_mode<synchronous>, transform_indices = @transform_5, window_bounds = array<i64: 128, 256>}, {pipeline_mode = #tpu.pipeline_mode<synchronous>, transform_indices = @transform_6, window_bounds = array<i64: 1, 256>}, {pipeline_mode = #tpu.pipeline_mode<synchronous>, transform_indices = @transform_7, window_bounds = array<i64: 1, 256>}, {pipeline_mode = #tpu.pipeline_mode<synchronous>, transform_indices = @transform_8, window_bounds = array<i64: 1, 256>}, {pipeline_mode = #tpu.pipeline_mode<synchronous>, transform_indices = @transform_9, window_bounds = array<i64: 256, 128>}, {pipeline_mode = #tpu.pipeline_mode<synchronous>, transform_indices = @transform_10, window_bounds = array<i64: 1, 128>}, {pipeline_mode = #tpu.pipeline_mode<synchronous>, transform_indices = @transform_11, window_bounds = array<i64: 128, 32>}, {pipeline_mode = #tpu.pipeline_mode<synchronous>, transform_indices = @transform_12, window_bounds = array<i64: 128, 32>}, {pipeline_mode = #tpu.pipeline_mode<synchronous>, transform_indices = @transform_13, window_bounds = array<i64: 16, 32>}, {pipeline_mode = #tpu.pipeline_mode<synchronous>, transform_indices = @transform_14, window_bounds = array<i64: 1, 32>}, {pipeline_mode = #tpu.pipeline_mode<synchronous>, transform_indices = @transform_15, window_bounds = array<i64: 1, 32>}, {pipeline_mode = #tpu.pipeline_mode<synchronous>, transform_indices = @transform_16, window_bounds = array<i64: 1, 32>}, {pipeline_mode = #tpu.pipeline_mode<synchronous>, transform_indices = @transform_17, window_bounds = array<i64: 32, 128>}, {pipeline_mode = #tpu.pipeline_mode<synchronous>, transform_indices = @transform_18, window_bounds = array<i64: 1, 128>}, {pipeline_mode = #tpu.pipeline_mode<synchronous>, transform_indices = @transform_19, window_bounds = array<i64: 128, 256>}, {pipeline_mode = #tpu.pipeline_mode<synchronous>, transform_indices = @transform_20, window_bounds = array<i64: 128, 256>}, {pipeline_mode = #tpu.pipeline_mode<synchronous>, transform_indices = @transform_21, window_bounds = array<i64: 1, 256>}, {pipeline_mode = #tpu.pipeline_mode<synchronous>, transform_indices = @transform_22, window_bounds = array<i64: 1, 256>}, {pipeline_mode = #tpu.pipeline_mode<synchronous>, transform_indices = @transform_23, window_bounds = array<i64: 1, 256>}, {pipeline_mode = #tpu.pipeline_mode<synchronous>, transform_indices = @transform_24, window_bounds = array<i64: 256, 128>}, {pipeline_mode = #tpu.pipeline_mode<synchronous>, transform_indices = @transform_25, window_bounds = array<i64: 1, 128>}, {pipeline_mode = #tpu.pipeline_mode<synchronous>, transform_indices = @transform_26, window_bounds = array<i64: 128, 32>}, {pipeline_mode = #tpu.pipeline_mode<synchronous>, transform_indices = @transform_27, window_bounds = array<i64: 128, 32>}, {pipeline_mode = #tpu.pipeline_mode<synchronous>, transform_indices = @transform_28, window_bounds = array<i64: 16, 32>}, {pipeline_mode = #tpu.pipeline_mode<synchronous>, transform_indices = @transform_29, window_bounds = array<i64: 1, 32>}, {pipeline_mode = #tpu.pipeline_mode<synchronous>, transform_indices = @transform_30, window_bounds = array<i64: 1, 32>}, {pipeline_mode = #tpu.pipeline_mode<synchronous>, transform_indices = @transform_31, window_bounds = array<i64: 1, 32>}, {pipeline_mode = #tpu.pipeline_mode<synchronous>, transform_indices = @transform_32, window_bounds = array<i64: 32, 128>}, {pipeline_mode = #tpu.pipeline_mode<synchronous>, transform_indices = @transform_33, window_bounds = array<i64: 1, 128>}, {transform_indices = @transform_34, window_bounds = array<i64: 3200, 128>}, {transform_indices = @transform_35, window_bounds = array<i64: 3200, 128>}]} {
    %get3A = arith.constant 0 : index
    %get3A_0 = arith.constant 0 : index
    %get3A_1 = vector.load %arg1[%get3A, %get3A_0] : memref<3200x128xf32, #tpu.memory_space<vmem>>, vector<3200x128xf32>
    %get3A_2 = arith.constant 0 : index
    %get3A_3 = arith.constant 0 : index
    %get3A_4 = vector.load %arg4[%get3A_2, %get3A_3] : memref<16x3200xf32, #tpu.memory_space<vmem>>, vector<16x3200xf32>
    %get3A_5 = arith.constant 0 : index
    %get3A_6 = arith.constant 0 : index
    %get3A_7 = vector.load %arg2[%get3A_5, %get3A_6] : memref<3200x128xf32, #tpu.memory_space<vmem>>, vector<3200x128xf32>
    %get3A_8 = arith.constant 0 : index
    %get3A_9 = arith.constant 0 : index
    %get3A_10 = vector.load %arg5[%get3A_8, %get3A_9] : memref<128x256xf32, #tpu.memory_space<vmem>>, vector<128x256xf32>
    %get3A_11 = arith.constant 0 : index
    %get3A_12 = arith.constant 0 : index
    %get3A_13 = vector.load %arg6[%get3A_11, %get3A_12] : memref<128x256xf32, #tpu.memory_space<vmem>>, vector<128x256xf32>
    %get3A_14 = arith.constant 0 : index
    %get3A_15 = arith.constant 0 : index
    %get3A_16 = vector.load %arg7[%get3A_14, %get3A_15] : memref<1x256xf32, #tpu.memory_space<vmem>>, vector<1x256xf32>
    %get3A_17 = arith.constant 0 : index
    %get3A_18 = arith.constant 0 : index
    %get3A_19 = vector.load %arg8[%get3A_17, %get3A_18] : memref<1x256xf32, #tpu.memory_space<vmem>>, vector<1x256xf32>
    %get3A_20 = arith.constant 0 : index
    %get3A_21 = arith.constant 0 : index
    %get3A_22 = vector.load %arg9[%get3A_20, %get3A_21] : memref<1x256xf32, #tpu.memory_space<vmem>>, vector<1x256xf32>
    %get3A_23 = arith.constant 0 : index
    %get3A_24 = arith.constant 0 : index
    %get3A_25 = vector.load %arg10[%get3A_23, %get3A_24] : memref<256x128xf32, #tpu.memory_space<vmem>>, vector<256x128xf32>
    %get3A_26 = arith.constant 0 : index
    %get3A_27 = arith.constant 0 : index
    %get3A_28 = vector.load %arg11[%get3A_26, %get3A_27] : memref<1x128xf32, #tpu.memory_space<vmem>>, vector<1x128xf32>
    %get3A_29 = arith.constant 0 : index
    %get3A_30 = arith.constant 0 : index
    %get3A_31 = vector.load %arg12[%get3A_29, %get3A_30] : memref<128x32xf32, #tpu.memory_space<vmem>>, vector<128x32xf32>
    %get3A_32 = arith.constant 0 : index
    %get3A_33 = arith.constant 0 : index
    %get3A_34 = vector.load %arg13[%get3A_32, %get3A_33] : memref<128x32xf32, #tpu.memory_space<vmem>>, vector<128x32xf32>
    %get3A_35 = arith.constant 0 : index
    %get3A_36 = arith.constant 0 : index
    %get3A_37 = vector.load %arg14[%get3A_35, %get3A_36] : memref<16x32xf32, #tpu.memory_space<vmem>>, vector<16x32xf32>
    %get3A_38 = arith.constant 0 : index
    %get3A_39 = arith.constant 0 : index
    %get3A_40 = vector.load %arg15[%get3A_38, %get3A_39] : memref<1x32xf32, #tpu.memory_space<vmem>>, vector<1x32xf32>
    %get3A_41 = arith.constant 0 : index
    %get3A_42 = arith.constant 0 : index
    %get3A_43 = vector.load %arg16[%get3A_41, %get3A_42] : memref<1x32xf32, #tpu.memory_space<vmem>>, vector<1x32xf32>
    %get3A_44 = arith.constant 0 : index
    %get3A_45 = arith.constant 0 : index
    %get3A_46 = vector.load %arg17[%get3A_44, %get3A_45] : memref<1x32xf32, #tpu.memory_space<vmem>>, vector<1x32xf32>
    %get3A_47 = arith.constant 0 : index
    %get3A_48 = arith.constant 0 : index
    %get3A_49 = vector.load %arg18[%get3A_47, %get3A_48] : memref<32x128xf32, #tpu.memory_space<vmem>>, vector<32x128xf32>
    %get3A_50 = arith.constant 0 : index
    %get3A_51 = arith.constant 0 : index
    %get3A_52 = vector.load %arg19[%get3A_50, %get3A_51] : memref<1x128xf32, #tpu.memory_space<vmem>>, vector<1x128xf32>
    %dot_general3A = arith.constant dense<0.000000e+00> : vector<3200x256xf32>
    %dot_general3A_53 = tpu.matmul %get3A_1, %get3A_10, %dot_general3A {dimension_numbers = #tpu.dot_dimension_numbers<[1], [0], [0], [1], [0, 0, 1, 1], [], []>, transpose_lhs_hint = false} : vector<3200x128xf32>, vector<128x256xf32>, vector<3200x256xf32> -> vector<3200x256xf32>
    %dot_general3A_54 = arith.constant dense<0.000000e+00> : vector<3200x256xf32>
    %dot_general3A_55 = tpu.matmul %get3A_7, %get3A_13, %dot_general3A_54 {dimension_numbers = #tpu.dot_dimension_numbers<[1], [0], [0], [1], [0, 0, 1, 1], [], []>, transpose_lhs_hint = false} : vector<3200x128xf32>, vector<128x256xf32>, vector<3200x256xf32> -> vector<3200x256xf32>
    %add3A = arith.addf %dot_general3A_53, %dot_general3A_55 : vector<3200x256xf32>
    %add3A_56 = vector.broadcast %get3A_16 : vector<1x256xf32> to vector<3200x256xf32>
    %add3A_57 = arith.addf %add3A, %add3A_56 : vector<3200x256xf32>
    %reduce_sum3A = arith.constant dense<0.000000e+00> : vector<3200xf32>
    %reduce_sum3A_58 = vector.multi_reduction <add>, %add3A_57, %reduce_sum3A [1] : vector<3200x256xf32> to vector<3200xf32>
    %broadcast_in_dim3A = vector.shape_cast %reduce_sum3A_58 : vector<3200xf32> to vector<3200x1xf32>
    %div3A = arith.constant 2.560000e+02 : f32
    %div3A_59 = vector.broadcast %div3A : f32 to vector<3200x1xf32>
    %div3A_60 = arith.divf %broadcast_in_dim3A, %div3A_59 : vector<3200x1xf32>
    %sub3A = vector.broadcast %div3A_60 : vector<3200x1xf32> to vector<3200x256xf32>
    %sub3A_61 = arith.subf %add3A_57, %sub3A : vector<3200x256xf32>
    %mul3A = arith.mulf %sub3A_61, %sub3A_61 : vector<3200x256xf32>
    %reduce_sum3A_62 = arith.constant dense<0.000000e+00> : vector<3200xf32>
    %reduce_sum3A_63 = vector.multi_reduction <add>, %mul3A, %reduce_sum3A_62 [1] : vector<3200x256xf32> to vector<3200xf32>
    %broadcast_in_dim3A_64 = vector.shape_cast %reduce_sum3A_63 : vector<3200xf32> to vector<3200x1xf32>
    %div3A_65 = arith.constant 2.560000e+02 : f32
    %div3A_66 = vector.broadcast %div3A_65 : f32 to vector<3200x1xf32>
    %div3A_67 = arith.divf %broadcast_in_dim3A_64, %div3A_66 : vector<3200x1xf32>
    %add3A_68 = arith.constant 9.99999974E-6 : f32
    %add3A_69 = vector.broadcast %add3A_68 : f32 to vector<3200x1xf32>
    %add3A_70 = arith.addf %div3A_67, %add3A_69 : vector<3200x1xf32>
    %rsqrt3A = math.rsqrt %add3A_70 : vector<3200x1xf32>
    %mul3A_71 = vector.broadcast %rsqrt3A : vector<3200x1xf32> to vector<3200x256xf32>
    %mul3A_72 = arith.mulf %sub3A_61, %mul3A_71 : vector<3200x256xf32>
    %mul3A_73 = vector.broadcast %get3A_19 : vector<1x256xf32> to vector<3200x256xf32>
    %mul3A_74 = arith.mulf %mul3A_72, %mul3A_73 : vector<3200x256xf32>
    %add3A_75 = vector.broadcast %get3A_22 : vector<1x256xf32> to vector<3200x256xf32>
    %add3A_76 = arith.addf %mul3A_74, %add3A_75 : vector<3200x256xf32>
    %max3A = arith.constant 0.000000e+00 : f32
    %max3A_77 = vector.broadcast %max3A : f32 to vector<3200x256xf32>
    %max3A_78 = arith.maximumf %add3A_76, %max3A_77 : vector<3200x256xf32>
    %dot_general3A_79 = arith.constant dense<0.000000e+00> : vector<3200x128xf32>
    %dot_general3A_80 = tpu.matmul %max3A_78, %get3A_25, %dot_general3A_79 {dimension_numbers = #tpu.dot_dimension_numbers<[1], [0], [0], [1], [0, 0, 1, 1], [], []>, transpose_lhs_hint = false} : vector<3200x256xf32>, vector<256x128xf32>, vector<3200x128xf32> -> vector<3200x128xf32>
    %add3A_81 = vector.broadcast %get3A_28 : vector<1x128xf32> to vector<3200x128xf32>
    %add3A_82 = arith.addf %dot_general3A_80, %add3A_81 : vector<3200x128xf32>
    %dot_general3A_83 = arith.constant dense<0.000000e+00> : vector<3200x32xf32>
    %dot_general3A_84 = tpu.matmul %get3A_1, %get3A_31, %dot_general3A_83 {dimension_numbers = #tpu.dot_dimension_numbers<[1], [0], [0], [1], [0, 0, 1, 1], [], []>, transpose_lhs_hint = false} : vector<3200x128xf32>, vector<128x32xf32>, vector<3200x32xf32> -> vector<3200x32xf32>
    %dot_general3A_85 = arith.constant dense<0.000000e+00> : vector<3200x32xf32>
    %dot_general3A_86 = tpu.matmul %get3A_7, %get3A_34, %dot_general3A_85 {dimension_numbers = #tpu.dot_dimension_numbers<[1], [0], [0], [1], [0, 0, 1, 1], [], []>, transpose_lhs_hint = false} : vector<3200x128xf32>, vector<128x32xf32>, vector<3200x32xf32> -> vector<3200x32xf32>
    %add3A_87 = arith.addf %dot_general3A_84, %dot_general3A_86 : vector<3200x32xf32>
    %dot_general3A_88 = arith.constant dense<0.000000e+00> : vector<3200x32xf32>
    %dot_general3A_89 = tpu.matmul %get3A_4, %get3A_37, %dot_general3A_88 {dimension_numbers = #tpu.dot_dimension_numbers<[0], [0], [1], [1], [0, 1, 1, 1], [], []>, transpose_lhs_hint = false} : vector<16x3200xf32>, vector<16x32xf32>, vector<3200x32xf32> -> vector<3200x32xf32>
    %add3A_90 = arith.addf %add3A_87, %dot_general3A_89 : vector<3200x32xf32>
    %add3A_91 = vector.broadcast %get3A_40 : vector<1x32xf32> to vector<3200x32xf32>
    %add3A_92 = arith.addf %add3A_90, %add3A_91 : vector<3200x32xf32>
    %reduce_sum3A_93 = arith.constant dense<0.000000e+00> : vector<3200xf32>
    %reduce_sum3A_94 = vector.multi_reduction <add>, %add3A_92, %reduce_sum3A_93 [1] : vector<3200x32xf32> to vector<3200xf32>
    %broadcast_in_dim3A_95 = vector.shape_cast %reduce_sum3A_94 : vector<3200xf32> to vector<3200x1xf32>
    %div3A_96 = arith.constant 3.200000e+01 : f32
    %div3A_97 = vector.broadcast %div3A_96 : f32 to vector<3200x1xf32>
    %div3A_98 = arith.divf %broadcast_in_dim3A_95, %div3A_97 : vector<3200x1xf32>
    %sub3A_99 = vector.broadcast %div3A_98 : vector<3200x1xf32> to vector<3200x32xf32>
    %sub3A_100 = arith.subf %add3A_92, %sub3A_99 : vector<3200x32xf32>
    %mul3A_101 = arith.mulf %sub3A_100, %sub3A_100 : vector<3200x32xf32>
    %reduce_sum3A_102 = arith.constant dense<0.000000e+00> : vector<3200xf32>
    %reduce_sum3A_103 = vector.multi_reduction <add>, %mul3A_101, %reduce_sum3A_102 [1] : vector<3200x32xf32> to vector<3200xf32>
    %broadcast_in_dim3A_104 = vector.shape_cast %reduce_sum3A_103 : vector<3200xf32> to vector<3200x1xf32>
    %div3A_105 = arith.constant 3.200000e+01 : f32
    %div3A_106 = vector.broadcast %div3A_105 : f32 to vector<3200x1xf32>
    %div3A_107 = arith.divf %broadcast_in_dim3A_104, %div3A_106 : vector<3200x1xf32>
    %add3A_108 = arith.constant 9.99999974E-6 : f32
    %add3A_109 = vector.broadcast %add3A_108 : f32 to vector<3200x1xf32>
    %add3A_110 = arith.addf %div3A_107, %add3A_109 : vector<3200x1xf32>
    %rsqrt3A_111 = math.rsqrt %add3A_110 : vector<3200x1xf32>
    %mul3A_112 = vector.broadcast %rsqrt3A_111 : vector<3200x1xf32> to vector<3200x32xf32>
    %mul3A_113 = arith.mulf %sub3A_100, %mul3A_112 : vector<3200x32xf32>
    %mul3A_114 = vector.broadcast %get3A_43 : vector<1x32xf32> to vector<3200x32xf32>
    %mul3A_115 = arith.mulf %mul3A_113, %mul3A_114 : vector<3200x32xf32>
    %add3A_116 = vector.broadcast %get3A_46 : vector<1x32xf32> to vector<3200x32xf32>
    %add3A_117 = arith.addf %mul3A_115, %add3A_116 : vector<3200x32xf32>
    %max3A_118 = arith.constant 0.000000e+00 : f32
    %max3A_119 = vector.broadcast %max3A_118 : f32 to vector<3200x32xf32>
    %max3A_120 = arith.maximumf %add3A_117, %max3A_119 : vector<3200x32xf32>
    %dot_general3A_121 = arith.constant dense<0.000000e+00> : vector<3200x128xf32>
    %dot_general3A_122 = tpu.matmul %max3A_120, %get3A_49, %dot_general3A_121 {dimension_numbers = #tpu.dot_dimension_numbers<[1], [0], [0], [1], [0, 0, 1, 1], [], []>, transpose_lhs_hint = false} : vector<3200x32xf32>, vector<32x128xf32>, vector<3200x128xf32> -> vector<3200x128xf32>
    %add3A_123 = vector.broadcast %get3A_52 : vector<1x128xf32> to vector<3200x128xf32>
    %add3A_124 = arith.addf %dot_general3A_122, %add3A_123 : vector<3200x128xf32>
    %logistic3A = arith.negf %add3A_124 : vector<3200x128xf32>
    %logistic3A_125 = math.exp %logistic3A : vector<3200x128xf32>
    %logistic3A_126 = arith.constant 1.000000e+00 : f32
    %logistic3A_127 = vector.broadcast %logistic3A_126 : f32 to vector<3200x128xf32>
    %logistic3A_128 = arith.addf %logistic3A_127, %logistic3A_125 : vector<3200x128xf32>
    %logistic3A_129 = arith.divf %logistic3A_127, %logistic3A_128 : vector<3200x128xf32>
    %mul3A_130 = arith.mulf %add3A_82, %logistic3A_129 : vector<3200x128xf32>
    %swap3A = arith.constant 0 : index
    %swap3A_131 = arith.constant 0 : index
    %swap3A_132 = vector.load %arg35[%swap3A, %swap3A_131] : memref<3200x128xf32, #tpu.memory_space<vmem>>, vector<3200x128xf32>
    tpu.vector_store %arg35[%swap3A, %swap3A_131], %mul3A_130 {strides = array<i32>} : memref<3200x128xf32, #tpu.memory_space<vmem>>, vector<3200x128xf32>,
    %get3A_133 = arith.constant 0 : index
    %get3A_134 = arith.constant 0 : index
    %get3A_135 = vector.load %arg3[%get3A_133, %get3A_134] : memref<3200x128xf32, #tpu.memory_space<vmem>>, vector<3200x128xf32>
    %get3A_136 = arith.constant 0 : index
    %get3A_137 = arith.constant 0 : index
    %get3A_138 = vector.load %arg20[%get3A_136, %get3A_137] : memref<128x256xf32, #tpu.memory_space<vmem>>, vector<128x256xf32>
    %get3A_139 = arith.constant 0 : index
    %get3A_140 = arith.constant 0 : index
    %get3A_141 = vector.load %arg21[%get3A_139, %get3A_140] : memref<128x256xf32, #tpu.memory_space<vmem>>, vector<128x256xf32>
    %get3A_142 = arith.constant 0 : index
    %get3A_143 = arith.constant 0 : index
    %get3A_144 = vector.load %arg22[%get3A_142, %get3A_143] : memref<1x256xf32, #tpu.memory_space<vmem>>, vector<1x256xf32>
    %get3A_145 = arith.constant 0 : index
    %get3A_146 = arith.constant 0 : index
    %get3A_147 = vector.load %arg23[%get3A_145, %get3A_146] : memref<1x256xf32, #tpu.memory_space<vmem>>, vector<1x256xf32>
    %get3A_148 = arith.constant 0 : index
    %get3A_149 = arith.constant 0 : index
    %get3A_150 = vector.load %arg24[%get3A_148, %get3A_149] : memref<1x256xf32, #tpu.memory_space<vmem>>, vector<1x256xf32>
    %get3A_151 = arith.constant 0 : index
    %get3A_152 = arith.constant 0 : index
    %get3A_153 = vector.load %arg25[%get3A_151, %get3A_152] : memref<256x128xf32, #tpu.memory_space<vmem>>, vector<256x128xf32>
    %get3A_154 = arith.constant 0 : index
    %get3A_155 = arith.constant 0 : index
    %get3A_156 = vector.load %arg26[%get3A_154, %get3A_155] : memref<1x128xf32, #tpu.memory_space<vmem>>, vector<1x128xf32>
    %get3A_157 = arith.constant 0 : index
    %get3A_158 = arith.constant 0 : index
    %get3A_159 = vector.load %arg27[%get3A_157, %get3A_158] : memref<128x32xf32, #tpu.memory_space<vmem>>, vector<128x32xf32>
    %get3A_160 = arith.constant 0 : index
    %get3A_161 = arith.constant 0 : index
    %get3A_162 = vector.load %arg28[%get3A_160, %get3A_161] : memref<128x32xf32, #tpu.memory_space<vmem>>, vector<128x32xf32>
    %get3A_163 = arith.constant 0 : index
    %get3A_164 = arith.constant 0 : index
    %get3A_165 = vector.load %arg29[%get3A_163, %get3A_164] : memref<16x32xf32, #tpu.memory_space<vmem>>, vector<16x32xf32>
    %get3A_166 = arith.constant 0 : index
    %get3A_167 = arith.constant 0 : index
    %get3A_168 = vector.load %arg30[%get3A_166, %get3A_167] : memref<1x32xf32, #tpu.memory_space<vmem>>, vector<1x32xf32>
    %get3A_169 = arith.constant 0 : index
    %get3A_170 = arith.constant 0 : index
    %get3A_171 = vector.load %arg31[%get3A_169, %get3A_170] : memref<1x32xf32, #tpu.memory_space<vmem>>, vector<1x32xf32>
    %get3A_172 = arith.constant 0 : index
    %get3A_173 = arith.constant 0 : index
    %get3A_174 = vector.load %arg32[%get3A_172, %get3A_173] : memref<1x32xf32, #tpu.memory_space<vmem>>, vector<1x32xf32>
    %get3A_175 = arith.constant 0 : index
    %get3A_176 = arith.constant 0 : index
    %get3A_177 = vector.load %arg33[%get3A_175, %get3A_176] : memref<32x128xf32, #tpu.memory_space<vmem>>, vector<32x128xf32>
    %get3A_178 = arith.constant 0 : index
    %get3A_179 = arith.constant 0 : index
    %get3A_180 = vector.load %arg34[%get3A_178, %get3A_179] : memref<1x128xf32, #tpu.memory_space<vmem>>, vector<1x128xf32>
    %dot_general3A_181 = arith.constant dense<0.000000e+00> : vector<3200x256xf32>
    %dot_general3A_182 = tpu.matmul %get3A_1, %get3A_138, %dot_general3A_181 {dimension_numbers = #tpu.dot_dimension_numbers<[1], [0], [0], [1], [0, 0, 1, 1], [], []>, transpose_lhs_hint = false} : vector<3200x128xf32>, vector<128x256xf32>, vector<3200x256xf32> -> vector<3200x256xf32>
    %dot_general3A_183 = arith.constant dense<0.000000e+00> : vector<3200x256xf32>
    %dot_general3A_184 = tpu.matmul %get3A_135, %get3A_141, %dot_general3A_183 {dimension_numbers = #tpu.dot_dimension_numbers<[1], [0], [0], [1], [0, 0, 1, 1], [], []>, transpose_lhs_hint = false} : vector<3200x128xf32>, vector<128x256xf32>, vector<3200x256xf32> -> vector<3200x256xf32>
    %add3A_185 = arith.addf %dot_general3A_182, %dot_general3A_184 : vector<3200x256xf32>
    %add3A_186 = vector.broadcast %get3A_144 : vector<1x256xf32> to vector<3200x256xf32>
    %add3A_187 = arith.addf %add3A_185, %add3A_186 : vector<3200x256xf32>
    %reduce_sum3A_188 = arith.constant dense<0.000000e+00> : vector<3200xf32>
    %reduce_sum3A_189 = vector.multi_reduction <add>, %add3A_187, %reduce_sum3A_188 [1] : vector<3200x256xf32> to vector<3200xf32>
    %broadcast_in_dim3A_190 = vector.shape_cast %reduce_sum3A_189 : vector<3200xf32> to vector<3200x1xf32>
    %div3A_191 = arith.constant 2.560000e+02 : f32
    %div3A_192 = vector.broadcast %div3A_191 : f32 to vector<3200x1xf32>
    %div3A_193 = arith.divf %broadcast_in_dim3A_190, %div3A_192 : vector<3200x1xf32>
    %sub3A_194 = vector.broadcast %div3A_193 : vector<3200x1xf32> to vector<3200x256xf32>
    %sub3A_195 = arith.subf %add3A_187, %sub3A_194 : vector<3200x256xf32>
    %mul3A_196 = arith.mulf %sub3A_195, %sub3A_195 : vector<3200x256xf32>
    %reduce_sum3A_197 = arith.constant dense<0.000000e+00> : vector<3200xf32>
    %reduce_sum3A_198 = vector.multi_reduction <add>, %mul3A_196, %reduce_sum3A_197 [1] : vector<3200x256xf32> to vector<3200xf32>
    %broadcast_in_dim3A_199 = vector.shape_cast %reduce_sum3A_198 : vector<3200xf32> to vector<3200x1xf32>
    %div3A_200 = arith.constant 2.560000e+02 : f32
    %div3A_201 = vector.broadcast %div3A_200 : f32 to vector<3200x1xf32>
    %div3A_202 = arith.divf %broadcast_in_dim3A_199, %div3A_201 : vector<3200x1xf32>
    %add3A_203 = arith.constant 9.99999974E-6 : f32
    %add3A_204 = vector.broadcast %add3A_203 : f32 to vector<3200x1xf32>
    %add3A_205 = arith.addf %div3A_202, %add3A_204 : vector<3200x1xf32>
    %rsqrt3A_206 = math.rsqrt %add3A_205 : vector<3200x1xf32>
    %mul3A_207 = vector.broadcast %rsqrt3A_206 : vector<3200x1xf32> to vector<3200x256xf32>
    %mul3A_208 = arith.mulf %sub3A_195, %mul3A_207 : vector<3200x256xf32>
    %mul3A_209 = vector.broadcast %get3A_147 : vector<1x256xf32> to vector<3200x256xf32>
    %mul3A_210 = arith.mulf %mul3A_208, %mul3A_209 : vector<3200x256xf32>
    %add3A_211 = vector.broadcast %get3A_150 : vector<1x256xf32> to vector<3200x256xf32>
    %add3A_212 = arith.addf %mul3A_210, %add3A_211 : vector<3200x256xf32>
    %max3A_213 = arith.constant 0.000000e+00 : f32
    %max3A_214 = vector.broadcast %max3A_213 : f32 to vector<3200x256xf32>
    %max3A_215 = arith.maximumf %add3A_212, %max3A_214 : vector<3200x256xf32>
    %dot_general3A_216 = arith.constant dense<0.000000e+00> : vector<3200x128xf32>
    %dot_general3A_217 = tpu.matmul %max3A_215, %get3A_153, %dot_general3A_216 {dimension_numbers = #tpu.dot_dimension_numbers<[1], [0], [0], [1], [0, 0, 1, 1], [], []>, transpose_lhs_hint = false} : vector<3200x256xf32>, vector<256x128xf32>, vector<3200x128xf32> -> vector<3200x128xf32>
    %add3A_218 = vector.broadcast %get3A_156 : vector<1x128xf32> to vector<3200x128xf32>
    %add3A_219 = arith.addf %dot_general3A_217, %add3A_218 : vector<3200x128xf32>
    %dot_general3A_220 = arith.constant dense<0.000000e+00> : vector<3200x32xf32>
    %dot_general3A_221 = tpu.matmul %get3A_1, %get3A_159, %dot_general3A_220 {dimension_numbers = #tpu.dot_dimension_numbers<[1], [0], [0], [1], [0, 0, 1, 1], [], []>, transpose_lhs_hint = false} : vector<3200x128xf32>, vector<128x32xf32>, vector<3200x32xf32> -> vector<3200x32xf32>
    %dot_general3A_222 = arith.constant dense<0.000000e+00> : vector<3200x32xf32>
    %dot_general3A_223 = tpu.matmul %get3A_135, %get3A_162, %dot_general3A_222 {dimension_numbers = #tpu.dot_dimension_numbers<[1], [0], [0], [1], [0, 0, 1, 1], [], []>, transpose_lhs_hint = false} : vector<3200x128xf32>, vector<128x32xf32>, vector<3200x32xf32> -> vector<3200x32xf32>
    %add3A_224 = arith.addf %dot_general3A_221, %dot_general3A_223 : vector<3200x32xf32>
    %dot_general3A_225 = arith.constant dense<0.000000e+00> : vector<3200x32xf32>
    %dot_general3A_226 = tpu.matmul %get3A_4, %get3A_165, %dot_general3A_225 {dimension_numbers = #tpu.dot_dimension_numbers<[0], [0], [1], [1], [0, 1, 1, 1], [], []>, transpose_lhs_hint = false} : vector<16x3200xf32>, vector<16x32xf32>, vector<3200x32xf32> -> vector<3200x32xf32>
    %add3A_227 = arith.addf %add3A_224, %dot_general3A_226 : vector<3200x32xf32>
    %add3A_228 = vector.broadcast %get3A_168 : vector<1x32xf32> to vector<3200x32xf32>
    %add3A_229 = arith.addf %add3A_227, %add3A_228 : vector<3200x32xf32>
    %reduce_sum3A_230 = arith.constant dense<0.000000e+00> : vector<3200xf32>
    %reduce_sum3A_231 = vector.multi_reduction <add>, %add3A_229, %reduce_sum3A_230 [1] : vector<3200x32xf32> to vector<3200xf32>
    %broadcast_in_dim3A_232 = vector.shape_cast %reduce_sum3A_231 : vector<3200xf32> to vector<3200x1xf32>
    %div3A_233 = arith.constant 3.200000e+01 : f32
    %div3A_234 = vector.broadcast %div3A_233 : f32 to vector<3200x1xf32>
    %div3A_235 = arith.divf %broadcast_in_dim3A_232, %div3A_234 : vector<3200x1xf32>
    %sub3A_236 = vector.broadcast %div3A_235 : vector<3200x1xf32> to vector<3200x32xf32>
    %sub3A_237 = arith.subf %add3A_229, %sub3A_236 : vector<3200x32xf32>
    %mul3A_238 = arith.mulf %sub3A_237, %sub3A_237 : vector<3200x32xf32>
    %reduce_sum3A_239 = arith.constant dense<0.000000e+00> : vector<3200xf32>
    %reduce_sum3A_240 = vector.multi_reduction <add>, %mul3A_238, %reduce_sum3A_239 [1] : vector<3200x32xf32> to vector<3200xf32>
    %broadcast_in_dim3A_241 = vector.shape_cast %reduce_sum3A_240 : vector<3200xf32> to vector<3200x1xf32>
    %div3A_242 = arith.constant 3.200000e+01 : f32
    %div3A_243 = vector.broadcast %div3A_242 : f32 to vector<3200x1xf32>
    %div3A_244 = arith.divf %broadcast_in_dim3A_241, %div3A_243 : vector<3200x1xf32>
    %add3A_245 = arith.constant 9.99999974E-6 : f32
    %add3A_246 = vector.broadcast %add3A_245 : f32 to vector<3200x1xf32>
    %add3A_247 = arith.addf %div3A_244, %add3A_246 : vector<3200x1xf32>
    %rsqrt3A_248 = math.rsqrt %add3A_247 : vector<3200x1xf32>
    %mul3A_249 = vector.broadcast %rsqrt3A_248 : vector<3200x1xf32> to vector<3200x32xf32>
    %mul3A_250 = arith.mulf %sub3A_237, %mul3A_249 : vector<3200x32xf32>
    %mul3A_251 = vector.broadcast %get3A_171 : vector<1x32xf32> to vector<3200x32xf32>
    %mul3A_252 = arith.mulf %mul3A_250, %mul3A_251 : vector<3200x32xf32>
    %add3A_253 = vector.broadcast %get3A_174 : vector<1x32xf32> to vector<3200x32xf32>
    %add3A_254 = arith.addf %mul3A_252, %add3A_253 : vector<3200x32xf32>
    %max3A_255 = arith.constant 0.000000e+00 : f32
    %max3A_256 = vector.broadcast %max3A_255 : f32 to vector<3200x32xf32>
    %max3A_257 = arith.maximumf %add3A_254, %max3A_256 : vector<3200x32xf32>
    %dot_general3A_258 = arith.constant dense<0.000000e+00> : vector<3200x128xf32>
    %dot_general3A_259 = tpu.matmul %max3A_257, %get3A_177, %dot_general3A_258 {dimension_numbers = #tpu.dot_dimension_numbers<[1], [0], [0], [1], [0, 0, 1, 1], [], []>, transpose_lhs_hint = false} : vector<3200x32xf32>, vector<32x128xf32>, vector<3200x128xf32> -> vector<3200x128xf32>
    %add3A_260 = vector.broadcast %get3A_180 : vector<1x128xf32> to vector<3200x128xf32>
    %add3A_261 = arith.addf %dot_general3A_259, %add3A_260 : vector<3200x128xf32>
    %logistic3A_262 = arith.negf %add3A_261 : vector<3200x128xf32>
    %logistic3A_263 = math.exp %logistic3A_262 : vector<3200x128xf32>
    %logistic3A_264 = arith.constant 1.000000e+00 : f32
    %logistic3A_265 = vector.broadcast %logistic3A_264 : f32 to vector<3200x128xf32>
    %logistic3A_266 = arith.addf %logistic3A_265, %logistic3A_263 : vector<3200x128xf32>
    %logistic3A_267 = arith.divf %logistic3A_265, %logistic3A_266 : vector<3200x128xf32>
    %mul3A_268 = arith.mulf %add3A_219, %logistic3A_267 : vector<3200x128xf32>
    %swap3A_269 = arith.constant 0 : index
    %swap3A_270 = arith.constant 0 : index
    %swap3A_271 = vector.load %arg36[%swap3A_269, %swap3A_270] : memref<3200x128xf32, #tpu.memory_space<vmem>>, vector<3200x128xf32>
    tpu.vector_store %arg36[%swap3A_269, %swap3A_270], %mul3A_268 {strides = array<i32>} : memref<3200x128xf32, #tpu.memory_space<vmem>>, vector<3200x128xf32>,
    return
  }
  func.func @transform_0(%arg0: i32) -> (i32, i32) {
    %add3A = arith.constant 0 : i32
    %add3A_0 = arith.addi %arg0, %add3A : i32
    %c0_i32 = arith.constant 0 : i32
    %c0_i32_1 = arith.constant 0 : i32
    return %add3A_0, %c0_i32 : i32, i32
  }
  func.func @transform_1(%arg0: i32) -> (i32, i32) {
    %c0_i32 = arith.constant 0 : i32
    %c0_i32_0 = arith.constant 0 : i32
    return %arg0, %c0_i32 : i32, i32
  }
  func.func @transform_2(%arg0: i32) -> (i32, i32) {
    %c0_i32 = arith.constant 0 : i32
    %c0_i32_0 = arith.constant 0 : i32
    return %arg0, %c0_i32 : i32, i32
  }
  func.func @transform_3(%arg0: i32) -> (i32, i32) {
    %add3A = arith.constant 0 : i32
    %add3A_0 = arith.addi %arg0, %add3A : i32
    %c0_i32 = arith.constant 0 : i32
    %c0_i32_1 = arith.constant 0 : i32
    return %c0_i32, %add3A_0 : i32, i32
  }
  func.func @transform_4(%arg0: i32) -> (i32, i32) {
    %c0_i32 = arith.constant 0 : i32
    %c0_i32_0 = arith.constant 0 : i32
    %c0_i32_1 = arith.constant 0 : i32
    return %c0_i32, %c0_i32_0 : i32, i32
  }
  func.func @transform_5(%arg0: i32) -> (i32, i32) {
    %c0_i32 = arith.constant 0 : i32
    %c0_i32_0 = arith.constant 0 : i32
    %c0_i32_1 = arith.constant 0 : i32
    return %c0_i32, %c0_i32_0 : i32, i32
  }
  func.func @transform_6(%arg0: i32) -> (i32, i32) {
    %c0_i32 = arith.constant 0 : i32
    %c0_i32_0 = arith.constant 0 : i32
    %c0_i32_1 = arith.constant 0 : i32
    return %c0_i32, %c0_i32_0 : i32, i32
  }
  func.func @transform_7(%arg0: i32) -> (i32, i32) {
    %c0_i32 = arith.constant 0 : i32
    %c0_i32_0 = arith.constant 0 : i32
    %c0_i32_1 = arith.constant 0 : i32
    return %c0_i32, %c0_i32_0 : i32, i32
  }
  func.func @transform_8(%arg0: i32) -> (i32, i32) {
    %c0_i32 = arith.constant 0 : i32
    %c0_i32_0 = arith.constant 0 : i32
    %c0_i32_1 = arith.constant 0 : i32
    return %c0_i32, %c0_i32_0 : i32, i32
  }
  func.func @transform_9(%arg0: i32) -> (i32, i32) {
    %c0_i32 = arith.constant 0 : i32
    %c0_i32_0 = arith.constant 0 : i32
    %c0_i32_1 = arith.constant 0 : i32
    return %c0_i32, %c0_i32_0 : i32, i32
  }
  func.func @transform_10(%arg0: i32) -> (i32, i32) {
    %c0_i32 = arith.constant 0 : i32
    %c0_i32_0 = arith.constant 0 : i32
    %c0_i32_1 = arith.constant 0 : i32
    return %c0_i32, %c0_i32_0 : i32, i32
  }
  func.func @transform_11(%arg0: i32) -> (i32, i32) {
    %c0_i32 = arith.constant 0 : i32
    %c0_i32_0 = arith.constant 0 : i32
    %c0_i32_1 = arith.constant 0 : i32
    return %c0_i32, %c0_i32_0 : i32, i32
  }
  func.func @transform_12(%arg0: i32) -> (i32, i32) {
    %c0_i32 = arith.constant 0 : i32
    %c0_i32_0 = arith.constant 0 : i32
    %c0_i32_1 = arith.constant 0 : i32
    return %c0_i32, %c0_i32_0 : i32, i32
  }
  func.func @transform_13(%arg0: i32) -> (i32, i32) {
    %c0_i32 = arith.constant 0 : i32
    %c0_i32_0 = arith.constant 0 : i32
    %c0_i32_1 = arith.constant 0 : i32
    return %c0_i32, %c0_i32_0 : i32, i32
  }
  func.func @transform_14(%arg0: i32) -> (i32, i32) {
    %c0_i32 = arith.constant 0 : i32
    %c0_i32_0 = arith.constant 0 : i32
    %c0_i32_1 = arith.constant 0 : i32
    return %c0_i32, %c0_i32_0 : i32, i32
  }
  func.func @transform_15(%arg0: i32) -> (i32, i32) {
    %c0_i32 = arith.constant 0 : i32
    %c0_i32_0 = arith.constant 0 : i32
    %c0_i32_1 = arith.constant 0 : i32
    return %c0_i32, %c0_i32_0 : i32, i32
  }
  func.func @transform_16(%arg0: i32) -> (i32, i32) {
    %c0_i32 = arith.constant 0 : i32
    %c0_i32_0 = arith.constant 0 : i32
    %c0_i32_1 = arith.constant 0 : i32
    return %c0_i32, %c0_i32_0 : i32, i32
  }
  func.func @transform_17(%arg0: i32) -> (i32, i32) {
    %c0_i32 = arith.constant 0 : i32
    %c0_i32_0 = arith.constant 0 : i32
    %c0_i32_1 = arith.constant 0 : i32
    return %c0_i32, %c0_i32_0 : i32, i32
  }
  func.func @transform_18(%arg0: i32) -> (i32, i32) {
    %c0_i32 = arith.constant 0 : i32
    %c0_i32_0 = arith.constant 0 : i32
    %c0_i32_1 = arith.constant 0 : i32
    return %c0_i32, %c0_i32_0 : i32, i32
  }
  func.func @transform_19(%arg0: i32) -> (i32, i32) {
    %c0_i32 = arith.constant 0 : i32
    %c0_i32_0 = arith.constant 0 : i32
    %c0_i32_1 = arith.constant 0 : i32
    return %c0_i32, %c0_i32_0 : i32, i32
  }
  func.func @transform_20(%arg0: i32) -> (i32, i32) {
    %c0_i32 = arith.constant 0 : i32
    %c0_i32_0 = arith.constant 0 : i32
    %c0_i32_1 = arith.constant 0 : i32
    return %c0_i32, %c0_i32_0 : i32, i32
  }
  func.func @transform_21(%arg0: i32) -> (i32, i32) {
    %c0_i32 = arith.constant 0 : i32
    %c0_i32_0 = arith.constant 0 : i32
    %c0_i32_1 = arith.constant 0 : i32
    return %c0_i32, %c0_i32_0 : i32, i32
  }
  func.func @transform_22(%arg0: i32) -> (i32, i32) {
    %c0_i32 = arith.constant 0 : i32
    %c0_i32_0 = arith.constant 0 : i32
    %c0_i32_1 = arith.constant 0 : i32
    return %c0_i32, %c0_i32_0 : i32, i32
  }
  func.func @transform_23(%arg0: i32) -> (i32, i32) {
    %c0_i32 = arith.constant 0 : i32
    %c0_i32_0 = arith.constant 0 : i32
    %c0_i32_1 = arith.constant 0 : i32
    return %c0_i32, %c0_i32_0 : i32, i32
  }
  func.func @transform_24(%arg0: i32) -> (i32, i32) {
    %c0_i32 = arith.constant 0 : i32
    %c0_i32_0 = arith.constant 0 : i32
    %c0_i32_1 = arith.constant 0 : i32
    return %c0_i32, %c0_i32_0 : i32, i32
  }
  func.func @transform_25(%arg0: i32) -> (i32, i32) {
    %c0_i32 = arith.constant 0 : i32
    %c0_i32_0 = arith.constant 0 : i32
    %c0_i32_1 = arith.constant 0 : i32
    return %c0_i32, %c0_i32_0 : i32, i32
  }
  func.func @transform_26(%arg0: i32) -> (i32, i32) {
    %c0_i32 = arith.constant 0 : i32
    %c0_i32_0 = arith.constant 0 : i32
    %c0_i32_1 = arith.constant 0 : i32
    return %c0_i32, %c0_i32_0 : i32, i32
  }
  func.func @transform_27(%arg0: i32) -> (i32, i32) {
    %c0_i32 = arith.constant 0 : i32
    %c0_i32_0 = arith.constant 0 : i32
    %c0_i32_1 = arith.constant 0 : i32
    return %c0_i32, %c0_i32_0 : i32, i32
  }
  func.func @transform_28(%arg0: i32) -> (i32, i32) {
    %c0_i32 = arith.constant 0 : i32
    %c0_i32_0 = arith.constant 0 : i32
    %c0_i32_1 = arith.constant 0 : i32
    return %c0_i32, %c0_i32_0 : i32, i32
  }
  func.func @transform_29(%arg0: i32) -> (i32, i32) {
    %c0_i32 = arith.constant 0 : i32
    %c0_i32_0 = arith.constant 0 : i32
    %c0_i32_1 = arith.constant 0 : i32
    return %c0_i32, %c0_i32_0 : i32, i32
  }
  func.func @transform_30(%arg0: i32) -> (i32, i32) {
    %c0_i32 = arith.constant 0 : i32
    %c0_i32_0 = arith.constant 0 : i32
    %c0_i32_1 = arith.constant 0 : i32
    return %c0_i32, %c0_i32_0 : i32, i32
  }
  func.func @transform_31(%arg0: i32) -> (i32, i32) {
    %c0_i32 = arith.constant 0 : i32
    %c0_i32_0 = arith.constant 0 : i32
    %c0_i32_1 = arith.constant 0 : i32
    return %c0_i32, %c0_i32_0 : i32, i32
  }
  func.func @transform_32(%arg0: i32) -> (i32, i32) {
    %c0_i32 = arith.constant 0 : i32
    %c0_i32_0 = arith.constant 0 : i32
    %c0_i32_1 = arith.constant 0 : i32
    return %c0_i32, %c0_i32_0 : i32, i32
  }
  func.func @transform_33(%arg0: i32) -> (i32, i32) {
    %c0_i32 = arith.constant 0 : i32
    %c0_i32_0 = arith.constant 0 : i32
    %c0_i32_1 = arith.constant 0 : i32
    return %c0_i32, %c0_i32_0 : i32, i32
  }
  func.func @transform_34(%arg0: i32) -> (i32, i32) {
    %c0_i32 = arith.constant 0 : i32
    %c0_i32_0 = arith.constant 0 : i32
    return %arg0, %c0_i32 : i32, i32
  }
  func.func @transform_35(%arg0: i32) -> (i32, i32) {
    %c0_i32 = arith.constant 0 : i32
    %c0_i32_0 = arith.constant 0 : i32
    return %arg0, %c0_i32 : i32, i32
  }
}

module attributes {stable_mosaic.version = 14 : i64} {
  func.func @body(%arg0: memref<10240x128xf32, #tpu.memory_space<vmem>>, %arg1: memref<10240x128xf32, #tpu.memory_space<vmem>>, %arg2: memref<10240x128xf32, #tpu.memory_space<vmem>>, %arg3: memref<10240x128xf32, #tpu.memory_space<vmem>>, %arg4: memref<10240x128xf32, #tpu.memory_space<vmem>>, %arg5: memref<128x128xf32, #tpu.memory_space<vmem>>, %arg6: memref<128x128xf32, #tpu.memory_space<vmem>>, %arg7: memref<1x128xf32, #tpu.memory_space<vmem>>, %arg8: memref<128x128xf32, #tpu.memory_space<vmem>>, %arg9: memref<128x128xf32, #tpu.memory_space<vmem>>, %arg10: memref<1x128xf32, #tpu.memory_space<vmem>>, %arg11: memref<10240x128xf32, #tpu.memory_space<vmem>>, %arg12: memref<10240x128xf32, #tpu.memory_space<vmem>>) attributes {dimension_semantics = [], scalar_prefetch = 0 : i64, scratch_operands = 0 : i64, tpu.core_type = #tpu.core_type<tc>} {
    %get3A = arith.constant 0 : index
    %get3A_0 = arith.constant 0 : index
    %get3A_1 = vector.load %arg4[%get3A, %get3A_0] : memref<10240x128xf32, #tpu.memory_space<vmem>>, vector<10240x128xf32>
    %get3A_2 = arith.constant 0 : index
    %get3A_3 = arith.constant 0 : index
    %get3A_4 = vector.load %arg0[%get3A_2, %get3A_3] : memref<10240x128xf32, #tpu.memory_space<vmem>>, vector<10240x128xf32>
    %get3A_5 = arith.constant 0 : index
    %get3A_6 = arith.constant 0 : index
    %get3A_7 = vector.load %arg1[%get3A_5, %get3A_6] : memref<10240x128xf32, #tpu.memory_space<vmem>>, vector<10240x128xf32>
    %add3A = arith.addf %get3A_4, %get3A_7 : vector<10240x128xf32>
    %get3A_8 = arith.constant 0 : index
    %get3A_9 = arith.constant 0 : index
    %get3A_10 = vector.load %arg2[%get3A_8, %get3A_9] : memref<10240x128xf32, #tpu.memory_space<vmem>>, vector<10240x128xf32>
    %get3A_11 = arith.constant 0 : index
    %get3A_12 = arith.constant 0 : index
    %get3A_13 = vector.load %arg3[%get3A_11, %get3A_12] : memref<10240x128xf32, #tpu.memory_space<vmem>>, vector<10240x128xf32>
    %add3A_14 = arith.addf %get3A_10, %get3A_13 : vector<10240x128xf32>
    %get3A_15 = arith.constant 0 : index
    %get3A_16 = arith.constant 0 : index
    %get3A_17 = vector.load %arg5[%get3A_15, %get3A_16] : memref<128x128xf32, #tpu.memory_space<vmem>>, vector<128x128xf32>
    %dot_general3A = arith.constant dense<0.000000e+00> : vector<10240x128xf32>
    %dot_general3A_18 = tpu.matmul %add3A, %get3A_17, %dot_general3A {dimension_numbers = #tpu.dot_dimension_numbers<[1], [0], [0], [1], [0, 0, 1, 1], [], []>, transpose_lhs_hint = false} : vector<10240x128xf32>, vector<128x128xf32>, vector<10240x128xf32> -> vector<10240x128xf32>
    %get3A_19 = arith.constant 0 : index
    %get3A_20 = arith.constant 0 : index
    %get3A_21 = vector.load %arg6[%get3A_19, %get3A_20] : memref<128x128xf32, #tpu.memory_space<vmem>>, vector<128x128xf32>
    %dot_general3A_22 = arith.constant dense<0.000000e+00> : vector<10240x128xf32>
    %dot_general3A_23 = tpu.matmul %get3A_1, %get3A_21, %dot_general3A_22 {dimension_numbers = #tpu.dot_dimension_numbers<[1], [0], [0], [1], [0, 0, 1, 1], [], []>, transpose_lhs_hint = false} : vector<10240x128xf32>, vector<128x128xf32>, vector<10240x128xf32> -> vector<10240x128xf32>
    %add3A_24 = arith.addf %dot_general3A_18, %dot_general3A_23 : vector<10240x128xf32>
    %get3A_25 = arith.constant 0 : index
    %get3A_26 = arith.constant 0 : index
    %get3A_27 = vector.load %arg7[%get3A_25, %get3A_26] : memref<1x128xf32, #tpu.memory_space<vmem>>, vector<1x128xf32>
    %add3A_28 = vector.broadcast %get3A_27 : vector<1x128xf32> to vector<10240x128xf32>
    %add3A_29 = arith.addf %add3A_24, %add3A_28 : vector<10240x128xf32>
    %swap3A = arith.constant 0 : index
    %swap3A_30 = arith.constant 0 : index
    %swap3A_31 = vector.load %arg11[%swap3A, %swap3A_30] : memref<10240x128xf32, #tpu.memory_space<vmem>>, vector<10240x128xf32>
    tpu.vector_store %arg11[%swap3A, %swap3A_30], %add3A_29 {strides = array<i32>} : memref<10240x128xf32, #tpu.memory_space<vmem>>, vector<10240x128xf32>,
    %get3A_32 = arith.constant 0 : index
    %get3A_33 = arith.constant 0 : index
    %get3A_34 = vector.load %arg8[%get3A_32, %get3A_33] : memref<128x128xf32, #tpu.memory_space<vmem>>, vector<128x128xf32>
    %dot_general3A_35 = arith.constant dense<0.000000e+00> : vector<10240x128xf32>
    %dot_general3A_36 = tpu.matmul %add3A_14, %get3A_34, %dot_general3A_35 {dimension_numbers = #tpu.dot_dimension_numbers<[1], [0], [0], [1], [0, 0, 1, 1], [], []>, transpose_lhs_hint = false} : vector<10240x128xf32>, vector<128x128xf32>, vector<10240x128xf32> -> vector<10240x128xf32>
    %get3A_37 = arith.constant 0 : index
    %get3A_38 = arith.constant 0 : index
    %get3A_39 = vector.load %arg9[%get3A_37, %get3A_38] : memref<128x128xf32, #tpu.memory_space<vmem>>, vector<128x128xf32>
    %dot_general3A_40 = arith.constant dense<0.000000e+00> : vector<10240x128xf32>
    %dot_general3A_41 = tpu.matmul %get3A_1, %get3A_39, %dot_general3A_40 {dimension_numbers = #tpu.dot_dimension_numbers<[1], [0], [0], [1], [0, 0, 1, 1], [], []>, transpose_lhs_hint = false} : vector<10240x128xf32>, vector<128x128xf32>, vector<10240x128xf32> -> vector<10240x128xf32>
    %add3A_42 = arith.addf %dot_general3A_36, %dot_general3A_41 : vector<10240x128xf32>
    %get3A_43 = arith.constant 0 : index
    %get3A_44 = arith.constant 0 : index
    %get3A_45 = vector.load %arg10[%get3A_43, %get3A_44] : memref<1x128xf32, #tpu.memory_space<vmem>>, vector<1x128xf32>
    %add3A_46 = vector.broadcast %get3A_45 : vector<1x128xf32> to vector<10240x128xf32>
    %add3A_47 = arith.addf %add3A_42, %add3A_46 : vector<10240x128xf32>
    %swap3A_48 = arith.constant 0 : index
    %swap3A_49 = arith.constant 0 : index
    %swap3A_50 = vector.load %arg12[%swap3A_48, %swap3A_49] : memref<10240x128xf32, #tpu.memory_space<vmem>>, vector<10240x128xf32>
    tpu.vector_store %arg12[%swap3A_48, %swap3A_49], %add3A_47 {strides = array<i32>} : memref<10240x128xf32, #tpu.memory_space<vmem>>, vector<10240x128xf32>,
    return
  }
}

module attributes {stable_mosaic.version = 14 : i64} {
  func.func @body(%arg0: i32, %arg1: memref<1280x128xf32, #tpu.memory_space<vmem>>, %arg2: memref<1280x128xf32, #tpu.memory_space<vmem>>, %arg3: memref<1280x128xf32, #tpu.memory_space<vmem>>, %arg4: memref<128x128xf32, #tpu.memory_space<vmem>>, %arg5: memref<1x128xf32, #tpu.memory_space<vmem>>, %arg6: memref<1x128xf32, #tpu.memory_space<vmem>>, %arg7: memref<1x128xf32, #tpu.memory_space<vmem>>, %arg8: memref<128x128xf32, #tpu.memory_space<vmem>>, %arg9: memref<1x128xf32, #tpu.memory_space<vmem>>, %arg10: memref<1x128xf32, #tpu.memory_space<vmem>>, %arg11: memref<1x128xf32, #tpu.memory_space<vmem>>, %arg12: memref<1280x128xf32, #tpu.memory_space<vmem>>) attributes {dimension_semantics = [#tpu.dimension_semantics<arbitrary>], iteration_bounds = array<i64: 125>, scalar_prefetch = 0 : i64, scratch_operands = 0 : i64, tpu.core_type = #tpu.core_type<tc>, window_params = [{transform_indices = @transform_0, window_bounds = array<i64: 1280, 128>}, {transform_indices = @transform_1, window_bounds = array<i64: 1280, 128>}, {transform_indices = @transform_2, window_bounds = array<i64: 1280, 128>}, {pipeline_mode = #tpu.pipeline_mode<synchronous>, transform_indices = @transform_3, window_bounds = array<i64: 128, 128>}, {pipeline_mode = #tpu.pipeline_mode<synchronous>, transform_indices = @transform_4, window_bounds = array<i64: 1, 128>}, {pipeline_mode = #tpu.pipeline_mode<synchronous>, transform_indices = @transform_5, window_bounds = array<i64: 1, 128>}, {pipeline_mode = #tpu.pipeline_mode<synchronous>, transform_indices = @transform_6, window_bounds = array<i64: 1, 128>}, {pipeline_mode = #tpu.pipeline_mode<synchronous>, transform_indices = @transform_7, window_bounds = array<i64: 128, 128>}, {pipeline_mode = #tpu.pipeline_mode<synchronous>, transform_indices = @transform_8, window_bounds = array<i64: 1, 128>}, {pipeline_mode = #tpu.pipeline_mode<synchronous>, transform_indices = @transform_9, window_bounds = array<i64: 1, 128>}, {pipeline_mode = #tpu.pipeline_mode<synchronous>, transform_indices = @transform_10, window_bounds = array<i64: 1, 128>}, {transform_indices = @transform_11, window_bounds = array<i64: 1280, 128>}]} {
    %get3A = arith.constant 0 : index
    %get3A_0 = arith.constant 0 : index
    %get3A_1 = vector.load %arg1[%get3A, %get3A_0] : memref<1280x128xf32, #tpu.memory_space<vmem>>, vector<1280x128xf32>
    %get3A_2 = arith.constant 0 : index
    %get3A_3 = arith.constant 0 : index
    %get3A_4 = vector.load %arg2[%get3A_2, %get3A_3] : memref<1280x128xf32, #tpu.memory_space<vmem>>, vector<1280x128xf32>
    %get3A_5 = arith.constant 0 : index
    %get3A_6 = arith.constant 0 : index
    %get3A_7 = vector.load %arg3[%get3A_5, %get3A_6] : memref<1280x128xf32, #tpu.memory_space<vmem>>, vector<1280x128xf32>
    %add3A = arith.addf %get3A_4, %get3A_7 : vector<1280x128xf32>
    %get3A_8 = arith.constant 0 : index
    %get3A_9 = arith.constant 0 : index
    %get3A_10 = vector.load %arg4[%get3A_8, %get3A_9] : memref<128x128xf32, #tpu.memory_space<vmem>>, vector<128x128xf32>
    %dot_general3A = arith.constant dense<0.000000e+00> : vector<1280x128xf32>
    %dot_general3A_11 = tpu.matmul %get3A_1, %get3A_10, %dot_general3A {dimension_numbers = #tpu.dot_dimension_numbers<[1], [0], [0], [1], [0, 0, 1, 1], [], []>, transpose_lhs_hint = false} : vector<1280x128xf32>, vector<128x128xf32>, vector<1280x128xf32> -> vector<1280x128xf32>
    %add3A_12 = arith.addf %add3A, %dot_general3A_11 : vector<1280x128xf32>
    %get3A_13 = arith.constant 0 : index
    %get3A_14 = arith.constant 0 : index
    %get3A_15 = vector.load %arg5[%get3A_13, %get3A_14] : memref<1x128xf32, #tpu.memory_space<vmem>>, vector<1x128xf32>
    %add3A_16 = vector.broadcast %get3A_15 : vector<1x128xf32> to vector<1280x128xf32>
    %add3A_17 = arith.addf %add3A_12, %add3A_16 : vector<1280x128xf32>
    %get3A_18 = arith.constant 0 : index
    %get3A_19 = arith.constant 0 : index
    %get3A_20 = vector.load %arg6[%get3A_18, %get3A_19] : memref<1x128xf32, #tpu.memory_space<vmem>>, vector<1x128xf32>
    %get3A_21 = arith.constant 0 : index
    %get3A_22 = arith.constant 0 : index
    %get3A_23 = vector.load %arg7[%get3A_21, %get3A_22] : memref<1x128xf32, #tpu.memory_space<vmem>>, vector<1x128xf32>
    %reduce_sum3A = arith.constant dense<0.000000e+00> : vector<1280xf32>
    %reduce_sum3A_24 = vector.multi_reduction <add>, %add3A_17, %reduce_sum3A [1] : vector<1280x128xf32> to vector<1280xf32>
    %broadcast_in_dim3A = vector.shape_cast %reduce_sum3A_24 : vector<1280xf32> to vector<1280x1xf32>
    %div3A = arith.constant 1.280000e+02 : f32
    %div3A_25 = vector.broadcast %div3A : f32 to vector<1280x1xf32>
    %div3A_26 = arith.divf %broadcast_in_dim3A, %div3A_25 : vector<1280x1xf32>
    %sub3A = vector.broadcast %div3A_26 : vector<1280x1xf32> to vector<1280x128xf32>
    %sub3A_27 = arith.subf %add3A_17, %sub3A : vector<1280x128xf32>
    %mul3A = arith.mulf %sub3A_27, %sub3A_27 : vector<1280x128xf32>
    %reduce_sum3A_28 = arith.constant dense<0.000000e+00> : vector<1280xf32>
    %reduce_sum3A_29 = vector.multi_reduction <add>, %mul3A, %reduce_sum3A_28 [1] : vector<1280x128xf32> to vector<1280xf32>
    %broadcast_in_dim3A_30 = vector.shape_cast %reduce_sum3A_29 : vector<1280xf32> to vector<1280x1xf32>
    %div3A_31 = arith.constant 1.280000e+02 : f32
    %div3A_32 = vector.broadcast %div3A_31 : f32 to vector<1280x1xf32>
    %div3A_33 = arith.divf %broadcast_in_dim3A_30, %div3A_32 : vector<1280x1xf32>
    %add3A_34 = arith.constant 9.99999974E-6 : f32
    %add3A_35 = vector.broadcast %add3A_34 : f32 to vector<1280x1xf32>
    %add3A_36 = arith.addf %div3A_33, %add3A_35 : vector<1280x1xf32>
    %rsqrt3A = math.rsqrt %add3A_36 : vector<1280x1xf32>
    %mul3A_37 = vector.broadcast %rsqrt3A : vector<1280x1xf32> to vector<1280x128xf32>
    %mul3A_38 = arith.mulf %sub3A_27, %mul3A_37 : vector<1280x128xf32>
    %mul3A_39 = vector.broadcast %get3A_20 : vector<1x128xf32> to vector<1280x128xf32>
    %mul3A_40 = arith.mulf %mul3A_38, %mul3A_39 : vector<1280x128xf32>
    %add3A_41 = vector.broadcast %get3A_23 : vector<1x128xf32> to vector<1280x128xf32>
    %add3A_42 = arith.addf %mul3A_40, %add3A_41 : vector<1280x128xf32>
    %max3A = arith.constant 0.000000e+00 : f32
    %max3A_43 = vector.broadcast %max3A : f32 to vector<1280x128xf32>
    %max3A_44 = arith.maximumf %add3A_42, %max3A_43 : vector<1280x128xf32>
    %get3A_45 = arith.constant 0 : index
    %get3A_46 = arith.constant 0 : index
    %get3A_47 = vector.load %arg8[%get3A_45, %get3A_46] : memref<128x128xf32, #tpu.memory_space<vmem>>, vector<128x128xf32>
    %dot_general3A_48 = arith.constant dense<0.000000e+00> : vector<1280x128xf32>
    %dot_general3A_49 = tpu.matmul %max3A_44, %get3A_47, %dot_general3A_48 {dimension_numbers = #tpu.dot_dimension_numbers<[1], [0], [0], [1], [0, 0, 1, 1], [], []>, transpose_lhs_hint = false} : vector<1280x128xf32>, vector<128x128xf32>, vector<1280x128xf32> -> vector<1280x128xf32>
    %get3A_50 = arith.constant 0 : index
    %get3A_51 = arith.constant 0 : index
    %get3A_52 = vector.load %arg9[%get3A_50, %get3A_51] : memref<1x128xf32, #tpu.memory_space<vmem>>, vector<1x128xf32>
    %add3A_53 = vector.broadcast %get3A_52 : vector<1x128xf32> to vector<1280x128xf32>
    %add3A_54 = arith.addf %dot_general3A_49, %add3A_53 : vector<1280x128xf32>
    %add3A_55 = arith.addf %add3A_54, %get3A_1 : vector<1280x128xf32>
    %get3A_56 = arith.constant 0 : index
    %get3A_57 = arith.constant 0 : index
    %get3A_58 = vector.load %arg10[%get3A_56, %get3A_57] : memref<1x128xf32, #tpu.memory_space<vmem>>, vector<1x128xf32>
    %get3A_59 = arith.constant 0 : index
    %get3A_60 = arith.constant 0 : index
    %get3A_61 = vector.load %arg11[%get3A_59, %get3A_60] : memref<1x128xf32, #tpu.memory_space<vmem>>, vector<1x128xf32>
    %reduce_sum3A_62 = arith.constant dense<0.000000e+00> : vector<1280xf32>
    %reduce_sum3A_63 = vector.multi_reduction <add>, %add3A_55, %reduce_sum3A_62 [1] : vector<1280x128xf32> to vector<1280xf32>
    %broadcast_in_dim3A_64 = vector.shape_cast %reduce_sum3A_63 : vector<1280xf32> to vector<1280x1xf32>
    %div3A_65 = arith.constant 1.280000e+02 : f32
    %div3A_66 = vector.broadcast %div3A_65 : f32 to vector<1280x1xf32>
    %div3A_67 = arith.divf %broadcast_in_dim3A_64, %div3A_66 : vector<1280x1xf32>
    %sub3A_68 = vector.broadcast %div3A_67 : vector<1280x1xf32> to vector<1280x128xf32>
    %sub3A_69 = arith.subf %add3A_55, %sub3A_68 : vector<1280x128xf32>
    %mul3A_70 = arith.mulf %sub3A_69, %sub3A_69 : vector<1280x128xf32>
    %reduce_sum3A_71 = arith.constant dense<0.000000e+00> : vector<1280xf32>
    %reduce_sum3A_72 = vector.multi_reduction <add>, %mul3A_70, %reduce_sum3A_71 [1] : vector<1280x128xf32> to vector<1280xf32>
    %broadcast_in_dim3A_73 = vector.shape_cast %reduce_sum3A_72 : vector<1280xf32> to vector<1280x1xf32>
    %div3A_74 = arith.constant 1.280000e+02 : f32
    %div3A_75 = vector.broadcast %div3A_74 : f32 to vector<1280x1xf32>
    %div3A_76 = arith.divf %broadcast_in_dim3A_73, %div3A_75 : vector<1280x1xf32>
    %add3A_77 = arith.constant 9.99999974E-6 : f32
    %add3A_78 = vector.broadcast %add3A_77 : f32 to vector<1280x1xf32>
    %add3A_79 = arith.addf %div3A_76, %add3A_78 : vector<1280x1xf32>
    %rsqrt3A_80 = math.rsqrt %add3A_79 : vector<1280x1xf32>
    %mul3A_81 = vector.broadcast %rsqrt3A_80 : vector<1280x1xf32> to vector<1280x128xf32>
    %mul3A_82 = arith.mulf %sub3A_69, %mul3A_81 : vector<1280x128xf32>
    %mul3A_83 = vector.broadcast %get3A_58 : vector<1x128xf32> to vector<1280x128xf32>
    %mul3A_84 = arith.mulf %mul3A_82, %mul3A_83 : vector<1280x128xf32>
    %add3A_85 = vector.broadcast %get3A_61 : vector<1x128xf32> to vector<1280x128xf32>
    %add3A_86 = arith.addf %mul3A_84, %add3A_85 : vector<1280x128xf32>
    %swap3A = arith.constant 0 : index
    %swap3A_87 = arith.constant 0 : index
    %swap3A_88 = vector.load %arg12[%swap3A, %swap3A_87] : memref<1280x128xf32, #tpu.memory_space<vmem>>, vector<1280x128xf32>
    tpu.vector_store %arg12[%swap3A, %swap3A_87], %add3A_86 {strides = array<i32>} : memref<1280x128xf32, #tpu.memory_space<vmem>>, vector<1280x128xf32>,
    return
  }
  func.func @transform_0(%arg0: i32) -> (i32, i32) {
    %add3A = arith.constant 0 : i32
    %add3A_0 = arith.addi %arg0, %add3A : i32
    %c0_i32 = arith.constant 0 : i32
    %c0_i32_1 = arith.constant 0 : i32
    return %add3A_0, %c0_i32 : i32, i32
  }
  func.func @transform_1(%arg0: i32) -> (i32, i32) {
    %c0_i32 = arith.constant 0 : i32
    %c0_i32_0 = arith.constant 0 : i32
    return %arg0, %c0_i32 : i32, i32
  }
  func.func @transform_2(%arg0: i32) -> (i32, i32) {
    %c0_i32 = arith.constant 0 : i32
    %c0_i32_0 = arith.constant 0 : i32
    return %arg0, %c0_i32 : i32, i32
  }
  func.func @transform_3(%arg0: i32) -> (i32, i32) {
    %c0_i32 = arith.constant 0 : i32
    %c0_i32_0 = arith.constant 0 : i32
    %c0_i32_1 = arith.constant 0 : i32
    return %c0_i32, %c0_i32_0 : i32, i32
  }
  func.func @transform_4(%arg0: i32) -> (i32, i32) {
    %c0_i32 = arith.constant 0 : i32
    %c0_i32_0 = arith.constant 0 : i32
    %c0_i32_1 = arith.constant 0 : i32
    return %c0_i32, %c0_i32_0 : i32, i32
  }
  func.func @transform_5(%arg0: i32) -> (i32, i32) {
    %c0_i32 = arith.constant 0 : i32
    %c0_i32_0 = arith.constant 0 : i32
    %c0_i32_1 = arith.constant 0 : i32
    return %c0_i32, %c0_i32_0 : i32, i32
  }
  func.func @transform_6(%arg0: i32) -> (i32, i32) {
    %c0_i32 = arith.constant 0 : i32
    %c0_i32_0 = arith.constant 0 : i32
    %c0_i32_1 = arith.constant 0 : i32
    return %c0_i32, %c0_i32_0 : i32, i32
  }
  func.func @transform_7(%arg0: i32) -> (i32, i32) {
    %c0_i32 = arith.constant 0 : i32
    %c0_i32_0 = arith.constant 0 : i32
    %c0_i32_1 = arith.constant 0 : i32
    return %c0_i32, %c0_i32_0 : i32, i32
  }
  func.func @transform_8(%arg0: i32) -> (i32, i32) {
    %c0_i32 = arith.constant 0 : i32
    %c0_i32_0 = arith.constant 0 : i32
    %c0_i32_1 = arith.constant 0 : i32
    return %c0_i32, %c0_i32_0 : i32, i32
  }
  func.func @transform_9(%arg0: i32) -> (i32, i32) {
    %c0_i32 = arith.constant 0 : i32
    %c0_i32_0 = arith.constant 0 : i32
    %c0_i32_1 = arith.constant 0 : i32
    return %c0_i32, %c0_i32_0 : i32, i32
  }
  func.func @transform_10(%arg0: i32) -> (i32, i32) {
    %c0_i32 = arith.constant 0 : i32
    %c0_i32_0 = arith.constant 0 : i32
    %c0_i32_1 = arith.constant 0 : i32
    return %c0_i32, %c0_i32_0 : i32, i32
  }
  func.func @transform_11(%arg0: i32) -> (i32, i32) {
    %add3A = arith.constant 0 : i32
    %add3A_0 = arith.addi %arg0, %add3A : i32
    %c0_i32 = arith.constant 0 : i32
    %c0_i32_1 = arith.constant 0 : i32
    return %add3A_0, %c0_i32 : i32, i32
  }
}

module attributes {stable_mosaic.version = 14 : i64} {
  func.func @body(%arg0: i32, %arg1: memref<1280x128xf32, #tpu.memory_space<vmem>>, %arg2: memref<1280x128xf32, #tpu.memory_space<vmem>>, %arg3: memref<1280x128xf32, #tpu.memory_space<vmem>>, %arg4: memref<128x128xf32, #tpu.memory_space<vmem>>, %arg5: memref<1x128xf32, #tpu.memory_space<vmem>>, %arg6: memref<1x128xf32, #tpu.memory_space<vmem>>, %arg7: memref<1x128xf32, #tpu.memory_space<vmem>>, %arg8: memref<128x128xf32, #tpu.memory_space<vmem>>, %arg9: memref<1x128xf32, #tpu.memory_space<vmem>>, %arg10: memref<1x128xf32, #tpu.memory_space<vmem>>, %arg11: memref<1x128xf32, #tpu.memory_space<vmem>>, %arg12: memref<320000x128xf32, #tpu.memory_space<hbm>>, %arg13: memref<1280x128xf32, #tpu.memory_space<vmem>>) attributes {dimension_semantics = [#tpu.dimension_semantics<arbitrary>], iteration_bounds = array<i64: 125>, scalar_prefetch = 0 : i64, scratch_operands = 0 : i64, tpu.core_type = #tpu.core_type<tc>, window_params = [{transform_indices = @transform_0, window_bounds = array<i64: 1280, 128>}, {transform_indices = @transform_1, window_bounds = array<i64: 1280, 128>}, {transform_indices = @transform_2, window_bounds = array<i64: 1280, 128>}, {pipeline_mode = #tpu.pipeline_mode<synchronous>, transform_indices = @transform_3, window_bounds = array<i64: 128, 128>}, {pipeline_mode = #tpu.pipeline_mode<synchronous>, transform_indices = @transform_4, window_bounds = array<i64: 1, 128>}, {pipeline_mode = #tpu.pipeline_mode<synchronous>, transform_indices = @transform_5, window_bounds = array<i64: 1, 128>}, {pipeline_mode = #tpu.pipeline_mode<synchronous>, transform_indices = @transform_6, window_bounds = array<i64: 1, 128>}, {pipeline_mode = #tpu.pipeline_mode<synchronous>, transform_indices = @transform_7, window_bounds = array<i64: 128, 128>}, {pipeline_mode = #tpu.pipeline_mode<synchronous>, transform_indices = @transform_8, window_bounds = array<i64: 1, 128>}, {pipeline_mode = #tpu.pipeline_mode<synchronous>, transform_indices = @transform_9, window_bounds = array<i64: 1, 128>}, {pipeline_mode = #tpu.pipeline_mode<synchronous>, transform_indices = @transform_10, window_bounds = array<i64: 1, 128>}, {}, {transform_indices = @transform_12, window_bounds = array<i64: 1280, 128>}]} {
    %get3A = arith.constant 0 : index
    %get3A_0 = arith.constant 0 : index
    %get3A_1 = vector.load %arg1[%get3A, %get3A_0] : memref<1280x128xf32, #tpu.memory_space<vmem>>, vector<1280x128xf32>
    %get3A_2 = arith.constant 0 : index
    %get3A_3 = arith.constant 0 : index
    %get3A_4 = vector.load %arg2[%get3A_2, %get3A_3] : memref<1280x128xf32, #tpu.memory_space<vmem>>, vector<1280x128xf32>
    %get3A_5 = arith.constant 0 : index
    %get3A_6 = arith.constant 0 : index
    %get3A_7 = vector.load %arg3[%get3A_5, %get3A_6] : memref<1280x128xf32, #tpu.memory_space<vmem>>, vector<1280x128xf32>
    %add3A = arith.addf %get3A_4, %get3A_7 : vector<1280x128xf32>
    %get3A_8 = arith.constant 0 : index
    %get3A_9 = arith.constant 0 : index
    %get3A_10 = vector.load %arg4[%get3A_8, %get3A_9] : memref<128x128xf32, #tpu.memory_space<vmem>>, vector<128x128xf32>
    %dot_general3A = arith.constant dense<0.000000e+00> : vector<1280x128xf32>
    %dot_general3A_11 = tpu.matmul %get3A_1, %get3A_10, %dot_general3A {dimension_numbers = #tpu.dot_dimension_numbers<[1], [0], [0], [1], [0, 0, 1, 1], [], []>, transpose_lhs_hint = false} : vector<1280x128xf32>, vector<128x128xf32>, vector<1280x128xf32> -> vector<1280x128xf32>
    %add3A_12 = arith.addf %add3A, %dot_general3A_11 : vector<1280x128xf32>
    %get3A_13 = arith.constant 0 : index
    %get3A_14 = arith.constant 0 : index
    %get3A_15 = vector.load %arg5[%get3A_13, %get3A_14] : memref<1x128xf32, #tpu.memory_space<vmem>>, vector<1x128xf32>
    %add3A_16 = vector.broadcast %get3A_15 : vector<1x128xf32> to vector<1280x128xf32>
    %add3A_17 = arith.addf %add3A_12, %add3A_16 : vector<1280x128xf32>
    %get3A_18 = arith.constant 0 : index
    %get3A_19 = arith.constant 0 : index
    %get3A_20 = vector.load %arg6[%get3A_18, %get3A_19] : memref<1x128xf32, #tpu.memory_space<vmem>>, vector<1x128xf32>
    %get3A_21 = arith.constant 0 : index
    %get3A_22 = arith.constant 0 : index
    %get3A_23 = vector.load %arg7[%get3A_21, %get3A_22] : memref<1x128xf32, #tpu.memory_space<vmem>>, vector<1x128xf32>
    %reduce_sum3A = arith.constant dense<0.000000e+00> : vector<1280xf32>
    %reduce_sum3A_24 = vector.multi_reduction <add>, %add3A_17, %reduce_sum3A [1] : vector<1280x128xf32> to vector<1280xf32>
    %broadcast_in_dim3A = vector.shape_cast %reduce_sum3A_24 : vector<1280xf32> to vector<1280x1xf32>
    %div3A = arith.constant 1.280000e+02 : f32
    %div3A_25 = vector.broadcast %div3A : f32 to vector<1280x1xf32>
    %div3A_26 = arith.divf %broadcast_in_dim3A, %div3A_25 : vector<1280x1xf32>
    %sub3A = vector.broadcast %div3A_26 : vector<1280x1xf32> to vector<1280x128xf32>
    %sub3A_27 = arith.subf %add3A_17, %sub3A : vector<1280x128xf32>
    %mul3A = arith.mulf %sub3A_27, %sub3A_27 : vector<1280x128xf32>
    %reduce_sum3A_28 = arith.constant dense<0.000000e+00> : vector<1280xf32>
    %reduce_sum3A_29 = vector.multi_reduction <add>, %mul3A, %reduce_sum3A_28 [1] : vector<1280x128xf32> to vector<1280xf32>
    %broadcast_in_dim3A_30 = vector.shape_cast %reduce_sum3A_29 : vector<1280xf32> to vector<1280x1xf32>
    %div3A_31 = arith.constant 1.280000e+02 : f32
    %div3A_32 = vector.broadcast %div3A_31 : f32 to vector<1280x1xf32>
    %div3A_33 = arith.divf %broadcast_in_dim3A_30, %div3A_32 : vector<1280x1xf32>
    %add3A_34 = arith.constant 9.99999974E-6 : f32
    %add3A_35 = vector.broadcast %add3A_34 : f32 to vector<1280x1xf32>
    %add3A_36 = arith.addf %div3A_33, %add3A_35 : vector<1280x1xf32>
    %rsqrt3A = math.rsqrt %add3A_36 : vector<1280x1xf32>
    %mul3A_37 = vector.broadcast %rsqrt3A : vector<1280x1xf32> to vector<1280x128xf32>
    %mul3A_38 = arith.mulf %sub3A_27, %mul3A_37 : vector<1280x128xf32>
    %mul3A_39 = vector.broadcast %get3A_20 : vector<1x128xf32> to vector<1280x128xf32>
    %mul3A_40 = arith.mulf %mul3A_38, %mul3A_39 : vector<1280x128xf32>
    %add3A_41 = vector.broadcast %get3A_23 : vector<1x128xf32> to vector<1280x128xf32>
    %add3A_42 = arith.addf %mul3A_40, %add3A_41 : vector<1280x128xf32>
    %max3A = arith.constant 0.000000e+00 : f32
    %max3A_43 = vector.broadcast %max3A : f32 to vector<1280x128xf32>
    %max3A_44 = arith.maximumf %add3A_42, %max3A_43 : vector<1280x128xf32>
    %get3A_45 = arith.constant 0 : index
    %get3A_46 = arith.constant 0 : index
    %get3A_47 = vector.load %arg8[%get3A_45, %get3A_46] : memref<128x128xf32, #tpu.memory_space<vmem>>, vector<128x128xf32>
    %dot_general3A_48 = arith.constant dense<0.000000e+00> : vector<1280x128xf32>
    %dot_general3A_49 = tpu.matmul %max3A_44, %get3A_47, %dot_general3A_48 {dimension_numbers = #tpu.dot_dimension_numbers<[1], [0], [0], [1], [0, 0, 1, 1], [], []>, transpose_lhs_hint = false} : vector<1280x128xf32>, vector<128x128xf32>, vector<1280x128xf32> -> vector<1280x128xf32>
    %get3A_50 = arith.constant 0 : index
    %get3A_51 = arith.constant 0 : index
    %get3A_52 = vector.load %arg9[%get3A_50, %get3A_51] : memref<1x128xf32, #tpu.memory_space<vmem>>, vector<1x128xf32>
    %add3A_53 = vector.broadcast %get3A_52 : vector<1x128xf32> to vector<1280x128xf32>
    %add3A_54 = arith.addf %dot_general3A_49, %add3A_53 : vector<1280x128xf32>
    %add3A_55 = arith.addf %add3A_54, %get3A_1 : vector<1280x128xf32>
    %get3A_56 = arith.constant 0 : index
    %get3A_57 = arith.constant 0 : index
    %get3A_58 = vector.load %arg10[%get3A_56, %get3A_57] : memref<1x128xf32, #tpu.memory_space<vmem>>, vector<1x128xf32>
    %get3A_59 = arith.constant 0 : index
    %get3A_60 = arith.constant 0 : index
    %get3A_61 = vector.load %arg11[%get3A_59, %get3A_60] : memref<1x128xf32, #tpu.memory_space<vmem>>, vector<1x128xf32>
    %reduce_sum3A_62 = arith.constant dense<0.000000e+00> : vector<1280xf32>
    %reduce_sum3A_63 = vector.multi_reduction <add>, %add3A_55, %reduce_sum3A_62 [1] : vector<1280x128xf32> to vector<1280xf32>
    %broadcast_in_dim3A_64 = vector.shape_cast %reduce_sum3A_63 : vector<1280xf32> to vector<1280x1xf32>
    %div3A_65 = arith.constant 1.280000e+02 : f32
    %div3A_66 = vector.broadcast %div3A_65 : f32 to vector<1280x1xf32>
    %div3A_67 = arith.divf %broadcast_in_dim3A_64, %div3A_66 : vector<1280x1xf32>
    %sub3A_68 = vector.broadcast %div3A_67 : vector<1280x1xf32> to vector<1280x128xf32>
    %sub3A_69 = arith.subf %add3A_55, %sub3A_68 : vector<1280x128xf32>
    %mul3A_70 = arith.mulf %sub3A_69, %sub3A_69 : vector<1280x128xf32>
    %reduce_sum3A_71 = arith.constant dense<0.000000e+00> : vector<1280xf32>
    %reduce_sum3A_72 = vector.multi_reduction <add>, %mul3A_70, %reduce_sum3A_71 [1] : vector<1280x128xf32> to vector<1280xf32>
    %broadcast_in_dim3A_73 = vector.shape_cast %reduce_sum3A_72 : vector<1280xf32> to vector<1280x1xf32>
    %div3A_74 = arith.constant 1.280000e+02 : f32
    %div3A_75 = vector.broadcast %div3A_74 : f32 to vector<1280x1xf32>
    %div3A_76 = arith.divf %broadcast_in_dim3A_73, %div3A_75 : vector<1280x1xf32>
    %add3A_77 = arith.constant 9.99999974E-6 : f32
    %add3A_78 = vector.broadcast %add3A_77 : f32 to vector<1280x1xf32>
    %add3A_79 = arith.addf %div3A_76, %add3A_78 : vector<1280x1xf32>
    %rsqrt3A_80 = math.rsqrt %add3A_79 : vector<1280x1xf32>
    %mul3A_81 = vector.broadcast %rsqrt3A_80 : vector<1280x1xf32> to vector<1280x128xf32>
    %mul3A_82 = arith.mulf %sub3A_69, %mul3A_81 : vector<1280x128xf32>
    %mul3A_83 = vector.broadcast %get3A_58 : vector<1x128xf32> to vector<1280x128xf32>
    %mul3A_84 = arith.mulf %mul3A_82, %mul3A_83 : vector<1280x128xf32>
    %add3A_85 = vector.broadcast %get3A_61 : vector<1x128xf32> to vector<1280x128xf32>
    %add3A_86 = arith.addf %mul3A_84, %add3A_85 : vector<1280x128xf32>
    %swap3A = arith.constant 0 : index
    %swap3A_87 = arith.constant 0 : index
    %swap3A_88 = vector.load %arg13[%swap3A, %swap3A_87] : memref<1280x128xf32, #tpu.memory_space<vmem>>, vector<1280x128xf32>
    tpu.vector_store %arg13[%swap3A, %swap3A_87], %add3A_86 {strides = array<i32>} : memref<1280x128xf32, #tpu.memory_space<vmem>>, vector<1280x128xf32>,
    return
  }
  func.func @transform_0(%arg0: i32) -> (i32, i32) {
    %add3A = arith.constant 125 : i32
    %add3A_0 = arith.addi %arg0, %add3A : i32
    %c0_i32 = arith.constant 0 : i32
    %c0_i32_1 = arith.constant 0 : i32
    return %add3A_0, %c0_i32 : i32, i32
  }
  func.func @transform_1(%arg0: i32) -> (i32, i32) {
    %c0_i32 = arith.constant 0 : i32
    %c0_i32_0 = arith.constant 0 : i32
    return %arg0, %c0_i32 : i32, i32
  }
  func.func @transform_2(%arg0: i32) -> (i32, i32) {
    %c0_i32 = arith.constant 0 : i32
    %c0_i32_0 = arith.constant 0 : i32
    return %arg0, %c0_i32 : i32, i32
  }
  func.func @transform_3(%arg0: i32) -> (i32, i32) {
    %c0_i32 = arith.constant 0 : i32
    %c0_i32_0 = arith.constant 0 : i32
    %c0_i32_1 = arith.constant 0 : i32
    return %c0_i32, %c0_i32_0 : i32, i32
  }
  func.func @transform_4(%arg0: i32) -> (i32, i32) {
    %c0_i32 = arith.constant 0 : i32
    %c0_i32_0 = arith.constant 0 : i32
    %c0_i32_1 = arith.constant 0 : i32
    return %c0_i32, %c0_i32_0 : i32, i32
  }
  func.func @transform_5(%arg0: i32) -> (i32, i32) {
    %c0_i32 = arith.constant 0 : i32
    %c0_i32_0 = arith.constant 0 : i32
    %c0_i32_1 = arith.constant 0 : i32
    return %c0_i32, %c0_i32_0 : i32, i32
  }
  func.func @transform_6(%arg0: i32) -> (i32, i32) {
    %c0_i32 = arith.constant 0 : i32
    %c0_i32_0 = arith.constant 0 : i32
    %c0_i32_1 = arith.constant 0 : i32
    return %c0_i32, %c0_i32_0 : i32, i32
  }
  func.func @transform_7(%arg0: i32) -> (i32, i32) {
    %c0_i32 = arith.constant 0 : i32
    %c0_i32_0 = arith.constant 0 : i32
    %c0_i32_1 = arith.constant 0 : i32
    return %c0_i32, %c0_i32_0 : i32, i32
  }
  func.func @transform_8(%arg0: i32) -> (i32, i32) {
    %c0_i32 = arith.constant 0 : i32
    %c0_i32_0 = arith.constant 0 : i32
    %c0_i32_1 = arith.constant 0 : i32
    return %c0_i32, %c0_i32_0 : i32, i32
  }
  func.func @transform_9(%arg0: i32) -> (i32, i32) {
    %c0_i32 = arith.constant 0 : i32
    %c0_i32_0 = arith.constant 0 : i32
    %c0_i32_1 = arith.constant 0 : i32
    return %c0_i32, %c0_i32_0 : i32, i32
  }
  func.func @transform_10(%arg0: i32) -> (i32, i32) {
    %c0_i32 = arith.constant 0 : i32
    %c0_i32_0 = arith.constant 0 : i32
    %c0_i32_1 = arith.constant 0 : i32
    return %c0_i32, %c0_i32_0 : i32, i32
  }
  func.func @transform_12(%arg0: i32) -> (i32, i32) {
    %add3A = arith.constant 125 : i32
    %add3A_0 = arith.addi %arg0, %add3A : i32
    %c0_i32 = arith.constant 0 : i32
    %c0_i32_1 = arith.constant 0 : i32
    return %add3A_0, %c0_i32 : i32, i32
  }
}

</mosaic_0001>

<sc_bundles>
// kernel: kernel.13.cloned.1.call-start
scs
__scs_entry_jumppad:
0x0: {  	(pc) =	sbr.rel $0x88, $3  }
0x1: {  	(tag) =	ssettag $0x0;
	lr =	simm.s32 $0x1  }
0x2: {  	[smem:$0x3F6F] =	sst lr;
	_ =	strace $0xD0000000  }
0x3: {  	_ = 	snop  }
0x4: {  	_ = 	snop  }
0x5: {  	_ = 	snop  }
0x6: {  	_ = 	snop  }
0x7: {  	_ = 	snop  }
__scs_overlays_trampoline_lowered:
0x8: {  	[smem:$0x3F7E] =	sst s0  }
0x9: {  	[smem:$0x3F7F] =	sst s1  }
0xa: {  	[smem:$0x3F80] =	sst s2  }
0xb: {  	[smem:$0x3F81] =	sst s3  }
0xc: {  	[smem:$0x3F82] =	sst s4  }
0xd: {  	[smem:$0x3F83] =	sst s5  }
0xe: {  	[smem:$0x3F84] =	sst s6  }
0xf: {  	[smem:$0x3F85] =	sst s7  }
0x10: {  	[smem:$0x3F86] =	sst s8  }
0x11: {  	[smem:$0x3F87] =	sst s9;
	s0 =	simm.s32 @!p0 $0x0  }
0x12: {  	s1 =	sld [smem:$0x3F6D];
	s0 =	simm.s32 @p0 $0x1  }
0x13: {  	[smem:$0x3F88] =	sst s0;
	s0 =	simm.s32 @!p1 $0x0  }
0x14: {  	s2 =	sld [smem:$0x3F6C];
	s0 =	simm.s32 @p1 $0x1  }
0x15: {  	[smem:$0x3F89] =	sst s0;
	s0 =	simm.s32 @!p2 $0x0  }
0x16: {  	s3 =	sld [smem:$0x3FDB];
	s0 =	simm.s32 @p2 $0x1  }
0x17: {  	s4 =	simm.s32 $0x1BF5;
	[smem:$0x3F8B] =	sst s0  }
0x18: {  	s0 =	sld [smem:$0x3F6E];
	_ =	swait.ge [sflag:s4], $0x0  }
0x19: {  	s7 =	sld [smem:$0x3F6F]  }
0x1a: {  	s8 =	sadd.s32 $0xFFFFE003, lr  }
0x1b: {  	s9 =	sadd.s32 $0xFFFFFEF7, lr;
	s5 =	simm.s32 $0xFFFFFFFF;
	p2 =	slt.u32 s8, $0xFFFFF086  }
0x1c: {  	p1 =	slt.u32 s9, $0xF7A;
	s5 =	simm.s32 @!p2 $0x0  }
0x1d: {  	s5 =	simm.s32 @p1 $0x1;
	p0 =	seq.s32 s7, s2  }
0x1e: {  	s7 =	smul.u32 @!p0 $0xF7A, s2;
	p2 =	seq.s32 @!p0 s5, $0x0  }
0x1f: {  	s9 =	smul.u32 $0xF7A, s1;
	s8 =	simm.s32 @!p0 $0x1BF5;
	p2 =	por !p2, p0  }
0x20: {  	[sflag:s8] =	ssyncset.s32 @!p0 $0xFFFFF086;
	s6 =	sadd.s32 @!p0 s3, s7;
	s7 =	simm.s32 @!p0 $0x108  }
0x21: {  	s3 =	sadd.s32 s3, s9;
	s6 =	sadd.s32 @!p0 $0x88, s6;
	s7 =	simm.s32 @p2 $0x1082  }
0x22: {  	[simem:s7], [sflag:s8] =	dma.local @!p0 [hbm:s6], $0xF7A  }
0x23: {  	s9 =	sor.u32 $0xD0000000, s2;
	s6 =	simm.s32 $0x108;
	_ =	swait.ge @!p0 [sflag:s8], $0x0  }
0x24: {  	s3 =	sadd.s32 $0x88, s3;
	s6 =	simm.s32 @!p1 $0x1082;
	[sflag:s4] =	ssyncset.s32 $0xFFFFF086  }
0x25: {  	[simem:s6], [sflag:s4] =	dma.local [hbm:s3], $0xF7A  }
0x26: {  	[smem:$0x3F6F] =	sst s1;
	(tag) =	ssettag s2;
	_ =	strace s9  }
0x27: {  	s1 =	sld [smem:$0x3F7F]  }
0x28: {  	s2 =	sld [smem:$0x3F80]  }
0x29: {  	s4 =	sld [smem:$0x3F82]  }
0x2a: {  	p0 =	seq.s32 s5, $0x0;
	s5 =	sld [smem:$0x3F83]  }
0x2b: {  	s6 =	sld [smem:$0x3F84]  }
0x2c: {  	s7 =	sld [smem:$0x3F85]  }
0x2d: {  	s3 =	simm.s32 $0x108;
	s8 =	sld [smem:$0x3F86]  }
0x2e: {  	s3 =	simm.s32 @!p0 $0x1082;
	s9 =	sld [smem:$0x3F87]  }
0x2f: {  	lr =	sadd.s32 s0, s3;
	s0 =	sld [smem:$0x3F7E]  }
0x30: {  	s3 =	sld [smem:$0x3F81]  }
0x31: {  	[smem:$0x3F8A] =	sst s10  }
0x32: {  	s10 =	sld [smem:$0x3F88];
	_ =	sdelay $0x3  }
0x33: {  	p0 =	seq.s32 s10, $0x1;
	s10 =	sld [smem:$0x3F8A];
	_ =	sdelay $0x3  }
0x34: {  	[smem:$0x3F8A] =	sst s10  }
0x35: {  	s10 =	sld [smem:$0x3F89];
	_ =	sdelay $0x3  }
0x36: {  	p1 =	seq.s32 s10, $0x1;
	s10 =	sld [smem:$0x3F8A];
	_ =	sdelay $0x3  }
0x37: {  	[smem:$0x3F8A] =	sst s10  }
0x38: {  	s10 =	sld [smem:$0x3F8B]  }
0x39: {  	_ = 	snop;
	(pc) =	sbr.ind lr, $3  }
0x3a: {  	_ = 	snop  }
0x3b: {  	_ = 	snop  }
0x3c: {  	p2 =	seq.s32 s10, $0x1;
	s10 =	sld [smem:$0x3F8A]  }
0x3d: {  	_ =	shalt  }
0x3e: {  	_ =	shalt  }
0x3f: {  	_ =	shalt  }
0x40: {  	_ =	shalt  }
0x41: {  	_ =	shalt  }
0x42: {  	_ =	shalt  }
0x43: {  	_ =	shalt  }
0x44: {  	_ =	shalt  }
0x45: {  	_ =	shalt  }
0x46: {  	_ =	shalt  }
0x47: {  	_ =	shalt  }
0x48: {  	_ =	shalt  }
0x49: {  	_ =	shalt  }
0x4a: {  	_ =	shalt  }
0x4b: {  	_ =	shalt  }
0x4c: {  	_ =	shalt  }
0x4d: {  	_ =	shalt  }
0x4e: {  	_ =	shalt  }
0x4f: {  	_ =	shalt  }
0x50: {  	_ =	shalt  }
0x51: {  	_ =	shalt  }
0x52: {  	_ =	shalt  }
0x53: {  	_ =	shalt  }
0x54: {  	_ =	shalt  }
0x55: {  	_ =	shalt  }
0x56: {  	_ =	shalt  }
0x57: {  	_ =	shalt  }
0x58: {  	_ =	shalt  }
0x59: {  	_ =	shalt  }
0x5a: {  	_ =	shalt  }
0x5b: {  	_ =	shalt  }
0x5c: {  	_ =	shalt  }
0x5d: {  	_ =	shalt  }
0x5e: {  	_ =	shalt  }
0x5f: {  	_ =	shalt  }
0x60: {  	_ =	shalt  }
0x61: {  	_ =	shalt  }
0x62: {  	_ =	shalt  }
0x63: {  	_ =	shalt  }
0x64: {  	_ =	shalt  }
0x65: {  	_ =	shalt  }
0x66: {  	_ =	shalt  }
0x67: {  	_ =	shalt  }
0x68: {  	_ =	shalt  }
0x69: {  	_ =	shalt  }
0x6a: {  	_ =	shalt  }
0x6b: {  	_ =	shalt  }
0x6c: {  	_ =	shalt  }
0x6d: {  	_ =	shalt  }
0x6e: {  	_ =	shalt  }
0x6f: {  	_ =	shalt  }
0x70: {  	_ =	shalt  }
0x71: {  	_ =	shalt  }
0x72: {  	_ =	shalt  }
0x73: {  	_ =	shalt  }
0x74: {  	_ =	shalt  }
0x75: {  	_ =	shalt  }
0x76: {  	_ =	shalt  }
0x77: {  	_ =	shalt  }
0x78: {  	_ =	shalt  }
0x79: {  	_ =	shalt  }
0x7a: {  	_ =	shalt  }
0x7b: {  	_ =	shalt  }
0x7c: {  	_ =	shalt  }
0x7d: {  	_ =	shalt  }
0x7e: {  	_ =	shalt  }
0x7f: {  	_ =	shalt  }
0x80: {  	_ =	shalt  }
0x81: {  	_ =	shalt  }
0x82: {  	_ =	shalt  }
0x83: {  	_ =	shalt  }
0x84: {  	_ =	shalt  }
0x85: {  	_ =	shalt  }
0x86: {  	_ =	shalt  }
0x87: {  	_ =	shalt  }
.Lfunc_end0:
.L_simem_size_0:
called_computation_lowered:
.L_overlay_start_0:
0x88: {  	s2 =	sld [smem:$0x3FD9]  }
0x89: {  	s3 =	sld [smem:$0x3FFE];
	_ =	sdelay $0x1  }
0x8a: {  	s1 =	srdreg.scid  }
0x8b: {  	s0 =	sand.u32 $0x1, s1  }
0x8c: {  	s17 =	sshll.u32 s0, $0xA;
	s2 =	sadd.s32 s3, s2  }
0x8d: {  	s2 =	sadd.s32 s2, s17  }
0x8e: {  	[smem:$0x3F96] =	sst s2  }
0x8f: {  	_ = 	snop  }
0x90: {  	(tm) =	ssettm $0x1  }
0x91: {  	s18 =	sld [smem:$0x3FFB];
	_ =	sdelay $0x3  }
0x92: {  	_ =	strace s18  }
0x93: {  	s2 =	sld [smem:$0x3FFC];
	_ =	sdelay $0x3  }
0x94: {  	_ =	strace s2  }
0x95: {  	s2 =	sld [smem:$0x3FFD];
	_ =	sdelay $0x3  }
0x96: {  	_ =	strace s2  }
0x97: {  	_ =	strace $0x8FFFFFFF  }
0x98: {  	s19 =	sld [smem:$0x3FDB];
	_ =	sdelay $0x1  }
0x99: {  	s20 =	simm.s32 $_scs_section_size  }
0x9a: {  	s4 =	simm.s32 $_size__tile_overlayer_lowered;
	s5 =	simm.s32 $_tile_overlayer_lowered  }
0x9b: {  	s6 =	simm.s32 $0x1BFF;
	s21 =	sshll.u32 s5, $0x1;
	s3 =	sadd.s32 s20, s19  }
0x9c: {  	s22 =	simm.s32 $0x0;
	s4 =	sshll.u32 s4, $0x1;
	s5 =	sadd.s32 s21, s3  }
0x9d: {  	[timem:s22], [sflag:s6] =	dma.local [hbm:s5], s4  }
0x9e: {  	_ =	swait.ge [sflag:s6], s4  }
0x9f: {  	s4 =	ssub.s32 $0x0, s4;
	[sflag:s6] =	ssyncset.done $0x0  }
0xa0: {  	[sflag:s6] =	ssyncadd.s32 s4;
	_ =	sdelay $0x1  }
0xa1: {  	s23 =	simm.s32 $0x1B8B  }
0xa2: {  	_ =	swait.ge [sflag:s23], $0x1  }
0xa3: {  	[sflag:s23] =	ssyncset.done $0x0  }
0xa4: {  	[sflag:s23] =	ssyncadd.s32 $0xFFFFFFFF  }
0xa5: {  	s4 =	sld [smem:$0x0]  }
0xa6: {  	s5 =	sand.u32 $0xFFFFFFFE, s1  }
0xa7: {  	p0 =	sne.s32 s1, s5  }
0xa8: {  	s5 =	sshll.u32 @p0 s5, $0xE  }
0xa9: {  	s5 =	sadd.s32 @p0 $0x11B8D, s5;
	s6 =	sshll.u32 @p0 s4, $0x11  }
0xaa: {  	s5 =	sor.u32 @p0 s6, s5  }
0xab: {  	[sflag:s5] =	ssyncadd.remote.s32 @p0 $0x1;
	_ =	sdelay $0x1  }
0xac: {  	s5 =	simm.s32 @p0 $0x1B8D  }
0xad: {  	_ =	swait.eq @p0 [sflag:s5], $0x1  }
0xae: {  	[sflag:s5] =	ssyncadd.s32 @p0 $0xFFFFFFFF  }
0xaf: {  	s6 =	sshll.u32 @!p0 s1, $0xE  }
0xb0: {  	s6 =	sor.u32 @!p0 $0x4000, s6;
	s5 =	simm.s32 @!p0 $0x1B8D  }
0xb1: {  	s4 =	sshll.u32 @!p0 s4, $0x11;
	s6 =	sadd.s32 @!p0 $0x11B8D, s6;
	_ =	swait.eq @!p0 [sflag:s5], $0x1  }
0xb2: {  	s4 =	sor.u32 @!p0 s4, s6;
	[sflag:s5] =	ssyncadd.s32 @!p0 $0xFFFFFFFF  }
0xb3: {  	s25 =	simm.s32 $0x1B8E;
	s24 =	sld [smem:$0x3FFE];
	[sflag:s4] =	ssyncadd.remote.s32 @!p0 $0x1  }
0xb4: {  	s26 =	simm.s32 $execute0_lowered;
	[smem:$0x3FD2] =	sst s25  }
0xb5: {  	s5 =	sshll.u32 s26, $0x1;
	_ =	strace $0x80000049;
	[dreg:$0x1] =	wrdreg $0xFFFFFFFF  }
0xb6: {  	s28 =	simm.s32 $_size_execute0_lowered;
	s3 =	sadd.s32 s3, s5;
	[dreg:$0x0] =	wrdreg $0x0  }
0xb7: {  	s5 =	sshll.u32 s28, $0x1;
	[dreg:$0x2] =	wrdreg s3  }
0xb8: {  	[dreg:$0x3] =	wrdreg s5  }
0xb9: {  	[dreg:$0x4] =	wrdreg $0xC0  }
0xba: {  	_ =	task [dreg:s22], $0x5FFFF  }
0xbb: {  	[dreg:$0x1] =	wrdreg $0xFFFFFFFF  }
0xbc: {  	[dreg:$0x0] =	wrdreg $0x60  }
0xbd: {  	[dreg:$0x2] =	wrdreg s24  }
0xbe: {  	[dreg:$0x3] =	wrdreg $0x40000  }
0xbf: {  	[dreg:$0x4] =	wrdreg $0x9  }
0xc0: {  	_ =	task.clear_ibuf [dreg:s22], $0x5FFFF;
	_ =	strace $0x90000049  }
0xc1: {  	s29 =	simm.s32 $0x9;
	_ =	strace $0x8000004B  }
0xc2: {  	_ =	swait.ge [sflag:s29], $0x1  }
0xc3: {  	[sflag:s29] =	ssyncadd.s32 $0xFFFFFFFF  }
0xc4: {  	_ =	strace $0x9000004B  }
0xc5: {  	_ =	sfence  }
0xc6: {  	s30 =	sld [smem:$0x0];
	_ =	sdelay $0x2  }
0xc7: {  	s31 =	sshll.u32 s1, $0xD;
	s1 =	sshrl.u32 s1, $0x2  }
0xc8: {  	s4 =	sand.u32 $0x4000, s31;
	s1 =	sadd.s32 s1, s30  }
0xc9: {  	s0 =	sor.u32 s4, s0;
	s1 =	sshll.u32 s1, $0x11  }
0xca: {  	s0 =	sor.u32 s1, s0  }
0xcb: {  	s0 =	sadd.s32 $0x8F2B, s0  }
0xcc: {  	[sflag:s0] =	ssyncadd.remote.s32 $0x1  }
0xcd: {  	_ =	sfence.sel $0xFFFF  }
0xce: {  	[dreg:$0x0] =	wrdreg $0xFFFFFFFF;
	(pc) =	sbr.abs _section_cstart, $3  }
0xcf: {  	[dreg:$0x1] =	wrdreg $0xFFFFFFFF  }
0xd0: {  	_ =	task.clear_ibuf [dreg:s22], $0x2FFFF;
	_ =	strace $0x9FFFFFFF  }
0xd1: {  	(tm) =	ssettm $0x7FFFFFFF  }
tec
execute0_lowered:
.L_overlay_start_1:
0x0: {  	(tag) =	ssettag $0x1  }
0x1: {  	s5 =	rddreg [dreg:$0x0]  }
0x2: {  	s2 =	rddreg [dreg:$0x1];
	s3 =	simm.s32 $0x0  }
0x3: {  	s1 =	stileid.u32;
	s6 =	srdreg.scid;
	s18 =	simm.s32 $0x50  }
0x4: {  	s19 =	simm.s32 $0x18000;
	s20 =	simm.s32 $0x80;
	s21 =	simm.s32 $0x1A800  }
0x5: {  	s22 =	simm.s32 $0x1;
	s23 =	simm.s32 $0x2;
	s24 =	simm.s32 $0x3  }
0x6: {  	s25 =	simm.s32 $0x4;
	s26 =	simm.s32 $0x3E00;
	s4 =	smul.u32 $0x2800, s1  }
0x7: {  	s28 =	simm.s32 $0x0;
	[smem:$0x7FF] =	sst s3;
	s8 =	smul.u32 $0x50000, s1  }
0x8: {  	s29 =	sshll.u32 s1, $0xB;
	s16 =	sand.u32 $0x1, s6;
	s11 =	smul.u32 $0x138800, s1  }
0x9: {  	s15 =	smul.u32 $0x27100, s1;
	s13 =	sshll.u32 s1, $0x6;
	_ =	strace $0x8000004A  }
0xa: {  	s9 =	sadd.s32 s29, s5;
	s6 =	ssub.s32 $0x2, s16;
	s13 =	sor.u32 $0x1C05, s13  }
0xb: {  	p0 =	seq.s32 s16, $0x0;
	s7 =	sadd.s32 s4, s5;
	s4 =	sadd.s32 $0x2C4600, s5  }
0xc: {  	s10 =	sshrl.u32 s6, $0x1;
	s5 =	sadd.s32 $0x535600, s5;
	s30 =	sshrl.u32 s8, $0x2  }
.Ltmp0:
0xd: {  	s31 =	sshrl.u32 s11, $0x3;
	s11 =	sadd.s32 $0x26200, s15;
	(pc) =	sbr.rel .LBB2_1-.Ltmp0, $4  }
0xe: {  	s12 =	sadd.s32 $0x26700, s15;
	s10 =	ssub.s32 s6, s10;
	s17 =	sadd.s32 s30, s2  }
0xf: {  	s6 =	sadd.s32 $0x1B600, s7;
	s7 =	sadd.s32 $0x2B4600, s9;
	s8 =	sadd.s32 $0x26C00, s31  }
0x10: {  	s9 =	sadd.s32 $0x2BC600, s9;
	s14 =	sadd.s32 s15, s5;
	s15 =	sadd.s32 s15, s4  }
0x11: {  	s10 =	smax.u32 s10, $0x1;
	s16 =	sshrl.u32 s17, $0x3;
	s17 =	simm.s32 $0x5  }
.LBB2_7:
0x12: {  	[tilespmem:s21], [sflag:$0x2] =	stream.indirect.gather [spmem:s2], $0x80, s29, s18, $0xb8;
	[tilespmem:$0x1D000] =	vst v63  }
0x13: {  	s29 =	smov.u32 s4  }
.LBB2_8:
0x14: {  	_ =	swait.ge [sflag:s22], $0x2800  }
0x15: {  	[sflag:s22] =	ssyncset.done $0x0  }
0x16: {  	s0 =	sadd.s32 s29, s11;
	[sflag:s22] =	ssyncadd.s32 $0xFFFFD800  }
0x17: {  	[hbm4b:s0+s3] =	stream.linear.scatter [tilespmem:s19], [sflag:$0x3], $0x2800, $0x38;
	[tilespmem:$0x1D000] =	vst v63  }
0x18: {  	_ =	swait.ge [sflag:s23], $0x2800  }
0x19: {  	[sflag:s23] =	ssyncset.done $0x0  }
0x1a: {  	s30 =	sadd.s32 s29, s12;
	[sflag:s23] =	ssyncadd.s32 $0xFFFFD800  }
0x1b: {  	[hbm4b:s30+s3] =	stream.linear.scatter [tilespmem:s21], [sflag:$0x4], $0x2800, $0x38;
	[tilespmem:$0x1D000] =	vst v63  }
0x1c: {  	_ =	swait.ge [sflag:s24], $0x2800  }
0x1d: {  	[sflag:s24] =	ssyncset.done $0x0  }
0x1e: {  	[sflag:s24] =	ssyncadd.s32 $0xFFFFD800  }
0x1f: {  	_ =	swait.ge [sflag:s25], $0x2800  }
0x20: {  	[sflag:s25] =	ssyncset.done $0x0  }
0x21: {  	[sflag:s25] =	ssyncadd.s32 $0xFFFFD800  }
0x22: {  	[tilespmem:s19], [sflag:$0x1] =	stream.indirect.gather [spmem:s2], $0x80, s26, s18, $0xb8;
	[tilespmem:$0x1D000] =	vst v63  }
0x23: {  	s28 =	sadd.s32 $0x1, s28;
	_ =	swait.ge [sflag:s22], $0x2800  }
0x24: {  	p1 =	sne.s32 s28, s10;
	[sflag:s22] =	ssyncset.done $0x0  }
.Ltmp1:
0x25: {  	s31 =	sadd.s32 s29, s8;
	[sflag:s22] =	ssyncadd.s32 $0xFFFFD800;
	(pc) =	sbr.rel @!p1 .LBB2_9-.Ltmp1, $4  }
0x26: {  	[hbm4b:s31+s3] =	stream.linear.scatter [tilespmem:s19], [sflag:$0x3], $0x2800, $0x38;
	[tilespmem:$0x1D000] =	vst v63  }
0x27: {  	_ =	swait.ge [sflag:s24], $0x2800  }
0x28: {  	[sflag:s24] =	ssyncset.done $0x0  }
0x29: {  	[sflag:s24] =	ssyncadd.s32 $0xFFFFD800  }
.LBB2_1:
0x2a: {  	[spmem:s16], [sflag:s13] =	dma.local [hbm:s6], $0x2800  }
.Ltmp2:
0x2b: {  	_ =	swait.ge [sflag:s17], $0x2800;
	(pc) =	sbr.rel @!p0 .LBB2_2-.Ltmp2, $4  }
0x2c: {  	[sflag:s17] =	ssyncset.done $0x0  }
0x2d: {  	[sflag:s17] =	ssyncadd.s32 $0xFFFFD800  }
0x2e: {  	[bflag:$0x0] =	sbarrier.arrive $0xFFFF  }
0x2f: {  	s29 =	simm.s32 $0x0  }
0x30: {  	[tilespmem:s29], [sflag:$0x5] =	stream.linear.gather [hbm4b:s9+s29], $0x3E80, $0x38;
	[tilespmem:$0x1D000] =	vst v63  }
0x31: {  	_ =	swait.ge [sflag:s17], $0x3E80  }
0x32: {  	[sflag:s17] =	ssyncset.done $0x0  }
0x33: {  	[sflag:s17] =	ssyncadd.s32 $0xFFFFC180  }
0x34: {  	[tilespmem:s19], [sflag:$0x1] =	stream.indirect.gather [spmem:s2], $0x80, s29, s18, $0xb8;
	[tilespmem:$0x1D000] =	vst v63  }
0x35: {  	_ = 	snop  }
0x36: {  	[tilespmem:s21], [sflag:$0x2] =	stream.indirect.gather [spmem:s2], $0x80, s20, s18, $0xb8;
	[tilespmem:$0x1D000] =	vst v63  }
0x37: {  	_ =	swait.ge [sflag:s22], $0x2800  }
0x38: {  	[sflag:s22] =	ssyncset.done $0x0  }
0x39: {  	s29 =	sadd.s32 $0x0, s15;
	[sflag:s22] =	ssyncadd.s32 $0xFFFFD800  }
0x3a: {  	[hbm4b:s29+s3] =	stream.linear.scatter [tilespmem:s19], [sflag:$0x3], $0x2800, $0x38;
	[tilespmem:$0x1D000] =	vst v63  }
0x3b: {  	_ =	swait.ge [sflag:s23], $0x2800  }
0x3c: {  	[sflag:s23] =	ssyncset.done $0x0  }
0x3d: {  	s29 =	sadd.s32 $0x500, s29;
	[sflag:s23] =	ssyncadd.s32 $0xFFFFD800  }
0x3e: {  	[hbm4b:s29+s3] =	stream.linear.scatter [tilespmem:s21], [sflag:$0x4], $0x2800, $0x38;
	[tilespmem:$0x1D000] =	vst v63  }
0x3f: {  	_ =	swait.ge [sflag:s24], $0x2800  }
0x40: {  	[sflag:s24] =	ssyncset.done $0x0  }
0x41: {  	s29 =	simm.s32 $0x100;
	[sflag:s24] =	ssyncadd.s32 $0xFFFFD800  }
0x42: {  	[tilespmem:s19], [sflag:$0x1] =	stream.indirect.gather [spmem:s2], $0x80, s29, s18, $0xb8;
	[tilespmem:$0x1D000] =	vst v63  }
0x43: {  	_ =	swait.ge [sflag:s25], $0x2800  }
0x44: {  	s30 =	simm.s32 $0xA00;
	[sflag:s25] =	ssyncset.done $0x0  }
0x45: {  	s31 =	simm.s32 $0x280;
	s29 =	simm.s32 $0x180;
	[sflag:s25] =	ssyncadd.s32 $0xFFFFD800  }
.LBB2_6:
0x46: {  	[tilespmem:s21], [sflag:$0x2] =	stream.indirect.gather [spmem:s2], $0x80, s29, s18, $0xb8;
	[tilespmem:$0x1D000] =	vst v63  }
0x47: {  	s0 =	smov.u32 s30;
	s29 =	smov.u32 s31  }
0x48: {  	p1 =	seq.s32 s30, $0x25800;
	s30 =	sadd.s32 $0xA00, s30;
	_ =	swait.ge [sflag:s22], $0x2800  }
0x49: {  	[sflag:s22] =	ssyncset.done $0x0  }
0x4a: {  	s0 =	sadd.s32 s0, s15;
	[sflag:s22] =	ssyncadd.s32 $0xFFFFD800  }
0x4b: {  	[hbm4b:s0+s3] =	stream.linear.scatter [tilespmem:s19], [sflag:$0x3], $0x2800, $0x38;
	[tilespmem:$0x1D000] =	vst v63  }
0x4c: {  	_ =	swait.ge [sflag:s23], $0x2800  }
0x4d: {  	[sflag:s23] =	ssyncset.done $0x0  }
0x4e: {  	s0 =	sadd.s32 $0x500, s0;
	[sflag:s23] =	ssyncadd.s32 $0xFFFFD800  }
0x4f: {  	[hbm4b:s0+s3] =	stream.linear.scatter [tilespmem:s21], [sflag:$0x4], $0x2800, $0x38;
	[tilespmem:$0x1D000] =	vst v63  }
0x50: {  	_ =	swait.ge [sflag:s24], $0x2800  }
0x51: {  	[sflag:s24] =	ssyncset.done $0x0  }
.Ltmp3:
0x52: {  	s0 =	sadd.s32 $0xFFFFFF80, s31;
	[sflag:s24] =	ssyncadd.s32 $0xFFFFD800;
	(pc) =	sbr.rel @!p1 .LBB2_6-.Ltmp3, $4  }
0x53: {  	[tilespmem:s19], [sflag:$0x1] =	stream.indirect.gather [spmem:s2], $0x80, s0, s18, $0xb8;
	[tilespmem:$0x1D000] =	vst v63  }
0x54: {  	_ =	swait.ge [sflag:s25], $0x2800  }
0x55: {  	[sflag:s25] =	ssyncset.done $0x0  }
0x56: {  	s31 =	sadd.s32 $0x100, s31;
	[sflag:s25] =	ssyncadd.s32 $0xFFFFD800  }
.Ltmp4:
0x57: {  	_ = 	snop;
	(pc) =	sbr.rel .LBB2_7-.Ltmp4, $1  }
0x58: {  	_ =	sdelay $0x3  }
.LBB2_2:
0x59: {  	[tilespmem:s29], [sflag:$0x5] =	stream.linear.gather [hbm4b:s7+s29], $0x3E80, $0x38;
	[tilespmem:$0x1D000] =	vst v63  }
0x5a: {  	_ =	swait.ge [sflag:s17], $0x3E80  }
0x5b: {  	[sflag:s17] =	ssyncset.done $0x0  }
0x5c: {  	[sflag:s17] =	ssyncadd.s32 $0xFFFFC180  }
0x5d: {  	[tilespmem:s19], [sflag:$0x1] =	stream.indirect.gather [spmem:s2], $0x80, s29, s18, $0xb8;
	[tilespmem:$0x1D000] =	vst v63  }
0x5e: {  	_ = 	snop  }
0x5f: {  	[tilespmem:s21], [sflag:$0x2] =	stream.indirect.gather [spmem:s2], $0x80, s20, s18, $0xb8;
	[tilespmem:$0x1D000] =	vst v63  }
0x60: {  	_ =	swait.ge [sflag:s22], $0x2800  }
0x61: {  	[sflag:s22] =	ssyncset.done $0x0  }
0x62: {  	s0 =	sadd.s32 $0x0, s14;
	[sflag:s22] =	ssyncadd.s32 $0xFFFFD800  }
0x63: {  	[hbm4b:s0+s3] =	stream.linear.scatter [tilespmem:s19], [sflag:$0x3], $0x2800, $0x38;
	[tilespmem:$0x1D000] =	vst v63  }
0x64: {  	_ =	swait.ge [sflag:s23], $0x2800  }
0x65: {  	[sflag:s23] =	ssyncset.done $0x0  }
0x66: {  	s0 =	sadd.s32 $0x500, s0;
	[sflag:s23] =	ssyncadd.s32 $0xFFFFD800  }
0x67: {  	[hbm4b:s0+s3] =	stream.linear.scatter [tilespmem:s21], [sflag:$0x4], $0x2800, $0x38;
	[tilespmem:$0x1D000] =	vst v63  }
0x68: {  	_ =	swait.ge [sflag:s24], $0x2800  }
0x69: {  	[sflag:s24] =	ssyncset.done $0x0  }
0x6a: {  	s0 =	simm.s32 $0x100;
	[sflag:s24] =	ssyncadd.s32 $0xFFFFD800  }
0x6b: {  	[tilespmem:s19], [sflag:$0x1] =	stream.indirect.gather [spmem:s2], $0x80, s0, s18, $0xb8;
	[tilespmem:$0x1D000] =	vst v63  }
0x6c: {  	_ =	swait.ge [sflag:s25], $0x2800  }
0x6d: {  	s30 =	simm.s32 $0xA00;
	[sflag:s25] =	ssyncset.done $0x0  }
0x6e: {  	s31 =	simm.s32 $0x280;
	s29 =	simm.s32 $0x180;
	[sflag:s25] =	ssyncadd.s32 $0xFFFFD800  }
.LBB2_3:
0x6f: {  	[tilespmem:s21], [sflag:$0x2] =	stream.indirect.gather [spmem:s2], $0x80, s29, s18, $0xb8;
	[tilespmem:$0x1D000] =	vst v63  }
0x70: {  	s0 =	smov.u32 s30;
	s29 =	smov.u32 s31  }
0x71: {  	p1 =	sne.s32 s30, $0x25800;
	s30 =	sadd.s32 $0xA00, s30;
	_ =	swait.ge [sflag:s22], $0x2800  }
0x72: {  	[sflag:s22] =	ssyncset.done $0x0  }
0x73: {  	s0 =	sadd.s32 s0, s14;
	[sflag:s22] =	ssyncadd.s32 $0xFFFFD800  }
0x74: {  	[hbm4b:s0+s3] =	stream.linear.scatter [tilespmem:s19], [sflag:$0x3], $0x2800, $0x38;
	[tilespmem:$0x1D000] =	vst v63  }
0x75: {  	_ =	swait.ge [sflag:s23], $0x2800  }
0x76: {  	[sflag:s23] =	ssyncset.done $0x0  }
0x77: {  	s0 =	sadd.s32 $0x500, s0;
	[sflag:s23] =	ssyncadd.s32 $0xFFFFD800  }
0x78: {  	[hbm4b:s0+s3] =	stream.linear.scatter [tilespmem:s21], [sflag:$0x4], $0x2800, $0x38;
	[tilespmem:$0x1D000] =	vst v63  }
0x79: {  	_ =	swait.ge [sflag:s24], $0x2800  }
0x7a: {  	[sflag:s24] =	ssyncset.done $0x0  }
.Ltmp5:
0x7b: {  	s0 =	sadd.s32 $0xFFFFFF80, s31;
	[sflag:s24] =	ssyncadd.s32 $0xFFFFD800;
	(pc) =	sbr.rel @p1 .LBB2_3-.Ltmp5, $4  }
0x7c: {  	[tilespmem:s19], [sflag:$0x1] =	stream.indirect.gather [spmem:s2], $0x80, s0, s18, $0xb8;
	[tilespmem:$0x1D000] =	vst v63  }
0x7d: {  	_ =	swait.ge [sflag:s25], $0x2800  }
0x7e: {  	[sflag:s25] =	ssyncset.done $0x0  }
0x7f: {  	s31 =	sadd.s32 $0x100, s31;
	[sflag:s25] =	ssyncadd.s32 $0xFFFFD800  }
.Ltmp6:
0x80: {  	(pc) =	sbr.rel .LBB2_8-.Ltmp6, $3  }
0x81: {  	_ =	sdelay $0x1  }
0x82: {  	[tilespmem:s21], [sflag:$0x2] =	stream.indirect.gather [spmem:s2], $0x80, s29, s18, $0xb8;
	[tilespmem:$0x1D000] =	vst v63  }
0x83: {  	s29 =	smov.u32 s5  }
.LBB2_9:
0x84: {  	_ =	sfence.sel $0x180000  }
0x85: {  	[bflag:$0x0] =	sbarrier.arrive $0xFFFF  }
0x86: {  	_ =	strace $0x9000004A  }
0x87: {  	[bflag:$0x2] =	sbarrier.arrive $0xFFFF  }
0x88: {  	p0 =	sne.s32 s1, $0x0;
	s0 =	rddreg [dreg:$0x2]  }
0x89: {  	s0 =	sadd.s32 @!p0 $0x100000, s0  }
0x8a: {  	[sflag:s0] =	ssyncadd.tile.s32 @!p0 $0x1;
	_ =	shalt  }
.Lfunc_end2:
_tile_overlayer_lowered:
.L_overlay_start_2:
0x8b: {  	(tag) =	ssettag $0x2  }
0x8c: {  	s0 =	rddreg [dreg:$0x0];
	s2 =	stileid.u32  }
0x8d: {  	s1 =	rddreg [dreg:$0x1];
	p0 =	sne.s32 s2, $0x0  }
0x8e: {  	s3 =	rddreg [dreg:$0x2];
	[bflag:$0x3] =	sbarrier.arrive $0xFFFF;
	s2 =	simm.s32 @!p0 $0x1C05  }
0x8f: {  	[timem:s3], [sflag:s2] =	dma.local @!p0 [hbm:s0], s1  }
0x90: {  	s0 =	simm.s32 @!p0 $0x5  }
0x91: {  	_ =	swait.ge @!p0 [sflag:s0], s1  }
0x92: {  	s1 =	ssub.s32 @!p0 $0x0, s1;
	[sflag:s0] =	ssyncset.done @!p0 $0x0  }
0x93: {  	[sflag:s0] =	ssyncadd.s32 @!p0 s1  }
0x94: {  	[bflag:$0x3] =	sbarrier.arrive $0xFFFF  }
0x95: {  	_ =	shalt  }

// kernel: kernel.16.cloned.1.call-start
scs
__scs_entry_jumppad:
0x0: {  	(pc) =	sbr.rel $0x88, $3  }
0x1: {  	(tag) =	ssettag $0x0;
	lr =	simm.s32 $0x1  }
0x2: {  	[smem:$0x3F6F] =	sst lr;
	_ =	strace $0xD0000000  }
0x3: {  	_ = 	snop  }
0x4: {  	_ = 	snop  }
0x5: {  	_ = 	snop  }
0x6: {  	_ = 	snop  }
0x7: {  	_ = 	snop  }
__scs_overlays_trampoline_lowered:
0x8: {  	[smem:$0x3F7E] =	sst s0  }
0x9: {  	[smem:$0x3F7F] =	sst s1  }
0xa: {  	[smem:$0x3F80] =	sst s2  }
0xb: {  	[smem:$0x3F81] =	sst s3  }
0xc: {  	[smem:$0x3F82] =	sst s4  }
0xd: {  	[smem:$0x3F83] =	sst s5  }
0xe: {  	[smem:$0x3F84] =	sst s6  }
0xf: {  	[smem:$0x3F85] =	sst s7  }
0x10: {  	[smem:$0x3F86] =	sst s8  }
0x11: {  	[smem:$0x3F87] =	sst s9;
	s0 =	simm.s32 @!p0 $0x0  }
0x12: {  	s1 =	sld [smem:$0x3F6D];
	s0 =	simm.s32 @p0 $0x1  }
0x13: {  	[smem:$0x3F88] =	sst s0;
	s0 =	simm.s32 @!p1 $0x0  }
0x14: {  	s2 =	sld [smem:$0x3F6C];
	s0 =	simm.s32 @p1 $0x1  }
0x15: {  	[smem:$0x3F89] =	sst s0;
	s0 =	simm.s32 @!p2 $0x0  }
0x16: {  	s3 =	sld [smem:$0x3FDB];
	s0 =	simm.s32 @p2 $0x1  }
0x17: {  	s4 =	simm.s32 $0x1BF5;
	[smem:$0x3F8B] =	sst s0  }
0x18: {  	s0 =	sld [smem:$0x3F6E];
	_ =	swait.ge [sflag:s4], $0x0  }
0x19: {  	s7 =	sld [smem:$0x3F6F]  }
0x1a: {  	s8 =	sadd.s32 $0xFFFFE003, lr  }
0x1b: {  	s9 =	sadd.s32 $0xFFFFFEF7, lr;
	s5 =	simm.s32 $0xFFFFFFFF;
	p2 =	slt.u32 s8, $0xFFFFF086  }
0x1c: {  	p1 =	slt.u32 s9, $0xF7A;
	s5 =	simm.s32 @!p2 $0x0  }
0x1d: {  	s5 =	simm.s32 @p1 $0x1;
	p0 =	seq.s32 s7, s2  }
0x1e: {  	s7 =	smul.u32 @!p0 $0xF7A, s2;
	p2 =	seq.s32 @!p0 s5, $0x0  }
0x1f: {  	s9 =	smul.u32 $0xF7A, s1;
	s8 =	simm.s32 @!p0 $0x1BF5;
	p2 =	por !p2, p0  }
0x20: {  	[sflag:s8] =	ssyncset.s32 @!p0 $0xFFFFF086;
	s6 =	sadd.s32 @!p0 s3, s7;
	s7 =	simm.s32 @!p0 $0x108  }
0x21: {  	s3 =	sadd.s32 s3, s9;
	s6 =	sadd.s32 @!p0 $0x88, s6;
	s7 =	simm.s32 @p2 $0x1082  }
0x22: {  	[simem:s7], [sflag:s8] =	dma.local @!p0 [hbm:s6], $0xF7A  }
0x23: {  	s9 =	sor.u32 $0xD0000000, s2;
	s6 =	simm.s32 $0x108;
	_ =	swait.ge @!p0 [sflag:s8], $0x0  }
0x24: {  	s3 =	sadd.s32 $0x88, s3;
	s6 =	simm.s32 @!p1 $0x1082;
	[sflag:s4] =	ssyncset.s32 $0xFFFFF086  }
0x25: {  	[simem:s6], [sflag:s4] =	dma.local [hbm:s3], $0xF7A  }
0x26: {  	[smem:$0x3F6F] =	sst s1;
	(tag) =	ssettag s2;
	_ =	strace s9  }
0x27: {  	s1 =	sld [smem:$0x3F7F]  }
0x28: {  	s2 =	sld [smem:$0x3F80]  }
0x29: {  	s4 =	sld [smem:$0x3F82]  }
0x2a: {  	p0 =	seq.s32 s5, $0x0;
	s5 =	sld [smem:$0x3F83]  }
0x2b: {  	s6 =	sld [smem:$0x3F84]  }
0x2c: {  	s7 =	sld [smem:$0x3F85]  }
0x2d: {  	s3 =	simm.s32 $0x108;
	s8 =	sld [smem:$0x3F86]  }
0x2e: {  	s3 =	simm.s32 @!p0 $0x1082;
	s9 =	sld [smem:$0x3F87]  }
0x2f: {  	lr =	sadd.s32 s0, s3;
	s0 =	sld [smem:$0x3F7E]  }
0x30: {  	s3 =	sld [smem:$0x3F81]  }
0x31: {  	[smem:$0x3F8A] =	sst s10  }
0x32: {  	s10 =	sld [smem:$0x3F88];
	_ =	sdelay $0x3  }
0x33: {  	p0 =	seq.s32 s10, $0x1;
	s10 =	sld [smem:$0x3F8A];
	_ =	sdelay $0x3  }
0x34: {  	[smem:$0x3F8A] =	sst s10  }
0x35: {  	s10 =	sld [smem:$0x3F89];
	_ =	sdelay $0x3  }
0x36: {  	p1 =	seq.s32 s10, $0x1;
	s10 =	sld [smem:$0x3F8A];
	_ =	sdelay $0x3  }
0x37: {  	[smem:$0x3F8A] =	sst s10  }
0x38: {  	s10 =	sld [smem:$0x3F8B]  }
0x39: {  	_ = 	snop;
	(pc) =	sbr.ind lr, $3  }
0x3a: {  	_ = 	snop  }
0x3b: {  	_ = 	snop  }
0x3c: {  	p2 =	seq.s32 s10, $0x1;
	s10 =	sld [smem:$0x3F8A]  }
0x3d: {  	_ =	shalt  }
0x3e: {  	_ =	shalt  }
0x3f: {  	_ =	shalt  }
0x40: {  	_ =	shalt  }
0x41: {  	_ =	shalt  }
0x42: {  	_ =	shalt  }
0x43: {  	_ =	shalt  }
0x44: {  	_ =	shalt  }
0x45: {  	_ =	shalt  }
0x46: {  	_ =	shalt  }
0x47: {  	_ =	shalt  }
0x48: {  	_ =	shalt  }
0x49: {  	_ =	shalt  }
0x4a: {  	_ =	shalt  }
0x4b: {  	_ =	shalt  }
0x4c: {  	_ =	shalt  }
0x4d: {  	_ =	shalt  }
0x4e: {  	_ =	shalt  }
0x4f: {  	_ =	shalt  }
0x50: {  	_ =	shalt  }
0x51: {  	_ =	shalt  }
0x52: {  	_ =	shalt  }
0x53: {  	_ =	shalt  }
0x54: {  	_ =	shalt  }
0x55: {  	_ =	shalt  }
0x56: {  	_ =	shalt  }
0x57: {  	_ =	shalt  }
0x58: {  	_ =	shalt  }
0x59: {  	_ =	shalt  }
0x5a: {  	_ =	shalt  }
0x5b: {  	_ =	shalt  }
0x5c: {  	_ =	shalt  }
0x5d: {  	_ =	shalt  }
0x5e: {  	_ =	shalt  }
0x5f: {  	_ =	shalt  }
0x60: {  	_ =	shalt  }
0x61: {  	_ =	shalt  }
0x62: {  	_ =	shalt  }
0x63: {  	_ =	shalt  }
0x64: {  	_ =	shalt  }
0x65: {  	_ =	shalt  }
0x66: {  	_ =	shalt  }
0x67: {  	_ =	shalt  }
0x68: {  	_ =	shalt  }
0x69: {  	_ =	shalt  }
0x6a: {  	_ =	shalt  }
0x6b: {  	_ =	shalt  }
0x6c: {  	_ =	shalt  }
0x6d: {  	_ =	shalt  }
0x6e: {  	_ =	shalt  }
0x6f: {  	_ =	shalt  }
0x70: {  	_ =	shalt  }
0x71: {  	_ =	shalt  }
0x72: {  	_ =	shalt  }
0x73: {  	_ =	shalt  }
0x74: {  	_ =	shalt  }
0x75: {  	_ =	shalt  }
0x76: {  	_ =	shalt  }
0x77: {  	_ =	shalt  }
0x78: {  	_ =	shalt  }
0x79: {  	_ =	shalt  }
0x7a: {  	_ =	shalt  }
0x7b: {  	_ =	shalt  }
0x7c: {  	_ =	shalt  }
0x7d: {  	_ =	shalt  }
0x7e: {  	_ =	shalt  }
0x7f: {  	_ =	shalt  }
0x80: {  	_ =	shalt  }
0x81: {  	_ =	shalt  }
0x82: {  	_ =	shalt  }
0x83: {  	_ =	shalt  }
0x84: {  	_ =	shalt  }
0x85: {  	_ =	shalt  }
0x86: {  	_ =	shalt  }
0x87: {  	_ =	shalt  }
.Lfunc_end0:
.L_simem_size_0:
called_computation.1_lowered:
.L_overlay_start_0:
0x88: {  	s2 =	sld [smem:$0x3FD9]  }
0x89: {  	s3 =	sld [smem:$0x3FFE];
	_ =	sdelay $0x1  }
0x8a: {  	s1 =	srdreg.scid  }
0x8b: {  	s0 =	sand.u32 $0x1, s1  }
0x8c: {  	s17 =	sshll.u32 s0, $0xA;
	s2 =	sadd.s32 s3, s2  }
0x8d: {  	s2 =	sadd.s32 s2, s17  }
0x8e: {  	[smem:$0x3F96] =	sst s2  }
0x8f: {  	_ = 	snop  }
0x90: {  	s2 =	sld [smem:$0x3FD0];
	(tm) =	ssettm $0x1  }
0x91: {  	s18 =	sld [smem:$0x3FFB];
	_ =	sdelay $0x3  }
0x92: {  	_ =	strace s18  }
0x93: {  	s3 =	sld [smem:$0x3FFC];
	_ =	sdelay $0x3  }
0x94: {  	_ =	strace s3  }
0x95: {  	s3 =	sld [smem:$0x3FFD];
	_ =	sdelay $0x3  }
0x96: {  	_ =	strace s3  }
0x97: {  	_ =	strace $0x8FFFFFFF  }
0x98: {  	s19 =	sld [smem:$0x3FDB];
	_ =	sdelay $0x1  }
0x99: {  	s4 =	simm.s32 $_scs_section_size  }
0x9a: {  	s5 =	simm.s32 $_size__tile_overlayer_lowered;
	s6 =	simm.s32 $_tile_overlayer_lowered  }
0x9b: {  	s22 =	simm.s32 $0x1BFF;
	s21 =	sshll.u32 s6, $0x1;
	s3 =	sadd.s32 s4, s19  }
0x9c: {  	s7 =	simm.s32 $0x0;
	s20 =	sshll.u32 s5, $0x1;
	s5 =	sadd.s32 s21, s3  }
0x9d: {  	[timem:s7], [sflag:s22] =	dma.local [hbm:s5], s20  }
0x9e: {  	_ =	swait.ge [sflag:s22], s20  }
0x9f: {  	s4 =	ssub.s32 $0x0, s20;
	[sflag:s22] =	ssyncset.done $0x0  }
0xa0: {  	[sflag:s22] =	ssyncadd.s32 s4;
	_ =	sdelay $0x1  }
0xa1: {  	s23 =	simm.s32 $0x1B8B  }
0xa2: {  	_ =	swait.ge [sflag:s23], $0x1  }
0xa3: {  	[sflag:s23] =	ssyncset.done $0x0  }
0xa4: {  	s25 =	simm.s32 $0x1B8E;
	s24 =	sld [smem:$0x3FFE];
	[sflag:s23] =	ssyncadd.s32 $0xFFFFFFFF  }
0xa5: {  	s26 =	simm.s32 $execute0_lowered;
	[smem:$0x3FD2] =	sst s25  }
0xa6: {  	s5 =	sshll.u32 s26, $0x1;
	_ =	strace $0x80000046;
	[dreg:$0x1] =	wrdreg $0xFFFFFFFF  }
0xa7: {  	s28 =	simm.s32 $_size_execute0_lowered;
	s3 =	sadd.s32 s3, s5;
	[dreg:$0x0] =	wrdreg $0x0  }
0xa8: {  	s5 =	sshll.u32 s28, $0x1;
	[dreg:$0x2] =	wrdreg s3  }
0xa9: {  	[dreg:$0x3] =	wrdreg s5  }
0xaa: {  	[dreg:$0x4] =	wrdreg $0xC0  }
0xab: {  	_ =	task [dreg:s7], $0x5FFFF  }
0xac: {  	[dreg:$0x1] =	wrdreg $0xFFFFFFFF  }
0xad: {  	[dreg:$0x0] =	wrdreg $0x60  }
0xae: {  	[dreg:$0x2] =	wrdreg s24  }
0xaf: {  	[dreg:$0x3] =	wrdreg s2  }
0xb0: {  	[dreg:$0x4] =	wrdreg $0x40000  }
0xb1: {  	[dreg:$0x5] =	wrdreg $0xA  }
0xb2: {  	_ =	task.clear_ibuf [dreg:s7], $0x6FFFF;
	_ =	strace $0x90000046  }
0xb3: {  	s29 =	simm.s32 $0xA;
	_ =	strace $0x80000048  }
0xb4: {  	_ =	swait.ge [sflag:s29], $0x1  }
0xb5: {  	[sflag:s29] =	ssyncadd.s32 $0xFFFFFFFF  }
0xb6: {  	_ =	strace $0x90000048  }
0xb7: {  	_ =	sfence  }
0xb8: {  	s30 =	sld [smem:$0x0];
	_ =	sdelay $0x2  }
0xb9: {  	s31 =	sshll.u32 s1, $0xD;
	s1 =	sshrl.u32 s1, $0x2  }
0xba: {  	s3 =	sand.u32 $0x4000, s31;
	s1 =	sadd.s32 s1, s30  }
0xbb: {  	s0 =	sor.u32 s3, s0;
	s1 =	sshll.u32 s1, $0x11  }
0xbc: {  	s0 =	sor.u32 s1, s0  }
0xbd: {  	s0 =	sadd.s32 $0x8F2B, s0  }
0xbe: {  	[sflag:s0] =	ssyncadd.remote.s32 $0x1  }
0xbf: {  	_ =	sfence.sel $0xFFFF  }
0xc0: {  	[dreg:$0x0] =	wrdreg $0xFFFFFFFF;
	(pc) =	sbr.abs _section_cstart, $3  }
0xc1: {  	[dreg:$0x1] =	wrdreg $0xFFFFFFFF  }
0xc2: {  	_ =	task.clear_ibuf [dreg:s7], $0x2FFFF;
	_ =	strace $0x9FFFFFFF  }
0xc3: {  	(tm) =	ssettm $0x7FFFFFFF  }
tec
execute0_lowered:
.L_overlay_start_1:
0x0: {  	(tag) =	ssettag $0x1  }
0x1: {  	s5 =	rddreg [dreg:$0x0]  }
0x2: {  	s2 =	rddreg [dreg:$0x1]  }
0x3: {  	s3 =	rddreg [dreg:$0x2]  }
0x4: {  	s1 =	stileid.u32;
	s4 =	simm.s32 $0x0;
	s7 =	srdreg.scid  }
0x5: {  	s18 =	simm.s32 $0x50;
	s19 =	simm.s32 $0x18000;
	s20 =	simm.s32 $0x80  }
0x6: {  	s21 =	simm.s32 $0x1A800;
	s22 =	simm.s32 $0x1;
	s23 =	simm.s32 $0x2  }
0x7: {  	s24 =	simm.s32 $0x3;
	s25 =	simm.s32 $0x4;
	s6 =	smul.u32 $0x2800, s1  }
0x8: {  	s28 =	simm.s32 $0x0;
	[smem:$0x7FF] =	sst s4;
	s9 =	smul.u32 $0x50000, s1  }
0x9: {  	s16 =	sand.u32 $0x1, s7;
	s26 =	sshll.u32 s1, $0xB;
	s11 =	smul.u32 $0x138800, s1  }
0xa: {  	s15 =	smul.u32 $0x27100, s1;
	s13 =	sshll.u32 s1, $0x6;
	_ =	strace $0x80000047  }
0xb: {  	s8 =	ssub.s32 $0x2, s16;
	s10 =	sadd.s32 s26, s5;
	s13 =	sor.u32 $0x1C05, s13  }
0xc: {  	p0 =	seq.s32 s16, $0x0;
	s26 =	simm.s32 $0x3E00;
	s6 =	sadd.s32 s6, s5  }
0xd: {  	s29 =	sshrl.u32 s8, $0x1;
	s5 =	sadd.s32 $0x43600, s5;
	s30 =	sshrl.u32 s9, $0x2  }
.Ltmp0:
0xe: {  	s31 =	sshrl.u32 s11, $0x3;
	s7 =	sadd.s32 $0xB600, s10;
	(pc) =	sbr.rel .LBB2_1-.Ltmp0, $4  }
0xf: {  	s9 =	sadd.s32 $0x13600, s10;
	s11 =	sadd.s32 $0x26200, s15;
	s12 =	ssub.s32 s8, s29  }
0x10: {  	s17 =	sadd.s32 s30, s3;
	s6 =	sadd.s32 $0x1B600, s6;
	s8 =	sadd.s32 $0x26C00, s31  }
0x11: {  	s14 =	sadd.s32 s15, s5;
	s10 =	smax.u32 s12, $0x1;
	s12 =	sadd.s32 $0x26700, s15  }
0x12: {  	s15 =	sadd.s32 s15, s2;
	s16 =	sshrl.u32 s17, $0x3;
	s17 =	simm.s32 $0x5  }
.LBB2_7:
0x13: {  	[tilespmem:s21], [sflag:$0x2] =	stream.indirect.gather [spmem:s3], $0x80, s29, s18, $0xb8;
	[tilespmem:$0x1D000] =	vst v63  }
0x14: {  	s29 =	smov.u32 s2  }
.LBB2_8:
0x15: {  	_ =	swait.ge [sflag:s22], $0x2800  }
0x16: {  	[sflag:s22] =	ssyncset.done $0x0  }
0x17: {  	s0 =	sadd.s32 s29, s11;
	[sflag:s22] =	ssyncadd.s32 $0xFFFFD800  }
0x18: {  	[hbm4b:s0+s4] =	stream.linear.scatter [tilespmem:s19], [sflag:$0x3], $0x2800, $0x38;
	[tilespmem:$0x1D000] =	vst v63  }
0x19: {  	_ =	swait.ge [sflag:s23], $0x2800  }
0x1a: {  	[sflag:s23] =	ssyncset.done $0x0  }
0x1b: {  	s30 =	sadd.s32 s29, s12;
	[sflag:s23] =	ssyncadd.s32 $0xFFFFD800  }
0x1c: {  	[hbm4b:s30+s4] =	stream.linear.scatter [tilespmem:s21], [sflag:$0x4], $0x2800, $0x38;
	[tilespmem:$0x1D000] =	vst v63  }
0x1d: {  	_ =	swait.ge [sflag:s24], $0x2800  }
0x1e: {  	[sflag:s24] =	ssyncset.done $0x0  }
0x1f: {  	[sflag:s24] =	ssyncadd.s32 $0xFFFFD800  }
0x20: {  	_ =	swait.ge [sflag:s25], $0x2800  }
0x21: {  	[sflag:s25] =	ssyncset.done $0x0  }
0x22: {  	[sflag:s25] =	ssyncadd.s32 $0xFFFFD800  }
0x23: {  	[tilespmem:s19], [sflag:$0x1] =	stream.indirect.gather [spmem:s3], $0x80, s26, s18, $0xb8;
	[tilespmem:$0x1D000] =	vst v63  }
0x24: {  	s28 =	sadd.s32 $0x1, s28;
	_ =	swait.ge [sflag:s22], $0x2800  }
0x25: {  	p1 =	sne.s32 s28, s10;
	[sflag:s22] =	ssyncset.done $0x0  }
.Ltmp1:
0x26: {  	s31 =	sadd.s32 s29, s8;
	[sflag:s22] =	ssyncadd.s32 $0xFFFFD800;
	(pc) =	sbr.rel @!p1 .LBB2_9-.Ltmp1, $4  }
0x27: {  	[hbm4b:s31+s4] =	stream.linear.scatter [tilespmem:s19], [sflag:$0x3], $0x2800, $0x38;
	[tilespmem:$0x1D000] =	vst v63  }
0x28: {  	_ =	swait.ge [sflag:s24], $0x2800  }
0x29: {  	[sflag:s24] =	ssyncset.done $0x0  }
0x2a: {  	[sflag:s24] =	ssyncadd.s32 $0xFFFFD800  }
.LBB2_1:
0x2b: {  	[spmem:s16], [sflag:s13] =	dma.local [hbm:s6], $0x2800  }
.Ltmp2:
0x2c: {  	_ =	swait.ge [sflag:s17], $0x2800;
	(pc) =	sbr.rel @!p0 .LBB2_2-.Ltmp2, $4  }
0x2d: {  	[sflag:s17] =	ssyncset.done $0x0  }
0x2e: {  	[sflag:s17] =	ssyncadd.s32 $0xFFFFD800  }
0x2f: {  	[bflag:$0x0] =	sbarrier.arrive $0xFFFF  }
0x30: {  	s29 =	simm.s32 $0x0  }
0x31: {  	[tilespmem:s29], [sflag:$0x5] =	stream.linear.gather [hbm4b:s9+s29], $0x3E80, $0x38;
	[tilespmem:$0x1D000] =	vst v63  }
0x32: {  	_ =	swait.ge [sflag:s17], $0x3E80  }
0x33: {  	[sflag:s17] =	ssyncset.done $0x0  }
0x34: {  	[sflag:s17] =	ssyncadd.s32 $0xFFFFC180  }
0x35: {  	[tilespmem:s19], [sflag:$0x1] =	stream.indirect.gather [spmem:s3], $0x80, s29, s18, $0xb8;
	[tilespmem:$0x1D000] =	vst v63  }
0x36: {  	_ = 	snop  }
0x37: {  	[tilespmem:s21], [sflag:$0x2] =	stream.indirect.gather [spmem:s3], $0x80, s20, s18, $0xb8;
	[tilespmem:$0x1D000] =	vst v63  }
0x38: {  	_ =	swait.ge [sflag:s22], $0x2800  }
0x39: {  	[sflag:s22] =	ssyncset.done $0x0  }
0x3a: {  	s29 =	sadd.s32 $0x0, s15;
	[sflag:s22] =	ssyncadd.s32 $0xFFFFD800  }
0x3b: {  	[hbm4b:s29+s4] =	stream.linear.scatter [tilespmem:s19], [sflag:$0x3], $0x2800, $0x38;
	[tilespmem:$0x1D000] =	vst v63  }
0x3c: {  	_ =	swait.ge [sflag:s23], $0x2800  }
0x3d: {  	[sflag:s23] =	ssyncset.done $0x0  }
0x3e: {  	s29 =	sadd.s32 $0x500, s29;
	[sflag:s23] =	ssyncadd.s32 $0xFFFFD800  }
0x3f: {  	[hbm4b:s29+s4] =	stream.linear.scatter [tilespmem:s21], [sflag:$0x4], $0x2800, $0x38;
	[tilespmem:$0x1D000] =	vst v63  }
0x40: {  	_ =	swait.ge [sflag:s24], $0x2800  }
0x41: {  	[sflag:s24] =	ssyncset.done $0x0  }
0x42: {  	s29 =	simm.s32 $0x100;
	[sflag:s24] =	ssyncadd.s32 $0xFFFFD800  }
0x43: {  	[tilespmem:s19], [sflag:$0x1] =	stream.indirect.gather [spmem:s3], $0x80, s29, s18, $0xb8;
	[tilespmem:$0x1D000] =	vst v63  }
0x44: {  	_ =	swait.ge [sflag:s25], $0x2800  }
0x45: {  	s30 =	simm.s32 $0xA00;
	[sflag:s25] =	ssyncset.done $0x0  }
0x46: {  	s31 =	simm.s32 $0x280;
	s29 =	simm.s32 $0x180;
	[sflag:s25] =	ssyncadd.s32 $0xFFFFD800  }
.LBB2_6:
0x47: {  	[tilespmem:s21], [sflag:$0x2] =	stream.indirect.gather [spmem:s3], $0x80, s29, s18, $0xb8;
	[tilespmem:$0x1D000] =	vst v63  }
0x48: {  	s0 =	smov.u32 s30;
	s29 =	smov.u32 s31  }
0x49: {  	p1 =	seq.s32 s30, $0x25800;
	s30 =	sadd.s32 $0xA00, s30;
	_ =	swait.ge [sflag:s22], $0x2800  }
0x4a: {  	[sflag:s22] =	ssyncset.done $0x0  }
0x4b: {  	s0 =	sadd.s32 s0, s15;
	[sflag:s22] =	ssyncadd.s32 $0xFFFFD800  }
0x4c: {  	[hbm4b:s0+s4] =	stream.linear.scatter [tilespmem:s19], [sflag:$0x3], $0x2800, $0x38;
	[tilespmem:$0x1D000] =	vst v63  }
0x4d: {  	_ =	swait.ge [sflag:s23], $0x2800  }
0x4e: {  	[sflag:s23] =	ssyncset.done $0x0  }
0x4f: {  	s0 =	sadd.s32 $0x500, s0;
	[sflag:s23] =	ssyncadd.s32 $0xFFFFD800  }
0x50: {  	[hbm4b:s0+s4] =	stream.linear.scatter [tilespmem:s21], [sflag:$0x4], $0x2800, $0x38;
	[tilespmem:$0x1D000] =	vst v63  }
0x51: {  	_ =	swait.ge [sflag:s24], $0x2800  }
0x52: {  	[sflag:s24] =	ssyncset.done $0x0  }
.Ltmp3:
0x53: {  	s0 =	sadd.s32 $0xFFFFFF80, s31;
	[sflag:s24] =	ssyncadd.s32 $0xFFFFD800;
	(pc) =	sbr.rel @!p1 .LBB2_6-.Ltmp3, $4  }
0x54: {  	[tilespmem:s19], [sflag:$0x1] =	stream.indirect.gather [spmem:s3], $0x80, s0, s18, $0xb8;
	[tilespmem:$0x1D000] =	vst v63  }
0x55: {  	_ =	swait.ge [sflag:s25], $0x2800  }
0x56: {  	[sflag:s25] =	ssyncset.done $0x0  }
0x57: {  	s31 =	sadd.s32 $0x100, s31;
	[sflag:s25] =	ssyncadd.s32 $0xFFFFD800  }
.Ltmp4:
0x58: {  	_ = 	snop;
	(pc) =	sbr.rel .LBB2_7-.Ltmp4, $1  }
0x59: {  	_ =	sdelay $0x3  }
.LBB2_2:
0x5a: {  	[tilespmem:s29], [sflag:$0x5] =	stream.linear.gather [hbm4b:s7+s29], $0x3E80, $0x38;
	[tilespmem:$0x1D000] =	vst v63  }
0x5b: {  	_ =	swait.ge [sflag:s17], $0x3E80  }
0x5c: {  	[sflag:s17] =	ssyncset.done $0x0  }
0x5d: {  	[sflag:s17] =	ssyncadd.s32 $0xFFFFC180  }
0x5e: {  	[tilespmem:s19], [sflag:$0x1] =	stream.indirect.gather [spmem:s3], $0x80, s29, s18, $0xb8;
	[tilespmem:$0x1D000] =	vst v63  }
0x5f: {  	_ = 	snop  }
0x60: {  	[tilespmem:s21], [sflag:$0x2] =	stream.indirect.gather [spmem:s3], $0x80, s20, s18, $0xb8;
	[tilespmem:$0x1D000] =	vst v63  }
0x61: {  	_ =	swait.ge [sflag:s22], $0x2800  }
0x62: {  	[sflag:s22] =	ssyncset.done $0x0  }
0x63: {  	s0 =	sadd.s32 $0x0, s14;
	[sflag:s22] =	ssyncadd.s32 $0xFFFFD800  }
0x64: {  	[hbm4b:s0+s4] =	stream.linear.scatter [tilespmem:s19], [sflag:$0x3], $0x2800, $0x38;
	[tilespmem:$0x1D000] =	vst v63  }
0x65: {  	_ =	swait.ge [sflag:s23], $0x2800  }
0x66: {  	[sflag:s23] =	ssyncset.done $0x0  }
0x67: {  	s0 =	sadd.s32 $0x500, s0;
	[sflag:s23] =	ssyncadd.s32 $0xFFFFD800  }
0x68: {  	[hbm4b:s0+s4] =	stream.linear.scatter [tilespmem:s21], [sflag:$0x4], $0x2800, $0x38;
	[tilespmem:$0x1D000] =	vst v63  }
0x69: {  	_ =	swait.ge [sflag:s24], $0x2800  }
0x6a: {  	[sflag:s24] =	ssyncset.done $0x0  }
0x6b: {  	s0 =	simm.s32 $0x100;
	[sflag:s24] =	ssyncadd.s32 $0xFFFFD800  }
0x6c: {  	[tilespmem:s19], [sflag:$0x1] =	stream.indirect.gather [spmem:s3], $0x80, s0, s18, $0xb8;
	[tilespmem:$0x1D000] =	vst v63  }
0x6d: {  	_ =	swait.ge [sflag:s25], $0x2800  }
0x6e: {  	s30 =	simm.s32 $0xA00;
	[sflag:s25] =	ssyncset.done $0x0  }
0x6f: {  	s31 =	simm.s32 $0x280;
	s29 =	simm.s32 $0x180;
	[sflag:s25] =	ssyncadd.s32 $0xFFFFD800  }
.LBB2_3:
0x70: {  	[tilespmem:s21], [sflag:$0x2] =	stream.indirect.gather [spmem:s3], $0x80, s29, s18, $0xb8;
	[tilespmem:$0x1D000] =	vst v63  }
0x71: {  	s0 =	smov.u32 s30;
	s29 =	smov.u32 s31  }
0x72: {  	p1 =	sne.s32 s30, $0x25800;
	s30 =	sadd.s32 $0xA00, s30;
	_ =	swait.ge [sflag:s22], $0x2800  }
0x73: {  	[sflag:s22] =	ssyncset.done $0x0  }
0x74: {  	s0 =	sadd.s32 s0, s14;
	[sflag:s22] =	ssyncadd.s32 $0xFFFFD800  }
0x75: {  	[hbm4b:s0+s4] =	stream.linear.scatter [tilespmem:s19], [sflag:$0x3], $0x2800, $0x38;
	[tilespmem:$0x1D000] =	vst v63  }
0x76: {  	_ =	swait.ge [sflag:s23], $0x2800  }
0x77: {  	[sflag:s23] =	ssyncset.done $0x0  }
0x78: {  	s0 =	sadd.s32 $0x500, s0;
	[sflag:s23] =	ssyncadd.s32 $0xFFFFD800  }
0x79: {  	[hbm4b:s0+s4] =	stream.linear.scatter [tilespmem:s21], [sflag:$0x4], $0x2800, $0x38;
	[tilespmem:$0x1D000] =	vst v63  }
0x7a: {  	_ =	swait.ge [sflag:s24], $0x2800  }
0x7b: {  	[sflag:s24] =	ssyncset.done $0x0  }
.Ltmp5:
0x7c: {  	s0 =	sadd.s32 $0xFFFFFF80, s31;
	[sflag:s24] =	ssyncadd.s32 $0xFFFFD800;
	(pc) =	sbr.rel @p1 .LBB2_3-.Ltmp5, $4  }
0x7d: {  	[tilespmem:s19], [sflag:$0x1] =	stream.indirect.gather [spmem:s3], $0x80, s0, s18, $0xb8;
	[tilespmem:$0x1D000] =	vst v63  }
0x7e: {  	_ =	swait.ge [sflag:s25], $0x2800  }
0x7f: {  	[sflag:s25] =	ssyncset.done $0x0  }
0x80: {  	s31 =	sadd.s32 $0x100, s31;
	[sflag:s25] =	ssyncadd.s32 $0xFFFFD800  }
.Ltmp6:
0x81: {  	(pc) =	sbr.rel .LBB2_8-.Ltmp6, $3  }
0x82: {  	_ =	sdelay $0x1  }
0x83: {  	[tilespmem:s21], [sflag:$0x2] =	stream.indirect.gather [spmem:s3], $0x80, s29, s18, $0xb8;
	[tilespmem:$0x1D000] =	vst v63  }
0x84: {  	s29 =	smov.u32 s5  }
.LBB2_9:
0x85: {  	_ =	sfence.sel $0x180000  }
0x86: {  	[bflag:$0x0] =	sbarrier.arrive $0xFFFF  }
0x87: {  	_ =	strace $0x90000047  }
0x88: {  	[bflag:$0x2] =	sbarrier.arrive $0xFFFF  }
0x89: {  	p0 =	sne.s32 s1, $0x0;
	s0 =	rddreg [dreg:$0x3]  }
0x8a: {  	s0 =	sadd.s32 @!p0 $0x100000, s0  }
0x8b: {  	[sflag:s0] =	ssyncadd.tile.s32 @!p0 $0x1;
	_ =	shalt  }
.Lfunc_end2:
_tile_overlayer_lowered:
.L_overlay_start_2:
0x8c: {  	(tag) =	ssettag $0x2  }
0x8d: {  	s0 =	rddreg [dreg:$0x0];
	s2 =	stileid.u32  }
0x8e: {  	s1 =	rddreg [dreg:$0x1];
	p0 =	sne.s32 s2, $0x0  }
0x8f: {  	s3 =	rddreg [dreg:$0x2];
	[bflag:$0x3] =	sbarrier.arrive $0xFFFF;
	s2 =	simm.s32 @!p0 $0x1C05  }
0x90: {  	[timem:s3], [sflag:s2] =	dma.local @!p0 [hbm:s0], s1  }
0x91: {  	s0 =	simm.s32 @!p0 $0x5  }
0x92: {  	_ =	swait.ge @!p0 [sflag:s0], s1  }
0x93: {  	s1 =	ssub.s32 @!p0 $0x0, s1;
	[sflag:s0] =	ssyncset.done @!p0 $0x0  }
0x94: {  	[sflag:s0] =	ssyncadd.s32 @!p0 s1  }
0x95: {  	[bflag:$0x3] =	sbarrier.arrive $0xFFFF  }
0x96: {  	_ =	shalt  }

// kernel: kernel.19.cloned.1.call-start
scs
__scs_entry_jumppad:
0x0: {  	(pc) =	sbr.rel $0x88, $3  }
0x1: {  	(tag) =	ssettag $0x0;
	lr =	simm.s32 $0x1  }
0x2: {  	[smem:$0x3F6F] =	sst lr;
	_ =	strace $0xD0000000  }
0x3: {  	_ = 	snop  }
0x4: {  	_ = 	snop  }
0x5: {  	_ = 	snop  }
0x6: {  	_ = 	snop  }
0x7: {  	_ = 	snop  }
__scs_overlays_trampoline_lowered:
0x8: {  	[smem:$0x3F7E] =	sst s0  }
0x9: {  	[smem:$0x3F7F] =	sst s1  }
0xa: {  	[smem:$0x3F80] =	sst s2  }
0xb: {  	[smem:$0x3F81] =	sst s3  }
0xc: {  	[smem:$0x3F82] =	sst s4  }
0xd: {  	[smem:$0x3F83] =	sst s5  }
0xe: {  	[smem:$0x3F84] =	sst s6  }
0xf: {  	[smem:$0x3F85] =	sst s7  }
0x10: {  	[smem:$0x3F86] =	sst s8  }
0x11: {  	[smem:$0x3F87] =	sst s9;
	s0 =	simm.s32 @!p0 $0x0  }
0x12: {  	s1 =	sld [smem:$0x3F6D];
	s0 =	simm.s32 @p0 $0x1  }
0x13: {  	[smem:$0x3F88] =	sst s0;
	s0 =	simm.s32 @!p1 $0x0  }
0x14: {  	s2 =	sld [smem:$0x3F6C];
	s0 =	simm.s32 @p1 $0x1  }
0x15: {  	[smem:$0x3F89] =	sst s0;
	s0 =	simm.s32 @!p2 $0x0  }
0x16: {  	s3 =	sld [smem:$0x3FDB];
	s0 =	simm.s32 @p2 $0x1  }
0x17: {  	s4 =	simm.s32 $0x1BF5;
	[smem:$0x3F8B] =	sst s0  }
0x18: {  	s0 =	sld [smem:$0x3F6E];
	_ =	swait.ge [sflag:s4], $0x0  }
0x19: {  	s7 =	sld [smem:$0x3F6F]  }
0x1a: {  	s8 =	sadd.s32 $0xFFFFE003, lr  }
0x1b: {  	s9 =	sadd.s32 $0xFFFFFEF7, lr;
	s5 =	simm.s32 $0xFFFFFFFF;
	p2 =	slt.u32 s8, $0xFFFFF086  }
0x1c: {  	p1 =	slt.u32 s9, $0xF7A;
	s5 =	simm.s32 @!p2 $0x0  }
0x1d: {  	s5 =	simm.s32 @p1 $0x1;
	p0 =	seq.s32 s7, s2  }
0x1e: {  	s7 =	smul.u32 @!p0 $0xF7A, s2;
	p2 =	seq.s32 @!p0 s5, $0x0  }
0x1f: {  	s9 =	smul.u32 $0xF7A, s1;
	s8 =	simm.s32 @!p0 $0x1BF5;
	p2 =	por !p2, p0  }
0x20: {  	[sflag:s8] =	ssyncset.s32 @!p0 $0xFFFFF086;
	s6 =	sadd.s32 @!p0 s3, s7;
	s7 =	simm.s32 @!p0 $0x108  }
0x21: {  	s3 =	sadd.s32 s3, s9;
	s6 =	sadd.s32 @!p0 $0x88, s6;
	s7 =	simm.s32 @p2 $0x1082  }
0x22: {  	[simem:s7], [sflag:s8] =	dma.local @!p0 [hbm:s6], $0xF7A  }
0x23: {  	s9 =	sor.u32 $0xD0000000, s2;
	s6 =	simm.s32 $0x108;
	_ =	swait.ge @!p0 [sflag:s8], $0x0  }
0x24: {  	s3 =	sadd.s32 $0x88, s3;
	s6 =	simm.s32 @!p1 $0x1082;
	[sflag:s4] =	ssyncset.s32 $0xFFFFF086  }
0x25: {  	[simem:s6], [sflag:s4] =	dma.local [hbm:s3], $0xF7A  }
0x26: {  	[smem:$0x3F6F] =	sst s1;
	(tag) =	ssettag s2;
	_ =	strace s9  }
0x27: {  	s1 =	sld [smem:$0x3F7F]  }
0x28: {  	s2 =	sld [smem:$0x3F80]  }
0x29: {  	s4 =	sld [smem:$0x3F82]  }
0x2a: {  	p0 =	seq.s32 s5, $0x0;
	s5 =	sld [smem:$0x3F83]  }
0x2b: {  	s6 =	sld [smem:$0x3F84]  }
0x2c: {  	s7 =	sld [smem:$0x3F85]  }
0x2d: {  	s3 =	simm.s32 $0x108;
	s8 =	sld [smem:$0x3F86]  }
0x2e: {  	s3 =	simm.s32 @!p0 $0x1082;
	s9 =	sld [smem:$0x3F87]  }
0x2f: {  	lr =	sadd.s32 s0, s3;
	s0 =	sld [smem:$0x3F7E]  }
0x30: {  	s3 =	sld [smem:$0x3F81]  }
0x31: {  	[smem:$0x3F8A] =	sst s10  }
0x32: {  	s10 =	sld [smem:$0x3F88];
	_ =	sdelay $0x3  }
0x33: {  	p0 =	seq.s32 s10, $0x1;
	s10 =	sld [smem:$0x3F8A];
	_ =	sdelay $0x3  }
0x34: {  	[smem:$0x3F8A] =	sst s10  }
0x35: {  	s10 =	sld [smem:$0x3F89];
	_ =	sdelay $0x3  }
0x36: {  	p1 =	seq.s32 s10, $0x1;
	s10 =	sld [smem:$0x3F8A];
	_ =	sdelay $0x3  }
0x37: {  	[smem:$0x3F8A] =	sst s10  }
0x38: {  	s10 =	sld [smem:$0x3F8B]  }
0x39: {  	_ = 	snop;
	(pc) =	sbr.ind lr, $3  }
0x3a: {  	_ = 	snop  }
0x3b: {  	_ = 	snop  }
0x3c: {  	p2 =	seq.s32 s10, $0x1;
	s10 =	sld [smem:$0x3F8A]  }
0x3d: {  	_ =	shalt  }
0x3e: {  	_ =	shalt  }
0x3f: {  	_ =	shalt  }
0x40: {  	_ =	shalt  }
0x41: {  	_ =	shalt  }
0x42: {  	_ =	shalt  }
0x43: {  	_ =	shalt  }
0x44: {  	_ =	shalt  }
0x45: {  	_ =	shalt  }
0x46: {  	_ =	shalt  }
0x47: {  	_ =	shalt  }
0x48: {  	_ =	shalt  }
0x49: {  	_ =	shalt  }
0x4a: {  	_ =	shalt  }
0x4b: {  	_ =	shalt  }
0x4c: {  	_ =	shalt  }
0x4d: {  	_ =	shalt  }
0x4e: {  	_ =	shalt  }
0x4f: {  	_ =	shalt  }
0x50: {  	_ =	shalt  }
0x51: {  	_ =	shalt  }
0x52: {  	_ =	shalt  }
0x53: {  	_ =	shalt  }
0x54: {  	_ =	shalt  }
0x55: {  	_ =	shalt  }
0x56: {  	_ =	shalt  }
0x57: {  	_ =	shalt  }
0x58: {  	_ =	shalt  }
0x59: {  	_ =	shalt  }
0x5a: {  	_ =	shalt  }
0x5b: {  	_ =	shalt  }
0x5c: {  	_ =	shalt  }
0x5d: {  	_ =	shalt  }
0x5e: {  	_ =	shalt  }
0x5f: {  	_ =	shalt  }
0x60: {  	_ =	shalt  }
0x61: {  	_ =	shalt  }
0x62: {  	_ =	shalt  }
0x63: {  	_ =	shalt  }
0x64: {  	_ =	shalt  }
0x65: {  	_ =	shalt  }
0x66: {  	_ =	shalt  }
0x67: {  	_ =	shalt  }
0x68: {  	_ =	shalt  }
0x69: {  	_ =	shalt  }
0x6a: {  	_ =	shalt  }
0x6b: {  	_ =	shalt  }
0x6c: {  	_ =	shalt  }
0x6d: {  	_ =	shalt  }
0x6e: {  	_ =	shalt  }
0x6f: {  	_ =	shalt  }
0x70: {  	_ =	shalt  }
0x71: {  	_ =	shalt  }
0x72: {  	_ =	shalt  }
0x73: {  	_ =	shalt  }
0x74: {  	_ =	shalt  }
0x75: {  	_ =	shalt  }
0x76: {  	_ =	shalt  }
0x77: {  	_ =	shalt  }
0x78: {  	_ =	shalt  }
0x79: {  	_ =	shalt  }
0x7a: {  	_ =	shalt  }
0x7b: {  	_ =	shalt  }
0x7c: {  	_ =	shalt  }
0x7d: {  	_ =	shalt  }
0x7e: {  	_ =	shalt  }
0x7f: {  	_ =	shalt  }
0x80: {  	_ =	shalt  }
0x81: {  	_ =	shalt  }
0x82: {  	_ =	shalt  }
0x83: {  	_ =	shalt  }
0x84: {  	_ =	shalt  }
0x85: {  	_ =	shalt  }
0x86: {  	_ =	shalt  }
0x87: {  	_ =	shalt  }
.Lfunc_end0:
.L_simem_size_0:
called_computation.2_lowered:
.L_overlay_start_0:
0x88: {  	s2 =	sld [smem:$0x3FD9]  }
0x89: {  	s3 =	sld [smem:$0x3FFE];
	_ =	sdelay $0x1  }
0x8a: {  	s1 =	srdreg.scid  }
0x8b: {  	s0 =	sand.u32 $0x1, s1  }
0x8c: {  	s17 =	sshll.u32 s0, $0xA;
	s2 =	sadd.s32 s3, s2  }
0x8d: {  	s2 =	sadd.s32 s2, s17  }
0x8e: {  	[smem:$0x3F96] =	sst s2  }
0x8f: {  	_ = 	snop  }
0x90: {  	s18 =	sld [smem:$0x3FD0];
	(tm) =	ssettm $0x1  }
0x91: {  	s19 =	sld [smem:$0x3FFB];
	_ =	sdelay $0x3  }
0x92: {  	_ =	strace s19  }
0x93: {  	s2 =	sld [smem:$0x3FFC];
	_ =	sdelay $0x3  }
0x94: {  	_ =	strace s2  }
0x95: {  	s2 =	sld [smem:$0x3FFD];
	_ =	sdelay $0x3  }
0x96: {  	_ =	strace s2  }
0x97: {  	_ =	strace $0x8FFFFFFF  }
0x98: {  	s20 =	sld [smem:$0x3FDB];
	_ =	sdelay $0x1  }
0x99: {  	s4 =	simm.s32 $_scs_section_size  }
0x9a: {  	s5 =	simm.s32 $_size__tile_overlayer_lowered;
	s6 =	simm.s32 $_tile_overlayer_lowered  }
0x9b: {  	s7 =	simm.s32 $0x1BFF;
	s21 =	sshll.u32 s6, $0x1;
	s4 =	sadd.s32 s4, s20  }
0x9c: {  	s22 =	simm.s32 $0x0;
	s5 =	sshll.u32 s5, $0x1;
	s6 =	sadd.s32 s21, s4  }
0x9d: {  	[timem:s22], [sflag:s7] =	dma.local [hbm:s6], s5  }
0x9e: {  	_ =	swait.ge [sflag:s7], s5  }
0x9f: {  	s5 =	ssub.s32 $0x0, s5;
	[sflag:s7] =	ssyncset.done $0x0  }
0xa0: {  	[sflag:s7] =	ssyncadd.s32 s5;
	_ =	sdelay $0x1  }
0xa1: {  	s23 =	simm.s32 $0x1B8B  }
0xa2: {  	_ =	swait.ge [sflag:s23], $0x1  }
0xa3: {  	[sflag:s23] =	ssyncset.done $0x0  }
0xa4: {  	[sflag:s23] =	ssyncadd.s32 $0xFFFFFFFF  }
0xa5: {  	s5 =	sld [smem:$0x0]  }
0xa6: {  	s6 =	sand.u32 $0xFFFFFFFE, s1  }
0xa7: {  	p0 =	sne.s32 s1, s6  }
0xa8: {  	s6 =	sshll.u32 @p0 s6, $0xE  }
0xa9: {  	s6 =	sadd.s32 @p0 $0x11B8D, s6;
	s7 =	sshll.u32 @p0 s5, $0x11  }
0xaa: {  	s6 =	sor.u32 @p0 s7, s6  }
0xab: {  	[sflag:s6] =	ssyncadd.remote.s32 @p0 $0x1;
	_ =	sdelay $0x1  }
0xac: {  	s6 =	simm.s32 @p0 $0x1B8D  }
0xad: {  	_ =	swait.eq @p0 [sflag:s6], $0x1  }
0xae: {  	[sflag:s6] =	ssyncadd.s32 @p0 $0xFFFFFFFF  }
0xaf: {  	s7 =	sshll.u32 @!p0 s1, $0xE  }
0xb0: {  	s7 =	sor.u32 @!p0 $0x4000, s7;
	s6 =	simm.s32 @!p0 $0x1B8D  }
0xb1: {  	s5 =	sshll.u32 @!p0 s5, $0x11;
	s7 =	sadd.s32 @!p0 $0x11B8D, s7;
	_ =	swait.eq @!p0 [sflag:s6], $0x1  }
0xb2: {  	s5 =	sor.u32 @!p0 s5, s7;
	[sflag:s6] =	ssyncadd.s32 @!p0 $0xFFFFFFFF  }
0xb3: {  	s25 =	simm.s32 $0x1B8E;
	s24 =	sld [smem:$0x3FFE];
	[sflag:s5] =	ssyncadd.remote.s32 @!p0 $0x1  }
0xb4: {  	s26 =	simm.s32 $execute0_lowered;
	[smem:$0x3FD2] =	sst s25  }
0xb5: {  	s6 =	sshll.u32 s26, $0x1;
	_ =	strace $0x8000004F;
	[dreg:$0x1] =	wrdreg $0xFFFFFFFF  }
0xb6: {  	s28 =	simm.s32 $_size_execute0_lowered;
	s4 =	sadd.s32 s4, s6;
	[dreg:$0x0] =	wrdreg $0x0  }
0xb7: {  	s6 =	sshll.u32 s28, $0x1;
	[dreg:$0x2] =	wrdreg s4  }
0xb8: {  	[dreg:$0x3] =	wrdreg s6  }
0xb9: {  	[dreg:$0x4] =	wrdreg $0xC0  }
0xba: {  	_ =	task [dreg:s22], $0x5FFFF  }
0xbb: {  	[dreg:$0x1] =	wrdreg $0xFFFFFFFF  }
0xbc: {  	[dreg:$0x0] =	wrdreg $0x60  }
0xbd: {  	[dreg:$0x2] =	wrdreg s18  }
0xbe: {  	[dreg:$0x3] =	wrdreg s24  }
0xbf: {  	[dreg:$0x4] =	wrdreg $0x40000  }
0xc0: {  	[dreg:$0x5] =	wrdreg $0x9  }
0xc1: {  	_ =	task.clear_ibuf [dreg:s22], $0x6FFFF;
	_ =	strace $0x9000004F  }
0xc2: {  	s29 =	simm.s32 $0x9;
	_ =	strace $0x80000051  }
0xc3: {  	_ =	swait.ge [sflag:s29], $0x1  }
0xc4: {  	[sflag:s29] =	ssyncadd.s32 $0xFFFFFFFF  }
0xc5: {  	_ =	strace $0x90000051  }
0xc6: {  	_ =	sfence  }
0xc7: {  	s30 =	sld [smem:$0x0];
	_ =	sdelay $0x2  }
0xc8: {  	s31 =	sshll.u32 s1, $0xD;
	s1 =	sshrl.u32 s1, $0x2  }
0xc9: {  	s4 =	sand.u32 $0x4000, s31;
	s1 =	sadd.s32 s1, s30  }
0xca: {  	s0 =	sor.u32 s4, s0;
	s1 =	sshll.u32 s1, $0x11  }
0xcb: {  	s0 =	sor.u32 s1, s0  }
0xcc: {  	s0 =	sadd.s32 $0x8F2B, s0  }
0xcd: {  	[sflag:s0] =	ssyncadd.remote.s32 $0x1  }
0xce: {  	_ =	sfence.sel $0xFFFF  }
0xcf: {  	[dreg:$0x0] =	wrdreg $0xFFFFFFFF;
	(pc) =	sbr.abs _section_cstart, $3  }
0xd0: {  	[dreg:$0x1] =	wrdreg $0xFFFFFFFF  }
0xd1: {  	_ =	task.clear_ibuf [dreg:s22], $0x2FFFF;
	_ =	strace $0x9FFFFFFF  }
0xd2: {  	(tm) =	ssettm $0x7FFFFFFF  }
0xd3: {  	_ =	shalt  }
tec
execute0_lowered:
.L_overlay_start_1:
0x0: {  	(tag) =	ssettag $0x1  }
0x1: {  	s13 =	rddreg [dreg:$0x0]  }
0x2: {  	s0 =	rddreg [dreg:$0x1]  }
0x3: {  	s3 =	rddreg [dreg:$0x2];
	s4 =	simm.s32 $0x0  }
0x4: {  	s12 =	stileid.u32;
	s2 =	srdreg.scid;
	s28 =	simm.s32 $0x2  }
0x5: {  	s29 =	simm.s32 $0x3;
	s30 =	simm.s32 $0x4;
	s31 =	simm.s32 $0x3D00  }
0x6: {  	[smem:$0x7FF] =	sst s4;
	s1 =	sshll.u32 s12, $0xB;
	s5 =	smul.u32 $0x2800, s12  }
0x7: {  	s6 =	sadd.s32 $0xC88600, s0;
	s2 =	sand.u32 $0x1, s2;
	s7 =	smul.u32 $0x50000, s12  }
0x8: {  	s9 =	sadd.s32 $0xBB600, s0;
	s11 =	smul.u32 $0x138800, s12;
	s24 =	sshll.u32 s12, $0x6  }
0x9: {  	s16 =	smul.u32 $0x27100, s12;
	_ =	strace $0x80000050;
	s1 =	sadd.s32 s1, s0  }
0xa: {  	[dreg:$0x4] =	wrdreg s9;
	s22 =	ssub.s32 $0x2, s2;
	p0 =	sne.s32 s2, $0x0  }
0xb: {  	s2 =	simm.s32 $0x3E00;
	s8 =	sadd.s32 s5, s0;
	s10 =	sshrl.u32 s22, $0x1  }
0xc: {  	s7 =	sshrl.u32 s7, $0x2;
	s0 =	sadd.s32 $0xE3600, s0;
	s11 =	sshrl.u32 s11, $0x3  }
0xd: {  	s26 =	sadd.s32 $0x2BC600, s1;
	s12 =	sadd.s32 s6, s16;
	s15 =	sadd.s32 $0x2B4600, s1  }
0xe: {  	s16 =	sadd.s32 s13, s16;
	s1 =	simm.s32 $0x0;
	[dreg:$0x5] =	wrdreg s0  }
0xf: {  	s23 =	ssub.s32 s22, s10;
	s7 =	sadd.s32 s7, s3;
	s9 =	sadd.s32 $0x43600, s8  }
0x10: {  	s10 =	sor.u32 $0x1C05, s24;
	s25 =	sadd.s32 $0x500, s11;
	[dreg:$0x6] =	wrdreg s26  }
.Ltmp0:
0x11: {  	s19 =	sadd.s32 $0xF00, s12;
	s22 =	simm.s32 $0x5;
	(pc) =	sbr.rel .LBB2_1-.Ltmp0, $4  }
0x12: {  	s24 =	simm.s32 $0x1A800;
	s26 =	simm.s32 $0x50;
	s0 =	simm.s32 $0x3D80  }
0x13: {  	s14 =	sadd.s32 s6, s25;
	s17 =	sadd.s32 s13, s25;
	s18 =	smax.u32 s23, $0x1  }
0x14: {  	s21 =	sshrl.u32 s7, $0x3;
	s23 =	simm.s32 $0x18000;
	s25 =	simm.s32 $0x1  }
0x15: {  	[dreg:$0x7] =	wrdreg s14;
	s14 =	sadd.s32 $0x26C00, s11;
	s11 =	sadd.s32 $0xF00, s16  }
.LBB2_7:
0x16: {  	[tilespmem:s24], [sflag:$0x2] =	stream.linear.gather [hbm4b:s20+s4], $0x2800, $0x38;
	[tilespmem:$0x1D000] =	vst v63  }
0x17: {  	s8 =	smov.u32 s6;
	s7 =	rddreg [dreg:$0x5]  }
.LBB2_8:
0x18: {  	_ =	swait.ge [sflag:s25], $0x2800  }
0x19: {  	[sflag:s25] =	ssyncset.done $0x0  }
0x1a: {  	[sflag:s25] =	ssyncadd.s32 $0xFFFFD800  }
0x1b: {  	[spmem:s3] =	stream.indirect.scatter.add.f32 [tilespmem:s23], [sflag:$0x3], $0x80, s31, s26, $0xb8;
	[tilespmem:$0x1D000] =	vst v63  }
0x1c: {  	_ =	swait.ge [sflag:s28], $0x2800  }
0x1d: {  	[sflag:s28] =	ssyncset.done $0x0  }
0x1e: {  	[sflag:s28] =	ssyncadd.s32 $0xFFFFD800  }
0x1f: {  	[spmem:s3] =	stream.indirect.scatter.add.f32 [tilespmem:s24], [sflag:$0x4], $0x80, s0, s26, $0xb8;
	[tilespmem:$0x1D000] =	vst v63  }
0x20: {  	_ =	swait.ge [sflag:s29], $0x2800  }
0x21: {  	[sflag:s29] =	ssyncset.done $0x0  }
0x22: {  	[sflag:s29] =	ssyncadd.s32 $0xFFFFD800  }
0x23: {  	_ =	swait.ge [sflag:s30], $0x2800  }
0x24: {  	[sflag:s30] =	ssyncset.done $0x0  }
0x25: {  	s8 =	sadd.s32 s8, s14;
	[sflag:s30] =	ssyncadd.s32 $0xFFFFD800  }
0x26: {  	[tilespmem:s23], [sflag:$0x1] =	stream.linear.gather [hbm4b:s8+s4], $0x2800, $0x38;
	[tilespmem:$0x1D000] =	vst v63  }
0x27: {  	_ =	swait.ge [sflag:s25], $0x2800  }
0x28: {  	[sflag:s25] =	ssyncset.done $0x0  }
0x29: {  	[sflag:s25] =	ssyncadd.s32 $0xFFFFD800  }
0x2a: {  	[spmem:s3] =	stream.indirect.scatter.add.f32 [tilespmem:s23], [sflag:$0x3], $0x80, s2, s26, $0xb8;
	[tilespmem:$0x1D000] =	vst v63  }
0x2b: {  	_ =	swait.ge [sflag:s29], $0x2800  }
0x2c: {  	s1 =	sadd.s32 $0x1, s1;
	[sflag:s29] =	ssyncset.done $0x0  }
0x2d: {  	p1 =	sne.s32 s1, s18;
	[sflag:s29] =	ssyncadd.s32 $0xFFFFD800  }
.Ltmp1:
0x2e: {  	s7 =	sadd.s32 s7, s5;
	[bflag:$0x0] =	sbarrier.arrive $0xFFFF;
	(pc) =	sbr.rel @!p1 .LBB2_9-.Ltmp1, $4  }
0x2f: {  	[hbm:s7], [sflag:s10] =	dma.local [spmem:s21], $0x2800  }
0x30: {  	_ =	swait.ge [sflag:s22], $0x2800  }
0x31: {  	[sflag:s22] =	ssyncset.done $0x0  }
0x32: {  	[sflag:s22] =	ssyncadd.s32 $0xFFFFD800  }
.LBB2_1:
0x33: {  	[spmem:s21], [sflag:s10] =	dma.local [hbm:s9], $0x2800  }
.Ltmp2:
0x34: {  	_ =	swait.ge [sflag:s22], $0x2800;
	(pc) =	sbr.rel @p0 .LBB2_5-.Ltmp2, $4  }
0x35: {  	[sflag:s22] =	ssyncset.done $0x0  }
0x36: {  	[sflag:s22] =	ssyncadd.s32 $0xFFFFD800  }
0x37: {  	[bflag:$0x0] =	sbarrier.arrive $0xFFFF  }
0x38: {  	s7 =	simm.s32 $0x0  }
0x39: {  	[tilespmem:s7], [sflag:$0x5] =	stream.linear.gather [hbm4b:s15+s7], $0x3E80, $0x38;
	[tilespmem:$0x1D000] =	vst v63  }
0x3a: {  	_ =	swait.ge [sflag:s22], $0x3E80  }
0x3b: {  	[sflag:s22] =	ssyncset.done $0x0  }
0x3c: {  	[sflag:s22] =	ssyncadd.s32 $0xFFFFC180  }
0x3d: {  	[tilespmem:s23], [sflag:$0x1] =	stream.linear.gather [hbm4b:s16+s7], $0x2800, $0x38;
	[tilespmem:$0x1D000] =	vst v63  }
0x3e: {  	_ = 	snop  }
0x3f: {  	[tilespmem:s24], [sflag:$0x2] =	stream.linear.gather [hbm4b:s17+s7], $0x2800, $0x38;
	[tilespmem:$0x1D000] =	vst v63  }
0x40: {  	_ =	swait.ge [sflag:s25], $0x2800  }
0x41: {  	[sflag:s25] =	ssyncset.done $0x0  }
0x42: {  	s8 =	simm.s32 $0x0;
	[sflag:s25] =	ssyncadd.s32 $0xFFFFD800  }
0x43: {  	[spmem:s3] =	stream.indirect.scatter.add.f32 [tilespmem:s23], [sflag:$0x3], $0x80, s8, s26, $0xb8;
	[tilespmem:$0x1D000] =	vst v63  }
0x44: {  	_ =	swait.ge [sflag:s28], $0x2800  }
0x45: {  	[sflag:s28] =	ssyncset.done $0x0  }
0x46: {  	s13 =	simm.s32 $0x80;
	[sflag:s28] =	ssyncadd.s32 $0xFFFFD800  }
0x47: {  	[spmem:s3] =	stream.indirect.scatter.add.f32 [tilespmem:s24], [sflag:$0x4], $0x80, s13, s26, $0xb8;
	[tilespmem:$0x1D000] =	vst v63  }
0x48: {  	_ =	swait.ge [sflag:s29], $0x2800  }
0x49: {  	[sflag:s29] =	ssyncset.done $0x0  }
0x4a: {  	s20 =	sadd.s32 $0xFFFFFB00, s11;
	[sflag:s29] =	ssyncadd.s32 $0xFFFFD800  }
0x4b: {  	[tilespmem:s23], [sflag:$0x1] =	stream.linear.gather [hbm4b:s20+s4], $0x2800, $0x38;
	[tilespmem:$0x1D000] =	vst v63  }
0x4c: {  	_ =	swait.ge [sflag:s30], $0x2800  }
0x4d: {  	s7 =	simm.s32 $0x400;
	[sflag:s30] =	ssyncset.done $0x0  }
0x4e: {  	s8 =	sadd.s32 $0xA00, s11;
	s20 =	smov.u32 s11;
	[sflag:s30] =	ssyncadd.s32 $0xFFFFD800  }
.LBB2_3:
0x4f: {  	[tilespmem:s24], [sflag:$0x2] =	stream.linear.gather [hbm4b:s20+s4], $0x2800, $0x38;
	[tilespmem:$0x1D000] =	vst v63  }
0x50: {  	s13 =	smov.u32 s7;
	s20 =	smov.u32 s8  }
0x51: {  	p1 =	seq.s32 s7, $0xF000;
	s7 =	sadd.s32 $0x400, s7;
	_ =	swait.ge [sflag:s25], $0x2800  }
0x52: {  	[sflag:s25] =	ssyncset.done $0x0  }
0x53: {  	s13 =	sshra.s32 s13, $0x2;
	[sflag:s25] =	ssyncadd.s32 $0xFFFFD800  }
0x54: {  	[spmem:s3] =	stream.indirect.scatter.add.f32 [tilespmem:s23], [sflag:$0x3], $0x80, s13, s26, $0xb8;
	[tilespmem:$0x1D000] =	vst v63  }
0x55: {  	_ =	swait.ge [sflag:s28], $0x2800  }
0x56: {  	[sflag:s28] =	ssyncset.done $0x0  }
0x57: {  	s13 =	sadd.s32 $0x80, s13;
	[sflag:s28] =	ssyncadd.s32 $0xFFFFD800  }
0x58: {  	[spmem:s3] =	stream.indirect.scatter.add.f32 [tilespmem:s24], [sflag:$0x4], $0x80, s13, s26, $0xb8;
	[tilespmem:$0x1D000] =	vst v63  }
0x59: {  	_ =	swait.ge [sflag:s29], $0x2800  }
0x5a: {  	[sflag:s29] =	ssyncset.done $0x0  }
.Ltmp3:
0x5b: {  	s13 =	sadd.s32 $0xFFFFFB00, s8;
	[sflag:s29] =	ssyncadd.s32 $0xFFFFD800;
	(pc) =	sbr.rel @!p1 .LBB2_3-.Ltmp3, $4  }
0x5c: {  	[tilespmem:s23], [sflag:$0x1] =	stream.linear.gather [hbm4b:s13+s4], $0x2800, $0x38;
	[tilespmem:$0x1D000] =	vst v63  }
0x5d: {  	_ =	swait.ge [sflag:s30], $0x2800  }
0x5e: {  	[sflag:s30] =	ssyncset.done $0x0  }
0x5f: {  	s8 =	sadd.s32 $0xA00, s8;
	[sflag:s30] =	ssyncadd.s32 $0xFFFFD800  }
.Ltmp4:
0x60: {  	(pc) =	sbr.rel .LBB2_8-.Ltmp4, $4  }
0x61: {  	_ = 	snop  }
0x62: {  	[tilespmem:s24], [sflag:$0x2] =	stream.linear.gather [hbm4b:s20+s4], $0x2800, $0x38;
	[tilespmem:$0x1D000] =	vst v63  }
0x63: {  	s8 =	rddreg [dreg:$0x0]  }
0x64: {  	s7 =	rddreg [dreg:$0x4]  }
.LBB2_5:
0x65: {  	s8 =	rddreg [dreg:$0x6]  }
0x66: {  	[tilespmem:s7], [sflag:$0x5] =	stream.linear.gather [hbm4b:s8+s7], $0x3E80, $0x38;
	[tilespmem:$0x1D000] =	vst v63  }
0x67: {  	_ =	swait.ge [sflag:s22], $0x3E80  }
0x68: {  	[sflag:s22] =	ssyncset.done $0x0  }
0x69: {  	[sflag:s22] =	ssyncadd.s32 $0xFFFFC180  }
0x6a: {  	[tilespmem:s23], [sflag:$0x1] =	stream.linear.gather [hbm4b:s12+s7], $0x2800, $0x38;
	[tilespmem:$0x1D000] =	vst v63  }
0x6b: {  	s20 =	rddreg [dreg:$0x7]  }
0x6c: {  	[tilespmem:s24], [sflag:$0x2] =	stream.linear.gather [hbm4b:s20+s7], $0x2800, $0x38;
	[tilespmem:$0x1D000] =	vst v63  }
0x6d: {  	_ =	swait.ge [sflag:s25], $0x2800  }
0x6e: {  	[sflag:s25] =	ssyncset.done $0x0  }
0x6f: {  	s8 =	simm.s32 $0x0;
	[sflag:s25] =	ssyncadd.s32 $0xFFFFD800  }
0x70: {  	[spmem:s3] =	stream.indirect.scatter.add.f32 [tilespmem:s23], [sflag:$0x3], $0x80, s8, s26, $0xb8;
	[tilespmem:$0x1D000] =	vst v63  }
0x71: {  	_ =	swait.ge [sflag:s28], $0x2800  }
0x72: {  	[sflag:s28] =	ssyncset.done $0x0  }
0x73: {  	s13 =	simm.s32 $0x80;
	[sflag:s28] =	ssyncadd.s32 $0xFFFFD800  }
0x74: {  	[spmem:s3] =	stream.indirect.scatter.add.f32 [tilespmem:s24], [sflag:$0x4], $0x80, s13, s26, $0xb8;
	[tilespmem:$0x1D000] =	vst v63  }
0x75: {  	_ =	swait.ge [sflag:s29], $0x2800  }
0x76: {  	[sflag:s29] =	ssyncset.done $0x0  }
0x77: {  	s20 =	sadd.s32 $0xFFFFFB00, s19;
	[sflag:s29] =	ssyncadd.s32 $0xFFFFD800  }
0x78: {  	[tilespmem:s23], [sflag:$0x1] =	stream.linear.gather [hbm4b:s20+s4], $0x2800, $0x38;
	[tilespmem:$0x1D000] =	vst v63  }
0x79: {  	_ =	swait.ge [sflag:s30], $0x2800  }
0x7a: {  	s7 =	simm.s32 $0x400;
	[sflag:s30] =	ssyncset.done $0x0  }
0x7b: {  	s8 =	sadd.s32 $0xA00, s19;
	s20 =	smov.u32 s19;
	[sflag:s30] =	ssyncadd.s32 $0xFFFFD800  }
.LBB2_6:
0x7c: {  	[tilespmem:s24], [sflag:$0x2] =	stream.linear.gather [hbm4b:s20+s4], $0x2800, $0x38;
	[tilespmem:$0x1D000] =	vst v63  }
0x7d: {  	s13 =	smov.u32 s7;
	s20 =	smov.u32 s8  }
0x7e: {  	p1 =	sne.s32 s7, $0xF000;
	s7 =	sadd.s32 $0x400, s7;
	_ =	swait.ge [sflag:s25], $0x2800  }
0x7f: {  	[sflag:s25] =	ssyncset.done $0x0  }
0x80: {  	s13 =	sshra.s32 s13, $0x2;
	[sflag:s25] =	ssyncadd.s32 $0xFFFFD800  }
0x81: {  	[spmem:s3] =	stream.indirect.scatter.add.f32 [tilespmem:s23], [sflag:$0x3], $0x80, s13, s26, $0xb8;
	[tilespmem:$0x1D000] =	vst v63  }
0x82: {  	_ =	swait.ge [sflag:s28], $0x2800  }
0x83: {  	[sflag:s28] =	ssyncset.done $0x0  }
0x84: {  	s13 =	sadd.s32 $0x80, s13;
	[sflag:s28] =	ssyncadd.s32 $0xFFFFD800  }
0x85: {  	[spmem:s3] =	stream.indirect.scatter.add.f32 [tilespmem:s24], [sflag:$0x4], $0x80, s13, s26, $0xb8;
	[tilespmem:$0x1D000] =	vst v63  }
0x86: {  	_ =	swait.ge [sflag:s29], $0x2800  }
0x87: {  	[sflag:s29] =	ssyncset.done $0x0  }
.Ltmp5:
0x88: {  	s13 =	sadd.s32 $0xFFFFFB00, s8;
	[sflag:s29] =	ssyncadd.s32 $0xFFFFD800;
	(pc) =	sbr.rel @p1 .LBB2_6-.Ltmp5, $4  }
0x89: {  	[tilespmem:s23], [sflag:$0x1] =	stream.linear.gather [hbm4b:s13+s4], $0x2800, $0x38;
	[tilespmem:$0x1D000] =	vst v63  }
0x8a: {  	_ =	swait.ge [sflag:s30], $0x2800  }
0x8b: {  	[sflag:s30] =	ssyncset.done $0x0  }
0x8c: {  	s8 =	sadd.s32 $0xA00, s8;
	[sflag:s30] =	ssyncadd.s32 $0xFFFFD800  }
.Ltmp6:
0x8d: {  	_ = 	snop;
	(pc) =	sbr.rel .LBB2_7-.Ltmp6, $1  }
0x8e: {  	_ =	sdelay $0x3  }
.LBB2_9:
0x8f: {  	_ =	sfence.sel $0x180000  }
0x90: {  	[bflag:$0x0] =	sbarrier.arrive $0xFFFF  }
0x91: {  	_ =	strace $0x90000050  }
0x92: {  	s0 =	stileid.u32;
	[bflag:$0x2] =	sbarrier.arrive $0xFFFF  }
0x93: {  	p0 =	sne.s32 s0, $0x0;
	s0 =	rddreg [dreg:$0x3]  }
0x94: {  	s0 =	sadd.s32 @!p0 $0x100000, s0  }
0x95: {  	[sflag:s0] =	ssyncadd.tile.s32 @!p0 $0x1;
	_ =	shalt  }
.Lfunc_end2:
_tile_overlayer_lowered:
.L_overlay_start_2:
0x96: {  	(tag) =	ssettag $0x2  }
0x97: {  	s0 =	rddreg [dreg:$0x0];
	s2 =	stileid.u32  }
0x98: {  	s1 =	rddreg [dreg:$0x1];
	p0 =	sne.s32 s2, $0x0  }
0x99: {  	s3 =	rddreg [dreg:$0x2];
	[bflag:$0x3] =	sbarrier.arrive $0xFFFF;
	s2 =	simm.s32 @!p0 $0x1C05  }
0x9a: {  	[timem:s3], [sflag:s2] =	dma.local @!p0 [hbm:s0], s1  }
0x9b: {  	s0 =	simm.s32 @!p0 $0x5  }
0x9c: {  	_ =	swait.ge @!p0 [sflag:s0], s1  }
0x9d: {  	s1 =	ssub.s32 @!p0 $0x0, s1;
	[sflag:s0] =	ssyncset.done @!p0 $0x0  }
0x9e: {  	[sflag:s0] =	ssyncadd.s32 @!p0 s1  }
0x9f: {  	[bflag:$0x3] =	sbarrier.arrive $0xFFFF  }
0xa0: {  	_ =	shalt  }

// kernel: kernel.22.cloned.1.call-start
scs
__scs_entry_jumppad:
0x0: {  	(pc) =	sbr.rel $0x88, $3  }
0x1: {  	(tag) =	ssettag $0x0;
	lr =	simm.s32 $0x1  }
0x2: {  	[smem:$0x3F6F] =	sst lr;
	_ =	strace $0xD0000000  }
0x3: {  	_ = 	snop  }
0x4: {  	_ = 	snop  }
0x5: {  	_ = 	snop  }
0x6: {  	_ = 	snop  }
0x7: {  	_ = 	snop  }
__scs_overlays_trampoline_lowered:
0x8: {  	[smem:$0x3F7E] =	sst s0  }
0x9: {  	[smem:$0x3F7F] =	sst s1  }
0xa: {  	[smem:$0x3F80] =	sst s2  }
0xb: {  	[smem:$0x3F81] =	sst s3  }
0xc: {  	[smem:$0x3F82] =	sst s4  }
0xd: {  	[smem:$0x3F83] =	sst s5  }
0xe: {  	[smem:$0x3F84] =	sst s6  }
0xf: {  	[smem:$0x3F85] =	sst s7  }
0x10: {  	[smem:$0x3F86] =	sst s8  }
0x11: {  	[smem:$0x3F87] =	sst s9;
	s0 =	simm.s32 @!p0 $0x0  }
0x12: {  	s1 =	sld [smem:$0x3F6D];
	s0 =	simm.s32 @p0 $0x1  }
0x13: {  	[smem:$0x3F88] =	sst s0;
	s0 =	simm.s32 @!p1 $0x0  }
0x14: {  	s2 =	sld [smem:$0x3F6C];
	s0 =	simm.s32 @p1 $0x1  }
0x15: {  	[smem:$0x3F89] =	sst s0;
	s0 =	simm.s32 @!p2 $0x0  }
0x16: {  	s3 =	sld [smem:$0x3FDB];
	s0 =	simm.s32 @p2 $0x1  }
0x17: {  	s4 =	simm.s32 $0x1BF5;
	[smem:$0x3F8B] =	sst s0  }
0x18: {  	s0 =	sld [smem:$0x3F6E];
	_ =	swait.ge [sflag:s4], $0x0  }
0x19: {  	s7 =	sld [smem:$0x3F6F]  }
0x1a: {  	s8 =	sadd.s32 $0xFFFFE003, lr  }
0x1b: {  	s9 =	sadd.s32 $0xFFFFFEF7, lr;
	s5 =	simm.s32 $0xFFFFFFFF;
	p2 =	slt.u32 s8, $0xFFFFF086  }
0x1c: {  	p1 =	slt.u32 s9, $0xF7A;
	s5 =	simm.s32 @!p2 $0x0  }
0x1d: {  	s5 =	simm.s32 @p1 $0x1;
	p0 =	seq.s32 s7, s2  }
0x1e: {  	s7 =	smul.u32 @!p0 $0xF7A, s2;
	p2 =	seq.s32 @!p0 s5, $0x0  }
0x1f: {  	s9 =	smul.u32 $0xF7A, s1;
	s8 =	simm.s32 @!p0 $0x1BF5;
	p2 =	por !p2, p0  }
0x20: {  	[sflag:s8] =	ssyncset.s32 @!p0 $0xFFFFF086;
	s6 =	sadd.s32 @!p0 s3, s7;
	s7 =	simm.s32 @!p0 $0x108  }
0x21: {  	s3 =	sadd.s32 s3, s9;
	s6 =	sadd.s32 @!p0 $0x88, s6;
	s7 =	simm.s32 @p2 $0x1082  }
0x22: {  	[simem:s7], [sflag:s8] =	dma.local @!p0 [hbm:s6], $0xF7A  }
0x23: {  	s9 =	sor.u32 $0xD0000000, s2;
	s6 =	simm.s32 $0x108;
	_ =	swait.ge @!p0 [sflag:s8], $0x0  }
0x24: {  	s3 =	sadd.s32 $0x88, s3;
	s6 =	simm.s32 @!p1 $0x1082;
	[sflag:s4] =	ssyncset.s32 $0xFFFFF086  }
0x25: {  	[simem:s6], [sflag:s4] =	dma.local [hbm:s3], $0xF7A  }
0x26: {  	[smem:$0x3F6F] =	sst s1;
	(tag) =	ssettag s2;
	_ =	strace s9  }
0x27: {  	s1 =	sld [smem:$0x3F7F]  }
0x28: {  	s2 =	sld [smem:$0x3F80]  }
0x29: {  	s4 =	sld [smem:$0x3F82]  }
0x2a: {  	p0 =	seq.s32 s5, $0x0;
	s5 =	sld [smem:$0x3F83]  }
0x2b: {  	s6 =	sld [smem:$0x3F84]  }
0x2c: {  	s7 =	sld [smem:$0x3F85]  }
0x2d: {  	s3 =	simm.s32 $0x108;
	s8 =	sld [smem:$0x3F86]  }
0x2e: {  	s3 =	simm.s32 @!p0 $0x1082;
	s9 =	sld [smem:$0x3F87]  }
0x2f: {  	lr =	sadd.s32 s0, s3;
	s0 =	sld [smem:$0x3F7E]  }
0x30: {  	s3 =	sld [smem:$0x3F81]  }
0x31: {  	[smem:$0x3F8A] =	sst s10  }
0x32: {  	s10 =	sld [smem:$0x3F88];
	_ =	sdelay $0x3  }
0x33: {  	p0 =	seq.s32 s10, $0x1;
	s10 =	sld [smem:$0x3F8A];
	_ =	sdelay $0x3  }
0x34: {  	[smem:$0x3F8A] =	sst s10  }
0x35: {  	s10 =	sld [smem:$0x3F89];
	_ =	sdelay $0x3  }
0x36: {  	p1 =	seq.s32 s10, $0x1;
	s10 =	sld [smem:$0x3F8A];
	_ =	sdelay $0x3  }
0x37: {  	[smem:$0x3F8A] =	sst s10  }
0x38: {  	s10 =	sld [smem:$0x3F8B]  }
0x39: {  	_ = 	snop;
	(pc) =	sbr.ind lr, $3  }
0x3a: {  	_ = 	snop  }
0x3b: {  	_ = 	snop  }
0x3c: {  	p2 =	seq.s32 s10, $0x1;
	s10 =	sld [smem:$0x3F8A]  }
0x3d: {  	_ =	shalt  }
0x3e: {  	_ =	shalt  }
0x3f: {  	_ =	shalt  }
0x40: {  	_ =	shalt  }
0x41: {  	_ =	shalt  }
0x42: {  	_ =	shalt  }
0x43: {  	_ =	shalt  }
0x44: {  	_ =	shalt  }
0x45: {  	_ =	shalt  }
0x46: {  	_ =	shalt  }
0x47: {  	_ =	shalt  }
0x48: {  	_ =	shalt  }
0x49: {  	_ =	shalt  }
0x4a: {  	_ =	shalt  }
0x4b: {  	_ =	shalt  }
0x4c: {  	_ =	shalt  }
0x4d: {  	_ =	shalt  }
0x4e: {  	_ =	shalt  }
0x4f: {  	_ =	shalt  }
0x50: {  	_ =	shalt  }
0x51: {  	_ =	shalt  }
0x52: {  	_ =	shalt  }
0x53: {  	_ =	shalt  }
0x54: {  	_ =	shalt  }
0x55: {  	_ =	shalt  }
0x56: {  	_ =	shalt  }
0x57: {  	_ =	shalt  }
0x58: {  	_ =	shalt  }
0x59: {  	_ =	shalt  }
0x5a: {  	_ =	shalt  }
0x5b: {  	_ =	shalt  }
0x5c: {  	_ =	shalt  }
0x5d: {  	_ =	shalt  }
0x5e: {  	_ =	shalt  }
0x5f: {  	_ =	shalt  }
0x60: {  	_ =	shalt  }
0x61: {  	_ =	shalt  }
0x62: {  	_ =	shalt  }
0x63: {  	_ =	shalt  }
0x64: {  	_ =	shalt  }
0x65: {  	_ =	shalt  }
0x66: {  	_ =	shalt  }
0x67: {  	_ =	shalt  }
0x68: {  	_ =	shalt  }
0x69: {  	_ =	shalt  }
0x6a: {  	_ =	shalt  }
0x6b: {  	_ =	shalt  }
0x6c: {  	_ =	shalt  }
0x6d: {  	_ =	shalt  }
0x6e: {  	_ =	shalt  }
0x6f: {  	_ =	shalt  }
0x70: {  	_ =	shalt  }
0x71: {  	_ =	shalt  }
0x72: {  	_ =	shalt  }
0x73: {  	_ =	shalt  }
0x74: {  	_ =	shalt  }
0x75: {  	_ =	shalt  }
0x76: {  	_ =	shalt  }
0x77: {  	_ =	shalt  }
0x78: {  	_ =	shalt  }
0x79: {  	_ =	shalt  }
0x7a: {  	_ =	shalt  }
0x7b: {  	_ =	shalt  }
0x7c: {  	_ =	shalt  }
0x7d: {  	_ =	shalt  }
0x7e: {  	_ =	shalt  }
0x7f: {  	_ =	shalt  }
0x80: {  	_ =	shalt  }
0x81: {  	_ =	shalt  }
0x82: {  	_ =	shalt  }
0x83: {  	_ =	shalt  }
0x84: {  	_ =	shalt  }
0x85: {  	_ =	shalt  }
0x86: {  	_ =	shalt  }
0x87: {  	_ =	shalt  }
.Lfunc_end0:
.L_simem_size_0:
called_computation.3_lowered:
.L_overlay_start_0:
0x88: {  	s2 =	sld [smem:$0x3FD9]  }
0x89: {  	s3 =	sld [smem:$0x3FFE];
	_ =	sdelay $0x1  }
0x8a: {  	s1 =	srdreg.scid  }
0x8b: {  	s0 =	sand.u32 $0x1, s1  }
0x8c: {  	s17 =	sshll.u32 s0, $0xA;
	s2 =	sadd.s32 s3, s2  }
0x8d: {  	s2 =	sadd.s32 s2, s17  }
0x8e: {  	[smem:$0x3F96] =	sst s2  }
0x8f: {  	_ = 	snop  }
0x90: {  	(tm) =	ssettm $0x1  }
0x91: {  	s18 =	sld [smem:$0x3FFB];
	_ =	sdelay $0x3  }
0x92: {  	_ =	strace s18  }
0x93: {  	s2 =	sld [smem:$0x3FFC];
	_ =	sdelay $0x3  }
0x94: {  	_ =	strace s2  }
0x95: {  	s2 =	sld [smem:$0x3FFD];
	_ =	sdelay $0x3  }
0x96: {  	_ =	strace s2  }
0x97: {  	_ =	strace $0x8FFFFFFF  }
0x98: {  	s19 =	sld [smem:$0x3FDB];
	_ =	sdelay $0x1  }
0x99: {  	s20 =	simm.s32 $_scs_section_size  }
0x9a: {  	s4 =	simm.s32 $_size__tile_overlayer_lowered;
	s5 =	simm.s32 $_tile_overlayer_lowered  }
0x9b: {  	s6 =	simm.s32 $0x1BFF;
	s21 =	sshll.u32 s5, $0x1;
	s3 =	sadd.s32 s20, s19  }
0x9c: {  	s22 =	simm.s32 $0x0;
	s4 =	sshll.u32 s4, $0x1;
	s5 =	sadd.s32 s21, s3  }
0x9d: {  	[timem:s22], [sflag:s6] =	dma.local [hbm:s5], s4  }
0x9e: {  	_ =	swait.ge [sflag:s6], s4  }
0x9f: {  	s4 =	ssub.s32 $0x0, s4;
	[sflag:s6] =	ssyncset.done $0x0  }
0xa0: {  	[sflag:s6] =	ssyncadd.s32 s4;
	_ =	sdelay $0x1  }
0xa1: {  	s23 =	simm.s32 $0x1B8B  }
0xa2: {  	_ =	swait.ge [sflag:s23], $0x1  }
0xa3: {  	[sflag:s23] =	ssyncset.done $0x0  }
0xa4: {  	[sflag:s23] =	ssyncadd.s32 $0xFFFFFFFF  }
0xa5: {  	s4 =	sld [smem:$0x0]  }
0xa6: {  	s5 =	sand.u32 $0xFFFFFFFE, s1  }
0xa7: {  	p0 =	sne.s32 s1, s5  }
0xa8: {  	s5 =	sshll.u32 @p0 s5, $0xE  }
0xa9: {  	s5 =	sadd.s32 @p0 $0x11B8D, s5;
	s6 =	sshll.u32 @p0 s4, $0x11  }
0xaa: {  	s5 =	sor.u32 @p0 s6, s5  }
0xab: {  	[sflag:s5] =	ssyncadd.remote.s32 @p0 $0x1;
	_ =	sdelay $0x1  }
0xac: {  	s5 =	simm.s32 @p0 $0x1B8D  }
0xad: {  	_ =	swait.eq @p0 [sflag:s5], $0x1  }
0xae: {  	[sflag:s5] =	ssyncadd.s32 @p0 $0xFFFFFFFF  }
0xaf: {  	s6 =	sshll.u32 @!p0 s1, $0xE  }
0xb0: {  	s6 =	sor.u32 @!p0 $0x4000, s6;
	s5 =	simm.s32 @!p0 $0x1B8D  }
0xb1: {  	s4 =	sshll.u32 @!p0 s4, $0x11;
	s6 =	sadd.s32 @!p0 $0x11B8D, s6;
	_ =	swait.eq @!p0 [sflag:s5], $0x1  }
0xb2: {  	s4 =	sor.u32 @!p0 s4, s6;
	[sflag:s5] =	ssyncadd.s32 @!p0 $0xFFFFFFFF  }
0xb3: {  	s25 =	simm.s32 $0x1B8E;
	s24 =	sld [smem:$0x3FFE];
	[sflag:s4] =	ssyncadd.remote.s32 @!p0 $0x1  }
0xb4: {  	s26 =	simm.s32 $execute0_lowered;
	[smem:$0x3FD2] =	sst s25  }
0xb5: {  	s5 =	sshll.u32 s26, $0x1;
	_ =	strace $0x8000004C;
	[dreg:$0x1] =	wrdreg $0xFFFFFFFF  }
0xb6: {  	s28 =	simm.s32 $_size_execute0_lowered;
	s3 =	sadd.s32 s3, s5;
	[dreg:$0x0] =	wrdreg $0x0  }
0xb7: {  	s5 =	sshll.u32 s28, $0x1;
	[dreg:$0x2] =	wrdreg s3  }
0xb8: {  	[dreg:$0x3] =	wrdreg s5  }
0xb9: {  	[dreg:$0x4] =	wrdreg $0xC0  }
0xba: {  	_ =	task [dreg:s22], $0x5FFFF  }
0xbb: {  	[dreg:$0x1] =	wrdreg $0xFFFFFFFF  }
0xbc: {  	[dreg:$0x0] =	wrdreg $0x60  }
0xbd: {  	[dreg:$0x2] =	wrdreg s24  }
0xbe: {  	[dreg:$0x3] =	wrdreg $0x40000  }
0xbf: {  	[dreg:$0x4] =	wrdreg $0xA  }
0xc0: {  	_ =	task.clear_ibuf [dreg:s22], $0x5FFFF;
	_ =	strace $0x9000004C  }
0xc1: {  	s29 =	simm.s32 $0xA;
	_ =	strace $0x8000004E  }
0xc2: {  	_ =	swait.ge [sflag:s29], $0x1  }
0xc3: {  	[sflag:s29] =	ssyncadd.s32 $0xFFFFFFFF  }
0xc4: {  	_ =	strace $0x9000004E  }
0xc5: {  	_ =	sfence  }
0xc6: {  	s30 =	sld [smem:$0x0];
	_ =	sdelay $0x2  }
0xc7: {  	s31 =	sshll.u32 s1, $0xD;
	s1 =	sshrl.u32 s1, $0x2  }
0xc8: {  	s4 =	sand.u32 $0x4000, s31;
	s1 =	sadd.s32 s1, s30  }
0xc9: {  	s0 =	sor.u32 s4, s0;
	s1 =	sshll.u32 s1, $0x11  }
0xca: {  	s0 =	sor.u32 s1, s0  }
0xcb: {  	s0 =	sadd.s32 $0x8F2B, s0  }
0xcc: {  	[sflag:s0] =	ssyncadd.remote.s32 $0x1  }
0xcd: {  	_ =	sfence.sel $0xFFFF  }
0xce: {  	[dreg:$0x0] =	wrdreg $0xFFFFFFFF;
	(pc) =	sbr.abs _section_cstart, $3  }
0xcf: {  	[dreg:$0x1] =	wrdreg $0xFFFFFFFF  }
0xd0: {  	_ =	task.clear_ibuf [dreg:s22], $0x2FFFF;
	_ =	strace $0x9FFFFFFF  }
0xd1: {  	(tm) =	ssettm $0x7FFFFFFF  }
tec
execute0_lowered:
.L_overlay_start_1:
0x0: {  	(tag) =	ssettag $0x1  }
0x1: {  	s0 =	rddreg [dreg:$0x0]  }
0x2: {  	s1 =	rddreg [dreg:$0x1]  }
0x3: {  	s3 =	simm.s32 $0x0;
	s13 =	stileid.u32;
	s7 =	srdreg.scid  }
0x4: {  	s28 =	simm.s32 $0x2;
	s29 =	simm.s32 $0x3;
	s30 =	simm.s32 $0x4  }
0x5: {  	s31 =	simm.s32 $0x3D00;
	[smem:$0x7FF] =	sst s3;
	s5 =	smul.u32 $0x2800, s13  }
0x6: {  	s4 =	sadd.s32 $0x7A6600, s0;
	s2 =	sshll.u32 s13, $0xB;
	s8 =	smul.u32 $0x50000, s13  }
0x7: {  	s6 =	sadd.s32 $0xA17600, s0;
	s7 =	sand.u32 $0x1, s7;
	s12 =	smul.u32 $0x138800, s13  }
0x8: {  	s10 =	sadd.s32 $0x6B600, s0;
	s23 =	sshll.u32 s13, $0x6;
	s24 =	smul.u32 $0x27100, s13  }
0x9: {  	_ =	strace $0x8000004D;
	s2 =	sadd.s32 s2, s0;
	[dreg:$0x3] =	wrdreg s10  }
0xa: {  	s21 =	ssub.s32 $0x2, s7;
	s10 =	sor.u32 $0x1C05, s23;
	p0 =	sne.s32 s7, $0x0  }
0xb: {  	s23 =	simm.s32 $0x18000;
	s7 =	simm.s32 $0x0;
	s9 =	sadd.s32 s5, s0  }
0xc: {  	s11 =	sshrl.u32 s21, $0x1;
	s8 =	sshrl.u32 s8, $0x2;
	s0 =	sadd.s32 $0x93600, s0  }
0xd: {  	s25 =	sshrl.u32 s12, $0x3;
	s26 =	sadd.s32 $0x13600, s2;
	s12 =	sadd.s32 s6, s24  }
0xe: {  	s2 =	sadd.s32 $0xB600, s2;
	s16 =	sadd.s32 s4, s24;
	s24 =	simm.s32 $0x1A800  }
0xf: {  	[dreg:$0x4] =	wrdreg s0;
	s22 =	ssub.s32 s21, s11;
	s8 =	sadd.s32 s8, s1  }
0x10: {  	s9 =	sadd.s32 $0x43600, s9;
	s17 =	sadd.s32 $0x500, s25;
	[dreg:$0x5] =	wrdreg s26  }
.Ltmp0:
0x11: {  	[dreg:$0x7] =	wrdreg s2;
	s19 =	sadd.s32 $0xF00, s12;
	(pc) =	sbr.rel .LBB2_1-.Ltmp0, $4  }
0x12: {  	s13 =	sadd.s32 $0xF00, s16;
	s26 =	simm.s32 $0x50;
	s0 =	simm.s32 $0x3D80  }
0x13: {  	s2 =	simm.s32 $0x3E00;
	s14 =	sadd.s32 s6, s17;
	s17 =	sadd.s32 s4, s17  }
0x14: {  	s18 =	smax.u32 s22, $0x1;
	s21 =	sshrl.u32 s8, $0x3;
	s22 =	simm.s32 $0x5  }
0x15: {  	[dreg:$0x6] =	wrdreg s14;
	s14 =	sadd.s32 $0x26C00, s25;
	s25 =	simm.s32 $0x1  }
.LBB2_7:
0x16: {  	[tilespmem:s24], [sflag:$0x2] =	stream.linear.gather [hbm4b:s20+s3], $0x2800, $0x38;
	[tilespmem:$0x1D000] =	vst v63  }
0x17: {  	s11 =	smov.u32 s6;
	s8 =	rddreg [dreg:$0x4]  }
.LBB2_8:
0x18: {  	_ =	swait.ge [sflag:s25], $0x2800  }
0x19: {  	[sflag:s25] =	ssyncset.done $0x0  }
0x1a: {  	[sflag:s25] =	ssyncadd.s32 $0xFFFFD800  }
0x1b: {  	[spmem:s1] =	stream.indirect.scatter.add.f32 [tilespmem:s23], [sflag:$0x3], $0x80, s31, s26, $0xb8;
	[tilespmem:$0x1D000] =	vst v63  }
0x1c: {  	_ =	swait.ge [sflag:s28], $0x2800  }
0x1d: {  	[sflag:s28] =	ssyncset.done $0x0  }
0x1e: {  	[sflag:s28] =	ssyncadd.s32 $0xFFFFD800  }
0x1f: {  	[spmem:s1] =	stream.indirect.scatter.add.f32 [tilespmem:s24], [sflag:$0x4], $0x80, s0, s26, $0xb8;
	[tilespmem:$0x1D000] =	vst v63  }
0x20: {  	_ =	swait.ge [sflag:s29], $0x2800  }
0x21: {  	[sflag:s29] =	ssyncset.done $0x0  }
0x22: {  	[sflag:s29] =	ssyncadd.s32 $0xFFFFD800  }
0x23: {  	_ =	swait.ge [sflag:s30], $0x2800  }
0x24: {  	[sflag:s30] =	ssyncset.done $0x0  }
0x25: {  	s11 =	sadd.s32 s11, s14;
	[sflag:s30] =	ssyncadd.s32 $0xFFFFD800  }
0x26: {  	[tilespmem:s23], [sflag:$0x1] =	stream.linear.gather [hbm4b:s11+s3], $0x2800, $0x38;
	[tilespmem:$0x1D000] =	vst v63  }
0x27: {  	_ =	swait.ge [sflag:s25], $0x2800  }
0x28: {  	[sflag:s25] =	ssyncset.done $0x0  }
0x29: {  	[sflag:s25] =	ssyncadd.s32 $0xFFFFD800  }
0x2a: {  	[spmem:s1] =	stream.indirect.scatter.add.f32 [tilespmem:s23], [sflag:$0x3], $0x80, s2, s26, $0xb8;
	[tilespmem:$0x1D000] =	vst v63  }
0x2b: {  	_ =	swait.ge [sflag:s29], $0x2800  }
0x2c: {  	s7 =	sadd.s32 $0x1, s7;
	[sflag:s29] =	ssyncset.done $0x0  }
0x2d: {  	p1 =	sne.s32 s7, s18;
	[sflag:s29] =	ssyncadd.s32 $0xFFFFD800  }
.Ltmp1:
0x2e: {  	s8 =	sadd.s32 s8, s5;
	[bflag:$0x0] =	sbarrier.arrive $0xFFFF;
	(pc) =	sbr.rel @!p1 .LBB2_9-.Ltmp1, $4  }
0x2f: {  	[hbm:s8], [sflag:s10] =	dma.local [spmem:s21], $0x2800  }
0x30: {  	_ =	swait.ge [sflag:s22], $0x2800  }
0x31: {  	[sflag:s22] =	ssyncset.done $0x0  }
0x32: {  	[sflag:s22] =	ssyncadd.s32 $0xFFFFD800  }
.LBB2_1:
0x33: {  	[spmem:s21], [sflag:s10] =	dma.local [hbm:s9], $0x2800  }
.Ltmp2:
0x34: {  	_ =	swait.ge [sflag:s22], $0x2800;
	(pc) =	sbr.rel @p0 .LBB2_5-.Ltmp2, $4  }
0x35: {  	[sflag:s22] =	ssyncset.done $0x0  }
0x36: {  	[sflag:s22] =	ssyncadd.s32 $0xFFFFD800  }
0x37: {  	[bflag:$0x0] =	sbarrier.arrive $0xFFFF  }
0x38: {  	s8 =	simm.s32 $0x0  }
0x39: {  	s11 =	rddreg [dreg:$0x7]  }
0x3a: {  	[tilespmem:s8], [sflag:$0x5] =	stream.linear.gather [hbm4b:s11+s8], $0x3E80, $0x38;
	[tilespmem:$0x1D000] =	vst v63  }
0x3b: {  	_ =	swait.ge [sflag:s22], $0x3E80  }
0x3c: {  	[sflag:s22] =	ssyncset.done $0x0  }
0x3d: {  	[sflag:s22] =	ssyncadd.s32 $0xFFFFC180  }
0x3e: {  	[tilespmem:s23], [sflag:$0x1] =	stream.linear.gather [hbm4b:s16+s8], $0x2800, $0x38;
	[tilespmem:$0x1D000] =	vst v63  }
0x3f: {  	_ = 	snop  }
0x40: {  	[tilespmem:s24], [sflag:$0x2] =	stream.linear.gather [hbm4b:s17+s8], $0x2800, $0x38;
	[tilespmem:$0x1D000] =	vst v63  }
0x41: {  	_ =	swait.ge [sflag:s25], $0x2800  }
0x42: {  	[sflag:s25] =	ssyncset.done $0x0  }
0x43: {  	s11 =	simm.s32 $0x0;
	[sflag:s25] =	ssyncadd.s32 $0xFFFFD800  }
0x44: {  	[spmem:s1] =	stream.indirect.scatter.add.f32 [tilespmem:s23], [sflag:$0x3], $0x80, s11, s26, $0xb8;
	[tilespmem:$0x1D000] =	vst v63  }
0x45: {  	_ =	swait.ge [sflag:s28], $0x2800  }
0x46: {  	[sflag:s28] =	ssyncset.done $0x0  }
0x47: {  	s15 =	simm.s32 $0x80;
	[sflag:s28] =	ssyncadd.s32 $0xFFFFD800  }
0x48: {  	[spmem:s1] =	stream.indirect.scatter.add.f32 [tilespmem:s24], [sflag:$0x4], $0x80, s15, s26, $0xb8;
	[tilespmem:$0x1D000] =	vst v63  }
0x49: {  	_ =	swait.ge [sflag:s29], $0x2800  }
0x4a: {  	[sflag:s29] =	ssyncset.done $0x0  }
0x4b: {  	s20 =	sadd.s32 $0xFFFFFB00, s13;
	[sflag:s29] =	ssyncadd.s32 $0xFFFFD800  }
0x4c: {  	[tilespmem:s23], [sflag:$0x1] =	stream.linear.gather [hbm4b:s20+s3], $0x2800, $0x38;
	[tilespmem:$0x1D000] =	vst v63  }
0x4d: {  	_ =	swait.ge [sflag:s30], $0x2800  }
0x4e: {  	s8 =	simm.s32 $0x400;
	[sflag:s30] =	ssyncset.done $0x0  }
0x4f: {  	s11 =	sadd.s32 $0xA00, s13;
	s20 =	smov.u32 s13;
	[sflag:s30] =	ssyncadd.s32 $0xFFFFD800  }
.LBB2_3:
0x50: {  	[tilespmem:s24], [sflag:$0x2] =	stream.linear.gather [hbm4b:s20+s3], $0x2800, $0x38;
	[tilespmem:$0x1D000] =	vst v63  }
0x51: {  	s15 =	smov.u32 s8;
	s20 =	smov.u32 s11  }
0x52: {  	p1 =	seq.s32 s8, $0xF000;
	s8 =	sadd.s32 $0x400, s8;
	_ =	swait.ge [sflag:s25], $0x2800  }
0x53: {  	[sflag:s25] =	ssyncset.done $0x0  }
0x54: {  	s15 =	sshra.s32 s15, $0x2;
	[sflag:s25] =	ssyncadd.s32 $0xFFFFD800  }
0x55: {  	[spmem:s1] =	stream.indirect.scatter.add.f32 [tilespmem:s23], [sflag:$0x3], $0x80, s15, s26, $0xb8;
	[tilespmem:$0x1D000] =	vst v63  }
0x56: {  	_ =	swait.ge [sflag:s28], $0x2800  }
0x57: {  	[sflag:s28] =	ssyncset.done $0x0  }
0x58: {  	s15 =	sadd.s32 $0x80, s15;
	[sflag:s28] =	ssyncadd.s32 $0xFFFFD800  }
0x59: {  	[spmem:s1] =	stream.indirect.scatter.add.f32 [tilespmem:s24], [sflag:$0x4], $0x80, s15, s26, $0xb8;
	[tilespmem:$0x1D000] =	vst v63  }
0x5a: {  	_ =	swait.ge [sflag:s29], $0x2800  }
0x5b: {  	[sflag:s29] =	ssyncset.done $0x0  }
.Ltmp3:
0x5c: {  	s15 =	sadd.s32 $0xFFFFFB00, s11;
	[sflag:s29] =	ssyncadd.s32 $0xFFFFD800;
	(pc) =	sbr.rel @!p1 .LBB2_3-.Ltmp3, $4  }
0x5d: {  	[tilespmem:s23], [sflag:$0x1] =	stream.linear.gather [hbm4b:s15+s3], $0x2800, $0x38;
	[tilespmem:$0x1D000] =	vst v63  }
0x5e: {  	_ =	swait.ge [sflag:s30], $0x2800  }
0x5f: {  	[sflag:s30] =	ssyncset.done $0x0  }
0x60: {  	s11 =	sadd.s32 $0xA00, s11;
	[sflag:s30] =	ssyncadd.s32 $0xFFFFD800  }
.Ltmp4:
0x61: {  	(pc) =	sbr.rel .LBB2_8-.Ltmp4, $3  }
0x62: {  	_ =	sdelay $0x1  }
0x63: {  	[tilespmem:s24], [sflag:$0x2] =	stream.linear.gather [hbm4b:s20+s3], $0x2800, $0x38;
	[tilespmem:$0x1D000] =	vst v63  }
0x64: {  	s11 =	smov.u32 s4;
	s8 =	rddreg [dreg:$0x3]  }
.LBB2_5:
0x65: {  	s11 =	rddreg [dreg:$0x5]  }
0x66: {  	[tilespmem:s8], [sflag:$0x5] =	stream.linear.gather [hbm4b:s11+s8], $0x3E80, $0x38;
	[tilespmem:$0x1D000] =	vst v63  }
0x67: {  	_ =	swait.ge [sflag:s22], $0x3E80  }
0x68: {  	[sflag:s22] =	ssyncset.done $0x0  }
0x69: {  	[sflag:s22] =	ssyncadd.s32 $0xFFFFC180  }
0x6a: {  	[tilespmem:s23], [sflag:$0x1] =	stream.linear.gather [hbm4b:s12+s8], $0x2800, $0x38;
	[tilespmem:$0x1D000] =	vst v63  }
0x6b: {  	s20 =	rddreg [dreg:$0x6]  }
0x6c: {  	[tilespmem:s24], [sflag:$0x2] =	stream.linear.gather [hbm4b:s20+s8], $0x2800, $0x38;
	[tilespmem:$0x1D000] =	vst v63  }
0x6d: {  	_ =	swait.ge [sflag:s25], $0x2800  }
0x6e: {  	[sflag:s25] =	ssyncset.done $0x0  }
0x6f: {  	s11 =	simm.s32 $0x0;
	[sflag:s25] =	ssyncadd.s32 $0xFFFFD800  }
0x70: {  	[spmem:s1] =	stream.indirect.scatter.add.f32 [tilespmem:s23], [sflag:$0x3], $0x80, s11, s26, $0xb8;
	[tilespmem:$0x1D000] =	vst v63  }
0x71: {  	_ =	swait.ge [sflag:s28], $0x2800  }
0x72: {  	[sflag:s28] =	ssyncset.done $0x0  }
0x73: {  	s15 =	simm.s32 $0x80;
	[sflag:s28] =	ssyncadd.s32 $0xFFFFD800  }
0x74: {  	[spmem:s1] =	stream.indirect.scatter.add.f32 [tilespmem:s24], [sflag:$0x4], $0x80, s15, s26, $0xb8;
	[tilespmem:$0x1D000] =	vst v63  }
0x75: {  	_ =	swait.ge [sflag:s29], $0x2800  }
0x76: {  	[sflag:s29] =	ssyncset.done $0x0  }
0x77: {  	s20 =	sadd.s32 $0xFFFFFB00, s19;
	[sflag:s29] =	ssyncadd.s32 $0xFFFFD800  }
0x78: {  	[tilespmem:s23], [sflag:$0x1] =	stream.linear.gather [hbm4b:s20+s3], $0x2800, $0x38;
	[tilespmem:$0x1D000] =	vst v63  }
0x79: {  	_ =	swait.ge [sflag:s30], $0x2800  }
0x7a: {  	s8 =	simm.s32 $0x400;
	[sflag:s30] =	ssyncset.done $0x0  }
0x7b: {  	s11 =	sadd.s32 $0xA00, s19;
	s20 =	smov.u32 s19;
	[sflag:s30] =	ssyncadd.s32 $0xFFFFD800  }
.LBB2_6:
0x7c: {  	[tilespmem:s24], [sflag:$0x2] =	stream.linear.gather [hbm4b:s20+s3], $0x2800, $0x38;
	[tilespmem:$0x1D000] =	vst v63  }
0x7d: {  	s15 =	smov.u32 s8;
	s20 =	smov.u32 s11  }
0x7e: {  	p1 =	sne.s32 s8, $0xF000;
	s8 =	sadd.s32 $0x400, s8;
	_ =	swait.ge [sflag:s25], $0x2800  }
0x7f: {  	[sflag:s25] =	ssyncset.done $0x0  }
0x80: {  	s15 =	sshra.s32 s15, $0x2;
	[sflag:s25] =	ssyncadd.s32 $0xFFFFD800  }
0x81: {  	[spmem:s1] =	stream.indirect.scatter.add.f32 [tilespmem:s23], [sflag:$0x3], $0x80, s15, s26, $0xb8;
	[tilespmem:$0x1D000] =	vst v63  }
0x82: {  	_ =	swait.ge [sflag:s28], $0x2800  }
0x83: {  	[sflag:s28] =	ssyncset.done $0x0  }
0x84: {  	s15 =	sadd.s32 $0x80, s15;
	[sflag:s28] =	ssyncadd.s32 $0xFFFFD800  }
0x85: {  	[spmem:s1] =	stream.indirect.scatter.add.f32 [tilespmem:s24], [sflag:$0x4], $0x80, s15, s26, $0xb8;
	[tilespmem:$0x1D000] =	vst v63  }
0x86: {  	_ =	swait.ge [sflag:s29], $0x2800  }
0x87: {  	[sflag:s29] =	ssyncset.done $0x0  }
.Ltmp5:
0x88: {  	s15 =	sadd.s32 $0xFFFFFB00, s11;
	[sflag:s29] =	ssyncadd.s32 $0xFFFFD800;
	(pc) =	sbr.rel @p1 .LBB2_6-.Ltmp5, $4  }
0x89: {  	[tilespmem:s23], [sflag:$0x1] =	stream.linear.gather [hbm4b:s15+s3], $0x2800, $0x38;
	[tilespmem:$0x1D000] =	vst v63  }
0x8a: {  	_ =	swait.ge [sflag:s30], $0x2800  }
0x8b: {  	[sflag:s30] =	ssyncset.done $0x0  }
0x8c: {  	s11 =	sadd.s32 $0xA00, s11;
	[sflag:s30] =	ssyncadd.s32 $0xFFFFD800  }
.Ltmp6:
0x8d: {  	_ = 	snop;
	(pc) =	sbr.rel .LBB2_7-.Ltmp6, $1  }
0x8e: {  	_ =	sdelay $0x3  }
.LBB2_9:
0x8f: {  	_ =	sfence.sel $0x180000  }
0x90: {  	[bflag:$0x0] =	sbarrier.arrive $0xFFFF  }
0x91: {  	_ =	strace $0x9000004D  }
0x92: {  	s0 =	stileid.u32;
	[bflag:$0x2] =	sbarrier.arrive $0xFFFF  }
0x93: {  	p0 =	sne.s32 s0, $0x0;
	s0 =	rddreg [dreg:$0x2]  }
0x94: {  	s0 =	sadd.s32 @!p0 $0x100000, s0  }
0x95: {  	[sflag:s0] =	ssyncadd.tile.s32 @!p0 $0x1;
	_ =	shalt  }
.Lfunc_end2:
_tile_overlayer_lowered:
.L_overlay_start_2:
0x96: {  	(tag) =	ssettag $0x2  }
0x97: {  	s0 =	rddreg [dreg:$0x0];
	s2 =	stileid.u32  }
0x98: {  	s1 =	rddreg [dreg:$0x1];
	p0 =	sne.s32 s2, $0x0  }
0x99: {  	s3 =	rddreg [dreg:$0x2];
	[bflag:$0x3] =	sbarrier.arrive $0xFFFF;
	s2 =	simm.s32 @!p0 $0x1C05  }
0x9a: {  	[timem:s3], [sflag:s2] =	dma.local @!p0 [hbm:s0], s1  }
0x9b: {  	s0 =	simm.s32 @!p0 $0x5  }
0x9c: {  	_ =	swait.ge @!p0 [sflag:s0], s1  }
0x9d: {  	s1 =	ssub.s32 @!p0 $0x0, s1;
	[sflag:s0] =	ssyncset.done @!p0 $0x0  }
0x9e: {  	[sflag:s0] =	ssyncadd.s32 @!p0 s1  }
0x9f: {  	[bflag:$0x3] =	sbarrier.arrive $0xFFFF  }
0xa0: {  	_ =	shalt  }

// kernel: kernel.25.cloned.1.call-start
scs
__scs_entry_jumppad:
0x0: {  	(pc) =	sbr.rel $0x88, $3  }
0x1: {  	(tag) =	ssettag $0x0;
	lr =	simm.s32 $0x1  }
0x2: {  	[smem:$0x3F6F] =	sst lr;
	_ =	strace $0xD0000000  }
0x3: {  	_ = 	snop  }
0x4: {  	_ = 	snop  }
0x5: {  	_ = 	snop  }
0x6: {  	_ = 	snop  }
0x7: {  	_ = 	snop  }
__scs_overlays_trampoline_lowered:
0x8: {  	[smem:$0x3F7E] =	sst s0  }
0x9: {  	[smem:$0x3F7F] =	sst s1  }
0xa: {  	[smem:$0x3F80] =	sst s2  }
0xb: {  	[smem:$0x3F81] =	sst s3  }
0xc: {  	[smem:$0x3F82] =	sst s4  }
0xd: {  	[smem:$0x3F83] =	sst s5  }
0xe: {  	[smem:$0x3F84] =	sst s6  }
0xf: {  	[smem:$0x3F85] =	sst s7  }
0x10: {  	[smem:$0x3F86] =	sst s8  }
0x11: {  	[smem:$0x3F87] =	sst s9;
	s0 =	simm.s32 @!p0 $0x0  }
0x12: {  	s1 =	sld [smem:$0x3F6D];
	s0 =	simm.s32 @p0 $0x1  }
0x13: {  	[smem:$0x3F88] =	sst s0;
	s0 =	simm.s32 @!p1 $0x0  }
0x14: {  	s2 =	sld [smem:$0x3F6C];
	s0 =	simm.s32 @p1 $0x1  }
0x15: {  	[smem:$0x3F89] =	sst s0;
	s0 =	simm.s32 @!p2 $0x0  }
0x16: {  	s3 =	sld [smem:$0x3FDB];
	s0 =	simm.s32 @p2 $0x1  }
0x17: {  	s4 =	simm.s32 $0x1BF5;
	[smem:$0x3F8B] =	sst s0  }
0x18: {  	s0 =	sld [smem:$0x3F6E];
	_ =	swait.ge [sflag:s4], $0x0  }
0x19: {  	s7 =	sld [smem:$0x3F6F]  }
0x1a: {  	s8 =	sadd.s32 $0xFFFFE003, lr  }
0x1b: {  	s9 =	sadd.s32 $0xFFFFFEF7, lr;
	s5 =	simm.s32 $0xFFFFFFFF;
	p2 =	slt.u32 s8, $0xFFFFF086  }
0x1c: {  	p1 =	slt.u32 s9, $0xF7A;
	s5 =	simm.s32 @!p2 $0x0  }
0x1d: {  	s5 =	simm.s32 @p1 $0x1;
	p0 =	seq.s32 s7, s2  }
0x1e: {  	s7 =	smul.u32 @!p0 $0xF7A, s2;
	p2 =	seq.s32 @!p0 s5, $0x0  }
0x1f: {  	s9 =	smul.u32 $0xF7A, s1;
	s8 =	simm.s32 @!p0 $0x1BF5;
	p2 =	por !p2, p0  }
0x20: {  	[sflag:s8] =	ssyncset.s32 @!p0 $0xFFFFF086;
	s6 =	sadd.s32 @!p0 s3, s7;
	s7 =	simm.s32 @!p0 $0x108  }
0x21: {  	s3 =	sadd.s32 s3, s9;
	s6 =	sadd.s32 @!p0 $0x88, s6;
	s7 =	simm.s32 @p2 $0x1082  }
0x22: {  	[simem:s7], [sflag:s8] =	dma.local @!p0 [hbm:s6], $0xF7A  }
0x23: {  	s9 =	sor.u32 $0xD0000000, s2;
	s6 =	simm.s32 $0x108;
	_ =	swait.ge @!p0 [sflag:s8], $0x0  }
0x24: {  	s3 =	sadd.s32 $0x88, s3;
	s6 =	simm.s32 @!p1 $0x1082;
	[sflag:s4] =	ssyncset.s32 $0xFFFFF086  }
0x25: {  	[simem:s6], [sflag:s4] =	dma.local [hbm:s3], $0xF7A  }
0x26: {  	[smem:$0x3F6F] =	sst s1;
	(tag) =	ssettag s2;
	_ =	strace s9  }
0x27: {  	s1 =	sld [smem:$0x3F7F]  }
0x28: {  	s2 =	sld [smem:$0x3F80]  }
0x29: {  	s4 =	sld [smem:$0x3F82]  }
0x2a: {  	p0 =	seq.s32 s5, $0x0;
	s5 =	sld [smem:$0x3F83]  }
0x2b: {  	s6 =	sld [smem:$0x3F84]  }
0x2c: {  	s7 =	sld [smem:$0x3F85]  }
0x2d: {  	s3 =	simm.s32 $0x108;
	s8 =	sld [smem:$0x3F86]  }
0x2e: {  	s3 =	simm.s32 @!p0 $0x1082;
	s9 =	sld [smem:$0x3F87]  }
0x2f: {  	lr =	sadd.s32 s0, s3;
	s0 =	sld [smem:$0x3F7E]  }
0x30: {  	s3 =	sld [smem:$0x3F81]  }
0x31: {  	[smem:$0x3F8A] =	sst s10  }
0x32: {  	s10 =	sld [smem:$0x3F88];
	_ =	sdelay $0x3  }
0x33: {  	p0 =	seq.s32 s10, $0x1;
	s10 =	sld [smem:$0x3F8A];
	_ =	sdelay $0x3  }
0x34: {  	[smem:$0x3F8A] =	sst s10  }
0x35: {  	s10 =	sld [smem:$0x3F89];
	_ =	sdelay $0x3  }
0x36: {  	p1 =	seq.s32 s10, $0x1;
	s10 =	sld [smem:$0x3F8A];
	_ =	sdelay $0x3  }
0x37: {  	[smem:$0x3F8A] =	sst s10  }
0x38: {  	s10 =	sld [smem:$0x3F8B]  }
0x39: {  	_ = 	snop;
	(pc) =	sbr.ind lr, $3  }
0x3a: {  	_ = 	snop  }
0x3b: {  	_ = 	snop  }
0x3c: {  	p2 =	seq.s32 s10, $0x1;
	s10 =	sld [smem:$0x3F8A]  }
0x3d: {  	_ =	shalt  }
0x3e: {  	_ =	shalt  }
0x3f: {  	_ =	shalt  }
0x40: {  	_ =	shalt  }
0x41: {  	_ =	shalt  }
0x42: {  	_ =	shalt  }
0x43: {  	_ =	shalt  }
0x44: {  	_ =	shalt  }
0x45: {  	_ =	shalt  }
0x46: {  	_ =	shalt  }
0x47: {  	_ =	shalt  }
0x48: {  	_ =	shalt  }
0x49: {  	_ =	shalt  }
0x4a: {  	_ =	shalt  }
0x4b: {  	_ =	shalt  }
0x4c: {  	_ =	shalt  }
0x4d: {  	_ =	shalt  }
0x4e: {  	_ =	shalt  }
0x4f: {  	_ =	shalt  }
0x50: {  	_ =	shalt  }
0x51: {  	_ =	shalt  }
0x52: {  	_ =	shalt  }
0x53: {  	_ =	shalt  }
0x54: {  	_ =	shalt  }
0x55: {  	_ =	shalt  }
0x56: {  	_ =	shalt  }
0x57: {  	_ =	shalt  }
0x58: {  	_ =	shalt  }
0x59: {  	_ =	shalt  }
0x5a: {  	_ =	shalt  }
0x5b: {  	_ =	shalt  }
0x5c: {  	_ =	shalt  }
0x5d: {  	_ =	shalt  }
0x5e: {  	_ =	shalt  }
0x5f: {  	_ =	shalt  }
0x60: {  	_ =	shalt  }
0x61: {  	_ =	shalt  }
0x62: {  	_ =	shalt  }
0x63: {  	_ =	shalt  }
0x64: {  	_ =	shalt  }
0x65: {  	_ =	shalt  }
0x66: {  	_ =	shalt  }
0x67: {  	_ =	shalt  }
0x68: {  	_ =	shalt  }
0x69: {  	_ =	shalt  }
0x6a: {  	_ =	shalt  }
0x6b: {  	_ =	shalt  }
0x6c: {  	_ =	shalt  }
0x6d: {  	_ =	shalt  }
0x6e: {  	_ =	shalt  }
0x6f: {  	_ =	shalt  }
0x70: {  	_ =	shalt  }
0x71: {  	_ =	shalt  }
0x72: {  	_ =	shalt  }
0x73: {  	_ =	shalt  }
0x74: {  	_ =	shalt  }
0x75: {  	_ =	shalt  }
0x76: {  	_ =	shalt  }
0x77: {  	_ =	shalt  }
0x78: {  	_ =	shalt  }
0x79: {  	_ =	shalt  }
0x7a: {  	_ =	shalt  }
0x7b: {  	_ =	shalt  }
0x7c: {  	_ =	shalt  }
0x7d: {  	_ =	shalt  }
0x7e: {  	_ =	shalt  }
0x7f: {  	_ =	shalt  }
0x80: {  	_ =	shalt  }
0x81: {  	_ =	shalt  }
0x82: {  	_ =	shalt  }
0x83: {  	_ =	shalt  }
0x84: {  	_ =	shalt  }
0x85: {  	_ =	shalt  }
0x86: {  	_ =	shalt  }
0x87: {  	_ =	shalt  }
.Lfunc_end0:
.L_simem_size_0:
called_computation.4_lowered:
.L_overlay_start_0:
0x88: {  	s2 =	sld [smem:$0x3FD9]  }
0x89: {  	s3 =	sld [smem:$0x3FFE];
	_ =	sdelay $0x1  }
0x8a: {  	s1 =	srdreg.scid  }
0x8b: {  	s0 =	sand.u32 $0x1, s1  }
0x8c: {  	s16 =	sshll.u32 s0, $0xA;
	s2 =	sadd.s32 s3, s2  }
0x8d: {  	s2 =	sadd.s32 s2, s16  }
0x8e: {  	[smem:$0x3F96] =	sst s2  }
0x8f: {  	_ = 	snop  }
0x90: {  	(tm) =	ssettm $0x1  }
0x91: {  	s17 =	sld [smem:$0x3FFB];
	_ =	sdelay $0x3  }
0x92: {  	_ =	strace s17  }
0x93: {  	s2 =	sld [smem:$0x3FFC];
	_ =	sdelay $0x3  }
0x94: {  	_ =	strace s2  }
0x95: {  	s2 =	sld [smem:$0x3FFD];
	_ =	sdelay $0x3  }
0x96: {  	_ =	strace s2  }
0x97: {  	_ =	strace $0x8FFFFFFF  }
0x98: {  	s18 =	sld [smem:$0x3FDB];
	_ =	sdelay $0x1  }
0x99: {  	s19 =	simm.s32 $_scs_section_size  }
0x9a: {  	s4 =	simm.s32 $_size__tile_overlayer_lowered;
	s5 =	simm.s32 $_tile_overlayer_lowered  }
0x9b: {  	s22 =	simm.s32 $0x1BFF;
	s21 =	sshll.u32 s5, $0x1;
	s2 =	sadd.s32 s19, s18  }
0x9c: {  	s6 =	simm.s32 $0x0;
	s20 =	sshll.u32 s4, $0x1;
	s4 =	sadd.s32 s21, s2  }
0x9d: {  	[timem:s6], [sflag:s22] =	dma.local [hbm:s4], s20  }
0x9e: {  	_ =	swait.ge [sflag:s22], s20  }
0x9f: {  	s3 =	ssub.s32 $0x0, s20;
	[sflag:s22] =	ssyncset.done $0x0  }
0xa0: {  	[sflag:s22] =	ssyncadd.s32 s3;
	_ =	sdelay $0x1  }
0xa1: {  	s23 =	simm.s32 $0x1B8B  }
0xa2: {  	_ =	swait.ge [sflag:s23], $0x1  }
0xa3: {  	[sflag:s23] =	ssyncset.done $0x0  }
0xa4: {  	s25 =	simm.s32 $0x1B8E;
	s24 =	sld [smem:$0x3FFE];
	[sflag:s23] =	ssyncadd.s32 $0xFFFFFFFF  }
0xa5: {  	s26 =	simm.s32 $execute0_lowered;
	[smem:$0x3FD2] =	sst s25  }
0xa6: {  	s4 =	sshll.u32 s26, $0x1;
	_ =	strace $0x80000052;
	[dreg:$0x1] =	wrdreg $0xFFFFFFFF  }
0xa7: {  	s28 =	simm.s32 $_size_execute0_lowered;
	s2 =	sadd.s32 s2, s4;
	[dreg:$0x0] =	wrdreg $0x0  }
0xa8: {  	s4 =	sshll.u32 s28, $0x1;
	[dreg:$0x2] =	wrdreg s2  }
0xa9: {  	[dreg:$0x3] =	wrdreg s4  }
0xaa: {  	[dreg:$0x4] =	wrdreg $0xC0  }
0xab: {  	_ =	task [dreg:s6], $0x5FFFF  }
0xac: {  	[dreg:$0x1] =	wrdreg $0xFFFFFFFF  }
0xad: {  	[dreg:$0x0] =	wrdreg $0x60  }
0xae: {  	[dreg:$0x2] =	wrdreg s24  }
0xaf: {  	[dreg:$0x3] =	wrdreg $0x40000  }
0xb0: {  	[dreg:$0x4] =	wrdreg $0x9  }
0xb1: {  	_ =	task.clear_ibuf [dreg:s6], $0x5FFFF;
	_ =	strace $0x90000052  }
0xb2: {  	s29 =	simm.s32 $0x9;
	_ =	strace $0x80000054  }
0xb3: {  	_ =	swait.ge [sflag:s29], $0x1  }
0xb4: {  	[sflag:s29] =	ssyncadd.s32 $0xFFFFFFFF  }
0xb5: {  	_ =	strace $0x90000054  }
0xb6: {  	_ =	sfence  }
0xb7: {  	s30 =	sld [smem:$0x0];
	_ =	sdelay $0x2  }
0xb8: {  	s31 =	sshll.u32 s1, $0xD;
	s1 =	sshrl.u32 s1, $0x2  }
0xb9: {  	s3 =	sand.u32 $0x4000, s31;
	s1 =	sadd.s32 s1, s30  }
0xba: {  	s0 =	sor.u32 s3, s0;
	s1 =	sshll.u32 s1, $0x11  }
0xbb: {  	s0 =	sor.u32 s1, s0  }
0xbc: {  	s0 =	sadd.s32 $0x8F2B, s0  }
0xbd: {  	[sflag:s0] =	ssyncadd.remote.s32 $0x1  }
0xbe: {  	_ =	sfence.sel $0xFFFF  }
0xbf: {  	[dreg:$0x0] =	wrdreg $0xFFFFFFFF;
	(pc) =	sbr.abs _section_cstart, $3  }
0xc0: {  	[dreg:$0x1] =	wrdreg $0xFFFFFFFF  }
0xc1: {  	_ =	task.clear_ibuf [dreg:s6], $0x2FFFF;
	_ =	strace $0x9FFFFFFF  }
0xc2: {  	(tm) =	ssettm $0x7FFFFFFF  }
0xc3: {  	_ =	shalt  }
tec
execute0_lowered:
.L_overlay_start_1:
0x0: {  	(tag) =	ssettag $0x1  }
0x1: {  	s0 =	rddreg [dreg:$0x0]  }
0x2: {  	s2 =	rddreg [dreg:$0x1];
	s1 =	stileid.u32;
	s3 =	simm.s32 $0x0  }
0x3: {  	s25 =	srdreg.scid;
	s18 =	simm.s32 $0x5;
	s19 =	simm.s32 $0x50  }
0x4: {  	s20 =	simm.s32 $0x18000;
	s21 =	simm.s32 $0x80;
	s22 =	simm.s32 $0x1A800  }
0x5: {  	s23 =	simm.s32 $0x1;
	s24 =	simm.s32 $0x2;
	s4 =	smul.u32 $0x2800, s1  }
0x6: {  	s28 =	simm.s32 $0x3E00;
	s29 =	simm.s32 $0x0;
	s6 =	smul.u32 $0x50000, s1  }
0x7: {  	[smem:$0x7FF] =	sst s3;
	s5 =	sshll.u32 s1, $0xB;
	s11 =	smul.u32 $0x138800, s1  }
0x8: {  	s16 =	sand.u32 $0x1, s25;
	s15 =	smul.u32 $0x27100, s1;
	s31 =	sshll.u32 s1, $0x6  }
0x9: {  	s25 =	simm.s32 $0x3;
	_ =	strace $0x80000053;
	s10 =	sadd.s32 s5, s0  }
0xa: {  	s7 =	ssub.s32 $0x2, s16;
	s5 =	sadd.s32 $0x535600, s0;
	p0 =	seq.s32 s16, $0x0  }
0xb: {  	s16 =	sor.u32 $0x1C05, s31;
	s9 =	sadd.s32 s4, s0;
	s4 =	sadd.s32 $0x2C4600, s0  }
0xc: {  	s8 =	sshrl.u32 s7, $0x1;
	s6 =	sshrl.u32 s6, $0x2;
	s30 =	sshrl.u32 s11, $0x3  }
.Ltmp0:
0xd: {  	s12 =	sadd.s32 $0x26200, s15;
	s13 =	sadd.s32 $0x26700, s15;
	(pc) =	sbr.rel .LBB2_1-.Ltmp0, $4  }
0xe: {  	s14 =	sadd.s32 s15, s5;
	s26 =	ssub.s32 s7, s8;
	s17 =	sadd.s32 s6, s2  }
0xf: {  	s6 =	sadd.s32 $0x43600, s9;
	s7 =	sadd.s32 $0x2B4600, s10;
	s8 =	sadd.s32 $0x26C00, s30  }
0x10: {  	s9 =	sadd.s32 $0x1B600, s9;
	s10 =	sadd.s32 $0x2BC600, s10;
	s15 =	sadd.s32 s15, s4  }
0x11: {  	s11 =	smax.u32 s26, $0x1;
	s17 =	sshrl.u32 s17, $0x3;
	s26 =	simm.s32 $0x4  }
.LBB2_7:
0x12: {  	[tilespmem:s22], [sflag:$0x2] =	stream.indirect.gather [spmem:s2], $0x80, s30, s19, $0xb8;
	[tilespmem:$0x1D000] =	vst v63  }
0x13: {  	s0 =	smov.u32 s4  }
.LBB2_8:
0x14: {  	_ =	swait.ge [sflag:s23], $0x2800  }
0x15: {  	[sflag:s23] =	ssyncset.done $0x0  }
0x16: {  	s1 =	sadd.s32 s0, s12;
	[sflag:s23] =	ssyncadd.s32 $0xFFFFD800  }
0x17: {  	[hbm4b:s1+s3] =	stream.linear.scatter [tilespmem:s20], [sflag:$0x3], $0x2800, $0x38;
	[tilespmem:$0x1D000] =	vst v63  }
0x18: {  	_ =	swait.ge [sflag:s24], $0x2800  }
0x19: {  	[sflag:s24] =	ssyncset.done $0x0  }
0x1a: {  	s30 =	sadd.s32 s0, s13;
	[sflag:s24] =	ssyncadd.s32 $0xFFFFD800  }
0x1b: {  	[hbm4b:s30+s3] =	stream.linear.scatter [tilespmem:s22], [sflag:$0x4], $0x2800, $0x38;
	[tilespmem:$0x1D000] =	vst v63  }
0x1c: {  	_ =	swait.ge [sflag:s25], $0x2800  }
0x1d: {  	[sflag:s25] =	ssyncset.done $0x0  }
0x1e: {  	[sflag:s25] =	ssyncadd.s32 $0xFFFFD800  }
0x1f: {  	_ =	swait.ge [sflag:s26], $0x2800  }
0x20: {  	[sflag:s26] =	ssyncset.done $0x0  }
0x21: {  	[sflag:s26] =	ssyncadd.s32 $0xFFFFD800  }
0x22: {  	[tilespmem:s20], [sflag:$0x1] =	stream.indirect.gather [spmem:s2], $0x80, s28, s19, $0xb8;
	[tilespmem:$0x1D000] =	vst v63  }
0x23: {  	s29 =	sadd.s32 $0x1, s29;
	_ =	swait.ge [sflag:s23], $0x2800  }
0x24: {  	p1 =	sne.s32 s29, s11;
	[sflag:s23] =	ssyncset.done $0x0  }
.Ltmp1:
0x25: {  	s31 =	sadd.s32 s0, s8;
	[sflag:s23] =	ssyncadd.s32 $0xFFFFD800;
	(pc) =	sbr.rel @!p1 .LBB2_9-.Ltmp1, $4  }
0x26: {  	[hbm4b:s31+s3] =	stream.linear.scatter [tilespmem:s20], [sflag:$0x3], $0x2800, $0x38;
	[tilespmem:$0x1D000] =	vst v63  }
0x27: {  	_ =	swait.ge [sflag:s25], $0x2800  }
0x28: {  	[sflag:s25] =	ssyncset.done $0x0  }
0x29: {  	[sflag:s25] =	ssyncadd.s32 $0xFFFFD800  }
.LBB2_1:
.Ltmp2:
0x2a: {  	(pc) =	sbr.rel @!p0 .LBB2_2-.Ltmp2, $1  }
0x2b: {  	_ =	sdelay $0x3  }
0x2c: {  	[spmem:s17], [sflag:s16] =	dma.local [hbm:s9], $0x2800  }
0x2d: {  	_ =	swait.ge [sflag:s18], $0x2800  }
0x2e: {  	[sflag:s18] =	ssyncset.done $0x0  }
0x2f: {  	[sflag:s18] =	ssyncadd.s32 $0xFFFFD800  }
0x30: {  	s0 =	simm.s32 $0x0;
	[bflag:$0x0] =	sbarrier.arrive $0xFFFF  }
0x31: {  	[tilespmem:s0], [sflag:$0x5] =	stream.linear.gather [hbm4b:s10+s0], $0x3E80, $0x38;
	[tilespmem:$0x1D000] =	vst v63  }
0x32: {  	_ =	swait.ge [sflag:s18], $0x3E80  }
0x33: {  	[sflag:s18] =	ssyncset.done $0x0  }
0x34: {  	[sflag:s18] =	ssyncadd.s32 $0xFFFFC180  }
0x35: {  	[tilespmem:s20], [sflag:$0x1] =	stream.indirect.gather [spmem:s2], $0x80, s0, s19, $0xb8;
	[tilespmem:$0x1D000] =	vst v63  }
0x36: {  	_ = 	snop  }
0x37: {  	[tilespmem:s22], [sflag:$0x2] =	stream.indirect.gather [spmem:s2], $0x80, s21, s19, $0xb8;
	[tilespmem:$0x1D000] =	vst v63  }
0x38: {  	_ =	swait.ge [sflag:s23], $0x2800  }
0x39: {  	[sflag:s23] =	ssyncset.done $0x0  }
0x3a: {  	s1 =	sadd.s32 $0x0, s15;
	[sflag:s23] =	ssyncadd.s32 $0xFFFFD800  }
0x3b: {  	[hbm4b:s1+s3] =	stream.linear.scatter [tilespmem:s20], [sflag:$0x3], $0x2800, $0x38;
	[tilespmem:$0x1D000] =	vst v63  }
0x3c: {  	_ =	swait.ge [sflag:s24], $0x2800  }
0x3d: {  	[sflag:s24] =	ssyncset.done $0x0  }
0x3e: {  	s0 =	sadd.s32 $0x500, s1;
	[sflag:s24] =	ssyncadd.s32 $0xFFFFD800  }
0x3f: {  	[hbm4b:s0+s3] =	stream.linear.scatter [tilespmem:s22], [sflag:$0x4], $0x2800, $0x38;
	[tilespmem:$0x1D000] =	vst v63  }
0x40: {  	_ =	swait.ge [sflag:s25], $0x2800  }
0x41: {  	[sflag:s25] =	ssyncset.done $0x0  }
0x42: {  	s1 =	simm.s32 $0x100;
	[sflag:s25] =	ssyncadd.s32 $0xFFFFD800  }
0x43: {  	[tilespmem:s20], [sflag:$0x1] =	stream.indirect.gather [spmem:s2], $0x80, s1, s19, $0xb8;
	[tilespmem:$0x1D000] =	vst v63  }
0x44: {  	_ =	swait.ge [sflag:s26], $0x2800  }
0x45: {  	s30 =	simm.s32 $0x180;
	[sflag:s26] =	ssyncset.done $0x0  }
0x46: {  	s31 =	simm.s32 $0xA00;
	s0 =	simm.s32 $0x280;
	[sflag:s26] =	ssyncadd.s32 $0xFFFFD800  }
.LBB2_6:
0x47: {  	[tilespmem:s22], [sflag:$0x2] =	stream.indirect.gather [spmem:s2], $0x80, s30, s19, $0xb8;
	[tilespmem:$0x1D000] =	vst v63  }
0x48: {  	s1 =	smov.u32 s31;
	s30 =	smov.u32 s0  }
0x49: {  	p1 =	seq.s32 s31, $0x25800;
	s31 =	sadd.s32 $0xA00, s31;
	_ =	swait.ge [sflag:s23], $0x2800  }
0x4a: {  	[sflag:s23] =	ssyncset.done $0x0  }
0x4b: {  	s1 =	sadd.s32 s1, s15;
	[sflag:s23] =	ssyncadd.s32 $0xFFFFD800  }
0x4c: {  	[hbm4b:s1+s3] =	stream.linear.scatter [tilespmem:s20], [sflag:$0x3], $0x2800, $0x38;
	[tilespmem:$0x1D000] =	vst v63  }
0x4d: {  	_ =	swait.ge [sflag:s24], $0x2800  }
0x4e: {  	[sflag:s24] =	ssyncset.done $0x0  }
0x4f: {  	s1 =	sadd.s32 $0x500, s1;
	[sflag:s24] =	ssyncadd.s32 $0xFFFFD800  }
0x50: {  	[hbm4b:s1+s3] =	stream.linear.scatter [tilespmem:s22], [sflag:$0x4], $0x2800, $0x38;
	[tilespmem:$0x1D000] =	vst v63  }
0x51: {  	_ =	swait.ge [sflag:s25], $0x2800  }
0x52: {  	[sflag:s25] =	ssyncset.done $0x0  }
.Ltmp3:
0x53: {  	s1 =	sadd.s32 $0xFFFFFF80, s0;
	[sflag:s25] =	ssyncadd.s32 $0xFFFFD800;
	(pc) =	sbr.rel @!p1 .LBB2_6-.Ltmp3, $4  }
0x54: {  	[tilespmem:s20], [sflag:$0x1] =	stream.indirect.gather [spmem:s2], $0x80, s1, s19, $0xb8;
	[tilespmem:$0x1D000] =	vst v63  }
0x55: {  	_ =	swait.ge [sflag:s26], $0x2800  }
0x56: {  	[sflag:s26] =	ssyncset.done $0x0  }
0x57: {  	s0 =	sadd.s32 $0x100, s0;
	[sflag:s26] =	ssyncadd.s32 $0xFFFFD800  }
.Ltmp4:
0x58: {  	_ = 	snop;
	(pc) =	sbr.rel .LBB2_7-.Ltmp4, $1  }
0x59: {  	_ =	sdelay $0x3  }
.LBB2_2:
0x5a: {  	[spmem:s17], [sflag:s16] =	dma.local [hbm:s6], $0x2800  }
0x5b: {  	_ =	swait.ge [sflag:s18], $0x2800  }
0x5c: {  	[sflag:s18] =	ssyncset.done $0x0  }
0x5d: {  	[sflag:s18] =	ssyncadd.s32 $0xFFFFD800  }
0x5e: {  	s0 =	simm.s32 $0x0;
	[bflag:$0x0] =	sbarrier.arrive $0xFFFF  }
0x5f: {  	[tilespmem:s0], [sflag:$0x5] =	stream.linear.gather [hbm4b:s7+s0], $0x3E80, $0x38;
	[tilespmem:$0x1D000] =	vst v63  }
0x60: {  	_ =	swait.ge [sflag:s18], $0x3E80  }
0x61: {  	[sflag:s18] =	ssyncset.done $0x0  }
0x62: {  	[sflag:s18] =	ssyncadd.s32 $0xFFFFC180  }
0x63: {  	[tilespmem:s20], [sflag:$0x1] =	stream.indirect.gather [spmem:s2], $0x80, s0, s19, $0xb8;
	[tilespmem:$0x1D000] =	vst v63  }
0x64: {  	_ = 	snop  }
0x65: {  	[tilespmem:s22], [sflag:$0x2] =	stream.indirect.gather [spmem:s2], $0x80, s21, s19, $0xb8;
	[tilespmem:$0x1D000] =	vst v63  }
0x66: {  	_ =	swait.ge [sflag:s23], $0x2800  }
0x67: {  	[sflag:s23] =	ssyncset.done $0x0  }
0x68: {  	s1 =	sadd.s32 $0x0, s14;
	[sflag:s23] =	ssyncadd.s32 $0xFFFFD800  }
0x69: {  	[hbm4b:s1+s3] =	stream.linear.scatter [tilespmem:s20], [sflag:$0x3], $0x2800, $0x38;
	[tilespmem:$0x1D000] =	vst v63  }
0x6a: {  	_ =	swait.ge [sflag:s24], $0x2800  }
0x6b: {  	[sflag:s24] =	ssyncset.done $0x0  }
0x6c: {  	s0 =	sadd.s32 $0x500, s1;
	[sflag:s24] =	ssyncadd.s32 $0xFFFFD800  }
0x6d: {  	[hbm4b:s0+s3] =	stream.linear.scatter [tilespmem:s22], [sflag:$0x4], $0x2800, $0x38;
	[tilespmem:$0x1D000] =	vst v63  }
0x6e: {  	_ =	swait.ge [sflag:s25], $0x2800  }
0x6f: {  	[sflag:s25] =	ssyncset.done $0x0  }
0x70: {  	s1 =	simm.s32 $0x100;
	[sflag:s25] =	ssyncadd.s32 $0xFFFFD800  }
0x71: {  	[tilespmem:s20], [sflag:$0x1] =	stream.indirect.gather [spmem:s2], $0x80, s1, s19, $0xb8;
	[tilespmem:$0x1D000] =	vst v63  }
0x72: {  	_ =	swait.ge [sflag:s26], $0x2800  }
0x73: {  	s30 =	simm.s32 $0x180;
	[sflag:s26] =	ssyncset.done $0x0  }
0x74: {  	s31 =	simm.s32 $0xA00;
	s0 =	simm.s32 $0x280;
	[sflag:s26] =	ssyncadd.s32 $0xFFFFD800  }
.LBB2_3:
0x75: {  	[tilespmem:s22], [sflag:$0x2] =	stream.indirect.gather [spmem:s2], $0x80, s30, s19, $0xb8;
	[tilespmem:$0x1D000] =	vst v63  }
0x76: {  	s1 =	smov.u32 s31;
	s30 =	smov.u32 s0  }
0x77: {  	p1 =	sne.s32 s31, $0x25800;
	s31 =	sadd.s32 $0xA00, s31;
	_ =	swait.ge [sflag:s23], $0x2800  }
0x78: {  	[sflag:s23] =	ssyncset.done $0x0  }
0x79: {  	s1 =	sadd.s32 s1, s14;
	[sflag:s23] =	ssyncadd.s32 $0xFFFFD800  }
0x7a: {  	[hbm4b:s1+s3] =	stream.linear.scatter [tilespmem:s20], [sflag:$0x3], $0x2800, $0x38;
	[tilespmem:$0x1D000] =	vst v63  }
0x7b: {  	_ =	swait.ge [sflag:s24], $0x2800  }
0x7c: {  	[sflag:s24] =	ssyncset.done $0x0  }
0x7d: {  	s1 =	sadd.s32 $0x500, s1;
	[sflag:s24] =	ssyncadd.s32 $0xFFFFD800  }
0x7e: {  	[hbm4b:s1+s3] =	stream.linear.scatter [tilespmem:s22], [sflag:$0x4], $0x2800, $0x38;
	[tilespmem:$0x1D000] =	vst v63  }
0x7f: {  	_ =	swait.ge [sflag:s25], $0x2800  }
0x80: {  	[sflag:s25] =	ssyncset.done $0x0  }
.Ltmp5:
0x81: {  	s1 =	sadd.s32 $0xFFFFFF80, s0;
	[sflag:s25] =	ssyncadd.s32 $0xFFFFD800;
	(pc) =	sbr.rel @p1 .LBB2_3-.Ltmp5, $4  }
0x82: {  	[tilespmem:s20], [sflag:$0x1] =	stream.indirect.gather [spmem:s2], $0x80, s1, s19, $0xb8;
	[tilespmem:$0x1D000] =	vst v63  }
0x83: {  	_ =	swait.ge [sflag:s26], $0x2800  }
0x84: {  	[sflag:s26] =	ssyncset.done $0x0  }
0x85: {  	s0 =	sadd.s32 $0x100, s0;
	[sflag:s26] =	ssyncadd.s32 $0xFFFFD800  }
.Ltmp6:
0x86: {  	(pc) =	sbr.rel .LBB2_8-.Ltmp6, $3  }
0x87: {  	_ =	sdelay $0x1  }
0x88: {  	[tilespmem:s22], [sflag:$0x2] =	stream.indirect.gather [spmem:s2], $0x80, s30, s19, $0xb8;
	[tilespmem:$0x1D000] =	vst v63  }
0x89: {  	s0 =	smov.u32 s5  }
.LBB2_9:
0x8a: {  	_ =	sfence.sel $0x180000  }
0x8b: {  	[bflag:$0x0] =	sbarrier.arrive $0xFFFF  }
0x8c: {  	_ =	strace $0x90000053  }
0x8d: {  	s0 =	stileid.u32;
	[bflag:$0x2] =	sbarrier.arrive $0xFFFF  }
0x8e: {  	p0 =	sne.s32 s0, $0x0;
	s0 =	rddreg [dreg:$0x2]  }
0x8f: {  	s0 =	sadd.s32 @!p0 $0x100000, s0  }
0x90: {  	[sflag:s0] =	ssyncadd.tile.s32 @!p0 $0x1;
	_ =	shalt  }
.Lfunc_end2:
_tile_overlayer_lowered:
.L_overlay_start_2:
0x91: {  	(tag) =	ssettag $0x2  }
0x92: {  	s0 =	rddreg [dreg:$0x0];
	s2 =	stileid.u32  }
0x93: {  	s1 =	rddreg [dreg:$0x1];
	p0 =	sne.s32 s2, $0x0  }
0x94: {  	s3 =	rddreg [dreg:$0x2];
	[bflag:$0x3] =	sbarrier.arrive $0xFFFF;
	s2 =	simm.s32 @!p0 $0x1C05  }
0x95: {  	[timem:s3], [sflag:s2] =	dma.local @!p0 [hbm:s0], s1  }
0x96: {  	s0 =	simm.s32 @!p0 $0x5  }
0x97: {  	_ =	swait.ge @!p0 [sflag:s0], s1  }
0x98: {  	s1 =	ssub.s32 @!p0 $0x0, s1;
	[sflag:s0] =	ssyncset.done @!p0 $0x0  }
0x99: {  	[sflag:s0] =	ssyncadd.s32 @!p0 s1  }
0x9a: {  	[bflag:$0x3] =	sbarrier.arrive $0xFFFF  }
0x9b: {  	_ =	shalt  }

// kernel: kernel.28.cloned.1.call-start
scs
__scs_entry_jumppad:
0x0: {  	(pc) =	sbr.rel $0x88, $3  }
0x1: {  	(tag) =	ssettag $0x0;
	lr =	simm.s32 $0x1  }
0x2: {  	[smem:$0x3F6F] =	sst lr;
	_ =	strace $0xD0000000  }
0x3: {  	_ = 	snop  }
0x4: {  	_ = 	snop  }
0x5: {  	_ = 	snop  }
0x6: {  	_ = 	snop  }
0x7: {  	_ = 	snop  }
__scs_overlays_trampoline_lowered:
0x8: {  	[smem:$0x3F7E] =	sst s0  }
0x9: {  	[smem:$0x3F7F] =	sst s1  }
0xa: {  	[smem:$0x3F80] =	sst s2  }
0xb: {  	[smem:$0x3F81] =	sst s3  }
0xc: {  	[smem:$0x3F82] =	sst s4  }
0xd: {  	[smem:$0x3F83] =	sst s5  }
0xe: {  	[smem:$0x3F84] =	sst s6  }
0xf: {  	[smem:$0x3F85] =	sst s7  }
0x10: {  	[smem:$0x3F86] =	sst s8  }
0x11: {  	[smem:$0x3F87] =	sst s9;
	s0 =	simm.s32 @!p0 $0x0  }
0x12: {  	s1 =	sld [smem:$0x3F6D];
	s0 =	simm.s32 @p0 $0x1  }
0x13: {  	[smem:$0x3F88] =	sst s0;
	s0 =	simm.s32 @!p1 $0x0  }
0x14: {  	s2 =	sld [smem:$0x3F6C];
	s0 =	simm.s32 @p1 $0x1  }
0x15: {  	[smem:$0x3F89] =	sst s0;
	s0 =	simm.s32 @!p2 $0x0  }
0x16: {  	s3 =	sld [smem:$0x3FDB];
	s0 =	simm.s32 @p2 $0x1  }
0x17: {  	s4 =	simm.s32 $0x1BF5;
	[smem:$0x3F8B] =	sst s0  }
0x18: {  	s0 =	sld [smem:$0x3F6E];
	_ =	swait.ge [sflag:s4], $0x0  }
0x19: {  	s7 =	sld [smem:$0x3F6F]  }
0x1a: {  	s8 =	sadd.s32 $0xFFFFE003, lr  }
0x1b: {  	s9 =	sadd.s32 $0xFFFFFEF7, lr;
	s5 =	simm.s32 $0xFFFFFFFF;
	p2 =	slt.u32 s8, $0xFFFFF086  }
0x1c: {  	p1 =	slt.u32 s9, $0xF7A;
	s5 =	simm.s32 @!p2 $0x0  }
0x1d: {  	s5 =	simm.s32 @p1 $0x1;
	p0 =	seq.s32 s7, s2  }
0x1e: {  	s7 =	smul.u32 @!p0 $0xF7A, s2;
	p2 =	seq.s32 @!p0 s5, $0x0  }
0x1f: {  	s9 =	smul.u32 $0xF7A, s1;
	s8 =	simm.s32 @!p0 $0x1BF5;
	p2 =	por !p2, p0  }
0x20: {  	[sflag:s8] =	ssyncset.s32 @!p0 $0xFFFFF086;
	s6 =	sadd.s32 @!p0 s3, s7;
	s7 =	simm.s32 @!p0 $0x108  }
0x21: {  	s3 =	sadd.s32 s3, s9;
	s6 =	sadd.s32 @!p0 $0x88, s6;
	s7 =	simm.s32 @p2 $0x1082  }
0x22: {  	[simem:s7], [sflag:s8] =	dma.local @!p0 [hbm:s6], $0xF7A  }
0x23: {  	s9 =	sor.u32 $0xD0000000, s2;
	s6 =	simm.s32 $0x108;
	_ =	swait.ge @!p0 [sflag:s8], $0x0  }
0x24: {  	s3 =	sadd.s32 $0x88, s3;
	s6 =	simm.s32 @!p1 $0x1082;
	[sflag:s4] =	ssyncset.s32 $0xFFFFF086  }
0x25: {  	[simem:s6], [sflag:s4] =	dma.local [hbm:s3], $0xF7A  }
0x26: {  	[smem:$0x3F6F] =	sst s1;
	(tag) =	ssettag s2;
	_ =	strace s9  }
0x27: {  	s1 =	sld [smem:$0x3F7F]  }
0x28: {  	s2 =	sld [smem:$0x3F80]  }
0x29: {  	s4 =	sld [smem:$0x3F82]  }
0x2a: {  	p0 =	seq.s32 s5, $0x0;
	s5 =	sld [smem:$0x3F83]  }
0x2b: {  	s6 =	sld [smem:$0x3F84]  }
0x2c: {  	s7 =	sld [smem:$0x3F85]  }
0x2d: {  	s3 =	simm.s32 $0x108;
	s8 =	sld [smem:$0x3F86]  }
0x2e: {  	s3 =	simm.s32 @!p0 $0x1082;
	s9 =	sld [smem:$0x3F87]  }
0x2f: {  	lr =	sadd.s32 s0, s3;
	s0 =	sld [smem:$0x3F7E]  }
0x30: {  	s3 =	sld [smem:$0x3F81]  }
0x31: {  	[smem:$0x3F8A] =	sst s10  }
0x32: {  	s10 =	sld [smem:$0x3F88];
	_ =	sdelay $0x3  }
0x33: {  	p0 =	seq.s32 s10, $0x1;
	s10 =	sld [smem:$0x3F8A];
	_ =	sdelay $0x3  }
0x34: {  	[smem:$0x3F8A] =	sst s10  }
0x35: {  	s10 =	sld [smem:$0x3F89];
	_ =	sdelay $0x3  }
0x36: {  	p1 =	seq.s32 s10, $0x1;
	s10 =	sld [smem:$0x3F8A];
	_ =	sdelay $0x3  }
0x37: {  	[smem:$0x3F8A] =	sst s10  }
0x38: {  	s10 =	sld [smem:$0x3F8B]  }
0x39: {  	_ = 	snop;
	(pc) =	sbr.ind lr, $3  }
0x3a: {  	_ = 	snop  }
0x3b: {  	_ = 	snop  }
0x3c: {  	p2 =	seq.s32 s10, $0x1;
	s10 =	sld [smem:$0x3F8A]  }
0x3d: {  	_ =	shalt  }
0x3e: {  	_ =	shalt  }
0x3f: {  	_ =	shalt  }
0x40: {  	_ =	shalt  }
0x41: {  	_ =	shalt  }
0x42: {  	_ =	shalt  }
0x43: {  	_ =	shalt  }
0x44: {  	_ =	shalt  }
0x45: {  	_ =	shalt  }
0x46: {  	_ =	shalt  }
0x47: {  	_ =	shalt  }
0x48: {  	_ =	shalt  }
0x49: {  	_ =	shalt  }
0x4a: {  	_ =	shalt  }
0x4b: {  	_ =	shalt  }
0x4c: {  	_ =	shalt  }
0x4d: {  	_ =	shalt  }
0x4e: {  	_ =	shalt  }
0x4f: {  	_ =	shalt  }
0x50: {  	_ =	shalt  }
0x51: {  	_ =	shalt  }
0x52: {  	_ =	shalt  }
0x53: {  	_ =	shalt  }
0x54: {  	_ =	shalt  }
0x55: {  	_ =	shalt  }
0x56: {  	_ =	shalt  }
0x57: {  	_ =	shalt  }
0x58: {  	_ =	shalt  }
0x59: {  	_ =	shalt  }
0x5a: {  	_ =	shalt  }
0x5b: {  	_ =	shalt  }
0x5c: {  	_ =	shalt  }
0x5d: {  	_ =	shalt  }
0x5e: {  	_ =	shalt  }
0x5f: {  	_ =	shalt  }
0x60: {  	_ =	shalt  }
0x61: {  	_ =	shalt  }
0x62: {  	_ =	shalt  }
0x63: {  	_ =	shalt  }
0x64: {  	_ =	shalt  }
0x65: {  	_ =	shalt  }
0x66: {  	_ =	shalt  }
0x67: {  	_ =	shalt  }
0x68: {  	_ =	shalt  }
0x69: {  	_ =	shalt  }
0x6a: {  	_ =	shalt  }
0x6b: {  	_ =	shalt  }
0x6c: {  	_ =	shalt  }
0x6d: {  	_ =	shalt  }
0x6e: {  	_ =	shalt  }
0x6f: {  	_ =	shalt  }
0x70: {  	_ =	shalt  }
0x71: {  	_ =	shalt  }
0x72: {  	_ =	shalt  }
0x73: {  	_ =	shalt  }
0x74: {  	_ =	shalt  }
0x75: {  	_ =	shalt  }
0x76: {  	_ =	shalt  }
0x77: {  	_ =	shalt  }
0x78: {  	_ =	shalt  }
0x79: {  	_ =	shalt  }
0x7a: {  	_ =	shalt  }
0x7b: {  	_ =	shalt  }
0x7c: {  	_ =	shalt  }
0x7d: {  	_ =	shalt  }
0x7e: {  	_ =	shalt  }
0x7f: {  	_ =	shalt  }
0x80: {  	_ =	shalt  }
0x81: {  	_ =	shalt  }
0x82: {  	_ =	shalt  }
0x83: {  	_ =	shalt  }
0x84: {  	_ =	shalt  }
0x85: {  	_ =	shalt  }
0x86: {  	_ =	shalt  }
0x87: {  	_ =	shalt  }
.Lfunc_end0:
.L_simem_size_0:
called_computation.5_lowered:
.L_overlay_start_0:
0x88: {  	s2 =	sld [smem:$0x3FD9]  }
0x89: {  	s3 =	sld [smem:$0x3FFE];
	_ =	sdelay $0x1  }
0x8a: {  	s1 =	srdreg.scid  }
0x8b: {  	s0 =	sand.u32 $0x1, s1  }
0x8c: {  	s17 =	sshll.u32 s0, $0xA;
	s2 =	sadd.s32 s3, s2  }
0x8d: {  	s2 =	sadd.s32 s2, s17  }
0x8e: {  	[smem:$0x3F96] =	sst s2  }
0x8f: {  	_ = 	snop  }
0x90: {  	(tm) =	ssettm $0x1  }
0x91: {  	s18 =	sld [smem:$0x3FFB];
	_ =	sdelay $0x3  }
0x92: {  	_ =	strace s18  }
0x93: {  	s2 =	sld [smem:$0x3FFC];
	_ =	sdelay $0x3  }
0x94: {  	_ =	strace s2  }
0x95: {  	s2 =	sld [smem:$0x3FFD];
	_ =	sdelay $0x3  }
0x96: {  	_ =	strace s2  }
0x97: {  	_ =	strace $0x8FFFFFFF  }
0x98: {  	s19 =	sld [smem:$0x3FDB];
	_ =	sdelay $0x1  }
0x99: {  	s20 =	simm.s32 $_scs_section_size  }
0x9a: {  	s4 =	simm.s32 $_size__tile_overlayer_lowered;
	s5 =	simm.s32 $_tile_overlayer_lowered  }
0x9b: {  	s6 =	simm.s32 $0x1BFF;
	s21 =	sshll.u32 s5, $0x1;
	s3 =	sadd.s32 s20, s19  }
0x9c: {  	s22 =	simm.s32 $0x0;
	s4 =	sshll.u32 s4, $0x1;
	s5 =	sadd.s32 s21, s3  }
0x9d: {  	[timem:s22], [sflag:s6] =	dma.local [hbm:s5], s4  }
0x9e: {  	_ =	swait.ge [sflag:s6], s4  }
0x9f: {  	s4 =	ssub.s32 $0x0, s4;
	[sflag:s6] =	ssyncset.done $0x0  }
0xa0: {  	[sflag:s6] =	ssyncadd.s32 s4;
	_ =	sdelay $0x1  }
0xa1: {  	s23 =	simm.s32 $0x1B8B  }
0xa2: {  	_ =	swait.ge [sflag:s23], $0x1  }
0xa3: {  	[sflag:s23] =	ssyncset.done $0x0  }
0xa4: {  	[sflag:s23] =	ssyncadd.s32 $0xFFFFFFFF  }
0xa5: {  	s4 =	sld [smem:$0x0]  }
0xa6: {  	s5 =	sand.u32 $0xFFFFFFFE, s1  }
0xa7: {  	p0 =	sne.s32 s1, s5  }
0xa8: {  	s5 =	sshll.u32 @p0 s5, $0xE  }
0xa9: {  	s5 =	sadd.s32 @p0 $0x11B8D, s5;
	s6 =	sshll.u32 @p0 s4, $0x11  }
0xaa: {  	s5 =	sor.u32 @p0 s6, s5  }
0xab: {  	[sflag:s5] =	ssyncadd.remote.s32 @p0 $0x1;
	_ =	sdelay $0x1  }
0xac: {  	s5 =	simm.s32 @p0 $0x1B8D  }
0xad: {  	_ =	swait.eq @p0 [sflag:s5], $0x1  }
0xae: {  	[sflag:s5] =	ssyncadd.s32 @p0 $0xFFFFFFFF  }
0xaf: {  	s6 =	sshll.u32 @!p0 s1, $0xE  }
0xb0: {  	s6 =	sor.u32 @!p0 $0x4000, s6;
	s5 =	simm.s32 @!p0 $0x1B8D  }
0xb1: {  	s4 =	sshll.u32 @!p0 s4, $0x11;
	s6 =	sadd.s32 @!p0 $0x11B8D, s6;
	_ =	swait.eq @!p0 [sflag:s5], $0x1  }
0xb2: {  	s4 =	sor.u32 @!p0 s4, s6;
	[sflag:s5] =	ssyncadd.s32 @!p0 $0xFFFFFFFF  }
0xb3: {  	s25 =	simm.s32 $0x1B8E;
	s24 =	sld [smem:$0x3FFE];
	[sflag:s4] =	ssyncadd.remote.s32 @!p0 $0x1  }
0xb4: {  	s26 =	simm.s32 $execute0_lowered;
	[smem:$0x3FD2] =	sst s25  }
0xb5: {  	s5 =	sshll.u32 s26, $0x1;
	_ =	strace $0x80000055;
	[dreg:$0x1] =	wrdreg $0xFFFFFFFF  }
0xb6: {  	s28 =	simm.s32 $_size_execute0_lowered;
	s3 =	sadd.s32 s3, s5;
	[dreg:$0x0] =	wrdreg $0x0  }
0xb7: {  	s5 =	sshll.u32 s28, $0x1;
	[dreg:$0x2] =	wrdreg s3  }
0xb8: {  	[dreg:$0x3] =	wrdreg s5  }
0xb9: {  	[dreg:$0x4] =	wrdreg $0xC0  }
0xba: {  	_ =	task [dreg:s22], $0x5FFFF  }
0xbb: {  	[dreg:$0x1] =	wrdreg $0xFFFFFFFF  }
0xbc: {  	[dreg:$0x0] =	wrdreg $0x60  }
0xbd: {  	[dreg:$0x2] =	wrdreg s24  }
0xbe: {  	[dreg:$0x3] =	wrdreg $0x40000  }
0xbf: {  	[dreg:$0x4] =	wrdreg $0xA  }
0xc0: {  	_ =	task.clear_ibuf [dreg:s22], $0x5FFFF;
	_ =	strace $0x90000055  }
0xc1: {  	s29 =	simm.s32 $0xA;
	_ =	strace $0x80000057  }
0xc2: {  	_ =	swait.ge [sflag:s29], $0x1  }
0xc3: {  	[sflag:s29] =	ssyncadd.s32 $0xFFFFFFFF  }
0xc4: {  	_ =	strace $0x90000057  }
0xc5: {  	_ =	sfence  }
0xc6: {  	s30 =	sld [smem:$0x0];
	_ =	sdelay $0x2  }
0xc7: {  	s31 =	sshll.u32 s1, $0xD;
	s1 =	sshrl.u32 s1, $0x2  }
0xc8: {  	s4 =	sand.u32 $0x4000, s31;
	s1 =	sadd.s32 s1, s30  }
0xc9: {  	s0 =	sor.u32 s4, s0;
	s1 =	sshll.u32 s1, $0x11  }
0xca: {  	s0 =	sor.u32 s1, s0  }
0xcb: {  	s0 =	sadd.s32 $0x8F2B, s0  }
0xcc: {  	[sflag:s0] =	ssyncadd.remote.s32 $0x1  }
0xcd: {  	_ =	sfence.sel $0xFFFF  }
0xce: {  	[dreg:$0x0] =	wrdreg $0xFFFFFFFF;
	(pc) =	sbr.abs _section_cstart, $3  }
0xcf: {  	[dreg:$0x1] =	wrdreg $0xFFFFFFFF  }
0xd0: {  	_ =	task.clear_ibuf [dreg:s22], $0x2FFFF;
	_ =	strace $0x9FFFFFFF  }
0xd1: {  	(tm) =	ssettm $0x7FFFFFFF  }
tec
execute0_lowered:
.L_overlay_start_1:
0x0: {  	(tag) =	ssettag $0x1  }
0x1: {  	s0 =	rddreg [dreg:$0x0]  }
0x2: {  	s2 =	rddreg [dreg:$0x1];
	s1 =	stileid.u32;
	s3 =	simm.s32 $0x0  }
0x3: {  	s25 =	srdreg.scid;
	s18 =	simm.s32 $0x5;
	s19 =	simm.s32 $0x50  }
0x4: {  	s20 =	simm.s32 $0x18000;
	s21 =	simm.s32 $0x80;
	s22 =	simm.s32 $0x1A800  }
0x5: {  	s23 =	simm.s32 $0x1;
	s24 =	simm.s32 $0x2;
	s4 =	smul.u32 $0x2800, s1  }
0x6: {  	s28 =	simm.s32 $0x3E00;
	s29 =	simm.s32 $0x0;
	s6 =	smul.u32 $0x50000, s1  }
0x7: {  	[smem:$0x7FF] =	sst s3;
	s5 =	sshll.u32 s1, $0xB;
	s11 =	smul.u32 $0x138800, s1  }
0x8: {  	s16 =	sand.u32 $0x1, s25;
	s15 =	smul.u32 $0x27100, s1;
	s31 =	sshll.u32 s1, $0x6  }
0x9: {  	s25 =	simm.s32 $0x3;
	_ =	strace $0x80000056;
	s10 =	sadd.s32 s5, s0  }
0xa: {  	s7 =	ssub.s32 $0x2, s16;
	s5 =	sadd.s32 $0xA17600, s0;
	p0 =	seq.s32 s16, $0x0  }
0xb: {  	s16 =	sor.u32 $0x1C05, s31;
	s9 =	sadd.s32 s4, s0;
	s4 =	sadd.s32 $0x7A6600, s0  }
0xc: {  	s8 =	sshrl.u32 s7, $0x1;
	s6 =	sshrl.u32 s6, $0x2;
	s30 =	sshrl.u32 s11, $0x3  }
.Ltmp0:
0xd: {  	s12 =	sadd.s32 $0x26200, s15;
	s13 =	sadd.s32 $0x26700, s15;
	(pc) =	sbr.rel .LBB2_1-.Ltmp0, $4  }
0xe: {  	s14 =	sadd.s32 s15, s5;
	s26 =	ssub.s32 s7, s8;
	s17 =	sadd.s32 s6, s2  }
0xf: {  	s6 =	sadd.s32 $0x43600, s9;
	s7 =	sadd.s32 $0xB600, s10;
	s8 =	sadd.s32 $0x26C00, s30  }
0x10: {  	s9 =	sadd.s32 $0x1B600, s9;
	s10 =	sadd.s32 $0x13600, s10;
	s15 =	sadd.s32 s15, s4  }
0x11: {  	s11 =	smax.u32 s26, $0x1;
	s17 =	sshrl.u32 s17, $0x3;
	s26 =	simm.s32 $0x4  }
.LBB2_7:
0x12: {  	[tilespmem:s22], [sflag:$0x2] =	stream.indirect.gather [spmem:s2], $0x80, s30, s19, $0xb8;
	[tilespmem:$0x1D000] =	vst v63  }
0x13: {  	s0 =	smov.u32 s4  }
.LBB2_8:
0x14: {  	_ =	swait.ge [sflag:s23], $0x2800  }
0x15: {  	[sflag:s23] =	ssyncset.done $0x0  }
0x16: {  	s1 =	sadd.s32 s0, s12;
	[sflag:s23] =	ssyncadd.s32 $0xFFFFD800  }
0x17: {  	[hbm4b:s1+s3] =	stream.linear.scatter [tilespmem:s20], [sflag:$0x3], $0x2800, $0x38;
	[tilespmem:$0x1D000] =	vst v63  }
0x18: {  	_ =	swait.ge [sflag:s24], $0x2800  }
0x19: {  	[sflag:s24] =	ssyncset.done $0x0  }
0x1a: {  	s30 =	sadd.s32 s0, s13;
	[sflag:s24] =	ssyncadd.s32 $0xFFFFD800  }
0x1b: {  	[hbm4b:s30+s3] =	stream.linear.scatter [tilespmem:s22], [sflag:$0x4], $0x2800, $0x38;
	[tilespmem:$0x1D000] =	vst v63  }
0x1c: {  	_ =	swait.ge [sflag:s25], $0x2800  }
0x1d: {  	[sflag:s25] =	ssyncset.done $0x0  }
0x1e: {  	[sflag:s25] =	ssyncadd.s32 $0xFFFFD800  }
0x1f: {  	_ =	swait.ge [sflag:s26], $0x2800  }
0x20: {  	[sflag:s26] =	ssyncset.done $0x0  }
0x21: {  	[sflag:s26] =	ssyncadd.s32 $0xFFFFD800  }
0x22: {  	[tilespmem:s20], [sflag:$0x1] =	stream.indirect.gather [spmem:s2], $0x80, s28, s19, $0xb8;
	[tilespmem:$0x1D000] =	vst v63  }
0x23: {  	s29 =	sadd.s32 $0x1, s29;
	_ =	swait.ge [sflag:s23], $0x2800  }
0x24: {  	p1 =	sne.s32 s29, s11;
	[sflag:s23] =	ssyncset.done $0x0  }
.Ltmp1:
0x25: {  	s31 =	sadd.s32 s0, s8;
	[sflag:s23] =	ssyncadd.s32 $0xFFFFD800;
	(pc) =	sbr.rel @!p1 .LBB2_9-.Ltmp1, $4  }
0x26: {  	[hbm4b:s31+s3] =	stream.linear.scatter [tilespmem:s20], [sflag:$0x3], $0x2800, $0x38;
	[tilespmem:$0x1D000] =	vst v63  }
0x27: {  	_ =	swait.ge [sflag:s25], $0x2800  }
0x28: {  	[sflag:s25] =	ssyncset.done $0x0  }
0x29: {  	[sflag:s25] =	ssyncadd.s32 $0xFFFFD800  }
.LBB2_1:
.Ltmp2:
0x2a: {  	(pc) =	sbr.rel @!p0 .LBB2_2-.Ltmp2, $1  }
0x2b: {  	_ =	sdelay $0x3  }
0x2c: {  	[spmem:s17], [sflag:s16] =	dma.local [hbm:s9], $0x2800  }
0x2d: {  	_ =	swait.ge [sflag:s18], $0x2800  }
0x2e: {  	[sflag:s18] =	ssyncset.done $0x0  }
0x2f: {  	[sflag:s18] =	ssyncadd.s32 $0xFFFFD800  }
0x30: {  	s0 =	simm.s32 $0x0;
	[bflag:$0x0] =	sbarrier.arrive $0xFFFF  }
0x31: {  	[tilespmem:s0], [sflag:$0x5] =	stream.linear.gather [hbm4b:s10+s0], $0x3E80, $0x38;
	[tilespmem:$0x1D000] =	vst v63  }
0x32: {  	_ =	swait.ge [sflag:s18], $0x3E80  }
0x33: {  	[sflag:s18] =	ssyncset.done $0x0  }
0x34: {  	[sflag:s18] =	ssyncadd.s32 $0xFFFFC180  }
0x35: {  	[tilespmem:s20], [sflag:$0x1] =	stream.indirect.gather [spmem:s2], $0x80, s0, s19, $0xb8;
	[tilespmem:$0x1D000] =	vst v63  }
0x36: {  	_ = 	snop  }
0x37: {  	[tilespmem:s22], [sflag:$0x2] =	stream.indirect.gather [spmem:s2], $0x80, s21, s19, $0xb8;
	[tilespmem:$0x1D000] =	vst v63  }
0x38: {  	_ =	swait.ge [sflag:s23], $0x2800  }
0x39: {  	[sflag:s23] =	ssyncset.done $0x0  }
0x3a: {  	s1 =	sadd.s32 $0x0, s15;
	[sflag:s23] =	ssyncadd.s32 $0xFFFFD800  }
0x3b: {  	[hbm4b:s1+s3] =	stream.linear.scatter [tilespmem:s20], [sflag:$0x3], $0x2800, $0x38;
	[tilespmem:$0x1D000] =	vst v63  }
0x3c: {  	_ =	swait.ge [sflag:s24], $0x2800  }
0x3d: {  	[sflag:s24] =	ssyncset.done $0x0  }
0x3e: {  	s0 =	sadd.s32 $0x500, s1;
	[sflag:s24] =	ssyncadd.s32 $0xFFFFD800  }
0x3f: {  	[hbm4b:s0+s3] =	stream.linear.scatter [tilespmem:s22], [sflag:$0x4], $0x2800, $0x38;
	[tilespmem:$0x1D000] =	vst v63  }
0x40: {  	_ =	swait.ge [sflag:s25], $0x2800  }
0x41: {  	[sflag:s25] =	ssyncset.done $0x0  }
0x42: {  	s1 =	simm.s32 $0x100;
	[sflag:s25] =	ssyncadd.s32 $0xFFFFD800  }
0x43: {  	[tilespmem:s20], [sflag:$0x1] =	stream.indirect.gather [spmem:s2], $0x80, s1, s19, $0xb8;
	[tilespmem:$0x1D000] =	vst v63  }
0x44: {  	_ =	swait.ge [sflag:s26], $0x2800  }
0x45: {  	s30 =	simm.s32 $0x180;
	[sflag:s26] =	ssyncset.done $0x0  }
0x46: {  	s31 =	simm.s32 $0xA00;
	s0 =	simm.s32 $0x280;
	[sflag:s26] =	ssyncadd.s32 $0xFFFFD800  }
.LBB2_6:
0x47: {  	[tilespmem:s22], [sflag:$0x2] =	stream.indirect.gather [spmem:s2], $0x80, s30, s19, $0xb8;
	[tilespmem:$0x1D000] =	vst v63  }
0x48: {  	s1 =	smov.u32 s31;
	s30 =	smov.u32 s0  }
0x49: {  	p1 =	seq.s32 s31, $0x25800;
	s31 =	sadd.s32 $0xA00, s31;
	_ =	swait.ge [sflag:s23], $0x2800  }
0x4a: {  	[sflag:s23] =	ssyncset.done $0x0  }
0x4b: {  	s1 =	sadd.s32 s1, s15;
	[sflag:s23] =	ssyncadd.s32 $0xFFFFD800  }
0x4c: {  	[hbm4b:s1+s3] =	stream.linear.scatter [tilespmem:s20], [sflag:$0x3], $0x2800, $0x38;
	[tilespmem:$0x1D000] =	vst v63  }
0x4d: {  	_ =	swait.ge [sflag:s24], $0x2800  }
0x4e: {  	[sflag:s24] =	ssyncset.done $0x0  }
0x4f: {  	s1 =	sadd.s32 $0x500, s1;
	[sflag:s24] =	ssyncadd.s32 $0xFFFFD800  }
0x50: {  	[hbm4b:s1+s3] =	stream.linear.scatter [tilespmem:s22], [sflag:$0x4], $0x2800, $0x38;
	[tilespmem:$0x1D000] =	vst v63  }
0x51: {  	_ =	swait.ge [sflag:s25], $0x2800  }
0x52: {  	[sflag:s25] =	ssyncset.done $0x0  }
.Ltmp3:
0x53: {  	s1 =	sadd.s32 $0xFFFFFF80, s0;
	[sflag:s25] =	ssyncadd.s32 $0xFFFFD800;
	(pc) =	sbr.rel @!p1 .LBB2_6-.Ltmp3, $4  }
0x54: {  	[tilespmem:s20], [sflag:$0x1] =	stream.indirect.gather [spmem:s2], $0x80, s1, s19, $0xb8;
	[tilespmem:$0x1D000] =	vst v63  }
0x55: {  	_ =	swait.ge [sflag:s26], $0x2800  }
0x56: {  	[sflag:s26] =	ssyncset.done $0x0  }
0x57: {  	s0 =	sadd.s32 $0x100, s0;
	[sflag:s26] =	ssyncadd.s32 $0xFFFFD800  }
.Ltmp4:
0x58: {  	_ = 	snop;
	(pc) =	sbr.rel .LBB2_7-.Ltmp4, $1  }
0x59: {  	_ =	sdelay $0x3  }
.LBB2_2:
0x5a: {  	[spmem:s17], [sflag:s16] =	dma.local [hbm:s6], $0x2800  }
0x5b: {  	_ =	swait.ge [sflag:s18], $0x2800  }
0x5c: {  	[sflag:s18] =	ssyncset.done $0x0  }
0x5d: {  	[sflag:s18] =	ssyncadd.s32 $0xFFFFD800  }
0x5e: {  	s0 =	simm.s32 $0x0;
	[bflag:$0x0] =	sbarrier.arrive $0xFFFF  }
0x5f: {  	[tilespmem:s0], [sflag:$0x5] =	stream.linear.gather [hbm4b:s7+s0], $0x3E80, $0x38;
	[tilespmem:$0x1D000] =	vst v63  }
0x60: {  	_ =	swait.ge [sflag:s18], $0x3E80  }
0x61: {  	[sflag:s18] =	ssyncset.done $0x0  }
0x62: {  	[sflag:s18] =	ssyncadd.s32 $0xFFFFC180  }
0x63: {  	[tilespmem:s20], [sflag:$0x1] =	stream.indirect.gather [spmem:s2], $0x80, s0, s19, $0xb8;
	[tilespmem:$0x1D000] =	vst v63  }
0x64: {  	_ = 	snop  }
0x65: {  	[tilespmem:s22], [sflag:$0x2] =	stream.indirect.gather [spmem:s2], $0x80, s21, s19, $0xb8;
	[tilespmem:$0x1D000] =	vst v63  }
0x66: {  	_ =	swait.ge [sflag:s23], $0x2800  }
0x67: {  	[sflag:s23] =	ssyncset.done $0x0  }
0x68: {  	s1 =	sadd.s32 $0x0, s14;
	[sflag:s23] =	ssyncadd.s32 $0xFFFFD800  }
0x69: {  	[hbm4b:s1+s3] =	stream.linear.scatter [tilespmem:s20], [sflag:$0x3], $0x2800, $0x38;
	[tilespmem:$0x1D000] =	vst v63  }
0x6a: {  	_ =	swait.ge [sflag:s24], $0x2800  }
0x6b: {  	[sflag:s24] =	ssyncset.done $0x0  }
0x6c: {  	s0 =	sadd.s32 $0x500, s1;
	[sflag:s24] =	ssyncadd.s32 $0xFFFFD800  }
0x6d: {  	[hbm4b:s0+s3] =	stream.linear.scatter [tilespmem:s22], [sflag:$0x4], $0x2800, $0x38;
	[tilespmem:$0x1D000] =	vst v63  }
0x6e: {  	_ =	swait.ge [sflag:s25], $0x2800  }
0x6f: {  	[sflag:s25] =	ssyncset.done $0x0  }
0x70: {  	s1 =	simm.s32 $0x100;
	[sflag:s25] =	ssyncadd.s32 $0xFFFFD800  }
0x71: {  	[tilespmem:s20], [sflag:$0x1] =	stream.indirect.gather [spmem:s2], $0x80, s1, s19, $0xb8;
	[tilespmem:$0x1D000] =	vst v63  }
0x72: {  	_ =	swait.ge [sflag:s26], $0x2800  }
0x73: {  	s30 =	simm.s32 $0x180;
	[sflag:s26] =	ssyncset.done $0x0  }
0x74: {  	s31 =	simm.s32 $0xA00;
	s0 =	simm.s32 $0x280;
	[sflag:s26] =	ssyncadd.s32 $0xFFFFD800  }
.LBB2_3:
0x75: {  	[tilespmem:s22], [sflag:$0x2] =	stream.indirect.gather [spmem:s2], $0x80, s30, s19, $0xb8;
	[tilespmem:$0x1D000] =	vst v63  }
0x76: {  	s1 =	smov.u32 s31;
	s30 =	smov.u32 s0  }
0x77: {  	p1 =	sne.s32 s31, $0x25800;
	s31 =	sadd.s32 $0xA00, s31;
	_ =	swait.ge [sflag:s23], $0x2800  }
0x78: {  	[sflag:s23] =	ssyncset.done $0x0  }
0x79: {  	s1 =	sadd.s32 s1, s14;
	[sflag:s23] =	ssyncadd.s32 $0xFFFFD800  }
0x7a: {  	[hbm4b:s1+s3] =	stream.linear.scatter [tilespmem:s20], [sflag:$0x3], $0x2800, $0x38;
	[tilespmem:$0x1D000] =	vst v63  }
0x7b: {  	_ =	swait.ge [sflag:s24], $0x2800  }
0x7c: {  	[sflag:s24] =	ssyncset.done $0x0  }
0x7d: {  	s1 =	sadd.s32 $0x500, s1;
	[sflag:s24] =	ssyncadd.s32 $0xFFFFD800  }
0x7e: {  	[hbm4b:s1+s3] =	stream.linear.scatter [tilespmem:s22], [sflag:$0x4], $0x2800, $0x38;
	[tilespmem:$0x1D000] =	vst v63  }
0x7f: {  	_ =	swait.ge [sflag:s25], $0x2800  }
0x80: {  	[sflag:s25] =	ssyncset.done $0x0  }
.Ltmp5:
0x81: {  	s1 =	sadd.s32 $0xFFFFFF80, s0;
	[sflag:s25] =	ssyncadd.s32 $0xFFFFD800;
	(pc) =	sbr.rel @p1 .LBB2_3-.Ltmp5, $4  }
0x82: {  	[tilespmem:s20], [sflag:$0x1] =	stream.indirect.gather [spmem:s2], $0x80, s1, s19, $0xb8;
	[tilespmem:$0x1D000] =	vst v63  }
0x83: {  	_ =	swait.ge [sflag:s26], $0x2800  }
0x84: {  	[sflag:s26] =	ssyncset.done $0x0  }
0x85: {  	s0 =	sadd.s32 $0x100, s0;
	[sflag:s26] =	ssyncadd.s32 $0xFFFFD800  }
.Ltmp6:
0x86: {  	(pc) =	sbr.rel .LBB2_8-.Ltmp6, $3  }
0x87: {  	_ =	sdelay $0x1  }
0x88: {  	[tilespmem:s22], [sflag:$0x2] =	stream.indirect.gather [spmem:s2], $0x80, s30, s19, $0xb8;
	[tilespmem:$0x1D000] =	vst v63  }
0x89: {  	s0 =	smov.u32 s5  }
.LBB2_9:
0x8a: {  	_ =	sfence.sel $0x180000  }
0x8b: {  	[bflag:$0x0] =	sbarrier.arrive $0xFFFF  }
0x8c: {  	_ =	strace $0x90000056  }
0x8d: {  	s0 =	stileid.u32;
	[bflag:$0x2] =	sbarrier.arrive $0xFFFF  }
0x8e: {  	p0 =	sne.s32 s0, $0x0;
	s0 =	rddreg [dreg:$0x2]  }
0x8f: {  	s0 =	sadd.s32 @!p0 $0x100000, s0  }
0x90: {  	[sflag:s0] =	ssyncadd.tile.s32 @!p0 $0x1;
	_ =	shalt  }
.Lfunc_end2:
_tile_overlayer_lowered:
.L_overlay_start_2:
0x91: {  	(tag) =	ssettag $0x2  }
0x92: {  	s0 =	rddreg [dreg:$0x0];
	s2 =	stileid.u32  }
0x93: {  	s1 =	rddreg [dreg:$0x1];
	p0 =	sne.s32 s2, $0x0  }
0x94: {  	s3 =	rddreg [dreg:$0x2];
	[bflag:$0x3] =	sbarrier.arrive $0xFFFF;
	s2 =	simm.s32 @!p0 $0x1C05  }
0x95: {  	[timem:s3], [sflag:s2] =	dma.local @!p0 [hbm:s0], s1  }
0x96: {  	s0 =	simm.s32 @!p0 $0x5  }
0x97: {  	_ =	swait.ge @!p0 [sflag:s0], s1  }
0x98: {  	s1 =	ssub.s32 @!p0 $0x0, s1;
	[sflag:s0] =	ssyncset.done @!p0 $0x0  }
0x99: {  	[sflag:s0] =	ssyncadd.s32 @!p0 s1  }
0x9a: {  	[bflag:$0x3] =	sbarrier.arrive $0xFFFF  }
0x9b: {  	_ =	shalt  }

</sc_bundles>
